<compile_context>
chip_gen: v7x
topology: tpu7x:2x2x1
jax: 0.10.2.dev20260603
libtpu: 0.0.44.dev20260713+nightly
codegen_flags: <defaults>
</compile_context>

<pallas_src>
import functools

import jax
import jax.numpy as jnp
from jax import lax
from jax.experimental import pallas as pl
from jax.experimental.pallas import tpu as pltpu
from jax.experimental.pallas import tpu_sc as plsc

NC = 2
NS = 16
NW = NC * NS
CH = 16
NUM_CLASSES = 6
HID = 160
G = 128


def _sc_mesh():
  return plsc.VectorSubcoreMesh(core_axis_name="c", subcore_axis_name="s")


def _deg_count(dst2d, zeros1, np_, rows0, rows1):
  rpt = np_ // NS

  @functools.partial(
      pl.kernel,
      out_type=jax.ShapeDtypeStruct((NC * np_,), jnp.float32),
      mesh=_sc_mesh(),
      scratch_types=[
          pltpu.VMEM_SHARED((np_,), jnp.float32),
          pltpu.VMEM((CH, 128), jnp.int32),
          pltpu.VMEM((128,), jnp.float32),
          pltpu.VMEM((np_ // NS,), jnp.float32),
          pltpu.SemaphoreType.DMA,
      ],
  )
  def k(dst_hbm, z_hbm, out_hbm, deg_sh, idx_v, ones_v, stage_v, sem):
    cid = lax.axis_index("c")
    sid = lax.axis_index("s")
    r0 = sid * rpt
    pltpu.sync_copy(z_hbm.at[pl.ds(r0, rpt)], stage_v)
    pltpu.sync_copy(stage_v, deg_sh.at[pl.ds(r0, rpt)])
    for i in range(8):
      ones_v[pl.ds(i * 16, 16)] = jnp.ones((16,), jnp.float32)
    plsc.subcore_barrier()
    rows_this = jnp.where(cid == 0, rows0, rows1)
    base = cid * NS * rows0 + sid * rows_this

    def blk(b, carry):
      pltpu.sync_copy(dst_hbm.at[pl.ds(base + b * CH, CH)], idx_v)
      descs = [
          pltpu.async_copy(ones_v, deg_sh.at[idx_v.at[j]], sem, add=True)
          for j in range(CH)
      ]
      for d in descs:
        d.wait()
      return carry

    lax.fori_loop(0, rows_this // CH, blk, 0)
    plsc.subcore_barrier()
    pltpu.sync_copy(deg_sh.at[pl.ds(r0, rpt)], stage_v)
    pltpu.sync_copy(stage_v, out_hbm.at[pl.ds(cid * np_ + r0, rpt)])

  return k(dst2d, zeros1).reshape(NC, np_)


def _edge_pass(src2d, dst2d, tab_cols, zeros1, np_, w, rows0, rows1):
  rpt = np_ // NS

  @functools.partial(
      pl.kernel,
      out_type=[jax.ShapeDtypeStruct((NC * np_,), jnp.float32)
                for _ in range(w)],
      mesh=_sc_mesh(),
      scratch_types=(
          [pltpu.VMEM_SHARED((np_,), jnp.float32) for _ in range(w)] +
          [pltpu.VMEM_SHARED((np_,), jnp.float32) for _ in range(w)] + [
              pltpu.VMEM((CH, 128), jnp.int32),
              pltpu.VMEM((CH, 128), jnp.int32),
              pltpu.VMEM((w, 128), jnp.float32),
              pltpu.VMEM((w, 128), jnp.float32),
              pltpu.VMEM((np_ // NS,), jnp.float32),
              pltpu.SemaphoreType.DMA,
              pltpu.SemaphoreType.DMA,
          ]),
  )
  def k(src_hbm, dst_hbm, *rest):
    tabs_hbm = rest[:w]
    z_hbm = rest[w]
    outs_hbm = rest[w + 1:2 * w + 1]
    tab_sh = rest[2 * w + 1:3 * w + 1]
    agg_sh = rest[3 * w + 1:4 * w + 1]
    sidx, didx, bufa, bufb, stage_v, semg, sems = rest[4 * w + 1:]
    cid = lax.axis_index("c")
    sid = lax.axis_index("s")
    r0 = sid * rpt
    pltpu.sync_copy(z_hbm.at[pl.ds(r0, rpt)], stage_v)
    for col in range(w):
      pltpu.sync_copy(stage_v, agg_sh[col].at[pl.ds(r0, rpt)])
    for col in range(w):
      pltpu.sync_copy(tabs_hbm[col].at[pl.ds(r0, rpt)], stage_v)
      pltpu.sync_copy(stage_v, tab_sh[col].at[pl.ds(r0, rpt)])
    plsc.subcore_barrier()
    rows_this = jnp.where(cid == 0, rows0, rows1)
    base = cid * NS * rows0 + sid * rows_this

    def blk(b, carry):
      pltpu.sync_copy(src_hbm.at[pl.ds(base + b * CH, CH)], sidx)
      pltpu.sync_copy(dst_hbm.at[pl.ds(base + b * CH, CH)], didx)

      def rowpair(p, c2):
        j0 = 2 * p
        j1 = j0 + 1
        ga = [
            pltpu.async_copy(tab_sh[col].at[sidx.at[j0]], bufa.at[col], semg)
            for col in range(w)
        ]
        gb = [
            pltpu.async_copy(tab_sh[col].at[sidx.at[j1]], bufb.at[col], semg)
            for col in range(w)
        ]
        for d in ga:
          d.wait()
        sa = [
            pltpu.async_copy(bufa.at[col], agg_sh[col].at[didx.at[j0]], sems,
                             add=True) for col in range(w)
        ]
        for d in gb:
          d.wait()
        sb = [
            pltpu.async_copy(bufb.at[col], agg_sh[col].at[didx.at[j1]], sems,
                             add=True) for col in range(w)
        ]
        for d in sa + sb:
          d.wait()
        return c2

      lax.fori_loop(0, CH // 2, rowpair, 0)
      return carry

    lax.fori_loop(0, rows_this // CH, blk, 0)
    plsc.subcore_barrier()
    for col in range(w):
      pltpu.sync_copy(agg_sh[col].at[pl.ds(r0, rpt)], stage_v)
      pltpu.sync_copy(stage_v, outs_hbm[col].at[pl.ds(cid * np_ + r0, rpt)])

  cols = k(src2d, dst2d, *tab_cols, zeros1)
  return jnp.concatenate(
      [c.reshape(NC, 1, np_) for c in cols], axis=1)


def _tc_scale(degp, x_t):
  np_ = degp.shape[1]
  f = x_t.shape[0]

  def body(degp_ref, xt_ref, xst_ref, dinv_ref):
    deg = degp_ref[0:1, :] + degp_ref[1:2, :] + 1.0
    dinv = lax.rsqrt(deg)
    dinv_ref[...] = dinv
    xst_ref[...] = xt_ref[...] * dinv

  return pl.pallas_call(
      body,
      out_shape=(
          jax.ShapeDtypeStruct((f, np_), jnp.float32),
          jax.ShapeDtypeStruct((1, np_), jnp.float32),
      ),
  )(degp, x_t)


def _tc_dense(aggp_t, xs_t, dinv, w1_t, b1_c, w2_t, bn=1792):
  np_ = xs_t.shape[1]
  grid = np_ // bn

  def body(aggp_ref, xst_ref, dinv_ref, w1t_ref, b1_ref, w2t_ref, out_ref):
    di = dinv_ref[...]
    agg = di * (aggp_ref[0] + aggp_ref[1] + xst_ref[...])
    h = jnp.dot(w1t_ref[...], agg, preferred_element_type=jnp.float32)
    h = jnp.maximum(h + b1_ref[...], 0.0)
    out_ref[...] = di * jnp.dot(
        w2t_ref[...], h, preferred_element_type=jnp.float32)

  return pl.pallas_call(
      body,
      grid=(grid,),
      in_specs=[
          pl.BlockSpec((NC, 4, bn), lambda i: (0, 0, i)),
          pl.BlockSpec((4, bn), lambda i: (0, i)),
          pl.BlockSpec((1, bn), lambda i: (0, i)),
          pl.BlockSpec((HID, 4), lambda i: (0, 0)),
          pl.BlockSpec((HID, 1), lambda i: (0, 0)),
          pl.BlockSpec((NUM_CLASSES, HID), lambda i: (0, 0)),
      ],
      out_specs=pl.BlockSpec((NUM_CLASSES, bn), lambda i: (0, i)),
      out_shape=jax.ShapeDtypeStruct((NUM_CLASSES, np_), jnp.float32),
  )(aggp_t, xs_t, dinv, w1_t, b1_c, w2_t)


def _tc_pool(aggp_t, hws_t, dinv, batch_p, b2_r, bn=1792):
  np_ = hws_t.shape[1]
  grid = np_ // bn
  c = NUM_CLASSES

  def body(aggp_ref, hwst_ref, dinv_ref, batch_ref, b2_ref, out_ref, acc_ref,
           cnt_ref):
    i = pl.program_id(0)

    @pl.when(i == 0)
    def _():
      acc_ref[...] = jnp.zeros_like(acc_ref)
      cnt_ref[...] = jnp.zeros_like(cnt_ref)

    agg2 = dinv_ref[...] * (aggp_ref[0] + aggp_ref[1] + hwst_ref[...])
    m = (lax.broadcasted_iota(jnp.int32, (G, bn), 0) == batch_ref[...]
         ).astype(jnp.float32)
    acc_ref[...] += lax.dot_general(
        m, agg2, (((1,), (1,)), ((), ())), preferred_element_type=jnp.float32)
    cnt_ref[...] += jnp.sum(m, axis=1, keepdims=True)

    @pl.when(i == grid - 1)
    def _():
      pooled = acc_ref[...] / jnp.maximum(cnt_ref[...], 1.0) + b2_ref[...]
      mx = jnp.max(pooled, axis=1, keepdims=True)
      ex = jnp.exp(pooled - mx)
      out_ref[...] = (pooled - mx) - jnp.log(
          jnp.sum(ex, axis=1, keepdims=True))

  return pl.pallas_call(
      body,
      grid=(grid,),
      in_specs=[
          pl.BlockSpec((NC, c, bn), lambda i: (0, 0, i)),
          pl.BlockSpec((c, bn), lambda i: (0, i)),
          pl.BlockSpec((1, bn), lambda i: (0, i)),
          pl.BlockSpec((1, bn), lambda i: (0, i)),
          pl.BlockSpec((1, c), lambda i: (0, 0)),
      ],
      out_specs=pl.BlockSpec((G, c), lambda i: (0, 0)),
      out_shape=jax.ShapeDtypeStruct((G, c), jnp.float32),
      scratch_shapes=[
          pltpu.VMEM((G, c), jnp.float32),
          pltpu.VMEM((G, 1), jnp.float32),
      ],
  )(aggp_t, hws_t, dinv, batch_p, b2_r)


def kernel(x, edge_index, batch, W1, b1, W2, b2):
  n, f = x.shape
  e = edge_index.shape[1]

  np_ = -(-(n + 1) // 256) * 256
  rows_per_tile = -(-e // (NW * 128))
  rows_per_tile = -(-rows_per_tile // CH) * CH
  rows0 = (2 * rows_per_tile * 19 // 26) // CH * CH
  rows1 = 2 * rows_per_tile - rows0
  ep = NS * 128 * (rows0 + rows1)

  pad = jnp.full((ep - e,), n, jnp.int32)
  src2d = jnp.concatenate([edge_index[0], pad]).reshape(ep // 128, 128)
  dst2d = jnp.concatenate([edge_index[1], pad]).reshape(ep // 128, 128)

  z1 = jnp.zeros((np_,), jnp.float32)
  x_t = jnp.zeros((f, np_), jnp.float32).at[:, :n].set(x.T)
  batch_p = jnp.concatenate(
      [batch.astype(jnp.int32),
       jnp.full((np_ - n,), G, jnp.int32)]).reshape(1, np_)

  degp = _deg_count(dst2d, z1, np_, rows0, rows1)
  xs_t, dinv = _tc_scale(degp, x_t)
  agg1p = _edge_pass(src2d, dst2d, [xs_t[c] for c in range(f)], z1, np_, f,
                     rows0, rows1)
  hws_t = _tc_dense(agg1p, xs_t, dinv, W1.T, b1.reshape(-1, 1), W2.T)
  agg2p = _edge_pass(src2d, dst2d, [hws_t[c] for c in range(NUM_CLASSES)],
                     z1, np_, NUM_CLASSES, rows0, rows1)
  return _tc_pool(agg2p, hws_t, dinv, batch_p, b2.reshape(1, -1))

# --- scband reference (transcript-rebuilt; emitter-appended) ---
"""Pipeline reference for scband-gcn-26680336843296 (READ-ONLY COPY).

The authoritative reference and input builder live on the scoring server;
editing this copy changes nothing except your own understanding.
"""

import jax, jax.numpy as jnp
import numpy as np

N = 50000
E = 800000
G = 128

def _gcn_conv(x, W, b, src, dst, n):
    # PyG GCNConv: x' = D^{-1/2} (A + I) D^{-1/2} X W + b (self-loops already in src/dst)
    xw = x @ W
    deg = jnp.zeros((n,), dtype=x.dtype).at[dst].add(1.0)
    dinv = jnp.where(deg > 0, 1.0 / jnp.sqrt(deg), 0.0)
    norm = dinv[src] * dinv[dst]
    msg = xw[src] * norm[:, None]
    out = jnp.zeros((n, xw.shape[1]), dtype=x.dtype).at[dst].add(msg)
    return out + b

def setup_inputs(seed: int = 0) -> dict:
    key = jax.random.key(seed)
    k1, k2, k3, k4, k5 = jax.random.split(key, 5)
    x = jax.random.normal(k1, (N, 4), dtype=jnp.float32)
    edge_index = jax.random.randint(k2, (2, E), 0, N, dtype=jnp.int32)
    batch = jnp.sort(jax.random.randint(k3, (N,), 0, G, dtype=jnp.int32))
    W1 = jax.random.normal(k4, (4, 160), dtype=jnp.float32) * (1.0 / np.sqrt(4))
    b1 = jnp.zeros((160,), dtype=jnp.float32)
    W2 = jax.random.normal(k5, (160, 6), dtype=jnp.float32) * (1.0 / np.sqrt(160))
    b2 = jnp.zeros((6,), dtype=jnp.float32)
    return {"x": x, "edge_index": edge_index, "batch": batch, "W1": W1, "b1": b1, "W2": W2, "b2": b2}

def reference(x, edge_index, batch, W1, b1, W2, b2):
    n = x.shape[0]
    loop = jnp.arange(n, dtype=edge_index.dtype)
    src = jnp.concatenate([edge_index[0], loop])
    dst = jnp.concatenate([edge_index[1], loop])
    h = _gcn_conv(x, W1, b1, src, dst, n)
    h = jax.nn.relu(h)
    # F.dropout with training flag -> identity in eval/reference mode
    h = _gcn_conv(h, W2, b2, src, dst, n)
    # global_mean_pool over batch segment ids
    sums = jax.ops.segment_sum(h, batch, num_segments=G)
    cnt = jax.ops.segment_sum(jnp.ones((n, 1), dtype=h.dtype), batch, num_segments=G)
    pooled = sums / jnp.maximum(cnt, 1.0)
    return jax.nn.log_softmax(pooled, axis=1)

if __name__ == "__main__":
    import jax
    _d = setup_inputs()
    print(jax.jit(kernel)(*tuple(_d.values())))

</pallas_src>

<mosaic_0001>
#map = affine_map<(d0, d1) -> (0, 0)>
#map1 = affine_map<(d0, d1) -> (0)>
module attributes {stable_mosaic.version = 14 : i64} {
  func.func @k(%arg0: i32, %arg1: i32, %arg2: memref<6656x128xi32, #tpu.memory_space<hbm>>, %arg3: memref<50176xf32, #tpu.memory_space<hbm>>, %arg4: memref<100352xf32, #tpu.memory_space<hbm>>, %arg5: memref<50176xf32, #tpu.memory_space<vmem_shared>>, %arg6: memref<16x128xi32, #tpu.memory_space<vmem>>, %arg7: memref<128xf32, #tpu.memory_space<vmem>>, %arg8: memref<3136xf32, #tpu.memory_space<vmem>>, %arg9: memref<!tpu.dma_semaphore, #tpu.memory_space<semaphore_mem>>) attributes {dimension_semantics = [#tpu.dimension_semantics<core_parallel>, #tpu.dimension_semantics<subcore_parallel>], iteration_bounds = array<i64: 2, 16>, scalar_prefetch = 0 : i64, scratch_operands = 5 : i64, tpu.core_type = #tpu.core_type<sc_vector_subcore>, window_params = [{transform_indices = #map}, {transform_indices = #map1}, {transform_indices = #map1}]} {
    %mul3A = arith.constant 3136 : i32
    %mul3A_0 = arith.muli %arg1, %mul3A : i32
    "tpu.region"() ({
      %run_scoped3A = tpu.sem_alloc : memref<!tpu.dma_semaphore, #tpu.memory_space<semaphore_mem>>
      %dma_start3A = tpu.memref_slice %arg3[%mul3A_0] : memref<50176xf32, #tpu.memory_space<hbm>> -> memref<3136xf32, #tpu.memory_space<hbm>>
      %dma_start3A_85 = tpu.memref_slice %arg3[%mul3A_0] : memref<50176xf32, #tpu.memory_space<hbm>> -> memref<3136xf32, #tpu.memory_space<hbm>>
      tpu.enqueue_dma source(%dma_start3A_85 : memref<3136xf32, #tpu.memory_space<hbm>>) target(%arg8 : memref<3136xf32, #tpu.memory_space<vmem>>) target_semaphore(%run_scoped3A : memref<!tpu.dma_semaphore, #tpu.memory_space<semaphore_mem>>)
      %dma_wait3A = tpu.memref_slice %arg3[%mul3A_0] : memref<50176xf32, #tpu.memory_space<hbm>> -> memref<3136xf32, #tpu.memory_space<hbm>>
      %dma_wait3A_86 = tpu.memref_slice %arg3[%mul3A_0] : memref<50176xf32, #tpu.memory_space<hbm>> -> memref<3136xf32, #tpu.memory_space<hbm>>
      tpu.wait_dma2 semaphore(%run_scoped3A : memref<!tpu.dma_semaphore, #tpu.memory_space<semaphore_mem>>) src(%dma_wait3A_86 : memref<3136xf32, #tpu.memory_space<hbm>>) dst(%arg8 : memref<3136xf32, #tpu.memory_space<vmem>>)
      tpu.yield
    }) : () -> ()
    "tpu.region"() ({
      %run_scoped3A = tpu.sem_alloc : memref<!tpu.dma_semaphore, #tpu.memory_space<semaphore_mem>>
      %dma_start3A = tpu.memref_slice %arg5[%mul3A_0] : memref<50176xf32, #tpu.memory_space<vmem_shared>> -> memref<3136xf32, #tpu.memory_space<vmem_shared>>
      %dma_start3A_85 = tpu.memref_slice %arg5[%mul3A_0] : memref<50176xf32, #tpu.memory_space<vmem_shared>> -> memref<3136xf32, #tpu.memory_space<vmem_shared>>
      tpu.enqueue_dma source(%arg8 : memref<3136xf32, #tpu.memory_space<vmem>>) target(%dma_start3A_85 : memref<3136xf32, #tpu.memory_space<vmem_shared>>) target_semaphore(%run_scoped3A : memref<!tpu.dma_semaphore, #tpu.memory_space<semaphore_mem>>)
      %dma_wait3A = tpu.memref_slice %arg5[%mul3A_0] : memref<50176xf32, #tpu.memory_space<vmem_shared>> -> memref<3136xf32, #tpu.memory_space<vmem_shared>>
      %dma_wait3A_86 = tpu.memref_slice %arg5[%mul3A_0] : memref<50176xf32, #tpu.memory_space<vmem_shared>> -> memref<3136xf32, #tpu.memory_space<vmem_shared>>
      tpu.wait_dma2 semaphore(%run_scoped3A : memref<!tpu.dma_semaphore, #tpu.memory_space<semaphore_mem>>) src(%arg8 : memref<3136xf32, #tpu.memory_space<vmem>>) dst(%dma_wait3A_86 : memref<3136xf32, #tpu.memory_space<vmem_shared>>)
      tpu.yield
    }) : () -> ()
    %broadcast_in_dim3A = arith.constant 1.000000e+00 : f32
    %broadcast_in_dim3A_1 = vector.broadcast %broadcast_in_dim3A : f32 to vector<16xf32>
    %swap3A = arith.constant 0 : index
    %swap3A_2 = tpu.vector_load %arg7[%swap3A] {strides = array<i32>} : memref<128xf32, #tpu.memory_space<vmem>>, vector<16xf32>,
    %swap3A_3 = vector.shape_cast %swap3A_2 : vector<16xf32> to vector<16xf32>
    %swap3A_4 = vector.shape_cast %broadcast_in_dim3A_1 : vector<16xf32> to vector<16xf32>
    tpu.vector_store %arg7[%swap3A], %swap3A_4 {strides = array<i32>} : memref<128xf32, #tpu.memory_space<vmem>>, vector<16xf32>,
    %broadcast_in_dim3A_5 = arith.constant 1.000000e+00 : f32
    %broadcast_in_dim3A_6 = vector.broadcast %broadcast_in_dim3A_5 : f32 to vector<16xf32>
    %swap3A_7 = arith.constant 16 : index
    %swap3A_8 = tpu.vector_load %arg7[%swap3A_7] {strides = array<i32>} : memref<128xf32, #tpu.memory_space<vmem>>, vector<16xf32>,
    %swap3A_9 = vector.shape_cast %swap3A_8 : vector<16xf32> to vector<16xf32>
    %swap3A_10 = vector.shape_cast %broadcast_in_dim3A_6 : vector<16xf32> to vector<16xf32>
    tpu.vector_store %arg7[%swap3A_7], %swap3A_10 {strides = array<i32>} : memref<128xf32, #tpu.memory_space<vmem>>, vector<16xf32>,
    %broadcast_in_dim3A_11 = arith.constant 1.000000e+00 : f32
    %broadcast_in_dim3A_12 = vector.broadcast %broadcast_in_dim3A_11 : f32 to vector<16xf32>
    %swap3A_13 = arith.constant 32 : index
    %swap3A_14 = tpu.vector_load %arg7[%swap3A_13] {strides = array<i32>} : memref<128xf32, #tpu.memory_space<vmem>>, vector<16xf32>,
    %swap3A_15 = vector.shape_cast %swap3A_14 : vector<16xf32> to vector<16xf32>
    %swap3A_16 = vector.shape_cast %broadcast_in_dim3A_12 : vector<16xf32> to vector<16xf32>
    tpu.vector_store %arg7[%swap3A_13], %swap3A_16 {strides = array<i32>} : memref<128xf32, #tpu.memory_space<vmem>>, vector<16xf32>,
    %broadcast_in_dim3A_17 = arith.constant 1.000000e+00 : f32
    %broadcast_in_dim3A_18 = vector.broadcast %broadcast_in_dim3A_17 : f32 to vector<16xf32>
    %swap3A_19 = arith.constant 48 : index
    %swap3A_20 = tpu.vector_load %arg7[%swap3A_19] {strides = array<i32>} : memref<128xf32, #tpu.memory_space<vmem>>, vector<16xf32>,
    %swap3A_21 = vector.shape_cast %swap3A_20 : vector<16xf32> to vector<16xf32>
    %swap3A_22 = vector.shape_cast %broadcast_in_dim3A_18 : vector<16xf32> to vector<16xf32>
    tpu.vector_store %arg7[%swap3A_19], %swap3A_22 {strides = array<i32>} : memref<128xf32, #tpu.memory_space<vmem>>, vector<16xf32>,
    %broadcast_in_dim3A_23 = arith.constant 1.000000e+00 : f32
    %broadcast_in_dim3A_24 = vector.broadcast %broadcast_in_dim3A_23 : f32 to vector<16xf32>
    %swap3A_25 = arith.constant 64 : index
    %swap3A_26 = tpu.vector_load %arg7[%swap3A_25] {strides = array<i32>} : memref<128xf32, #tpu.memory_space<vmem>>, vector<16xf32>,
    %swap3A_27 = vector.shape_cast %swap3A_26 : vector<16xf32> to vector<16xf32>
    %swap3A_28 = vector.shape_cast %broadcast_in_dim3A_24 : vector<16xf32> to vector<16xf32>
    tpu.vector_store %arg7[%swap3A_25], %swap3A_28 {strides = array<i32>} : memref<128xf32, #tpu.memory_space<vmem>>, vector<16xf32>,
    %broadcast_in_dim3A_29 = arith.constant 1.000000e+00 : f32
    %broadcast_in_dim3A_30 = vector.broadcast %broadcast_in_dim3A_29 : f32 to vector<16xf32>
    %swap3A_31 = arith.constant 80 : index
    %swap3A_32 = tpu.vector_load %arg7[%swap3A_31] {strides = array<i32>} : memref<128xf32, #tpu.memory_space<vmem>>, vector<16xf32>,
    %swap3A_33 = vector.shape_cast %swap3A_32 : vector<16xf32> to vector<16xf32>
    %swap3A_34 = vector.shape_cast %broadcast_in_dim3A_30 : vector<16xf32> to vector<16xf32>
    tpu.vector_store %arg7[%swap3A_31], %swap3A_34 {strides = array<i32>} : memref<128xf32, #tpu.memory_space<vmem>>, vector<16xf32>,
    %broadcast_in_dim3A_35 = arith.constant 1.000000e+00 : f32
    %broadcast_in_dim3A_36 = vector.broadcast %broadcast_in_dim3A_35 : f32 to vector<16xf32>
    %swap3A_37 = arith.constant 96 : index
    %swap3A_38 = tpu.vector_load %arg7[%swap3A_37] {strides = array<i32>} : memref<128xf32, #tpu.memory_space<vmem>>, vector<16xf32>,
    %swap3A_39 = vector.shape_cast %swap3A_38 : vector<16xf32> to vector<16xf32>
    %swap3A_40 = vector.shape_cast %broadcast_in_dim3A_36 : vector<16xf32> to vector<16xf32>
    tpu.vector_store %arg7[%swap3A_37], %swap3A_40 {strides = array<i32>} : memref<128xf32, #tpu.memory_space<vmem>>, vector<16xf32>,
    %broadcast_in_dim3A_41 = arith.constant 1.000000e+00 : f32
    %broadcast_in_dim3A_42 = vector.broadcast %broadcast_in_dim3A_41 : f32 to vector<16xf32>
    %swap3A_43 = arith.constant 112 : index
    %swap3A_44 = tpu.vector_load %arg7[%swap3A_43] {strides = array<i32>} : memref<128xf32, #tpu.memory_space<vmem>>, vector<16xf32>,
    %swap3A_45 = vector.shape_cast %swap3A_44 : vector<16xf32> to vector<16xf32>
    %swap3A_46 = vector.shape_cast %broadcast_in_dim3A_42 : vector<16xf32> to vector<16xf32>
    tpu.vector_store %arg7[%swap3A_43], %swap3A_46 {strides = array<i32>} : memref<128xf32, #tpu.memory_space<vmem>>, vector<16xf32>,
    %barrier3A = arith.constant 0 : index
    tpu.barrier barrier_id(%barrier3A)
    %eq3A = arith.constant 0 : i32
    %eq3A_47 = arith.cmpi eq, %arg0, %eq3A : i32
    %jit3A = arith.constant 304 : i32
    %jit3A_48 = arith.constant 112 : i32
    %select_n3A = arith.select %eq3A_47, %jit3A, %jit3A_48 : i32
    %mul3A_49 = arith.constant 16 : i32
    %mul3A_50 = arith.muli %arg0, %mul3A_49 : i32
    %mul3A_51 = arith.constant 304 : i32
    %mul3A_52 = arith.muli %mul3A_50, %mul3A_51 : i32
    %mul3A_53 = arith.muli %arg1, %select_n3A : i32
    %add3A = arith.addi %mul3A_52, %mul3A_53 : i32
    %jit3A_54 = arith.constant 16 : i32
    %div3A = arith.divsi %select_n3A, %jit3A_54 : i32
    %sign3A = arith.constant 0 : i32
    %sign3A_55 = arith.cmpi sgt, %select_n3A, %sign3A : i32
    %sign3A_56 = arith.extui %sign3A_55 : i1 to i32
    %sign3A_57 = arith.constant 0 : i32
    %sign3A_58 = arith.cmpi slt, %select_n3A, %sign3A_57 : i32
    %sign3A_59 = arith.extui %sign3A_58 : i1 to i32
    %sign3A_60 = arith.subi %sign3A_56, %sign3A_59 : i32
    %sign3A_61 = arith.constant 0 : i32
    %sign3A_62 = arith.cmpi sgt, %jit3A_54, %sign3A_61 : i32
    %sign3A_63 = arith.extui %sign3A_62 : i1 to i32
    %sign3A_64 = arith.constant 0 : i32
    %sign3A_65 = arith.cmpi slt, %jit3A_54, %sign3A_64 : i32
    %sign3A_66 = arith.extui %sign3A_65 : i1 to i32
    %sign3A_67 = arith.subi %sign3A_63, %sign3A_66 : i32
    %ne3A = arith.cmpi ne, %sign3A_60, %sign3A_67 : i32
    %rem3A = arith.remsi %select_n3A, %jit3A_54 : i32
    %ne3A_68 = arith.constant 0 : i32
    %ne3A_69 = arith.cmpi ne, %rem3A, %ne3A_68 : i32
    %and3A = arith.andi %ne3A, %ne3A_69 : i1
    %sub3A = arith.constant 1 : i32
    %sub3A_70 = arith.subi %div3A, %sub3A : i32
    %select_n3A_71 = arith.select %and3A, %sub3A_70, %div3A : i32
    %while3A = arith.constant 0 : i32
    %while3A_72 = arith.constant 0 : i32
    %while3A_73 = arith.subi %select_n3A_71, %while3A_72 : i32
    %while3A_74 = arith.addi %while3A_72, %while3A_73 : i32
    %while3A_75 = arith.constant 1 : i32
    %while3A_76 = arith.divsi %while3A_73, %while3A_75 : i32
    %while3A_77 = arith.muli %while3A_76, %while3A_75 : i32
    %while3A_78 = arith.addi %while3A_72, %while3A_77 : i32
    %while3A_79 = arith.constant 1 : i32
    scf.for %while3A_85 = %while3A_72 to %while3A_78 step %while3A_79  : i32 {
      %mul3A_86 = arith.constant 16 : i32
      %mul3A_87 = arith.muli %while3A_85, %mul3A_86 : i32
      %add3A_88 = arith.addi %add3A, %mul3A_87 : i32
      "tpu.region"() ({
        %run_scoped3A = tpu.sem_alloc : memref<!tpu.dma_semaphore, #tpu.memory_space<semaphore_mem>>
        %dma_start3A_279 = arith.constant 0 : i32
        %dma_start3A_280 = tpu.memref_slice %arg2[%add3A_88, %dma_start3A_279] : memref<6656x128xi32, #tpu.memory_space<hbm>> -> memref<16x128xi32, #tpu.memory_space<hbm>>
        %dma_start3A_281 = arith.constant 0 : i32
        %dma_start3A_282 = tpu.memref_slice %arg2[%add3A_88, %dma_start3A_281] : memref<6656x128xi32, #tpu.memory_space<hbm>> -> memref<16x128xi32, #tpu.memory_space<hbm>>
        tpu.enqueue_dma source(%dma_start3A_282 : memref<16x128xi32, #tpu.memory_space<hbm>>) target(%arg6 : memref<16x128xi32, #tpu.memory_space<vmem>>) target_semaphore(%run_scoped3A : memref<!tpu.dma_semaphore, #tpu.memory_space<semaphore_mem>>)
        %dma_wait3A_283 = arith.constant 0 : i32
        %dma_wait3A_284 = tpu.memref_slice %arg2[%add3A_88, %dma_wait3A_283] : memref<6656x128xi32, #tpu.memory_space<hbm>> -> memref<16x128xi32, #tpu.memory_space<hbm>>
        %dma_wait3A_285 = arith.constant 0 : i32
        %dma_wait3A_286 = tpu.memref_slice %arg2[%add3A_88, %dma_wait3A_285] : memref<6656x128xi32, #tpu.memory_space<hbm>> -> memref<16x128xi32, #tpu.memory_space<hbm>>
        tpu.wait_dma2 semaphore(%run_scoped3A : memref<!tpu.dma_semaphore, #tpu.memory_space<semaphore_mem>>) src(%dma_wait3A_286 : memref<16x128xi32, #tpu.memory_space<hbm>>) dst(%arg6 : memref<16x128xi32, #tpu.memory_space<vmem>>)
        tpu.yield
      }) : () -> ()
      %dma_start3A = arith.constant 0 : i32
      %dma_start3A_89 = arith.constant 0 : i32
      %dma_start3A_90 = tpu.memref_slice %arg6[%dma_start3A, %dma_start3A_89] : memref<16x128xi32, #tpu.memory_space<vmem>> -> memref<1x128xi32, #tpu.memory_space<vmem>>
      %dma_start3A_91 = tpu.memref_squeeze %dma_start3A_90 : memref<1x128xi32, #tpu.memory_space<vmem>> -> memref<128xi32, #tpu.memory_space<vmem>>
      %dma_start3A_92 = arith.constant 0 : i32
      %dma_start3A_93 = tpu.memref_slice %arg5[%dma_start3A_92] : memref<50176xf32, #tpu.memory_space<vmem_shared>> -> memref<50176xf32, #tpu.memory_space<vmem_shared>>
      tpu.enqueue_indirect_dma source(%arg7 : memref<128xf32, #tpu.memory_space<vmem>>) target(%dma_start3A_93 : memref<50176xf32, #tpu.memory_space<vmem_shared>>) offsets(%dma_start3A_91 : memref<128xi32, #tpu.memory_space<vmem>>) semaphore(%arg9 : memref<!tpu.dma_semaphore, #tpu.memory_space<semaphore_mem>>) {add = true}
      %dma_start3A_94 = arith.constant 1 : i32
      %dma_start3A_95 = arith.constant 0 : i32
      %dma_start3A_96 = tpu.memref_slice %arg6[%dma_start3A_94, %dma_start3A_95] : memref<16x128xi32, #tpu.memory_space<vmem>> -> memref<1x128xi32, #tpu.memory_space<vmem>>
      %dma_start3A_97 = tpu.memref_squeeze %dma_start3A_96 : memref<1x128xi32, #tpu.memory_space<vmem>> -> memref<128xi32, #tpu.memory_space<vmem>>
      %dma_start3A_98 = arith.constant 0 : i32
      %dma_start3A_99 = tpu.memref_slice %arg5[%dma_start3A_98] : memref<50176xf32, #tpu.memory_space<vmem_shared>> -> memref<50176xf32, #tpu.memory_space<vmem_shared>>
      tpu.enqueue_indirect_dma source(%arg7 : memref<128xf32, #tpu.memory_space<vmem>>) target(%dma_start3A_99 : memref<50176xf32, #tpu.memory_space<vmem_shared>>) offsets(%dma_start3A_97 : memref<128xi32, #tpu.memory_space<vmem>>) semaphore(%arg9 : memref<!tpu.dma_semaphore, #tpu.memory_space<semaphore_mem>>) {add = true}
      %dma_start3A_100 = arith.constant 2 : i32
      %dma_start3A_101 = arith.constant 0 : i32
      %dma_start3A_102 = tpu.memref_slice %arg6[%dma_start3A_100, %dma_start3A_101] : memref<16x128xi32, #tpu.memory_space<vmem>> -> memref<1x128xi32, #tpu.memory_space<vmem>>
      %dma_start3A_103 = tpu.memref_squeeze %dma_start3A_102 : memref<1x128xi32, #tpu.memory_space<vmem>> -> memref<128xi32, #tpu.memory_space<vmem>>
      %dma_start3A_104 = arith.constant 0 : i32
      %dma_start3A_105 = tpu.memref_slice %arg5[%dma_start3A_104] : memref<50176xf32, #tpu.memory_space<vmem_shared>> -> memref<50176xf32, #tpu.memory_space<vmem_shared>>
      tpu.enqueue_indirect_dma source(%arg7 : memref<128xf32, #tpu.memory_space<vmem>>) target(%dma_start3A_105 : memref<50176xf32, #tpu.memory_space<vmem_shared>>) offsets(%dma_start3A_103 : memref<128xi32, #tpu.memory_space<vmem>>) semaphore(%arg9 : memref<!tpu.dma_semaphore, #tpu.memory_space<semaphore_mem>>) {add = true}
      %dma_start3A_106 = arith.constant 3 : i32
      %dma_start3A_107 = arith.constant 0 : i32
      %dma_start3A_108 = tpu.memref_slice %arg6[%dma_start3A_106, %dma_start3A_107] : memref<16x128xi32, #tpu.memory_space<vmem>> -> memref<1x128xi32, #tpu.memory_space<vmem>>
      %dma_start3A_109 = tpu.memref_squeeze %dma_start3A_108 : memref<1x128xi32, #tpu.memory_space<vmem>> -> memref<128xi32, #tpu.memory_space<vmem>>
      %dma_start3A_110 = arith.constant 0 : i32
      %dma_start3A_111 = tpu.memref_slice %arg5[%dma_start3A_110] : memref<50176xf32, #tpu.memory_space<vmem_shared>> -> memref<50176xf32, #tpu.memory_space<vmem_shared>>
      tpu.enqueue_indirect_dma source(%arg7 : memref<128xf32, #tpu.memory_space<vmem>>) target(%dma_start3A_111 : memref<50176xf32, #tpu.memory_space<vmem_shared>>) offsets(%dma_start3A_109 : memref<128xi32, #tpu.memory_space<vmem>>) semaphore(%arg9 : memref<!tpu.dma_semaphore, #tpu.memory_space<semaphore_mem>>) {add = true}
      %dma_start3A_112 = arith.constant 4 : i32
      %dma_start3A_113 = arith.constant 0 : i32
      %dma_start3A_114 = tpu.memref_slice %arg6[%dma_start3A_112, %dma_start3A_113] : memref<16x128xi32, #tpu.memory_space<vmem>> -> memref<1x128xi32, #tpu.memory_space<vmem>>
      %dma_start3A_115 = tpu.memref_squeeze %dma_start3A_114 : memref<1x128xi32, #tpu.memory_space<vmem>> -> memref<128xi32, #tpu.memory_space<vmem>>
      %dma_start3A_116 = arith.constant 0 : i32
      %dma_start3A_117 = tpu.memref_slice %arg5[%dma_start3A_116] : memref<50176xf32, #tpu.memory_space<vmem_shared>> -> memref<50176xf32, #tpu.memory_space<vmem_shared>>
      tpu.enqueue_indirect_dma source(%arg7 : memref<128xf32, #tpu.memory_space<vmem>>) target(%dma_start3A_117 : memref<50176xf32, #tpu.memory_space<vmem_shared>>) offsets(%dma_start3A_115 : memref<128xi32, #tpu.memory_space<vmem>>) semaphore(%arg9 : memref<!tpu.dma_semaphore, #tpu.memory_space<semaphore_mem>>) {add = true}
      %dma_start3A_118 = arith.constant 5 : i32
      %dma_start3A_119 = arith.constant 0 : i32
      %dma_start3A_120 = tpu.memref_slice %arg6[%dma_start3A_118, %dma_start3A_119] : memref<16x128xi32, #tpu.memory_space<vmem>> -> memref<1x128xi32, #tpu.memory_space<vmem>>
      %dma_start3A_121 = tpu.memref_squeeze %dma_start3A_120 : memref<1x128xi32, #tpu.memory_space<vmem>> -> memref<128xi32, #tpu.memory_space<vmem>>
      %dma_start3A_122 = arith.constant 0 : i32
      %dma_start3A_123 = tpu.memref_slice %arg5[%dma_start3A_122] : memref<50176xf32, #tpu.memory_space<vmem_shared>> -> memref<50176xf32, #tpu.memory_space<vmem_shared>>
      tpu.enqueue_indirect_dma source(%arg7 : memref<128xf32, #tpu.memory_space<vmem>>) target(%dma_start3A_123 : memref<50176xf32, #tpu.memory_space<vmem_shared>>) offsets(%dma_start3A_121 : memref<128xi32, #tpu.memory_space<vmem>>) semaphore(%arg9 : memref<!tpu.dma_semaphore, #tpu.memory_space<semaphore_mem>>) {add = true}
      %dma_start3A_124 = arith.constant 6 : i32
      %dma_start3A_125 = arith.constant 0 : i32
      %dma_start3A_126 = tpu.memref_slice %arg6[%dma_start3A_124, %dma_start3A_125] : memref<16x128xi32, #tpu.memory_space<vmem>> -> memref<1x128xi32, #tpu.memory_space<vmem>>
      %dma_start3A_127 = tpu.memref_squeeze %dma_start3A_126 : memref<1x128xi32, #tpu.memory_space<vmem>> -> memref<128xi32, #tpu.memory_space<vmem>>
      %dma_start3A_128 = arith.constant 0 : i32
      %dma_start3A_129 = tpu.memref_slice %arg5[%dma_start3A_128] : memref<50176xf32, #tpu.memory_space<vmem_shared>> -> memref<50176xf32, #tpu.memory_space<vmem_shared>>
      tpu.enqueue_indirect_dma source(%arg7 : memref<128xf32, #tpu.memory_space<vmem>>) target(%dma_start3A_129 : memref<50176xf32, #tpu.memory_space<vmem_shared>>) offsets(%dma_start3A_127 : memref<128xi32, #tpu.memory_space<vmem>>) semaphore(%arg9 : memref<!tpu.dma_semaphore, #tpu.memory_space<semaphore_mem>>) {add = true}
      %dma_start3A_130 = arith.constant 7 : i32
      %dma_start3A_131 = arith.constant 0 : i32
      %dma_start3A_132 = tpu.memref_slice %arg6[%dma_start3A_130, %dma_start3A_131] : memref<16x128xi32, #tpu.memory_space<vmem>> -> memref<1x128xi32, #tpu.memory_space<vmem>>
      %dma_start3A_133 = tpu.memref_squeeze %dma_start3A_132 : memref<1x128xi32, #tpu.memory_space<vmem>> -> memref<128xi32, #tpu.memory_space<vmem>>
      %dma_start3A_134 = arith.constant 0 : i32
      %dma_start3A_135 = tpu.memref_slice %arg5[%dma_start3A_134] : memref<50176xf32, #tpu.memory_space<vmem_shared>> -> memref<50176xf32, #tpu.memory_space<vmem_shared>>
      tpu.enqueue_indirect_dma source(%arg7 : memref<128xf32, #tpu.memory_space<vmem>>) target(%dma_start3A_135 : memref<50176xf32, #tpu.memory_space<vmem_shared>>) offsets(%dma_start3A_133 : memref<128xi32, #tpu.memory_space<vmem>>) semaphore(%arg9 : memref<!tpu.dma_semaphore, #tpu.memory_space<semaphore_mem>>) {add = true}
      %dma_start3A_136 = arith.constant 8 : i32
      %dma_start3A_137 = arith.constant 0 : i32
      %dma_start3A_138 = tpu.memref_slice %arg6[%dma_start3A_136, %dma_start3A_137] : memref<16x128xi32, #tpu.memory_space<vmem>> -> memref<1x128xi32, #tpu.memory_space<vmem>>
      %dma_start3A_139 = tpu.memref_squeeze %dma_start3A_138 : memref<1x128xi32, #tpu.memory_space<vmem>> -> memref<128xi32, #tpu.memory_space<vmem>>
      %dma_start3A_140 = arith.constant 0 : i32
      %dma_start3A_141 = tpu.memref_slice %arg5[%dma_start3A_140] : memref<50176xf32, #tpu.memory_space<vmem_shared>> -> memref<50176xf32, #tpu.memory_space<vmem_shared>>
      tpu.enqueue_indirect_dma source(%arg7 : memref<128xf32, #tpu.memory_space<vmem>>) target(%dma_start3A_141 : memref<50176xf32, #tpu.memory_space<vmem_shared>>) offsets(%dma_start3A_139 : memref<128xi32, #tpu.memory_space<vmem>>) semaphore(%arg9 : memref<!tpu.dma_semaphore, #tpu.memory_space<semaphore_mem>>) {add = true}
      %dma_start3A_142 = arith.constant 9 : i32
      %dma_start3A_143 = arith.constant 0 : i32
      %dma_start3A_144 = tpu.memref_slice %arg6[%dma_start3A_142, %dma_start3A_143] : memref<16x128xi32, #tpu.memory_space<vmem>> -> memref<1x128xi32, #tpu.memory_space<vmem>>
      %dma_start3A_145 = tpu.memref_squeeze %dma_start3A_144 : memref<1x128xi32, #tpu.memory_space<vmem>> -> memref<128xi32, #tpu.memory_space<vmem>>
      %dma_start3A_146 = arith.constant 0 : i32
      %dma_start3A_147 = tpu.memref_slice %arg5[%dma_start3A_146] : memref<50176xf32, #tpu.memory_space<vmem_shared>> -> memref<50176xf32, #tpu.memory_space<vmem_shared>>
      tpu.enqueue_indirect_dma source(%arg7 : memref<128xf32, #tpu.memory_space<vmem>>) target(%dma_start3A_147 : memref<50176xf32, #tpu.memory_space<vmem_shared>>) offsets(%dma_start3A_145 : memref<128xi32, #tpu.memory_space<vmem>>) semaphore(%arg9 : memref<!tpu.dma_semaphore, #tpu.memory_space<semaphore_mem>>) {add = true}
      %dma_start3A_148 = arith.constant 10 : i32
      %dma_start3A_149 = arith.constant 0 : i32
      %dma_start3A_150 = tpu.memref_slice %arg6[%dma_start3A_148, %dma_start3A_149] : memref<16x128xi32, #tpu.memory_space<vmem>> -> memref<1x128xi32, #tpu.memory_space<vmem>>
      %dma_start3A_151 = tpu.memref_squeeze %dma_start3A_150 : memref<1x128xi32, #tpu.memory_space<vmem>> -> memref<128xi32, #tpu.memory_space<vmem>>
      %dma_start3A_152 = arith.constant 0 : i32
      %dma_start3A_153 = tpu.memref_slice %arg5[%dma_start3A_152] : memref<50176xf32, #tpu.memory_space<vmem_shared>> -> memref<50176xf32, #tpu.memory_space<vmem_shared>>
      tpu.enqueue_indirect_dma source(%arg7 : memref<128xf32, #tpu.memory_space<vmem>>) target(%dma_start3A_153 : memref<50176xf32, #tpu.memory_space<vmem_shared>>) offsets(%dma_start3A_151 : memref<128xi32, #tpu.memory_space<vmem>>) semaphore(%arg9 : memref<!tpu.dma_semaphore, #tpu.memory_space<semaphore_mem>>) {add = true}
      %dma_start3A_154 = arith.constant 11 : i32
      %dma_start3A_155 = arith.constant 0 : i32
      %dma_start3A_156 = tpu.memref_slice %arg6[%dma_start3A_154, %dma_start3A_155] : memref<16x128xi32, #tpu.memory_space<vmem>> -> memref<1x128xi32, #tpu.memory_space<vmem>>
      %dma_start3A_157 = tpu.memref_squeeze %dma_start3A_156 : memref<1x128xi32, #tpu.memory_space<vmem>> -> memref<128xi32, #tpu.memory_space<vmem>>
      %dma_start3A_158 = arith.constant 0 : i32
      %dma_start3A_159 = tpu.memref_slice %arg5[%dma_start3A_158] : memref<50176xf32, #tpu.memory_space<vmem_shared>> -> memref<50176xf32, #tpu.memory_space<vmem_shared>>
      tpu.enqueue_indirect_dma source(%arg7 : memref<128xf32, #tpu.memory_space<vmem>>) target(%dma_start3A_159 : memref<50176xf32, #tpu.memory_space<vmem_shared>>) offsets(%dma_start3A_157 : memref<128xi32, #tpu.memory_space<vmem>>) semaphore(%arg9 : memref<!tpu.dma_semaphore, #tpu.memory_space<semaphore_mem>>) {add = true}
      %dma_start3A_160 = arith.constant 12 : i32
      %dma_start3A_161 = arith.constant 0 : i32
      %dma_start3A_162 = tpu.memref_slice %arg6[%dma_start3A_160, %dma_start3A_161] : memref<16x128xi32, #tpu.memory_space<vmem>> -> memref<1x128xi32, #tpu.memory_space<vmem>>
      %dma_start3A_163 = tpu.memref_squeeze %dma_start3A_162 : memref<1x128xi32, #tpu.memory_space<vmem>> -> memref<128xi32, #tpu.memory_space<vmem>>
      %dma_start3A_164 = arith.constant 0 : i32
      %dma_start3A_165 = tpu.memref_slice %arg5[%dma_start3A_164] : memref<50176xf32, #tpu.memory_space<vmem_shared>> -> memref<50176xf32, #tpu.memory_space<vmem_shared>>
      tpu.enqueue_indirect_dma source(%arg7 : memref<128xf32, #tpu.memory_space<vmem>>) target(%dma_start3A_165 : memref<50176xf32, #tpu.memory_space<vmem_shared>>) offsets(%dma_start3A_163 : memref<128xi32, #tpu.memory_space<vmem>>) semaphore(%arg9 : memref<!tpu.dma_semaphore, #tpu.memory_space<semaphore_mem>>) {add = true}
      %dma_start3A_166 = arith.constant 13 : i32
      %dma_start3A_167 = arith.constant 0 : i32
      %dma_start3A_168 = tpu.memref_slice %arg6[%dma_start3A_166, %dma_start3A_167] : memref<16x128xi32, #tpu.memory_space<vmem>> -> memref<1x128xi32, #tpu.memory_space<vmem>>
      %dma_start3A_169 = tpu.memref_squeeze %dma_start3A_168 : memref<1x128xi32, #tpu.memory_space<vmem>> -> memref<128xi32, #tpu.memory_space<vmem>>
      %dma_start3A_170 = arith.constant 0 : i32
      %dma_start3A_171 = tpu.memref_slice %arg5[%dma_start3A_170] : memref<50176xf32, #tpu.memory_space<vmem_shared>> -> memref<50176xf32, #tpu.memory_space<vmem_shared>>
      tpu.enqueue_indirect_dma source(%arg7 : memref<128xf32, #tpu.memory_space<vmem>>) target(%dma_start3A_171 : memref<50176xf32, #tpu.memory_space<vmem_shared>>) offsets(%dma_start3A_169 : memref<128xi32, #tpu.memory_space<vmem>>) semaphore(%arg9 : memref<!tpu.dma_semaphore, #tpu.memory_space<semaphore_mem>>) {add = true}
      %dma_start3A_172 = arith.constant 14 : i32
      %dma_start3A_173 = arith.constant 0 : i32
      %dma_start3A_174 = tpu.memref_slice %arg6[%dma_start3A_172, %dma_start3A_173] : memref<16x128xi32, #tpu.memory_space<vmem>> -> memref<1x128xi32, #tpu.memory_space<vmem>>
      %dma_start3A_175 = tpu.memref_squeeze %dma_start3A_174 : memref<1x128xi32, #tpu.memory_space<vmem>> -> memref<128xi32, #tpu.memory_space<vmem>>
      %dma_start3A_176 = arith.constant 0 : i32
      %dma_start3A_177 = tpu.memref_slice %arg5[%dma_start3A_176] : memref<50176xf32, #tpu.memory_space<vmem_shared>> -> memref<50176xf32, #tpu.memory_space<vmem_shared>>
      tpu.enqueue_indirect_dma source(%arg7 : memref<128xf32, #tpu.memory_space<vmem>>) target(%dma_start3A_177 : memref<50176xf32, #tpu.memory_space<vmem_shared>>) offsets(%dma_start3A_175 : memref<128xi32, #tpu.memory_space<vmem>>) semaphore(%arg9 : memref<!tpu.dma_semaphore, #tpu.memory_space<semaphore_mem>>) {add = true}
      %dma_start3A_178 = arith.constant 15 : i32
      %dma_start3A_179 = arith.constant 0 : i32
      %dma_start3A_180 = tpu.memref_slice %arg6[%dma_start3A_178, %dma_start3A_179] : memref<16x128xi32, #tpu.memory_space<vmem>> -> memref<1x128xi32, #tpu.memory_space<vmem>>
      %dma_start3A_181 = tpu.memref_squeeze %dma_start3A_180 : memref<1x128xi32, #tpu.memory_space<vmem>> -> memref<128xi32, #tpu.memory_space<vmem>>
      %dma_start3A_182 = arith.constant 0 : i32
      %dma_start3A_183 = tpu.memref_slice %arg5[%dma_start3A_182] : memref<50176xf32, #tpu.memory_space<vmem_shared>> -> memref<50176xf32, #tpu.memory_space<vmem_shared>>
      tpu.enqueue_indirect_dma source(%arg7 : memref<128xf32, #tpu.memory_space<vmem>>) target(%dma_start3A_183 : memref<50176xf32, #tpu.memory_space<vmem_shared>>) offsets(%dma_start3A_181 : memref<128xi32, #tpu.memory_space<vmem>>) semaphore(%arg9 : memref<!tpu.dma_semaphore, #tpu.memory_space<semaphore_mem>>) {add = true}
      %dma_wait3A = arith.constant 0 : i32
      %dma_wait3A_184 = arith.constant 0 : i32
      %dma_wait3A_185 = tpu.memref_slice %arg6[%dma_wait3A, %dma_wait3A_184] : memref<16x128xi32, #tpu.memory_space<vmem>> -> memref<1x128xi32, #tpu.memory_space<vmem>>
      %dma_wait3A_186 = tpu.memref_squeeze %dma_wait3A_185 : memref<1x128xi32, #tpu.memory_space<vmem>> -> memref<128xi32, #tpu.memory_space<vmem>>
      %dma_wait3A_187 = arith.constant 0 : i32
      %dma_wait3A_188 = tpu.memref_slice %arg5[%dma_wait3A_187] : memref<50176xf32, #tpu.memory_space<vmem_shared>> -> memref<50176xf32, #tpu.memory_space<vmem_shared>>
      tpu.wait_indirect_dma semaphore(%arg9 : memref<!tpu.dma_semaphore, #tpu.memory_space<semaphore_mem>>) src(%arg7 : memref<128xf32, #tpu.memory_space<vmem>>) dst(%dma_wait3A_188 : memref<50176xf32, #tpu.memory_space<vmem_shared>>)
      %dma_wait3A_189 = arith.constant 1 : i32
      %dma_wait3A_190 = arith.constant 0 : i32
      %dma_wait3A_191 = tpu.memref_slice %arg6[%dma_wait3A_189, %dma_wait3A_190] : memref<16x128xi32, #tpu.memory_space<vmem>> -> memref<1x128xi32, #tpu.memory_space<vmem>>
      %dma_wait3A_192 = tpu.memref_squeeze %dma_wait3A_191 : memref<1x128xi32, #tpu.memory_space<vmem>> -> memref<128xi32, #tpu.memory_space<vmem>>
      %dma_wait3A_193 = arith.constant 0 : i32
      %dma_wait3A_194 = tpu.memref_slice %arg5[%dma_wait3A_193] : memref<50176xf32, #tpu.memory_space<vmem_shared>> -> memref<50176xf32, #tpu.memory_space<vmem_shared>>
      tpu.wait_indirect_dma semaphore(%arg9 : memref<!tpu.dma_semaphore, #tpu.memory_space<semaphore_mem>>) src(%arg7 : memref<128xf32, #tpu.memory_space<vmem>>) dst(%dma_wait3A_194 : memref<50176xf32, #tpu.memory_space<vmem_shared>>)
      %dma_wait3A_195 = arith.constant 2 : i32
      %dma_wait3A_196 = arith.constant 0 : i32
      %dma_wait3A_197 = tpu.memref_slice %arg6[%dma_wait3A_195, %dma_wait3A_196] : memref<16x128xi32, #tpu.memory_space<vmem>> -> memref<1x128xi32, #tpu.memory_space<vmem>>
      %dma_wait3A_198 = tpu.memref_squeeze %dma_wait3A_197 : memref<1x128xi32, #tpu.memory_space<vmem>> -> memref<128xi32, #tpu.memory_space<vmem>>
      %dma_wait3A_199 = arith.constant 0 : i32
      %dma_wait3A_200 = tpu.memref_slice %arg5[%dma_wait3A_199] : memref<50176xf32, #tpu.memory_space<vmem_shared>> -> memref<50176xf32, #tpu.memory_space<vmem_shared>>
      tpu.wait_indirect_dma semaphore(%arg9 : memref<!tpu.dma_semaphore, #tpu.memory_space<semaphore_mem>>) src(%arg7 : memref<128xf32, #tpu.memory_space<vmem>>) dst(%dma_wait3A_200 : memref<50176xf32, #tpu.memory_space<vmem_shared>>)
      %dma_wait3A_201 = arith.constant 3 : i32
      %dma_wait3A_202 = arith.constant 0 : i32
      %dma_wait3A_203 = tpu.memref_slice %arg6[%dma_wait3A_201, %dma_wait3A_202] : memref<16x128xi32, #tpu.memory_space<vmem>> -> memref<1x128xi32, #tpu.memory_space<vmem>>
      %dma_wait3A_204 = tpu.memref_squeeze %dma_wait3A_203 : memref<1x128xi32, #tpu.memory_space<vmem>> -> memref<128xi32, #tpu.memory_space<vmem>>
      %dma_wait3A_205 = arith.constant 0 : i32
      %dma_wait3A_206 = tpu.memref_slice %arg5[%dma_wait3A_205] : memref<50176xf32, #tpu.memory_space<vmem_shared>> -> memref<50176xf32, #tpu.memory_space<vmem_shared>>
      tpu.wait_indirect_dma semaphore(%arg9 : memref<!tpu.dma_semaphore, #tpu.memory_space<semaphore_mem>>) src(%arg7 : memref<128xf32, #tpu.memory_space<vmem>>) dst(%dma_wait3A_206 : memref<50176xf32, #tpu.memory_space<vmem_shared>>)
      %dma_wait3A_207 = arith.constant 4 : i32
      %dma_wait3A_208 = arith.constant 0 : i32
      %dma_wait3A_209 = tpu.memref_slice %arg6[%dma_wait3A_207, %dma_wait3A_208] : memref<16x128xi32, #tpu.memory_space<vmem>> -> memref<1x128xi32, #tpu.memory_space<vmem>>
      %dma_wait3A_210 = tpu.memref_squeeze %dma_wait3A_209 : memref<1x128xi32, #tpu.memory_space<vmem>> -> memref<128xi32, #tpu.memory_space<vmem>>
      %dma_wait3A_211 = arith.constant 0 : i32
      %dma_wait3A_212 = tpu.memref_slice %arg5[%dma_wait3A_211] : memref<50176xf32, #tpu.memory_space<vmem_shared>> -> memref<50176xf32, #tpu.memory_space<vmem_shared>>
      tpu.wait_indirect_dma semaphore(%arg9 : memref<!tpu.dma_semaphore, #tpu.memory_space<semaphore_mem>>) src(%arg7 : memref<128xf32, #tpu.memory_space<vmem>>) dst(%dma_wait3A_212 : memref<50176xf32, #tpu.memory_space<vmem_shared>>)
      %dma_wait3A_213 = arith.constant 5 : i32
      %dma_wait3A_214 = arith.constant 0 : i32
      %dma_wait3A_215 = tpu.memref_slice %arg6[%dma_wait3A_213, %dma_wait3A_214] : memref<16x128xi32, #tpu.memory_space<vmem>> -> memref<1x128xi32, #tpu.memory_space<vmem>>
      %dma_wait3A_216 = tpu.memref_squeeze %dma_wait3A_215 : memref<1x128xi32, #tpu.memory_space<vmem>> -> memref<128xi32, #tpu.memory_space<vmem>>
      %dma_wait3A_217 = arith.constant 0 : i32
      %dma_wait3A_218 = tpu.memref_slice %arg5[%dma_wait3A_217] : memref<50176xf32, #tpu.memory_space<vmem_shared>> -> memref<50176xf32, #tpu.memory_space<vmem_shared>>
      tpu.wait_indirect_dma semaphore(%arg9 : memref<!tpu.dma_semaphore, #tpu.memory_space<semaphore_mem>>) src(%arg7 : memref<128xf32, #tpu.memory_space<vmem>>) dst(%dma_wait3A_218 : memref<50176xf32, #tpu.memory_space<vmem_shared>>)
      %dma_wait3A_219 = arith.constant 6 : i32
      %dma_wait3A_220 = arith.constant 0 : i32
      %dma_wait3A_221 = tpu.memref_slice %arg6[%dma_wait3A_219, %dma_wait3A_220] : memref<16x128xi32, #tpu.memory_space<vmem>> -> memref<1x128xi32, #tpu.memory_space<vmem>>
      %dma_wait3A_222 = tpu.memref_squeeze %dma_wait3A_221 : memref<1x128xi32, #tpu.memory_space<vmem>> -> memref<128xi32, #tpu.memory_space<vmem>>
      %dma_wait3A_223 = arith.constant 0 : i32
      %dma_wait3A_224 = tpu.memref_slice %arg5[%dma_wait3A_223] : memref<50176xf32, #tpu.memory_space<vmem_shared>> -> memref<50176xf32, #tpu.memory_space<vmem_shared>>
      tpu.wait_indirect_dma semaphore(%arg9 : memref<!tpu.dma_semaphore, #tpu.memory_space<semaphore_mem>>) src(%arg7 : memref<128xf32, #tpu.memory_space<vmem>>) dst(%dma_wait3A_224 : memref<50176xf32, #tpu.memory_space<vmem_shared>>)
      %dma_wait3A_225 = arith.constant 7 : i32
      %dma_wait3A_226 = arith.constant 0 : i32
      %dma_wait3A_227 = tpu.memref_slice %arg6[%dma_wait3A_225, %dma_wait3A_226] : memref<16x128xi32, #tpu.memory_space<vmem>> -> memref<1x128xi32, #tpu.memory_space<vmem>>
      %dma_wait3A_228 = tpu.memref_squeeze %dma_wait3A_227 : memref<1x128xi32, #tpu.memory_space<vmem>> -> memref<128xi32, #tpu.memory_space<vmem>>
      %dma_wait3A_229 = arith.constant 0 : i32
      %dma_wait3A_230 = tpu.memref_slice %arg5[%dma_wait3A_229] : memref<50176xf32, #tpu.memory_space<vmem_shared>> -> memref<50176xf32, #tpu.memory_space<vmem_shared>>
      tpu.wait_indirect_dma semaphore(%arg9 : memref<!tpu.dma_semaphore, #tpu.memory_space<semaphore_mem>>) src(%arg7 : memref<128xf32, #tpu.memory_space<vmem>>) dst(%dma_wait3A_230 : memref<50176xf32, #tpu.memory_space<vmem_shared>>)
      %dma_wait3A_231 = arith.constant 8 : i32
      %dma_wait3A_232 = arith.constant 0 : i32
      %dma_wait3A_233 = tpu.memref_slice %arg6[%dma_wait3A_231, %dma_wait3A_232] : memref<16x128xi32, #tpu.memory_space<vmem>> -> memref<1x128xi32, #tpu.memory_space<vmem>>
      %dma_wait3A_234 = tpu.memref_squeeze %dma_wait3A_233 : memref<1x128xi32, #tpu.memory_space<vmem>> -> memref<128xi32, #tpu.memory_space<vmem>>
      %dma_wait3A_235 = arith.constant 0 : i32
      %dma_wait3A_236 = tpu.memref_slice %arg5[%dma_wait3A_235] : memref<50176xf32, #tpu.memory_space<vmem_shared>> -> memref<50176xf32, #tpu.memory_space<vmem_shared>>
      tpu.wait_indirect_dma semaphore(%arg9 : memref<!tpu.dma_semaphore, #tpu.memory_space<semaphore_mem>>) src(%arg7 : memref<128xf32, #tpu.memory_space<vmem>>) dst(%dma_wait3A_236 : memref<50176xf32, #tpu.memory_space<vmem_shared>>)
      %dma_wait3A_237 = arith.constant 9 : i32
      %dma_wait3A_238 = arith.constant 0 : i32
      %dma_wait3A_239 = tpu.memref_slice %arg6[%dma_wait3A_237, %dma_wait3A_238] : memref<16x128xi32, #tpu.memory_space<vmem>> -> memref<1x128xi32, #tpu.memory_space<vmem>>
      %dma_wait3A_240 = tpu.memref_squeeze %dma_wait3A_239 : memref<1x128xi32, #tpu.memory_space<vmem>> -> memref<128xi32, #tpu.memory_space<vmem>>
      %dma_wait3A_241 = arith.constant 0 : i32
      %dma_wait3A_242 = tpu.memref_slice %arg5[%dma_wait3A_241] : memref<50176xf32, #tpu.memory_space<vmem_shared>> -> memref<50176xf32, #tpu.memory_space<vmem_shared>>
      tpu.wait_indirect_dma semaphore(%arg9 : memref<!tpu.dma_semaphore, #tpu.memory_space<semaphore_mem>>) src(%arg7 : memref<128xf32, #tpu.memory_space<vmem>>) dst(%dma_wait3A_242 : memref<50176xf32, #tpu.memory_space<vmem_shared>>)
      %dma_wait3A_243 = arith.constant 10 : i32
      %dma_wait3A_244 = arith.constant 0 : i32
      %dma_wait3A_245 = tpu.memref_slice %arg6[%dma_wait3A_243, %dma_wait3A_244] : memref<16x128xi32, #tpu.memory_space<vmem>> -> memref<1x128xi32, #tpu.memory_space<vmem>>
      %dma_wait3A_246 = tpu.memref_squeeze %dma_wait3A_245 : memref<1x128xi32, #tpu.memory_space<vmem>> -> memref<128xi32, #tpu.memory_space<vmem>>
      %dma_wait3A_247 = arith.constant 0 : i32
      %dma_wait3A_248 = tpu.memref_slice %arg5[%dma_wait3A_247] : memref<50176xf32, #tpu.memory_space<vmem_shared>> -> memref<50176xf32, #tpu.memory_space<vmem_shared>>
      tpu.wait_indirect_dma semaphore(%arg9 : memref<!tpu.dma_semaphore, #tpu.memory_space<semaphore_mem>>) src(%arg7 : memref<128xf32, #tpu.memory_space<vmem>>) dst(%dma_wait3A_248 : memref<50176xf32, #tpu.memory_space<vmem_shared>>)
      %dma_wait3A_249 = arith.constant 11 : i32
      %dma_wait3A_250 = arith.constant 0 : i32
      %dma_wait3A_251 = tpu.memref_slice %arg6[%dma_wait3A_249, %dma_wait3A_250] : memref<16x128xi32, #tpu.memory_space<vmem>> -> memref<1x128xi32, #tpu.memory_space<vmem>>
      %dma_wait3A_252 = tpu.memref_squeeze %dma_wait3A_251 : memref<1x128xi32, #tpu.memory_space<vmem>> -> memref<128xi32, #tpu.memory_space<vmem>>
      %dma_wait3A_253 = arith.constant 0 : i32
      %dma_wait3A_254 = tpu.memref_slice %arg5[%dma_wait3A_253] : memref<50176xf32, #tpu.memory_space<vmem_shared>> -> memref<50176xf32, #tpu.memory_space<vmem_shared>>
      tpu.wait_indirect_dma semaphore(%arg9 : memref<!tpu.dma_semaphore, #tpu.memory_space<semaphore_mem>>) src(%arg7 : memref<128xf32, #tpu.memory_space<vmem>>) dst(%dma_wait3A_254 : memref<50176xf32, #tpu.memory_space<vmem_shared>>)
      %dma_wait3A_255 = arith.constant 12 : i32
      %dma_wait3A_256 = arith.constant 0 : i32
      %dma_wait3A_257 = tpu.memref_slice %arg6[%dma_wait3A_255, %dma_wait3A_256] : memref<16x128xi32, #tpu.memory_space<vmem>> -> memref<1x128xi32, #tpu.memory_space<vmem>>
      %dma_wait3A_258 = tpu.memref_squeeze %dma_wait3A_257 : memref<1x128xi32, #tpu.memory_space<vmem>> -> memref<128xi32, #tpu.memory_space<vmem>>
      %dma_wait3A_259 = arith.constant 0 : i32
      %dma_wait3A_260 = tpu.memref_slice %arg5[%dma_wait3A_259] : memref<50176xf32, #tpu.memory_space<vmem_shared>> -> memref<50176xf32, #tpu.memory_space<vmem_shared>>
      tpu.wait_indirect_dma semaphore(%arg9 : memref<!tpu.dma_semaphore, #tpu.memory_space<semaphore_mem>>) src(%arg7 : memref<128xf32, #tpu.memory_space<vmem>>) dst(%dma_wait3A_260 : memref<50176xf32, #tpu.memory_space<vmem_shared>>)
      %dma_wait3A_261 = arith.constant 13 : i32
      %dma_wait3A_262 = arith.constant 0 : i32
      %dma_wait3A_263 = tpu.memref_slice %arg6[%dma_wait3A_261, %dma_wait3A_262] : memref<16x128xi32, #tpu.memory_space<vmem>> -> memref<1x128xi32, #tpu.memory_space<vmem>>
      %dma_wait3A_264 = tpu.memref_squeeze %dma_wait3A_263 : memref<1x128xi32, #tpu.memory_space<vmem>> -> memref<128xi32, #tpu.memory_space<vmem>>
      %dma_wait3A_265 = arith.constant 0 : i32
      %dma_wait3A_266 = tpu.memref_slice %arg5[%dma_wait3A_265] : memref<50176xf32, #tpu.memory_space<vmem_shared>> -> memref<50176xf32, #tpu.memory_space<vmem_shared>>
      tpu.wait_indirect_dma semaphore(%arg9 : memref<!tpu.dma_semaphore, #tpu.memory_space<semaphore_mem>>) src(%arg7 : memref<128xf32, #tpu.memory_space<vmem>>) dst(%dma_wait3A_266 : memref<50176xf32, #tpu.memory_space<vmem_shared>>)
      %dma_wait3A_267 = arith.constant 14 : i32
      %dma_wait3A_268 = arith.constant 0 : i32
      %dma_wait3A_269 = tpu.memref_slice %arg6[%dma_wait3A_267, %dma_wait3A_268] : memref<16x128xi32, #tpu.memory_space<vmem>> -> memref<1x128xi32, #tpu.memory_space<vmem>>
      %dma_wait3A_270 = tpu.memref_squeeze %dma_wait3A_269 : memref<1x128xi32, #tpu.memory_space<vmem>> -> memref<128xi32, #tpu.memory_space<vmem>>
      %dma_wait3A_271 = arith.constant 0 : i32
      %dma_wait3A_272 = tpu.memref_slice %arg5[%dma_wait3A_271] : memref<50176xf32, #tpu.memory_space<vmem_shared>> -> memref<50176xf32, #tpu.memory_space<vmem_shared>>
      tpu.wait_indirect_dma semaphore(%arg9 : memref<!tpu.dma_semaphore, #tpu.memory_space<semaphore_mem>>) src(%arg7 : memref<128xf32, #tpu.memory_space<vmem>>) dst(%dma_wait3A_272 : memref<50176xf32, #tpu.memory_space<vmem_shared>>)
      %dma_wait3A_273 = arith.constant 15 : i32
      %dma_wait3A_274 = arith.constant 0 : i32
      %dma_wait3A_275 = tpu.memref_slice %arg6[%dma_wait3A_273, %dma_wait3A_274] : memref<16x128xi32, #tpu.memory_space<vmem>> -> memref<1x128xi32, #tpu.memory_space<vmem>>
      %dma_wait3A_276 = tpu.memref_squeeze %dma_wait3A_275 : memref<1x128xi32, #tpu.memory_space<vmem>> -> memref<128xi32, #tpu.memory_space<vmem>>
      %dma_wait3A_277 = arith.constant 0 : i32
      %dma_wait3A_278 = tpu.memref_slice %arg5[%dma_wait3A_277] : memref<50176xf32, #tpu.memory_space<vmem_shared>> -> memref<50176xf32, #tpu.memory_space<vmem_shared>>
      tpu.wait_indirect_dma semaphore(%arg9 : memref<!tpu.dma_semaphore, #tpu.memory_space<semaphore_mem>>) src(%arg7 : memref<128xf32, #tpu.memory_space<vmem>>) dst(%dma_wait3A_278 : memref<50176xf32, #tpu.memory_space<vmem_shared>>)
    }
    %while3A_80 = arith.constant 1 : i32
    scf.for %while3A_85 = %while3A_78 to %while3A_74 step %while3A_80  : i32 {
      %mul3A_86 = arith.constant 16 : i32
      %mul3A_87 = arith.muli %while3A_85, %mul3A_86 : i32
      %add3A_88 = arith.addi %add3A, %mul3A_87 : i32
      "tpu.region"() ({
        %run_scoped3A = tpu.sem_alloc : memref<!tpu.dma_semaphore, #tpu.memory_space<semaphore_mem>>
        %dma_start3A_279 = arith.constant 0 : i32
        %dma_start3A_280 = tpu.memref_slice %arg2[%add3A_88, %dma_start3A_279] : memref<6656x128xi32, #tpu.memory_space<hbm>> -> memref<16x128xi32, #tpu.memory_space<hbm>>
        %dma_start3A_281 = arith.constant 0 : i32
        %dma_start3A_282 = tpu.memref_slice %arg2[%add3A_88, %dma_start3A_281] : memref<6656x128xi32, #tpu.memory_space<hbm>> -> memref<16x128xi32, #tpu.memory_space<hbm>>
        tpu.enqueue_dma source(%dma_start3A_282 : memref<16x128xi32, #tpu.memory_space<hbm>>) target(%arg6 : memref<16x128xi32, #tpu.memory_space<vmem>>) target_semaphore(%run_scoped3A : memref<!tpu.dma_semaphore, #tpu.memory_space<semaphore_mem>>)
        %dma_wait3A_283 = arith.constant 0 : i32
        %dma_wait3A_284 = tpu.memref_slice %arg2[%add3A_88, %dma_wait3A_283] : memref<6656x128xi32, #tpu.memory_space<hbm>> -> memref<16x128xi32, #tpu.memory_space<hbm>>
        %dma_wait3A_285 = arith.constant 0 : i32
        %dma_wait3A_286 = tpu.memref_slice %arg2[%add3A_88, %dma_wait3A_285] : memref<6656x128xi32, #tpu.memory_space<hbm>> -> memref<16x128xi32, #tpu.memory_space<hbm>>
        tpu.wait_dma2 semaphore(%run_scoped3A : memref<!tpu.dma_semaphore, #tpu.memory_space<semaphore_mem>>) src(%dma_wait3A_286 : memref<16x128xi32, #tpu.memory_space<hbm>>) dst(%arg6 : memref<16x128xi32, #tpu.memory_space<vmem>>)
        tpu.yield
      }) : () -> ()
      %dma_start3A = arith.constant 0 : i32
      %dma_start3A_89 = arith.constant 0 : i32
      %dma_start3A_90 = tpu.memref_slice %arg6[%dma_start3A, %dma_start3A_89] : memref<16x128xi32, #tpu.memory_space<vmem>> -> memref<1x128xi32, #tpu.memory_space<vmem>>
      %dma_start3A_91 = tpu.memref_squeeze %dma_start3A_90 : memref<1x128xi32, #tpu.memory_space<vmem>> -> memref<128xi32, #tpu.memory_space<vmem>>
      %dma_start3A_92 = arith.constant 0 : i32
      %dma_start3A_93 = tpu.memref_slice %arg5[%dma_start3A_92] : memref<50176xf32, #tpu.memory_space<vmem_shared>> -> memref<50176xf32, #tpu.memory_space<vmem_shared>>
      tpu.enqueue_indirect_dma source(%arg7 : memref<128xf32, #tpu.memory_space<vmem>>) target(%dma_start3A_93 : memref<50176xf32, #tpu.memory_space<vmem_shared>>) offsets(%dma_start3A_91 : memref<128xi32, #tpu.memory_space<vmem>>) semaphore(%arg9 : memref<!tpu.dma_semaphore, #tpu.memory_space<semaphore_mem>>) {add = true}
      %dma_start3A_94 = arith.constant 1 : i32
      %dma_start3A_95 = arith.constant 0 : i32
      %dma_start3A_96 = tpu.memref_slice %arg6[%dma_start3A_94, %dma_start3A_95] : memref<16x128xi32, #tpu.memory_space<vmem>> -> memref<1x128xi32, #tpu.memory_space<vmem>>
      %dma_start3A_97 = tpu.memref_squeeze %dma_start3A_96 : memref<1x128xi32, #tpu.memory_space<vmem>> -> memref<128xi32, #tpu.memory_space<vmem>>
      %dma_start3A_98 = arith.constant 0 : i32
      %dma_start3A_99 = tpu.memref_slice %arg5[%dma_start3A_98] : memref<50176xf32, #tpu.memory_space<vmem_shared>> -> memref<50176xf32, #tpu.memory_space<vmem_shared>>
      tpu.enqueue_indirect_dma source(%arg7 : memref<128xf32, #tpu.memory_space<vmem>>) target(%dma_start3A_99 : memref<50176xf32, #tpu.memory_space<vmem_shared>>) offsets(%dma_start3A_97 : memref<128xi32, #tpu.memory_space<vmem>>) semaphore(%arg9 : memref<!tpu.dma_semaphore, #tpu.memory_space<semaphore_mem>>) {add = true}
      %dma_start3A_100 = arith.constant 2 : i32
      %dma_start3A_101 = arith.constant 0 : i32
      %dma_start3A_102 = tpu.memref_slice %arg6[%dma_start3A_100, %dma_start3A_101] : memref<16x128xi32, #tpu.memory_space<vmem>> -> memref<1x128xi32, #tpu.memory_space<vmem>>
      %dma_start3A_103 = tpu.memref_squeeze %dma_start3A_102 : memref<1x128xi32, #tpu.memory_space<vmem>> -> memref<128xi32, #tpu.memory_space<vmem>>
      %dma_start3A_104 = arith.constant 0 : i32
      %dma_start3A_105 = tpu.memref_slice %arg5[%dma_start3A_104] : memref<50176xf32, #tpu.memory_space<vmem_shared>> -> memref<50176xf32, #tpu.memory_space<vmem_shared>>
      tpu.enqueue_indirect_dma source(%arg7 : memref<128xf32, #tpu.memory_space<vmem>>) target(%dma_start3A_105 : memref<50176xf32, #tpu.memory_space<vmem_shared>>) offsets(%dma_start3A_103 : memref<128xi32, #tpu.memory_space<vmem>>) semaphore(%arg9 : memref<!tpu.dma_semaphore, #tpu.memory_space<semaphore_mem>>) {add = true}
      %dma_start3A_106 = arith.constant 3 : i32
      %dma_start3A_107 = arith.constant 0 : i32
      %dma_start3A_108 = tpu.memref_slice %arg6[%dma_start3A_106, %dma_start3A_107] : memref<16x128xi32, #tpu.memory_space<vmem>> -> memref<1x128xi32, #tpu.memory_space<vmem>>
      %dma_start3A_109 = tpu.memref_squeeze %dma_start3A_108 : memref<1x128xi32, #tpu.memory_space<vmem>> -> memref<128xi32, #tpu.memory_space<vmem>>
      %dma_start3A_110 = arith.constant 0 : i32
      %dma_start3A_111 = tpu.memref_slice %arg5[%dma_start3A_110] : memref<50176xf32, #tpu.memory_space<vmem_shared>> -> memref<50176xf32, #tpu.memory_space<vmem_shared>>
      tpu.enqueue_indirect_dma source(%arg7 : memref<128xf32, #tpu.memory_space<vmem>>) target(%dma_start3A_111 : memref<50176xf32, #tpu.memory_space<vmem_shared>>) offsets(%dma_start3A_109 : memref<128xi32, #tpu.memory_space<vmem>>) semaphore(%arg9 : memref<!tpu.dma_semaphore, #tpu.memory_space<semaphore_mem>>) {add = true}
      %dma_start3A_112 = arith.constant 4 : i32
      %dma_start3A_113 = arith.constant 0 : i32
      %dma_start3A_114 = tpu.memref_slice %arg6[%dma_start3A_112, %dma_start3A_113] : memref<16x128xi32, #tpu.memory_space<vmem>> -> memref<1x128xi32, #tpu.memory_space<vmem>>
      %dma_start3A_115 = tpu.memref_squeeze %dma_start3A_114 : memref<1x128xi32, #tpu.memory_space<vmem>> -> memref<128xi32, #tpu.memory_space<vmem>>
      %dma_start3A_116 = arith.constant 0 : i32
      %dma_start3A_117 = tpu.memref_slice %arg5[%dma_start3A_116] : memref<50176xf32, #tpu.memory_space<vmem_shared>> -> memref<50176xf32, #tpu.memory_space<vmem_shared>>
      tpu.enqueue_indirect_dma source(%arg7 : memref<128xf32, #tpu.memory_space<vmem>>) target(%dma_start3A_117 : memref<50176xf32, #tpu.memory_space<vmem_shared>>) offsets(%dma_start3A_115 : memref<128xi32, #tpu.memory_space<vmem>>) semaphore(%arg9 : memref<!tpu.dma_semaphore, #tpu.memory_space<semaphore_mem>>) {add = true}
      %dma_start3A_118 = arith.constant 5 : i32
      %dma_start3A_119 = arith.constant 0 : i32
      %dma_start3A_120 = tpu.memref_slice %arg6[%dma_start3A_118, %dma_start3A_119] : memref<16x128xi32, #tpu.memory_space<vmem>> -> memref<1x128xi32, #tpu.memory_space<vmem>>
      %dma_start3A_121 = tpu.memref_squeeze %dma_start3A_120 : memref<1x128xi32, #tpu.memory_space<vmem>> -> memref<128xi32, #tpu.memory_space<vmem>>
      %dma_start3A_122 = arith.constant 0 : i32
      %dma_start3A_123 = tpu.memref_slice %arg5[%dma_start3A_122] : memref<50176xf32, #tpu.memory_space<vmem_shared>> -> memref<50176xf32, #tpu.memory_space<vmem_shared>>
      tpu.enqueue_indirect_dma source(%arg7 : memref<128xf32, #tpu.memory_space<vmem>>) target(%dma_start3A_123 : memref<50176xf32, #tpu.memory_space<vmem_shared>>) offsets(%dma_start3A_121 : memref<128xi32, #tpu.memory_space<vmem>>) semaphore(%arg9 : memref<!tpu.dma_semaphore, #tpu.memory_space<semaphore_mem>>) {add = true}
      %dma_start3A_124 = arith.constant 6 : i32
      %dma_start3A_125 = arith.constant 0 : i32
      %dma_start3A_126 = tpu.memref_slice %arg6[%dma_start3A_124, %dma_start3A_125] : memref<16x128xi32, #tpu.memory_space<vmem>> -> memref<1x128xi32, #tpu.memory_space<vmem>>
      %dma_start3A_127 = tpu.memref_squeeze %dma_start3A_126 : memref<1x128xi32, #tpu.memory_space<vmem>> -> memref<128xi32, #tpu.memory_space<vmem>>
      %dma_start3A_128 = arith.constant 0 : i32
      %dma_start3A_129 = tpu.memref_slice %arg5[%dma_start3A_128] : memref<50176xf32, #tpu.memory_space<vmem_shared>> -> memref<50176xf32, #tpu.memory_space<vmem_shared>>
      tpu.enqueue_indirect_dma source(%arg7 : memref<128xf32, #tpu.memory_space<vmem>>) target(%dma_start3A_129 : memref<50176xf32, #tpu.memory_space<vmem_shared>>) offsets(%dma_start3A_127 : memref<128xi32, #tpu.memory_space<vmem>>) semaphore(%arg9 : memref<!tpu.dma_semaphore, #tpu.memory_space<semaphore_mem>>) {add = true}
      %dma_start3A_130 = arith.constant 7 : i32
      %dma_start3A_131 = arith.constant 0 : i32
      %dma_start3A_132 = tpu.memref_slice %arg6[%dma_start3A_130, %dma_start3A_131] : memref<16x128xi32, #tpu.memory_space<vmem>> -> memref<1x128xi32, #tpu.memory_space<vmem>>
      %dma_start3A_133 = tpu.memref_squeeze %dma_start3A_132 : memref<1x128xi32, #tpu.memory_space<vmem>> -> memref<128xi32, #tpu.memory_space<vmem>>
      %dma_start3A_134 = arith.constant 0 : i32
      %dma_start3A_135 = tpu.memref_slice %arg5[%dma_start3A_134] : memref<50176xf32, #tpu.memory_space<vmem_shared>> -> memref<50176xf32, #tpu.memory_space<vmem_shared>>
      tpu.enqueue_indirect_dma source(%arg7 : memref<128xf32, #tpu.memory_space<vmem>>) target(%dma_start3A_135 : memref<50176xf32, #tpu.memory_space<vmem_shared>>) offsets(%dma_start3A_133 : memref<128xi32, #tpu.memory_space<vmem>>) semaphore(%arg9 : memref<!tpu.dma_semaphore, #tpu.memory_space<semaphore_mem>>) {add = true}
      %dma_start3A_136 = arith.constant 8 : i32
      %dma_start3A_137 = arith.constant 0 : i32
      %dma_start3A_138 = tpu.memref_slice %arg6[%dma_start3A_136, %dma_start3A_137] : memref<16x128xi32, #tpu.memory_space<vmem>> -> memref<1x128xi32, #tpu.memory_space<vmem>>
      %dma_start3A_139 = tpu.memref_squeeze %dma_start3A_138 : memref<1x128xi32, #tpu.memory_space<vmem>> -> memref<128xi32, #tpu.memory_space<vmem>>
      %dma_start3A_140 = arith.constant 0 : i32
      %dma_start3A_141 = tpu.memref_slice %arg5[%dma_start3A_140] : memref<50176xf32, #tpu.memory_space<vmem_shared>> -> memref<50176xf32, #tpu.memory_space<vmem_shared>>
      tpu.enqueue_indirect_dma source(%arg7 : memref<128xf32, #tpu.memory_space<vmem>>) target(%dma_start3A_141 : memref<50176xf32, #tpu.memory_space<vmem_shared>>) offsets(%dma_start3A_139 : memref<128xi32, #tpu.memory_space<vmem>>) semaphore(%arg9 : memref<!tpu.dma_semaphore, #tpu.memory_space<semaphore_mem>>) {add = true}
      %dma_start3A_142 = arith.constant 9 : i32
      %dma_start3A_143 = arith.constant 0 : i32
      %dma_start3A_144 = tpu.memref_slice %arg6[%dma_start3A_142, %dma_start3A_143] : memref<16x128xi32, #tpu.memory_space<vmem>> -> memref<1x128xi32, #tpu.memory_space<vmem>>
      %dma_start3A_145 = tpu.memref_squeeze %dma_start3A_144 : memref<1x128xi32, #tpu.memory_space<vmem>> -> memref<128xi32, #tpu.memory_space<vmem>>
      %dma_start3A_146 = arith.constant 0 : i32
      %dma_start3A_147 = tpu.memref_slice %arg5[%dma_start3A_146] : memref<50176xf32, #tpu.memory_space<vmem_shared>> -> memref<50176xf32, #tpu.memory_space<vmem_shared>>
      tpu.enqueue_indirect_dma source(%arg7 : memref<128xf32, #tpu.memory_space<vmem>>) target(%dma_start3A_147 : memref<50176xf32, #tpu.memory_space<vmem_shared>>) offsets(%dma_start3A_145 : memref<128xi32, #tpu.memory_space<vmem>>) semaphore(%arg9 : memref<!tpu.dma_semaphore, #tpu.memory_space<semaphore_mem>>) {add = true}
      %dma_start3A_148 = arith.constant 10 : i32
      %dma_start3A_149 = arith.constant 0 : i32
      %dma_start3A_150 = tpu.memref_slice %arg6[%dma_start3A_148, %dma_start3A_149] : memref<16x128xi32, #tpu.memory_space<vmem>> -> memref<1x128xi32, #tpu.memory_space<vmem>>
      %dma_start3A_151 = tpu.memref_squeeze %dma_start3A_150 : memref<1x128xi32, #tpu.memory_space<vmem>> -> memref<128xi32, #tpu.memory_space<vmem>>
      %dma_start3A_152 = arith.constant 0 : i32
      %dma_start3A_153 = tpu.memref_slice %arg5[%dma_start3A_152] : memref<50176xf32, #tpu.memory_space<vmem_shared>> -> memref<50176xf32, #tpu.memory_space<vmem_shared>>
      tpu.enqueue_indirect_dma source(%arg7 : memref<128xf32, #tpu.memory_space<vmem>>) target(%dma_start3A_153 : memref<50176xf32, #tpu.memory_space<vmem_shared>>) offsets(%dma_start3A_151 : memref<128xi32, #tpu.memory_space<vmem>>) semaphore(%arg9 : memref<!tpu.dma_semaphore, #tpu.memory_space<semaphore_mem>>) {add = true}
      %dma_start3A_154 = arith.constant 11 : i32
      %dma_start3A_155 = arith.constant 0 : i32
      %dma_start3A_156 = tpu.memref_slice %arg6[%dma_start3A_154, %dma_start3A_155] : memref<16x128xi32, #tpu.memory_space<vmem>> -> memref<1x128xi32, #tpu.memory_space<vmem>>
      %dma_start3A_157 = tpu.memref_squeeze %dma_start3A_156 : memref<1x128xi32, #tpu.memory_space<vmem>> -> memref<128xi32, #tpu.memory_space<vmem>>
      %dma_start3A_158 = arith.constant 0 : i32
      %dma_start3A_159 = tpu.memref_slice %arg5[%dma_start3A_158] : memref<50176xf32, #tpu.memory_space<vmem_shared>> -> memref<50176xf32, #tpu.memory_space<vmem_shared>>
      tpu.enqueue_indirect_dma source(%arg7 : memref<128xf32, #tpu.memory_space<vmem>>) target(%dma_start3A_159 : memref<50176xf32, #tpu.memory_space<vmem_shared>>) offsets(%dma_start3A_157 : memref<128xi32, #tpu.memory_space<vmem>>) semaphore(%arg9 : memref<!tpu.dma_semaphore, #tpu.memory_space<semaphore_mem>>) {add = true}
      %dma_start3A_160 = arith.constant 12 : i32
      %dma_start3A_161 = arith.constant 0 : i32
      %dma_start3A_162 = tpu.memref_slice %arg6[%dma_start3A_160, %dma_start3A_161] : memref<16x128xi32, #tpu.memory_space<vmem>> -> memref<1x128xi32, #tpu.memory_space<vmem>>
      %dma_start3A_163 = tpu.memref_squeeze %dma_start3A_162 : memref<1x128xi32, #tpu.memory_space<vmem>> -> memref<128xi32, #tpu.memory_space<vmem>>
      %dma_start3A_164 = arith.constant 0 : i32
      %dma_start3A_165 = tpu.memref_slice %arg5[%dma_start3A_164] : memref<50176xf32, #tpu.memory_space<vmem_shared>> -> memref<50176xf32, #tpu.memory_space<vmem_shared>>
      tpu.enqueue_indirect_dma source(%arg7 : memref<128xf32, #tpu.memory_space<vmem>>) target(%dma_start3A_165 : memref<50176xf32, #tpu.memory_space<vmem_shared>>) offsets(%dma_start3A_163 : memref<128xi32, #tpu.memory_space<vmem>>) semaphore(%arg9 : memref<!tpu.dma_semaphore, #tpu.memory_space<semaphore_mem>>) {add = true}
      %dma_start3A_166 = arith.constant 13 : i32
      %dma_start3A_167 = arith.constant 0 : i32
      %dma_start3A_168 = tpu.memref_slice %arg6[%dma_start3A_166, %dma_start3A_167] : memref<16x128xi32, #tpu.memory_space<vmem>> -> memref<1x128xi32, #tpu.memory_space<vmem>>
      %dma_start3A_169 = tpu.memref_squeeze %dma_start3A_168 : memref<1x128xi32, #tpu.memory_space<vmem>> -> memref<128xi32, #tpu.memory_space<vmem>>
      %dma_start3A_170 = arith.constant 0 : i32
      %dma_start3A_171 = tpu.memref_slice %arg5[%dma_start3A_170] : memref<50176xf32, #tpu.memory_space<vmem_shared>> -> memref<50176xf32, #tpu.memory_space<vmem_shared>>
      tpu.enqueue_indirect_dma source(%arg7 : memref<128xf32, #tpu.memory_space<vmem>>) target(%dma_start3A_171 : memref<50176xf32, #tpu.memory_space<vmem_shared>>) offsets(%dma_start3A_169 : memref<128xi32, #tpu.memory_space<vmem>>) semaphore(%arg9 : memref<!tpu.dma_semaphore, #tpu.memory_space<semaphore_mem>>) {add = true}
      %dma_start3A_172 = arith.constant 14 : i32
      %dma_start3A_173 = arith.constant 0 : i32
      %dma_start3A_174 = tpu.memref_slice %arg6[%dma_start3A_172, %dma_start3A_173] : memref<16x128xi32, #tpu.memory_space<vmem>> -> memref<1x128xi32, #tpu.memory_space<vmem>>
      %dma_start3A_175 = tpu.memref_squeeze %dma_start3A_174 : memref<1x128xi32, #tpu.memory_space<vmem>> -> memref<128xi32, #tpu.memory_space<vmem>>
      %dma_start3A_176 = arith.constant 0 : i32
      %dma_start3A_177 = tpu.memref_slice %arg5[%dma_start3A_176] : memref<50176xf32, #tpu.memory_space<vmem_shared>> -> memref<50176xf32, #tpu.memory_space<vmem_shared>>
      tpu.enqueue_indirect_dma source(%arg7 : memref<128xf32, #tpu.memory_space<vmem>>) target(%dma_start3A_177 : memref<50176xf32, #tpu.memory_space<vmem_shared>>) offsets(%dma_start3A_175 : memref<128xi32, #tpu.memory_space<vmem>>) semaphore(%arg9 : memref<!tpu.dma_semaphore, #tpu.memory_space<semaphore_mem>>) {add = true}
      %dma_start3A_178 = arith.constant 15 : i32
      %dma_start3A_179 = arith.constant 0 : i32
      %dma_start3A_180 = tpu.memref_slice %arg6[%dma_start3A_178, %dma_start3A_179] : memref<16x128xi32, #tpu.memory_space<vmem>> -> memref<1x128xi32, #tpu.memory_space<vmem>>
      %dma_start3A_181 = tpu.memref_squeeze %dma_start3A_180 : memref<1x128xi32, #tpu.memory_space<vmem>> -> memref<128xi32, #tpu.memory_space<vmem>>
      %dma_start3A_182 = arith.constant 0 : i32
      %dma_start3A_183 = tpu.memref_slice %arg5[%dma_start3A_182] : memref<50176xf32, #tpu.memory_space<vmem_shared>> -> memref<50176xf32, #tpu.memory_space<vmem_shared>>
      tpu.enqueue_indirect_dma source(%arg7 : memref<128xf32, #tpu.memory_space<vmem>>) target(%dma_start3A_183 : memref<50176xf32, #tpu.memory_space<vmem_shared>>) offsets(%dma_start3A_181 : memref<128xi32, #tpu.memory_space<vmem>>) semaphore(%arg9 : memref<!tpu.dma_semaphore, #tpu.memory_space<semaphore_mem>>) {add = true}
      %dma_wait3A = arith.constant 0 : i32
      %dma_wait3A_184 = arith.constant 0 : i32
      %dma_wait3A_185 = tpu.memref_slice %arg6[%dma_wait3A, %dma_wait3A_184] : memref<16x128xi32, #tpu.memory_space<vmem>> -> memref<1x128xi32, #tpu.memory_space<vmem>>
      %dma_wait3A_186 = tpu.memref_squeeze %dma_wait3A_185 : memref<1x128xi32, #tpu.memory_space<vmem>> -> memref<128xi32, #tpu.memory_space<vmem>>
      %dma_wait3A_187 = arith.constant 0 : i32
      %dma_wait3A_188 = tpu.memref_slice %arg5[%dma_wait3A_187] : memref<50176xf32, #tpu.memory_space<vmem_shared>> -> memref<50176xf32, #tpu.memory_space<vmem_shared>>
      tpu.wait_indirect_dma semaphore(%arg9 : memref<!tpu.dma_semaphore, #tpu.memory_space<semaphore_mem>>) src(%arg7 : memref<128xf32, #tpu.memory_space<vmem>>) dst(%dma_wait3A_188 : memref<50176xf32, #tpu.memory_space<vmem_shared>>)
      %dma_wait3A_189 = arith.constant 1 : i32
      %dma_wait3A_190 = arith.constant 0 : i32
      %dma_wait3A_191 = tpu.memref_slice %arg6[%dma_wait3A_189, %dma_wait3A_190] : memref<16x128xi32, #tpu.memory_space<vmem>> -> memref<1x128xi32, #tpu.memory_space<vmem>>
      %dma_wait3A_192 = tpu.memref_squeeze %dma_wait3A_191 : memref<1x128xi32, #tpu.memory_space<vmem>> -> memref<128xi32, #tpu.memory_space<vmem>>
      %dma_wait3A_193 = arith.constant 0 : i32
      %dma_wait3A_194 = tpu.memref_slice %arg5[%dma_wait3A_193] : memref<50176xf32, #tpu.memory_space<vmem_shared>> -> memref<50176xf32, #tpu.memory_space<vmem_shared>>
      tpu.wait_indirect_dma semaphore(%arg9 : memref<!tpu.dma_semaphore, #tpu.memory_space<semaphore_mem>>) src(%arg7 : memref<128xf32, #tpu.memory_space<vmem>>) dst(%dma_wait3A_194 : memref<50176xf32, #tpu.memory_space<vmem_shared>>)
      %dma_wait3A_195 = arith.constant 2 : i32
      %dma_wait3A_196 = arith.constant 0 : i32
      %dma_wait3A_197 = tpu.memref_slice %arg6[%dma_wait3A_195, %dma_wait3A_196] : memref<16x128xi32, #tpu.memory_space<vmem>> -> memref<1x128xi32, #tpu.memory_space<vmem>>
      %dma_wait3A_198 = tpu.memref_squeeze %dma_wait3A_197 : memref<1x128xi32, #tpu.memory_space<vmem>> -> memref<128xi32, #tpu.memory_space<vmem>>
      %dma_wait3A_199 = arith.constant 0 : i32
      %dma_wait3A_200 = tpu.memref_slice %arg5[%dma_wait3A_199] : memref<50176xf32, #tpu.memory_space<vmem_shared>> -> memref<50176xf32, #tpu.memory_space<vmem_shared>>
      tpu.wait_indirect_dma semaphore(%arg9 : memref<!tpu.dma_semaphore, #tpu.memory_space<semaphore_mem>>) src(%arg7 : memref<128xf32, #tpu.memory_space<vmem>>) dst(%dma_wait3A_200 : memref<50176xf32, #tpu.memory_space<vmem_shared>>)
      %dma_wait3A_201 = arith.constant 3 : i32
      %dma_wait3A_202 = arith.constant 0 : i32
      %dma_wait3A_203 = tpu.memref_slice %arg6[%dma_wait3A_201, %dma_wait3A_202] : memref<16x128xi32, #tpu.memory_space<vmem>> -> memref<1x128xi32, #tpu.memory_space<vmem>>
      %dma_wait3A_204 = tpu.memref_squeeze %dma_wait3A_203 : memref<1x128xi32, #tpu.memory_space<vmem>> -> memref<128xi32, #tpu.memory_space<vmem>>
      %dma_wait3A_205 = arith.constant 0 : i32
      %dma_wait3A_206 = tpu.memref_slice %arg5[%dma_wait3A_205] : memref<50176xf32, #tpu.memory_space<vmem_shared>> -> memref<50176xf32, #tpu.memory_space<vmem_shared>>
      tpu.wait_indirect_dma semaphore(%arg9 : memref<!tpu.dma_semaphore, #tpu.memory_space<semaphore_mem>>) src(%arg7 : memref<128xf32, #tpu.memory_space<vmem>>) dst(%dma_wait3A_206 : memref<50176xf32, #tpu.memory_space<vmem_shared>>)
      %dma_wait3A_207 = arith.constant 4 : i32
      %dma_wait3A_208 = arith.constant 0 : i32
      %dma_wait3A_209 = tpu.memref_slice %arg6[%dma_wait3A_207, %dma_wait3A_208] : memref<16x128xi32, #tpu.memory_space<vmem>> -> memref<1x128xi32, #tpu.memory_space<vmem>>
      %dma_wait3A_210 = tpu.memref_squeeze %dma_wait3A_209 : memref<1x128xi32, #tpu.memory_space<vmem>> -> memref<128xi32, #tpu.memory_space<vmem>>
      %dma_wait3A_211 = arith.constant 0 : i32
      %dma_wait3A_212 = tpu.memref_slice %arg5[%dma_wait3A_211] : memref<50176xf32, #tpu.memory_space<vmem_shared>> -> memref<50176xf32, #tpu.memory_space<vmem_shared>>
      tpu.wait_indirect_dma semaphore(%arg9 : memref<!tpu.dma_semaphore, #tpu.memory_space<semaphore_mem>>) src(%arg7 : memref<128xf32, #tpu.memory_space<vmem>>) dst(%dma_wait3A_212 : memref<50176xf32, #tpu.memory_space<vmem_shared>>)
      %dma_wait3A_213 = arith.constant 5 : i32
      %dma_wait3A_214 = arith.constant 0 : i32
      %dma_wait3A_215 = tpu.memref_slice %arg6[%dma_wait3A_213, %dma_wait3A_214] : memref<16x128xi32, #tpu.memory_space<vmem>> -> memref<1x128xi32, #tpu.memory_space<vmem>>
      %dma_wait3A_216 = tpu.memref_squeeze %dma_wait3A_215 : memref<1x128xi32, #tpu.memory_space<vmem>> -> memref<128xi32, #tpu.memory_space<vmem>>
      %dma_wait3A_217 = arith.constant 0 : i32
      %dma_wait3A_218 = tpu.memref_slice %arg5[%dma_wait3A_217] : memref<50176xf32, #tpu.memory_space<vmem_shared>> -> memref<50176xf32, #tpu.memory_space<vmem_shared>>
      tpu.wait_indirect_dma semaphore(%arg9 : memref<!tpu.dma_semaphore, #tpu.memory_space<semaphore_mem>>) src(%arg7 : memref<128xf32, #tpu.memory_space<vmem>>) dst(%dma_wait3A_218 : memref<50176xf32, #tpu.memory_space<vmem_shared>>)
      %dma_wait3A_219 = arith.constant 6 : i32
      %dma_wait3A_220 = arith.constant 0 : i32
      %dma_wait3A_221 = tpu.memref_slice %arg6[%dma_wait3A_219, %dma_wait3A_220] : memref<16x128xi32, #tpu.memory_space<vmem>> -> memref<1x128xi32, #tpu.memory_space<vmem>>
      %dma_wait3A_222 = tpu.memref_squeeze %dma_wait3A_221 : memref<1x128xi32, #tpu.memory_space<vmem>> -> memref<128xi32, #tpu.memory_space<vmem>>
      %dma_wait3A_223 = arith.constant 0 : i32
      %dma_wait3A_224 = tpu.memref_slice %arg5[%dma_wait3A_223] : memref<50176xf32, #tpu.memory_space<vmem_shared>> -> memref<50176xf32, #tpu.memory_space<vmem_shared>>
      tpu.wait_indirect_dma semaphore(%arg9 : memref<!tpu.dma_semaphore, #tpu.memory_space<semaphore_mem>>) src(%arg7 : memref<128xf32, #tpu.memory_space<vmem>>) dst(%dma_wait3A_224 : memref<50176xf32, #tpu.memory_space<vmem_shared>>)
      %dma_wait3A_225 = arith.constant 7 : i32
      %dma_wait3A_226 = arith.constant 0 : i32
      %dma_wait3A_227 = tpu.memref_slice %arg6[%dma_wait3A_225, %dma_wait3A_226] : memref<16x128xi32, #tpu.memory_space<vmem>> -> memref<1x128xi32, #tpu.memory_space<vmem>>
      %dma_wait3A_228 = tpu.memref_squeeze %dma_wait3A_227 : memref<1x128xi32, #tpu.memory_space<vmem>> -> memref<128xi32, #tpu.memory_space<vmem>>
      %dma_wait3A_229 = arith.constant 0 : i32
      %dma_wait3A_230 = tpu.memref_slice %arg5[%dma_wait3A_229] : memref<50176xf32, #tpu.memory_space<vmem_shared>> -> memref<50176xf32, #tpu.memory_space<vmem_shared>>
      tpu.wait_indirect_dma semaphore(%arg9 : memref<!tpu.dma_semaphore, #tpu.memory_space<semaphore_mem>>) src(%arg7 : memref<128xf32, #tpu.memory_space<vmem>>) dst(%dma_wait3A_230 : memref<50176xf32, #tpu.memory_space<vmem_shared>>)
      %dma_wait3A_231 = arith.constant 8 : i32
      %dma_wait3A_232 = arith.constant 0 : i32
      %dma_wait3A_233 = tpu.memref_slice %arg6[%dma_wait3A_231, %dma_wait3A_232] : memref<16x128xi32, #tpu.memory_space<vmem>> -> memref<1x128xi32, #tpu.memory_space<vmem>>
      %dma_wait3A_234 = tpu.memref_squeeze %dma_wait3A_233 : memref<1x128xi32, #tpu.memory_space<vmem>> -> memref<128xi32, #tpu.memory_space<vmem>>
      %dma_wait3A_235 = arith.constant 0 : i32
      %dma_wait3A_236 = tpu.memref_slice %arg5[%dma_wait3A_235] : memref<50176xf32, #tpu.memory_space<vmem_shared>> -> memref<50176xf32, #tpu.memory_space<vmem_shared>>
      tpu.wait_indirect_dma semaphore(%arg9 : memref<!tpu.dma_semaphore, #tpu.memory_space<semaphore_mem>>) src(%arg7 : memref<128xf32, #tpu.memory_space<vmem>>) dst(%dma_wait3A_236 : memref<50176xf32, #tpu.memory_space<vmem_shared>>)
      %dma_wait3A_237 = arith.constant 9 : i32
      %dma_wait3A_238 = arith.constant 0 : i32
      %dma_wait3A_239 = tpu.memref_slice %arg6[%dma_wait3A_237, %dma_wait3A_238] : memref<16x128xi32, #tpu.memory_space<vmem>> -> memref<1x128xi32, #tpu.memory_space<vmem>>
      %dma_wait3A_240 = tpu.memref_squeeze %dma_wait3A_239 : memref<1x128xi32, #tpu.memory_space<vmem>> -> memref<128xi32, #tpu.memory_space<vmem>>
      %dma_wait3A_241 = arith.constant 0 : i32
      %dma_wait3A_242 = tpu.memref_slice %arg5[%dma_wait3A_241] : memref<50176xf32, #tpu.memory_space<vmem_shared>> -> memref<50176xf32, #tpu.memory_space<vmem_shared>>
      tpu.wait_indirect_dma semaphore(%arg9 : memref<!tpu.dma_semaphore, #tpu.memory_space<semaphore_mem>>) src(%arg7 : memref<128xf32, #tpu.memory_space<vmem>>) dst(%dma_wait3A_242 : memref<50176xf32, #tpu.memory_space<vmem_shared>>)
      %dma_wait3A_243 = arith.constant 10 : i32
      %dma_wait3A_244 = arith.constant 0 : i32
      %dma_wait3A_245 = tpu.memref_slice %arg6[%dma_wait3A_243, %dma_wait3A_244] : memref<16x128xi32, #tpu.memory_space<vmem>> -> memref<1x128xi32, #tpu.memory_space<vmem>>
      %dma_wait3A_246 = tpu.memref_squeeze %dma_wait3A_245 : memref<1x128xi32, #tpu.memory_space<vmem>> -> memref<128xi32, #tpu.memory_space<vmem>>
      %dma_wait3A_247 = arith.constant 0 : i32
      %dma_wait3A_248 = tpu.memref_slice %arg5[%dma_wait3A_247] : memref<50176xf32, #tpu.memory_space<vmem_shared>> -> memref<50176xf32, #tpu.memory_space<vmem_shared>>
      tpu.wait_indirect_dma semaphore(%arg9 : memref<!tpu.dma_semaphore, #tpu.memory_space<semaphore_mem>>) src(%arg7 : memref<128xf32, #tpu.memory_space<vmem>>) dst(%dma_wait3A_248 : memref<50176xf32, #tpu.memory_space<vmem_shared>>)
      %dma_wait3A_249 = arith.constant 11 : i32
      %dma_wait3A_250 = arith.constant 0 : i32
      %dma_wait3A_251 = tpu.memref_slice %arg6[%dma_wait3A_249, %dma_wait3A_250] : memref<16x128xi32, #tpu.memory_space<vmem>> -> memref<1x128xi32, #tpu.memory_space<vmem>>
      %dma_wait3A_252 = tpu.memref_squeeze %dma_wait3A_251 : memref<1x128xi32, #tpu.memory_space<vmem>> -> memref<128xi32, #tpu.memory_space<vmem>>
      %dma_wait3A_253 = arith.constant 0 : i32
      %dma_wait3A_254 = tpu.memref_slice %arg5[%dma_wait3A_253] : memref<50176xf32, #tpu.memory_space<vmem_shared>> -> memref<50176xf32, #tpu.memory_space<vmem_shared>>
      tpu.wait_indirect_dma semaphore(%arg9 : memref<!tpu.dma_semaphore, #tpu.memory_space<semaphore_mem>>) src(%arg7 : memref<128xf32, #tpu.memory_space<vmem>>) dst(%dma_wait3A_254 : memref<50176xf32, #tpu.memory_space<vmem_shared>>)
      %dma_wait3A_255 = arith.constant 12 : i32
      %dma_wait3A_256 = arith.constant 0 : i32
      %dma_wait3A_257 = tpu.memref_slice %arg6[%dma_wait3A_255, %dma_wait3A_256] : memref<16x128xi32, #tpu.memory_space<vmem>> -> memref<1x128xi32, #tpu.memory_space<vmem>>
      %dma_wait3A_258 = tpu.memref_squeeze %dma_wait3A_257 : memref<1x128xi32, #tpu.memory_space<vmem>> -> memref<128xi32, #tpu.memory_space<vmem>>
      %dma_wait3A_259 = arith.constant 0 : i32
      %dma_wait3A_260 = tpu.memref_slice %arg5[%dma_wait3A_259] : memref<50176xf32, #tpu.memory_space<vmem_shared>> -> memref<50176xf32, #tpu.memory_space<vmem_shared>>
      tpu.wait_indirect_dma semaphore(%arg9 : memref<!tpu.dma_semaphore, #tpu.memory_space<semaphore_mem>>) src(%arg7 : memref<128xf32, #tpu.memory_space<vmem>>) dst(%dma_wait3A_260 : memref<50176xf32, #tpu.memory_space<vmem_shared>>)
      %dma_wait3A_261 = arith.constant 13 : i32
      %dma_wait3A_262 = arith.constant 0 : i32
      %dma_wait3A_263 = tpu.memref_slice %arg6[%dma_wait3A_261, %dma_wait3A_262] : memref<16x128xi32, #tpu.memory_space<vmem>> -> memref<1x128xi32, #tpu.memory_space<vmem>>
      %dma_wait3A_264 = tpu.memref_squeeze %dma_wait3A_263 : memref<1x128xi32, #tpu.memory_space<vmem>> -> memref<128xi32, #tpu.memory_space<vmem>>
      %dma_wait3A_265 = arith.constant 0 : i32
      %dma_wait3A_266 = tpu.memref_slice %arg5[%dma_wait3A_265] : memref<50176xf32, #tpu.memory_space<vmem_shared>> -> memref<50176xf32, #tpu.memory_space<vmem_shared>>
      tpu.wait_indirect_dma semaphore(%arg9 : memref<!tpu.dma_semaphore, #tpu.memory_space<semaphore_mem>>) src(%arg7 : memref<128xf32, #tpu.memory_space<vmem>>) dst(%dma_wait3A_266 : memref<50176xf32, #tpu.memory_space<vmem_shared>>)
      %dma_wait3A_267 = arith.constant 14 : i32
      %dma_wait3A_268 = arith.constant 0 : i32
      %dma_wait3A_269 = tpu.memref_slice %arg6[%dma_wait3A_267, %dma_wait3A_268] : memref<16x128xi32, #tpu.memory_space<vmem>> -> memref<1x128xi32, #tpu.memory_space<vmem>>
      %dma_wait3A_270 = tpu.memref_squeeze %dma_wait3A_269 : memref<1x128xi32, #tpu.memory_space<vmem>> -> memref<128xi32, #tpu.memory_space<vmem>>
      %dma_wait3A_271 = arith.constant 0 : i32
      %dma_wait3A_272 = tpu.memref_slice %arg5[%dma_wait3A_271] : memref<50176xf32, #tpu.memory_space<vmem_shared>> -> memref<50176xf32, #tpu.memory_space<vmem_shared>>
      tpu.wait_indirect_dma semaphore(%arg9 : memref<!tpu.dma_semaphore, #tpu.memory_space<semaphore_mem>>) src(%arg7 : memref<128xf32, #tpu.memory_space<vmem>>) dst(%dma_wait3A_272 : memref<50176xf32, #tpu.memory_space<vmem_shared>>)
      %dma_wait3A_273 = arith.constant 15 : i32
      %dma_wait3A_274 = arith.constant 0 : i32
      %dma_wait3A_275 = tpu.memref_slice %arg6[%dma_wait3A_273, %dma_wait3A_274] : memref<16x128xi32, #tpu.memory_space<vmem>> -> memref<1x128xi32, #tpu.memory_space<vmem>>
      %dma_wait3A_276 = tpu.memref_squeeze %dma_wait3A_275 : memref<1x128xi32, #tpu.memory_space<vmem>> -> memref<128xi32, #tpu.memory_space<vmem>>
      %dma_wait3A_277 = arith.constant 0 : i32
      %dma_wait3A_278 = tpu.memref_slice %arg5[%dma_wait3A_277] : memref<50176xf32, #tpu.memory_space<vmem_shared>> -> memref<50176xf32, #tpu.memory_space<vmem_shared>>
      tpu.wait_indirect_dma semaphore(%arg9 : memref<!tpu.dma_semaphore, #tpu.memory_space<semaphore_mem>>) src(%arg7 : memref<128xf32, #tpu.memory_space<vmem>>) dst(%dma_wait3A_278 : memref<50176xf32, #tpu.memory_space<vmem_shared>>)
    }
    %barrier3A_81 = arith.constant 0 : index
    tpu.barrier barrier_id(%barrier3A_81)
    "tpu.region"() ({
      %run_scoped3A = tpu.sem_alloc : memref<!tpu.dma_semaphore, #tpu.memory_space<semaphore_mem>>
      %dma_start3A = tpu.memref_slice %arg5[%mul3A_0] : memref<50176xf32, #tpu.memory_space<vmem_shared>> -> memref<3136xf32, #tpu.memory_space<vmem_shared>>
      %dma_start3A_85 = tpu.memref_slice %arg5[%mul3A_0] : memref<50176xf32, #tpu.memory_space<vmem_shared>> -> memref<3136xf32, #tpu.memory_space<vmem_shared>>
      tpu.enqueue_dma source(%dma_start3A_85 : memref<3136xf32, #tpu.memory_space<vmem_shared>>) target(%arg8 : memref<3136xf32, #tpu.memory_space<vmem>>) target_semaphore(%run_scoped3A : memref<!tpu.dma_semaphore, #tpu.memory_space<semaphore_mem>>)
      %dma_wait3A = tpu.memref_slice %arg5[%mul3A_0] : memref<50176xf32, #tpu.memory_space<vmem_shared>> -> memref<3136xf32, #tpu.memory_space<vmem_shared>>
      %dma_wait3A_86 = tpu.memref_slice %arg5[%mul3A_0] : memref<50176xf32, #tpu.memory_space<vmem_shared>> -> memref<3136xf32, #tpu.memory_space<vmem_shared>>
      tpu.wait_dma2 semaphore(%run_scoped3A : memref<!tpu.dma_semaphore, #tpu.memory_space<semaphore_mem>>) src(%dma_wait3A_86 : memref<3136xf32, #tpu.memory_space<vmem_shared>>) dst(%arg8 : memref<3136xf32, #tpu.memory_space<vmem>>)
      tpu.yield
    }) : () -> ()
    %mul3A_82 = arith.constant 50176 : i32
    %mul3A_83 = arith.muli %arg0, %mul3A_82 : i32
    %add3A_84 = arith.addi %mul3A_83, %mul3A_0 : i32
    "tpu.region"() ({
      %run_scoped3A = tpu.sem_alloc : memref<!tpu.dma_semaphore, #tpu.memory_space<semaphore_mem>>
      %dma_start3A = tpu.memref_slice %arg4[%add3A_84] : memref<100352xf32, #tpu.memory_space<hbm>> -> memref<3136xf32, #tpu.memory_space<hbm>>
      %dma_start3A_85 = tpu.memref_slice %arg4[%add3A_84] : memref<100352xf32, #tpu.memory_space<hbm>> -> memref<3136xf32, #tpu.memory_space<hbm>>
      tpu.enqueue_dma source(%arg8 : memref<3136xf32, #tpu.memory_space<vmem>>) target(%dma_start3A_85 : memref<3136xf32, #tpu.memory_space<hbm>>) target_semaphore(%run_scoped3A : memref<!tpu.dma_semaphore, #tpu.memory_space<semaphore_mem>>)
      %dma_wait3A = tpu.memref_slice %arg4[%add3A_84] : memref<100352xf32, #tpu.memory_space<hbm>> -> memref<3136xf32, #tpu.memory_space<hbm>>
      %dma_wait3A_86 = tpu.memref_slice %arg4[%add3A_84] : memref<100352xf32, #tpu.memory_space<hbm>> -> memref<3136xf32, #tpu.memory_space<hbm>>
      tpu.wait_dma2 semaphore(%run_scoped3A : memref<!tpu.dma_semaphore, #tpu.memory_space<semaphore_mem>>) src(%arg8 : memref<3136xf32, #tpu.memory_space<vmem>>) dst(%dma_wait3A_86 : memref<3136xf32, #tpu.memory_space<hbm>>)
      tpu.yield
    }) : () -> ()
    return
  }
}

#map = affine_map<(d0, d1) -> (0, 0)>
#map1 = affine_map<(d0, d1) -> (0)>
module attributes {stable_mosaic.version = 14 : i64} {
  func.func @k(%arg0: i32, %arg1: i32, %arg2: memref<6656x128xi32, #tpu.memory_space<hbm>>, %arg3: memref<6656x128xi32, #tpu.memory_space<hbm>>, %arg4: memref<50176xf32, #tpu.memory_space<hbm>>, %arg5: memref<50176xf32, #tpu.memory_space<hbm>>, %arg6: memref<50176xf32, #tpu.memory_space<hbm>>, %arg7: memref<50176xf32, #tpu.memory_space<hbm>>, %arg8: memref<50176xf32, #tpu.memory_space<hbm>>, %arg9: memref<50176xf32, #tpu.memory_space<hbm>>, %arg10: memref<50176xf32, #tpu.memory_space<hbm>>, %arg11: memref<100352xf32, #tpu.memory_space<hbm>>, %arg12: memref<100352xf32, #tpu.memory_space<hbm>>, %arg13: memref<100352xf32, #tpu.memory_space<hbm>>, %arg14: memref<100352xf32, #tpu.memory_space<hbm>>, %arg15: memref<100352xf32, #tpu.memory_space<hbm>>, %arg16: memref<100352xf32, #tpu.memory_space<hbm>>, %arg17: memref<50176xf32, #tpu.memory_space<vmem_shared>>, %arg18: memref<50176xf32, #tpu.memory_space<vmem_shared>>, %arg19: memref<50176xf32, #tpu.memory_space<vmem_shared>>, %arg20: memref<50176xf32, #tpu.memory_space<vmem_shared>>, %arg21: memref<50176xf32, #tpu.memory_space<vmem_shared>>, %arg22: memref<50176xf32, #tpu.memory_space<vmem_shared>>, %arg23: memref<50176xf32, #tpu.memory_space<vmem_shared>>, %arg24: memref<50176xf32, #tpu.memory_space<vmem_shared>>, %arg25: memref<50176xf32, #tpu.memory_space<vmem_shared>>, %arg26: memref<50176xf32, #tpu.memory_space<vmem_shared>>, %arg27: memref<50176xf32, #tpu.memory_space<vmem_shared>>, %arg28: memref<50176xf32, #tpu.memory_space<vmem_shared>>, %arg29: memref<16x128xi32, #tpu.memory_space<vmem>>, %arg30: memref<16x128xi32, #tpu.memory_space<vmem>>, %arg31: memref<6x128xf32, #tpu.memory_space<vmem>>, %arg32: memref<6x128xf32, #tpu.memory_space<vmem>>, %arg33: memref<3136xf32, #tpu.memory_space<vmem>>, %arg34: memref<!tpu.dma_semaphore, #tpu.memory_space<semaphore_mem>>, %arg35: memref<!tpu.dma_semaphore, #tpu.memory_space<semaphore_mem>>) attributes {dimension_semantics = [#tpu.dimension_semantics<core_parallel>, #tpu.dimension_semantics<subcore_parallel>], iteration_bounds = array<i64: 2, 16>, scalar_prefetch = 0 : i64, scratch_operands = 19 : i64, tpu.core_type = #tpu.core_type<sc_vector_subcore>, window_params = [{transform_indices = #map}, {transform_indices = #map}, {transform_indices = #map1}, {transform_indices = #map1}, {transform_indices = #map1}, {transform_indices = #map1}, {transform_indices = #map1}, {transform_indices = #map1}, {transform_indices = #map1}, {transform_indices = #map1}, {transform_indices = #map1}, {transform_indices = #map1}, {transform_indices = #map1}, {transform_indices = #map1}, {transform_indices = #map1}]} {
    %mul3A = arith.constant 3136 : i32
    %mul3A_0 = arith.muli %arg1, %mul3A : i32
    "tpu.region"() ({
      %run_scoped3A = tpu.sem_alloc : memref<!tpu.dma_semaphore, #tpu.memory_space<semaphore_mem>>
      %dma_start3A = tpu.memref_slice %arg10[%mul3A_0] : memref<50176xf32, #tpu.memory_space<hbm>> -> memref<3136xf32, #tpu.memory_space<hbm>>
      %dma_start3A_54 = tpu.memref_slice %arg10[%mul3A_0] : memref<50176xf32, #tpu.memory_space<hbm>> -> memref<3136xf32, #tpu.memory_space<hbm>>
      tpu.enqueue_dma source(%dma_start3A_54 : memref<3136xf32, #tpu.memory_space<hbm>>) target(%arg33 : memref<3136xf32, #tpu.memory_space<vmem>>) target_semaphore(%run_scoped3A : memref<!tpu.dma_semaphore, #tpu.memory_space<semaphore_mem>>)
      %dma_wait3A = tpu.memref_slice %arg10[%mul3A_0] : memref<50176xf32, #tpu.memory_space<hbm>> -> memref<3136xf32, #tpu.memory_space<hbm>>
      %dma_wait3A_55 = tpu.memref_slice %arg10[%mul3A_0] : memref<50176xf32, #tpu.memory_space<hbm>> -> memref<3136xf32, #tpu.memory_space<hbm>>
      tpu.wait_dma2 semaphore(%run_scoped3A : memref<!tpu.dma_semaphore, #tpu.memory_space<semaphore_mem>>) src(%dma_wait3A_55 : memref<3136xf32, #tpu.memory_space<hbm>>) dst(%arg33 : memref<3136xf32, #tpu.memory_space<vmem>>)
      tpu.yield
    }) : () -> ()
    "tpu.region"() ({
      %run_scoped3A = tpu.sem_alloc : memref<!tpu.dma_semaphore, #tpu.memory_space<semaphore_mem>>
      %dma_start3A = tpu.memref_slice %arg23[%mul3A_0] : memref<50176xf32, #tpu.memory_space<vmem_shared>> -> memref<3136xf32, #tpu.memory_space<vmem_shared>>
      %dma_start3A_54 = tpu.memref_slice %arg23[%mul3A_0] : memref<50176xf32, #tpu.memory_space<vmem_shared>> -> memref<3136xf32, #tpu.memory_space<vmem_shared>>
      tpu.enqueue_dma source(%arg33 : memref<3136xf32, #tpu.memory_space<vmem>>) target(%dma_start3A_54 : memref<3136xf32, #tpu.memory_space<vmem_shared>>) target_semaphore(%run_scoped3A : memref<!tpu.dma_semaphore, #tpu.memory_space<semaphore_mem>>)
      %dma_wait3A = tpu.memref_slice %arg23[%mul3A_0] : memref<50176xf32, #tpu.memory_space<vmem_shared>> -> memref<3136xf32, #tpu.memory_space<vmem_shared>>
      %dma_wait3A_55 = tpu.memref_slice %arg23[%mul3A_0] : memref<50176xf32, #tpu.memory_space<vmem_shared>> -> memref<3136xf32, #tpu.memory_space<vmem_shared>>
      tpu.wait_dma2 semaphore(%run_scoped3A : memref<!tpu.dma_semaphore, #tpu.memory_space<semaphore_mem>>) src(%arg33 : memref<3136xf32, #tpu.memory_space<vmem>>) dst(%dma_wait3A_55 : memref<3136xf32, #tpu.memory_space<vmem_shared>>)
      tpu.yield
    }) : () -> ()
    "tpu.region"() ({
      %run_scoped3A = tpu.sem_alloc : memref<!tpu.dma_semaphore, #tpu.memory_space<semaphore_mem>>
      %dma_start3A = tpu.memref_slice %arg24[%mul3A_0] : memref<50176xf32, #tpu.memory_space<vmem_shared>> -> memref<3136xf32, #tpu.memory_space<vmem_shared>>
      %dma_start3A_54 = tpu.memref_slice %arg24[%mul3A_0] : memref<50176xf32, #tpu.memory_space<vmem_shared>> -> memref<3136xf32, #tpu.memory_space<vmem_shared>>
      tpu.enqueue_dma source(%arg33 : memref<3136xf32, #tpu.memory_space<vmem>>) target(%dma_start3A_54 : memref<3136xf32, #tpu.memory_space<vmem_shared>>) target_semaphore(%run_scoped3A : memref<!tpu.dma_semaphore, #tpu.memory_space<semaphore_mem>>)
      %dma_wait3A = tpu.memref_slice %arg24[%mul3A_0] : memref<50176xf32, #tpu.memory_space<vmem_shared>> -> memref<3136xf32, #tpu.memory_space<vmem_shared>>
      %dma_wait3A_55 = tpu.memref_slice %arg24[%mul3A_0] : memref<50176xf32, #tpu.memory_space<vmem_shared>> -> memref<3136xf32, #tpu.memory_space<vmem_shared>>
      tpu.wait_dma2 semaphore(%run_scoped3A : memref<!tpu.dma_semaphore, #tpu.memory_space<semaphore_mem>>) src(%arg33 : memref<3136xf32, #tpu.memory_space<vmem>>) dst(%dma_wait3A_55 : memref<3136xf32, #tpu.memory_space<vmem_shared>>)
      tpu.yield
    }) : () -> ()
    "tpu.region"() ({
      %run_scoped3A = tpu.sem_alloc : memref<!tpu.dma_semaphore, #tpu.memory_space<semaphore_mem>>
      %dma_start3A = tpu.memref_slice %arg25[%mul3A_0] : memref<50176xf32, #tpu.memory_space<vmem_shared>> -> memref<3136xf32, #tpu.memory_space<vmem_shared>>
      %dma_start3A_54 = tpu.memref_slice %arg25[%mul3A_0] : memref<50176xf32, #tpu.memory_space<vmem_shared>> -> memref<3136xf32, #tpu.memory_space<vmem_shared>>
      tpu.enqueue_dma source(%arg33 : memref<3136xf32, #tpu.memory_space<vmem>>) target(%dma_start3A_54 : memref<3136xf32, #tpu.memory_space<vmem_shared>>) target_semaphore(%run_scoped3A : memref<!tpu.dma_semaphore, #tpu.memory_space<semaphore_mem>>)
      %dma_wait3A = tpu.memref_slice %arg25[%mul3A_0] : memref<50176xf32, #tpu.memory_space<vmem_shared>> -> memref<3136xf32, #tpu.memory_space<vmem_shared>>
      %dma_wait3A_55 = tpu.memref_slice %arg25[%mul3A_0] : memref<50176xf32, #tpu.memory_space<vmem_shared>> -> memref<3136xf32, #tpu.memory_space<vmem_shared>>
      tpu.wait_dma2 semaphore(%run_scoped3A : memref<!tpu.dma_semaphore, #tpu.memory_space<semaphore_mem>>) src(%arg33 : memref<3136xf32, #tpu.memory_space<vmem>>) dst(%dma_wait3A_55 : memref<3136xf32, #tpu.memory_space<vmem_shared>>)
      tpu.yield
    }) : () -> ()
    "tpu.region"() ({
      %run_scoped3A = tpu.sem_alloc : memref<!tpu.dma_semaphore, #tpu.memory_space<semaphore_mem>>
      %dma_start3A = tpu.memref_slice %arg26[%mul3A_0] : memref<50176xf32, #tpu.memory_space<vmem_shared>> -> memref<3136xf32, #tpu.memory_space<vmem_shared>>
      %dma_start3A_54 = tpu.memref_slice %arg26[%mul3A_0] : memref<50176xf32, #tpu.memory_space<vmem_shared>> -> memref<3136xf32, #tpu.memory_space<vmem_shared>>
      tpu.enqueue_dma source(%arg33 : memref<3136xf32, #tpu.memory_space<vmem>>) target(%dma_start3A_54 : memref<3136xf32, #tpu.memory_space<vmem_shared>>) target_semaphore(%run_scoped3A : memref<!tpu.dma_semaphore, #tpu.memory_space<semaphore_mem>>)
      %dma_wait3A = tpu.memref_slice %arg26[%mul3A_0] : memref<50176xf32, #tpu.memory_space<vmem_shared>> -> memref<3136xf32, #tpu.memory_space<vmem_shared>>
      %dma_wait3A_55 = tpu.memref_slice %arg26[%mul3A_0] : memref<50176xf32, #tpu.memory_space<vmem_shared>> -> memref<3136xf32, #tpu.memory_space<vmem_shared>>
      tpu.wait_dma2 semaphore(%run_scoped3A : memref<!tpu.dma_semaphore, #tpu.memory_space<semaphore_mem>>) src(%arg33 : memref<3136xf32, #tpu.memory_space<vmem>>) dst(%dma_wait3A_55 : memref<3136xf32, #tpu.memory_space<vmem_shared>>)
      tpu.yield
    }) : () -> ()
    "tpu.region"() ({
      %run_scoped3A = tpu.sem_alloc : memref<!tpu.dma_semaphore, #tpu.memory_space<semaphore_mem>>
      %dma_start3A = tpu.memref_slice %arg27[%mul3A_0] : memref<50176xf32, #tpu.memory_space<vmem_shared>> -> memref<3136xf32, #tpu.memory_space<vmem_shared>>
      %dma_start3A_54 = tpu.memref_slice %arg27[%mul3A_0] : memref<50176xf32, #tpu.memory_space<vmem_shared>> -> memref<3136xf32, #tpu.memory_space<vmem_shared>>
      tpu.enqueue_dma source(%arg33 : memref<3136xf32, #tpu.memory_space<vmem>>) target(%dma_start3A_54 : memref<3136xf32, #tpu.memory_space<vmem_shared>>) target_semaphore(%run_scoped3A : memref<!tpu.dma_semaphore, #tpu.memory_space<semaphore_mem>>)
      %dma_wait3A = tpu.memref_slice %arg27[%mul3A_0] : memref<50176xf32, #tpu.memory_space<vmem_shared>> -> memref<3136xf32, #tpu.memory_space<vmem_shared>>
      %dma_wait3A_55 = tpu.memref_slice %arg27[%mul3A_0] : memref<50176xf32, #tpu.memory_space<vmem_shared>> -> memref<3136xf32, #tpu.memory_space<vmem_shared>>
      tpu.wait_dma2 semaphore(%run_scoped3A : memref<!tpu.dma_semaphore, #tpu.memory_space<semaphore_mem>>) src(%arg33 : memref<3136xf32, #tpu.memory_space<vmem>>) dst(%dma_wait3A_55 : memref<3136xf32, #tpu.memory_space<vmem_shared>>)
      tpu.yield
    }) : () -> ()
    "tpu.region"() ({
      %run_scoped3A = tpu.sem_alloc : memref<!tpu.dma_semaphore, #tpu.memory_space<semaphore_mem>>
      %dma_start3A = tpu.memref_slice %arg28[%mul3A_0] : memref<50176xf32, #tpu.memory_space<vmem_shared>> -> memref<3136xf32, #tpu.memory_space<vmem_shared>>
      %dma_start3A_54 = tpu.memref_slice %arg28[%mul3A_0] : memref<50176xf32, #tpu.memory_space<vmem_shared>> -> memref<3136xf32, #tpu.memory_space<vmem_shared>>
      tpu.enqueue_dma source(%arg33 : memref<3136xf32, #tpu.memory_space<vmem>>) target(%dma_start3A_54 : memref<3136xf32, #tpu.memory_space<vmem_shared>>) target_semaphore(%run_scoped3A : memref<!tpu.dma_semaphore, #tpu.memory_space<semaphore_mem>>)
      %dma_wait3A = tpu.memref_slice %arg28[%mul3A_0] : memref<50176xf32, #tpu.memory_space<vmem_shared>> -> memref<3136xf32, #tpu.memory_space<vmem_shared>>
      %dma_wait3A_55 = tpu.memref_slice %arg28[%mul3A_0] : memref<50176xf32, #tpu.memory_space<vmem_shared>> -> memref<3136xf32, #tpu.memory_space<vmem_shared>>
      tpu.wait_dma2 semaphore(%run_scoped3A : memref<!tpu.dma_semaphore, #tpu.memory_space<semaphore_mem>>) src(%arg33 : memref<3136xf32, #tpu.memory_space<vmem>>) dst(%dma_wait3A_55 : memref<3136xf32, #tpu.memory_space<vmem_shared>>)
      tpu.yield
    }) : () -> ()
    "tpu.region"() ({
      %run_scoped3A = tpu.sem_alloc : memref<!tpu.dma_semaphore, #tpu.memory_space<semaphore_mem>>
      %dma_start3A = tpu.memref_slice %arg4[%mul3A_0] : memref<50176xf32, #tpu.memory_space<hbm>> -> memref<3136xf32, #tpu.memory_space<hbm>>
      %dma_start3A_54 = tpu.memref_slice %arg4[%mul3A_0] : memref<50176xf32, #tpu.memory_space<hbm>> -> memref<3136xf32, #tpu.memory_space<hbm>>
      tpu.enqueue_dma source(%dma_start3A_54 : memref<3136xf32, #tpu.memory_space<hbm>>) target(%arg33 : memref<3136xf32, #tpu.memory_space<vmem>>) target_semaphore(%run_scoped3A : memref<!tpu.dma_semaphore, #tpu.memory_space<semaphore_mem>>)
      %dma_wait3A = tpu.memref_slice %arg4[%mul3A_0] : memref<50176xf32, #tpu.memory_space<hbm>> -> memref<3136xf32, #tpu.memory_space<hbm>>
      %dma_wait3A_55 = tpu.memref_slice %arg4[%mul3A_0] : memref<50176xf32, #tpu.memory_space<hbm>> -> memref<3136xf32, #tpu.memory_space<hbm>>
      tpu.wait_dma2 semaphore(%run_scoped3A : memref<!tpu.dma_semaphore, #tpu.memory_space<semaphore_mem>>) src(%dma_wait3A_55 : memref<3136xf32, #tpu.memory_space<hbm>>) dst(%arg33 : memref<3136xf32, #tpu.memory_space<vmem>>)
      tpu.yield
    }) : () -> ()
    "tpu.region"() ({
      %run_scoped3A = tpu.sem_alloc : memref<!tpu.dma_semaphore, #tpu.memory_space<semaphore_mem>>
      %dma_start3A = tpu.memref_slice %arg17[%mul3A_0] : memref<50176xf32, #tpu.memory_space<vmem_shared>> -> memref<3136xf32, #tpu.memory_space<vmem_shared>>
      %dma_start3A_54 = tpu.memref_slice %arg17[%mul3A_0] : memref<50176xf32, #tpu.memory_space<vmem_shared>> -> memref<3136xf32, #tpu.memory_space<vmem_shared>>
      tpu.enqueue_dma source(%arg33 : memref<3136xf32, #tpu.memory_space<vmem>>) target(%dma_start3A_54 : memref<3136xf32, #tpu.memory_space<vmem_shared>>) target_semaphore(%run_scoped3A : memref<!tpu.dma_semaphore, #tpu.memory_space<semaphore_mem>>)
      %dma_wait3A = tpu.memref_slice %arg17[%mul3A_0] : memref<50176xf32, #tpu.memory_space<vmem_shared>> -> memref<3136xf32, #tpu.memory_space<vmem_shared>>
      %dma_wait3A_55 = tpu.memref_slice %arg17[%mul3A_0] : memref<50176xf32, #tpu.memory_space<vmem_shared>> -> memref<3136xf32, #tpu.memory_space<vmem_shared>>
      tpu.wait_dma2 semaphore(%run_scoped3A : memref<!tpu.dma_semaphore, #tpu.memory_space<semaphore_mem>>) src(%arg33 : memref<3136xf32, #tpu.memory_space<vmem>>) dst(%dma_wait3A_55 : memref<3136xf32, #tpu.memory_space<vmem_shared>>)
      tpu.yield
    }) : () -> ()
    "tpu.region"() ({
      %run_scoped3A = tpu.sem_alloc : memref<!tpu.dma_semaphore, #tpu.memory_space<semaphore_mem>>
      %dma_start3A = tpu.memref_slice %arg5[%mul3A_0] : memref<50176xf32, #tpu.memory_space<hbm>> -> memref<3136xf32, #tpu.memory_space<hbm>>
      %dma_start3A_54 = tpu.memref_slice %arg5[%mul3A_0] : memref<50176xf32, #tpu.memory_space<hbm>> -> memref<3136xf32, #tpu.memory_space<hbm>>
      tpu.enqueue_dma source(%dma_start3A_54 : memref<3136xf32, #tpu.memory_space<hbm>>) target(%arg33 : memref<3136xf32, #tpu.memory_space<vmem>>) target_semaphore(%run_scoped3A : memref<!tpu.dma_semaphore, #tpu.memory_space<semaphore_mem>>)
      %dma_wait3A = tpu.memref_slice %arg5[%mul3A_0] : memref<50176xf32, #tpu.memory_space<hbm>> -> memref<3136xf32, #tpu.memory_space<hbm>>
      %dma_wait3A_55 = tpu.memref_slice %arg5[%mul3A_0] : memref<50176xf32, #tpu.memory_space<hbm>> -> memref<3136xf32, #tpu.memory_space<hbm>>
      tpu.wait_dma2 semaphore(%run_scoped3A : memref<!tpu.dma_semaphore, #tpu.memory_space<semaphore_mem>>) src(%dma_wait3A_55 : memref<3136xf32, #tpu.memory_space<hbm>>) dst(%arg33 : memref<3136xf32, #tpu.memory_space<vmem>>)
      tpu.yield
    }) : () -> ()
    "tpu.region"() ({
      %run_scoped3A = tpu.sem_alloc : memref<!tpu.dma_semaphore, #tpu.memory_space<semaphore_mem>>
      %dma_start3A = tpu.memref_slice %arg18[%mul3A_0] : memref<50176xf32, #tpu.memory_space<vmem_shared>> -> memref<3136xf32, #tpu.memory_space<vmem_shared>>
      %dma_start3A_54 = tpu.memref_slice %arg18[%mul3A_0] : memref<50176xf32, #tpu.memory_space<vmem_shared>> -> memref<3136xf32, #tpu.memory_space<vmem_shared>>
      tpu.enqueue_dma source(%arg33 : memref<3136xf32, #tpu.memory_space<vmem>>) target(%dma_start3A_54 : memref<3136xf32, #tpu.memory_space<vmem_shared>>) target_semaphore(%run_scoped3A : memref<!tpu.dma_semaphore, #tpu.memory_space<semaphore_mem>>)
      %dma_wait3A = tpu.memref_slice %arg18[%mul3A_0] : memref<50176xf32, #tpu.memory_space<vmem_shared>> -> memref<3136xf32, #tpu.memory_space<vmem_shared>>
      %dma_wait3A_55 = tpu.memref_slice %arg18[%mul3A_0] : memref<50176xf32, #tpu.memory_space<vmem_shared>> -> memref<3136xf32, #tpu.memory_space<vmem_shared>>
      tpu.wait_dma2 semaphore(%run_scoped3A : memref<!tpu.dma_semaphore, #tpu.memory_space<semaphore_mem>>) src(%arg33 : memref<3136xf32, #tpu.memory_space<vmem>>) dst(%dma_wait3A_55 : memref<3136xf32, #tpu.memory_space<vmem_shared>>)
      tpu.yield
    }) : () -> ()
    "tpu.region"() ({
      %run_scoped3A = tpu.sem_alloc : memref<!tpu.dma_semaphore, #tpu.memory_space<semaphore_mem>>
      %dma_start3A = tpu.memref_slice %arg6[%mul3A_0] : memref<50176xf32, #tpu.memory_space<hbm>> -> memref<3136xf32, #tpu.memory_space<hbm>>
      %dma_start3A_54 = tpu.memref_slice %arg6[%mul3A_0] : memref<50176xf32, #tpu.memory_space<hbm>> -> memref<3136xf32, #tpu.memory_space<hbm>>
      tpu.enqueue_dma source(%dma_start3A_54 : memref<3136xf32, #tpu.memory_space<hbm>>) target(%arg33 : memref<3136xf32, #tpu.memory_space<vmem>>) target_semaphore(%run_scoped3A : memref<!tpu.dma_semaphore, #tpu.memory_space<semaphore_mem>>)
      %dma_wait3A = tpu.memref_slice %arg6[%mul3A_0] : memref<50176xf32, #tpu.memory_space<hbm>> -> memref<3136xf32, #tpu.memory_space<hbm>>
      %dma_wait3A_55 = tpu.memref_slice %arg6[%mul3A_0] : memref<50176xf32, #tpu.memory_space<hbm>> -> memref<3136xf32, #tpu.memory_space<hbm>>
      tpu.wait_dma2 semaphore(%run_scoped3A : memref<!tpu.dma_semaphore, #tpu.memory_space<semaphore_mem>>) src(%dma_wait3A_55 : memref<3136xf32, #tpu.memory_space<hbm>>) dst(%arg33 : memref<3136xf32, #tpu.memory_space<vmem>>)
      tpu.yield
    }) : () -> ()
    "tpu.region"() ({
      %run_scoped3A = tpu.sem_alloc : memref<!tpu.dma_semaphore, #tpu.memory_space<semaphore_mem>>
      %dma_start3A = tpu.memref_slice %arg19[%mul3A_0] : memref<50176xf32, #tpu.memory_space<vmem_shared>> -> memref<3136xf32, #tpu.memory_space<vmem_shared>>
      %dma_start3A_54 = tpu.memref_slice %arg19[%mul3A_0] : memref<50176xf32, #tpu.memory_space<vmem_shared>> -> memref<3136xf32, #tpu.memory_space<vmem_shared>>
      tpu.enqueue_dma source(%arg33 : memref<3136xf32, #tpu.memory_space<vmem>>) target(%dma_start3A_54 : memref<3136xf32, #tpu.memory_space<vmem_shared>>) target_semaphore(%run_scoped3A : memref<!tpu.dma_semaphore, #tpu.memory_space<semaphore_mem>>)
      %dma_wait3A = tpu.memref_slice %arg19[%mul3A_0] : memref<50176xf32, #tpu.memory_space<vmem_shared>> -> memref<3136xf32, #tpu.memory_space<vmem_shared>>
      %dma_wait3A_55 = tpu.memref_slice %arg19[%mul3A_0] : memref<50176xf32, #tpu.memory_space<vmem_shared>> -> memref<3136xf32, #tpu.memory_space<vmem_shared>>
      tpu.wait_dma2 semaphore(%run_scoped3A : memref<!tpu.dma_semaphore, #tpu.memory_space<semaphore_mem>>) src(%arg33 : memref<3136xf32, #tpu.memory_space<vmem>>) dst(%dma_wait3A_55 : memref<3136xf32, #tpu.memory_space<vmem_shared>>)
      tpu.yield
    }) : () -> ()
    "tpu.region"() ({
      %run_scoped3A = tpu.sem_alloc : memref<!tpu.dma_semaphore, #tpu.memory_space<semaphore_mem>>
      %dma_start3A = tpu.memref_slice %arg7[%mul3A_0] : memref<50176xf32, #tpu.memory_space<hbm>> -> memref<3136xf32, #tpu.memory_space<hbm>>
      %dma_start3A_54 = tpu.memref_slice %arg7[%mul3A_0] : memref<50176xf32, #tpu.memory_space<hbm>> -> memref<3136xf32, #tpu.memory_space<hbm>>
      tpu.enqueue_dma source(%dma_start3A_54 : memref<3136xf32, #tpu.memory_space<hbm>>) target(%arg33 : memref<3136xf32, #tpu.memory_space<vmem>>) target_semaphore(%run_scoped3A : memref<!tpu.dma_semaphore, #tpu.memory_space<semaphore_mem>>)
      %dma_wait3A = tpu.memref_slice %arg7[%mul3A_0] : memref<50176xf32, #tpu.memory_space<hbm>> -> memref<3136xf32, #tpu.memory_space<hbm>>
      %dma_wait3A_55 = tpu.memref_slice %arg7[%mul3A_0] : memref<50176xf32, #tpu.memory_space<hbm>> -> memref<3136xf32, #tpu.memory_space<hbm>>
      tpu.wait_dma2 semaphore(%run_scoped3A : memref<!tpu.dma_semaphore, #tpu.memory_space<semaphore_mem>>) src(%dma_wait3A_55 : memref<3136xf32, #tpu.memory_space<hbm>>) dst(%arg33 : memref<3136xf32, #tpu.memory_space<vmem>>)
      tpu.yield
    }) : () -> ()
    "tpu.region"() ({
      %run_scoped3A = tpu.sem_alloc : memref<!tpu.dma_semaphore, #tpu.memory_space<semaphore_mem>>
      %dma_start3A = tpu.memref_slice %arg20[%mul3A_0] : memref<50176xf32, #tpu.memory_space<vmem_shared>> -> memref<3136xf32, #tpu.memory_space<vmem_shared>>
      %dma_start3A_54 = tpu.memref_slice %arg20[%mul3A_0] : memref<50176xf32, #tpu.memory_space<vmem_shared>> -> memref<3136xf32, #tpu.memory_space<vmem_shared>>
      tpu.enqueue_dma source(%arg33 : memref<3136xf32, #tpu.memory_space<vmem>>) target(%dma_start3A_54 : memref<3136xf32, #tpu.memory_space<vmem_shared>>) target_semaphore(%run_scoped3A : memref<!tpu.dma_semaphore, #tpu.memory_space<semaphore_mem>>)
      %dma_wait3A = tpu.memref_slice %arg20[%mul3A_0] : memref<50176xf32, #tpu.memory_space<vmem_shared>> -> memref<3136xf32, #tpu.memory_space<vmem_shared>>
      %dma_wait3A_55 = tpu.memref_slice %arg20[%mul3A_0] : memref<50176xf32, #tpu.memory_space<vmem_shared>> -> memref<3136xf32, #tpu.memory_space<vmem_shared>>
      tpu.wait_dma2 semaphore(%run_scoped3A : memref<!tpu.dma_semaphore, #tpu.memory_space<semaphore_mem>>) src(%arg33 : memref<3136xf32, #tpu.memory_space<vmem>>) dst(%dma_wait3A_55 : memref<3136xf32, #tpu.memory_space<vmem_shared>>)
      tpu.yield
    }) : () -> ()
    "tpu.region"() ({
      %run_scoped3A = tpu.sem_alloc : memref<!tpu.dma_semaphore, #tpu.memory_space<semaphore_mem>>
      %dma_start3A = tpu.memref_slice %arg8[%mul3A_0] : memref<50176xf32, #tpu.memory_space<hbm>> -> memref<3136xf32, #tpu.memory_space<hbm>>
      %dma_start3A_54 = tpu.memref_slice %arg8[%mul3A_0] : memref<50176xf32, #tpu.memory_space<hbm>> -> memref<3136xf32, #tpu.memory_space<hbm>>
      tpu.enqueue_dma source(%dma_start3A_54 : memref<3136xf32, #tpu.memory_space<hbm>>) target(%arg33 : memref<3136xf32, #tpu.memory_space<vmem>>) target_semaphore(%run_scoped3A : memref<!tpu.dma_semaphore, #tpu.memory_space<semaphore_mem>>)
      %dma_wait3A = tpu.memref_slice %arg8[%mul3A_0] : memref<50176xf32, #tpu.memory_space<hbm>> -> memref<3136xf32, #tpu.memory_space<hbm>>
      %dma_wait3A_55 = tpu.memref_slice %arg8[%mul3A_0] : memref<50176xf32, #tpu.memory_space<hbm>> -> memref<3136xf32, #tpu.memory_space<hbm>>
      tpu.wait_dma2 semaphore(%run_scoped3A : memref<!tpu.dma_semaphore, #tpu.memory_space<semaphore_mem>>) src(%dma_wait3A_55 : memref<3136xf32, #tpu.memory_space<hbm>>) dst(%arg33 : memref<3136xf32, #tpu.memory_space<vmem>>)
      tpu.yield
    }) : () -> ()
    "tpu.region"() ({
      %run_scoped3A = tpu.sem_alloc : memref<!tpu.dma_semaphore, #tpu.memory_space<semaphore_mem>>
      %dma_start3A = tpu.memref_slice %arg21[%mul3A_0] : memref<50176xf32, #tpu.memory_space<vmem_shared>> -> memref<3136xf32, #tpu.memory_space<vmem_shared>>
      %dma_start3A_54 = tpu.memref_slice %arg21[%mul3A_0] : memref<50176xf32, #tpu.memory_space<vmem_shared>> -> memref<3136xf32, #tpu.memory_space<vmem_shared>>
      tpu.enqueue_dma source(%arg33 : memref<3136xf32, #tpu.memory_space<vmem>>) target(%dma_start3A_54 : memref<3136xf32, #tpu.memory_space<vmem_shared>>) target_semaphore(%run_scoped3A : memref<!tpu.dma_semaphore, #tpu.memory_space<semaphore_mem>>)
      %dma_wait3A = tpu.memref_slice %arg21[%mul3A_0] : memref<50176xf32, #tpu.memory_space<vmem_shared>> -> memref<3136xf32, #tpu.memory_space<vmem_shared>>
      %dma_wait3A_55 = tpu.memref_slice %arg21[%mul3A_0] : memref<50176xf32, #tpu.memory_space<vmem_shared>> -> memref<3136xf32, #tpu.memory_space<vmem_shared>>
      tpu.wait_dma2 semaphore(%run_scoped3A : memref<!tpu.dma_semaphore, #tpu.memory_space<semaphore_mem>>) src(%arg33 : memref<3136xf32, #tpu.memory_space<vmem>>) dst(%dma_wait3A_55 : memref<3136xf32, #tpu.memory_space<vmem_shared>>)
      tpu.yield
    }) : () -> ()
    "tpu.region"() ({
      %run_scoped3A = tpu.sem_alloc : memref<!tpu.dma_semaphore, #tpu.memory_space<semaphore_mem>>
      %dma_start3A = tpu.memref_slice %arg9[%mul3A_0] : memref<50176xf32, #tpu.memory_space<hbm>> -> memref<3136xf32, #tpu.memory_space<hbm>>
      %dma_start3A_54 = tpu.memref_slice %arg9[%mul3A_0] : memref<50176xf32, #tpu.memory_space<hbm>> -> memref<3136xf32, #tpu.memory_space<hbm>>
      tpu.enqueue_dma source(%dma_start3A_54 : memref<3136xf32, #tpu.memory_space<hbm>>) target(%arg33 : memref<3136xf32, #tpu.memory_space<vmem>>) target_semaphore(%run_scoped3A : memref<!tpu.dma_semaphore, #tpu.memory_space<semaphore_mem>>)
      %dma_wait3A = tpu.memref_slice %arg9[%mul3A_0] : memref<50176xf32, #tpu.memory_space<hbm>> -> memref<3136xf32, #tpu.memory_space<hbm>>
      %dma_wait3A_55 = tpu.memref_slice %arg9[%mul3A_0] : memref<50176xf32, #tpu.memory_space<hbm>> -> memref<3136xf32, #tpu.memory_space<hbm>>
      tpu.wait_dma2 semaphore(%run_scoped3A : memref<!tpu.dma_semaphore, #tpu.memory_space<semaphore_mem>>) src(%dma_wait3A_55 : memref<3136xf32, #tpu.memory_space<hbm>>) dst(%arg33 : memref<3136xf32, #tpu.memory_space<vmem>>)
      tpu.yield
    }) : () -> ()
    "tpu.region"() ({
      %run_scoped3A = tpu.sem_alloc : memref<!tpu.dma_semaphore, #tpu.memory_space<semaphore_mem>>
      %dma_start3A = tpu.memref_slice %arg22[%mul3A_0] : memref<50176xf32, #tpu.memory_space<vmem_shared>> -> memref<3136xf32, #tpu.memory_space<vmem_shared>>
      %dma_start3A_54 = tpu.memref_slice %arg22[%mul3A_0] : memref<50176xf32, #tpu.memory_space<vmem_shared>> -> memref<3136xf32, #tpu.memory_space<vmem_shared>>
      tpu.enqueue_dma source(%arg33 : memref<3136xf32, #tpu.memory_space<vmem>>) target(%dma_start3A_54 : memref<3136xf32, #tpu.memory_space<vmem_shared>>) target_semaphore(%run_scoped3A : memref<!tpu.dma_semaphore, #tpu.memory_space<semaphore_mem>>)
      %dma_wait3A = tpu.memref_slice %arg22[%mul3A_0] : memref<50176xf32, #tpu.memory_space<vmem_shared>> -> memref<3136xf32, #tpu.memory_space<vmem_shared>>
      %dma_wait3A_55 = tpu.memref_slice %arg22[%mul3A_0] : memref<50176xf32, #tpu.memory_space<vmem_shared>> -> memref<3136xf32, #tpu.memory_space<vmem_shared>>
      tpu.wait_dma2 semaphore(%run_scoped3A : memref<!tpu.dma_semaphore, #tpu.memory_space<semaphore_mem>>) src(%arg33 : memref<3136xf32, #tpu.memory_space<vmem>>) dst(%dma_wait3A_55 : memref<3136xf32, #tpu.memory_space<vmem_shared>>)
      tpu.yield
    }) : () -> ()
    %barrier3A = arith.constant 0 : index
    tpu.barrier barrier_id(%barrier3A)
    %eq3A = arith.constant 0 : i32
    %eq3A_1 = arith.cmpi eq, %arg0, %eq3A : i32
    %jit3A = arith.constant 304 : i32
    %jit3A_2 = arith.constant 112 : i32
    %select_n3A = arith.select %eq3A_1, %jit3A, %jit3A_2 : i32
    %mul3A_3 = arith.constant 16 : i32
    %mul3A_4 = arith.muli %arg0, %mul3A_3 : i32
    %mul3A_5 = arith.constant 304 : i32
    %mul3A_6 = arith.muli %mul3A_4, %mul3A_5 : i32
    %mul3A_7 = arith.muli %arg1, %select_n3A : i32
    %add3A = arith.addi %mul3A_6, %mul3A_7 : i32
    %jit3A_8 = arith.constant 16 : i32
    %div3A = arith.divsi %select_n3A, %jit3A_8 : i32
    %sign3A = arith.constant 0 : i32
    %sign3A_9 = arith.cmpi sgt, %select_n3A, %sign3A : i32
    %sign3A_10 = arith.extui %sign3A_9 : i1 to i32
    %sign3A_11 = arith.constant 0 : i32
    %sign3A_12 = arith.cmpi slt, %select_n3A, %sign3A_11 : i32
    %sign3A_13 = arith.extui %sign3A_12 : i1 to i32
    %sign3A_14 = arith.subi %sign3A_10, %sign3A_13 : i32
    %sign3A_15 = arith.constant 0 : i32
    %sign3A_16 = arith.cmpi sgt, %jit3A_8, %sign3A_15 : i32
    %sign3A_17 = arith.extui %sign3A_16 : i1 to i32
    %sign3A_18 = arith.constant 0 : i32
    %sign3A_19 = arith.cmpi slt, %jit3A_8, %sign3A_18 : i32
    %sign3A_20 = arith.extui %sign3A_19 : i1 to i32
    %sign3A_21 = arith.subi %sign3A_17, %sign3A_20 : i32
    %ne3A = arith.cmpi ne, %sign3A_14, %sign3A_21 : i32
    %rem3A = arith.remsi %select_n3A, %jit3A_8 : i32
    %ne3A_22 = arith.constant 0 : i32
    %ne3A_23 = arith.cmpi ne, %rem3A, %ne3A_22 : i32
    %and3A = arith.andi %ne3A, %ne3A_23 : i1
    %sub3A = arith.constant 1 : i32
    %sub3A_24 = arith.subi %div3A, %sub3A : i32
    %select_n3A_25 = arith.select %and3A, %sub3A_24, %div3A : i32
    %while3A = arith.constant 0 : i32
    %while3A_26 = arith.constant 0 : i32
    %while3A_27 = arith.subi %select_n3A_25, %while3A_26 : i32
    %while3A_28 = arith.addi %while3A_26, %while3A_27 : i32
    %while3A_29 = arith.constant 1 : i32
    %while3A_30 = arith.divsi %while3A_27, %while3A_29 : i32
    %while3A_31 = arith.muli %while3A_30, %while3A_29 : i32
    %while3A_32 = arith.addi %while3A_26, %while3A_31 : i32
    %while3A_33 = arith.constant 1 : i32
    scf.for %while3A_54 = %while3A_26 to %while3A_32 step %while3A_33  : i32 {
      %mul3A_55 = arith.constant 16 : i32
      %mul3A_56 = arith.muli %while3A_54, %mul3A_55 : i32
      %add3A_57 = arith.addi %add3A, %mul3A_56 : i32
      "tpu.region"() ({
        %run_scoped3A = tpu.sem_alloc : memref<!tpu.dma_semaphore, #tpu.memory_space<semaphore_mem>>
        %dma_start3A = arith.constant 0 : i32
        %dma_start3A_66 = tpu.memref_slice %arg2[%add3A_57, %dma_start3A] : memref<6656x128xi32, #tpu.memory_space<hbm>> -> memref<16x128xi32, #tpu.memory_space<hbm>>
        %dma_start3A_67 = arith.constant 0 : i32
        %dma_start3A_68 = tpu.memref_slice %arg2[%add3A_57, %dma_start3A_67] : memref<6656x128xi32, #tpu.memory_space<hbm>> -> memref<16x128xi32, #tpu.memory_space<hbm>>
        tpu.enqueue_dma source(%dma_start3A_68 : memref<16x128xi32, #tpu.memory_space<hbm>>) target(%arg29 : memref<16x128xi32, #tpu.memory_space<vmem>>) target_semaphore(%run_scoped3A : memref<!tpu.dma_semaphore, #tpu.memory_space<semaphore_mem>>)
        %dma_wait3A = arith.constant 0 : i32
        %dma_wait3A_69 = tpu.memref_slice %arg2[%add3A_57, %dma_wait3A] : memref<6656x128xi32, #tpu.memory_space<hbm>> -> memref<16x128xi32, #tpu.memory_space<hbm>>
        %dma_wait3A_70 = arith.constant 0 : i32
        %dma_wait3A_71 = tpu.memref_slice %arg2[%add3A_57, %dma_wait3A_70] : memref<6656x128xi32, #tpu.memory_space<hbm>> -> memref<16x128xi32, #tpu.memory_space<hbm>>
        tpu.wait_dma2 semaphore(%run_scoped3A : memref<!tpu.dma_semaphore, #tpu.memory_space<semaphore_mem>>) src(%dma_wait3A_71 : memref<16x128xi32, #tpu.memory_space<hbm>>) dst(%arg29 : memref<16x128xi32, #tpu.memory_space<vmem>>)
        tpu.yield
      }) : () -> ()
      %mul3A_58 = arith.constant 16 : i32
      %mul3A_59 = arith.muli %while3A_54, %mul3A_58 : i32
      %add3A_60 = arith.addi %add3A, %mul3A_59 : i32
      "tpu.region"() ({
        %run_scoped3A = tpu.sem_alloc : memref<!tpu.dma_semaphore, #tpu.memory_space<semaphore_mem>>
        %dma_start3A = arith.constant 0 : i32
        %dma_start3A_66 = tpu.memref_slice %arg3[%add3A_60, %dma_start3A] : memref<6656x128xi32, #tpu.memory_space<hbm>> -> memref<16x128xi32, #tpu.memory_space<hbm>>
        %dma_start3A_67 = arith.constant 0 : i32
        %dma_start3A_68 = tpu.memref_slice %arg3[%add3A_60, %dma_start3A_67] : memref<6656x128xi32, #tpu.memory_space<hbm>> -> memref<16x128xi32, #tpu.memory_space<hbm>>
        tpu.enqueue_dma source(%dma_start3A_68 : memref<16x128xi32, #tpu.memory_space<hbm>>) target(%arg30 : memref<16x128xi32, #tpu.memory_space<vmem>>) target_semaphore(%run_scoped3A : memref<!tpu.dma_semaphore, #tpu.memory_space<semaphore_mem>>)
        %dma_wait3A = arith.constant 0 : i32
        %dma_wait3A_69 = tpu.memref_slice %arg3[%add3A_60, %dma_wait3A] : memref<6656x128xi32, #tpu.memory_space<hbm>> -> memref<16x128xi32, #tpu.memory_space<hbm>>
        %dma_wait3A_70 = arith.constant 0 : i32
        %dma_wait3A_71 = tpu.memref_slice %arg3[%add3A_60, %dma_wait3A_70] : memref<6656x128xi32, #tpu.memory_space<hbm>> -> memref<16x128xi32, #tpu.memory_space<hbm>>
        tpu.wait_dma2 semaphore(%run_scoped3A : memref<!tpu.dma_semaphore, #tpu.memory_space<semaphore_mem>>) src(%dma_wait3A_71 : memref<16x128xi32, #tpu.memory_space<hbm>>) dst(%arg30 : memref<16x128xi32, #tpu.memory_space<vmem>>)
        tpu.yield
      }) : () -> ()
      %scan3A = arith.constant 0 : i32
      %scan3A_61 = arith.constant 0 : i32
      %scan3A_62 = arith.constant 8 : i32
      %scan3A_63 = arith.addi %scan3A_61, %scan3A_62 : i32
      %scan3A_64 = arith.constant 1 : i32
      scf.for %scan3A_66 = %scan3A_61 to %scan3A_63 step %scan3A_64  : i32 {
        %mul3A_67 = arith.constant 2 : i32
        %mul3A_68 = arith.muli %mul3A_67, %scan3A_66 : i32
        %add3A_69 = arith.constant 1 : i32
        %add3A_70 = arith.addi %mul3A_68, %add3A_69 : i32
        %dma_start3A = arith.constant 0 : i32
        %dma_start3A_71 = arith.constant 0 : i32
        %dma_start3A_72 = tpu.memref_slice %arg31[%dma_start3A, %dma_start3A_71] : memref<6x128xf32, #tpu.memory_space<vmem>> -> memref<1x128xf32, #tpu.memory_space<vmem>>
        %dma_start3A_73 = tpu.memref_squeeze %dma_start3A_72 : memref<1x128xf32, #tpu.memory_space<vmem>> -> memref<128xf32, #tpu.memory_space<vmem>>
        %dma_start3A_74 = arith.constant 0 : i32
        %dma_start3A_75 = tpu.memref_slice %arg29[%mul3A_68, %dma_start3A_74] : memref<16x128xi32, #tpu.memory_space<vmem>> -> memref<1x128xi32, #tpu.memory_space<vmem>>
        %dma_start3A_76 = tpu.memref_squeeze %dma_start3A_75 : memref<1x128xi32, #tpu.memory_space<vmem>> -> memref<128xi32, #tpu.memory_space<vmem>>
        %dma_start3A_77 = arith.constant 0 : i32
        %dma_start3A_78 = tpu.memref_slice %arg17[%dma_start3A_77] : memref<50176xf32, #tpu.memory_space<vmem_shared>> -> memref<50176xf32, #tpu.memory_space<vmem_shared>>
        tpu.enqueue_indirect_dma source(%dma_start3A_78 : memref<50176xf32, #tpu.memory_space<vmem_shared>>) target(%dma_start3A_73 : memref<128xf32, #tpu.memory_space<vmem>>) offsets(%dma_start3A_76 : memref<128xi32, #tpu.memory_space<vmem>>) semaphore(%arg34 : memref<!tpu.dma_semaphore, #tpu.memory_space<semaphore_mem>>)
        %dma_start3A_79 = arith.constant 1 : i32
        %dma_start3A_80 = arith.constant 0 : i32
        %dma_start3A_81 = tpu.memref_slice %arg31[%dma_start3A_79, %dma_start3A_80] : memref<6x128xf32, #tpu.memory_space<vmem>> -> memref<1x128xf32, #tpu.memory_space<vmem>>
        %dma_start3A_82 = tpu.memref_squeeze %dma_start3A_81 : memref<1x128xf32, #tpu.memory_space<vmem>> -> memref<128xf32, #tpu.memory_space<vmem>>
        %dma_start3A_83 = arith.constant 0 : i32
        %dma_start3A_84 = tpu.memref_slice %arg29[%mul3A_68, %dma_start3A_83] : memref<16x128xi32, #tpu.memory_space<vmem>> -> memref<1x128xi32, #tpu.memory_space<vmem>>
        %dma_start3A_85 = tpu.memref_squeeze %dma_start3A_84 : memref<1x128xi32, #tpu.memory_space<vmem>> -> memref<128xi32, #tpu.memory_space<vmem>>
        %dma_start3A_86 = arith.constant 0 : i32
        %dma_start3A_87 = tpu.memref_slice %arg18[%dma_start3A_86] : memref<50176xf32, #tpu.memory_space<vmem_shared>> -> memref<50176xf32, #tpu.memory_space<vmem_shared>>
        tpu.enqueue_indirect_dma source(%dma_start3A_87 : memref<50176xf32, #tpu.memory_space<vmem_shared>>) target(%dma_start3A_82 : memref<128xf32, #tpu.memory_space<vmem>>) offsets(%dma_start3A_85 : memref<128xi32, #tpu.memory_space<vmem>>) semaphore(%arg34 : memref<!tpu.dma_semaphore, #tpu.memory_space<semaphore_mem>>)
        %dma_start3A_88 = arith.constant 2 : i32
        %dma_start3A_89 = arith.constant 0 : i32
        %dma_start3A_90 = tpu.memref_slice %arg31[%dma_start3A_88, %dma_start3A_89] : memref<6x128xf32, #tpu.memory_space<vmem>> -> memref<1x128xf32, #tpu.memory_space<vmem>>
        %dma_start3A_91 = tpu.memref_squeeze %dma_start3A_90 : memref<1x128xf32, #tpu.memory_space<vmem>> -> memref<128xf32, #tpu.memory_space<vmem>>
        %dma_start3A_92 = arith.constant 0 : i32
        %dma_start3A_93 = tpu.memref_slice %arg29[%mul3A_68, %dma_start3A_92] : memref<16x128xi32, #tpu.memory_space<vmem>> -> memref<1x128xi32, #tpu.memory_space<vmem>>
        %dma_start3A_94 = tpu.memref_squeeze %dma_start3A_93 : memref<1x128xi32, #tpu.memory_space<vmem>> -> memref<128xi32, #tpu.memory_space<vmem>>
        %dma_start3A_95 = arith.constant 0 : i32
        %dma_start3A_96 = tpu.memref_slice %arg19[%dma_start3A_95] : memref<50176xf32, #tpu.memory_space<vmem_shared>> -> memref<50176xf32, #tpu.memory_space<vmem_shared>>
        tpu.enqueue_indirect_dma source(%dma_start3A_96 : memref<50176xf32, #tpu.memory_space<vmem_shared>>) target(%dma_start3A_91 : memref<128xf32, #tpu.memory_space<vmem>>) offsets(%dma_start3A_94 : memref<128xi32, #tpu.memory_space<vmem>>) semaphore(%arg34 : memref<!tpu.dma_semaphore, #tpu.memory_space<semaphore_mem>>)
        %dma_start3A_97 = arith.constant 3 : i32
        %dma_start3A_98 = arith.constant 0 : i32
        %dma_start3A_99 = tpu.memref_slice %arg31[%dma_start3A_97, %dma_start3A_98] : memref<6x128xf32, #tpu.memory_space<vmem>> -> memref<1x128xf32, #tpu.memory_space<vmem>>
        %dma_start3A_100 = tpu.memref_squeeze %dma_start3A_99 : memref<1x128xf32, #tpu.memory_space<vmem>> -> memref<128xf32, #tpu.memory_space<vmem>>
        %dma_start3A_101 = arith.constant 0 : i32
        %dma_start3A_102 = tpu.memref_slice %arg29[%mul3A_68, %dma_start3A_101] : memref<16x128xi32, #tpu.memory_space<vmem>> -> memref<1x128xi32, #tpu.memory_space<vmem>>
        %dma_start3A_103 = tpu.memref_squeeze %dma_start3A_102 : memref<1x128xi32, #tpu.memory_space<vmem>> -> memref<128xi32, #tpu.memory_space<vmem>>
        %dma_start3A_104 = arith.constant 0 : i32
        %dma_start3A_105 = tpu.memref_slice %arg20[%dma_start3A_104] : memref<50176xf32, #tpu.memory_space<vmem_shared>> -> memref<50176xf32, #tpu.memory_space<vmem_shared>>
        tpu.enqueue_indirect_dma source(%dma_start3A_105 : memref<50176xf32, #tpu.memory_space<vmem_shared>>) target(%dma_start3A_100 : memref<128xf32, #tpu.memory_space<vmem>>) offsets(%dma_start3A_103 : memref<128xi32, #tpu.memory_space<vmem>>) semaphore(%arg34 : memref<!tpu.dma_semaphore, #tpu.memory_space<semaphore_mem>>)
        %dma_start3A_106 = arith.constant 4 : i32
        %dma_start3A_107 = arith.constant 0 : i32
        %dma_start3A_108 = tpu.memref_slice %arg31[%dma_start3A_106, %dma_start3A_107] : memref<6x128xf32, #tpu.memory_space<vmem>> -> memref<1x128xf32, #tpu.memory_space<vmem>>
        %dma_start3A_109 = tpu.memref_squeeze %dma_start3A_108 : memref<1x128xf32, #tpu.memory_space<vmem>> -> memref<128xf32, #tpu.memory_space<vmem>>
        %dma_start3A_110 = arith.constant 0 : i32
        %dma_start3A_111 = tpu.memref_slice %arg29[%mul3A_68, %dma_start3A_110] : memref<16x128xi32, #tpu.memory_space<vmem>> -> memref<1x128xi32, #tpu.memory_space<vmem>>
        %dma_start3A_112 = tpu.memref_squeeze %dma_start3A_111 : memref<1x128xi32, #tpu.memory_space<vmem>> -> memref<128xi32, #tpu.memory_space<vmem>>
        %dma_start3A_113 = arith.constant 0 : i32
        %dma_start3A_114 = tpu.memref_slice %arg21[%dma_start3A_113] : memref<50176xf32, #tpu.memory_space<vmem_shared>> -> memref<50176xf32, #tpu.memory_space<vmem_shared>>
        tpu.enqueue_indirect_dma source(%dma_start3A_114 : memref<50176xf32, #tpu.memory_space<vmem_shared>>) target(%dma_start3A_109 : memref<128xf32, #tpu.memory_space<vmem>>) offsets(%dma_start3A_112 : memref<128xi32, #tpu.memory_space<vmem>>) semaphore(%arg34 : memref<!tpu.dma_semaphore, #tpu.memory_space<semaphore_mem>>)
        %dma_start3A_115 = arith.constant 5 : i32
        %dma_start3A_116 = arith.constant 0 : i32
        %dma_start3A_117 = tpu.memref_slice %arg31[%dma_start3A_115, %dma_start3A_116] : memref<6x128xf32, #tpu.memory_space<vmem>> -> memref<1x128xf32, #tpu.memory_space<vmem>>
        %dma_start3A_118 = tpu.memref_squeeze %dma_start3A_117 : memref<1x128xf32, #tpu.memory_space<vmem>> -> memref<128xf32, #tpu.memory_space<vmem>>
        %dma_start3A_119 = arith.constant 0 : i32
        %dma_start3A_120 = tpu.memref_slice %arg29[%mul3A_68, %dma_start3A_119] : memref<16x128xi32, #tpu.memory_space<vmem>> -> memref<1x128xi32, #tpu.memory_space<vmem>>
        %dma_start3A_121 = tpu.memref_squeeze %dma_start3A_120 : memref<1x128xi32, #tpu.memory_space<vmem>> -> memref<128xi32, #tpu.memory_space<vmem>>
        %dma_start3A_122 = arith.constant 0 : i32
        %dma_start3A_123 = tpu.memref_slice %arg22[%dma_start3A_122] : memref<50176xf32, #tpu.memory_space<vmem_shared>> -> memref<50176xf32, #tpu.memory_space<vmem_shared>>
        tpu.enqueue_indirect_dma source(%dma_start3A_123 : memref<50176xf32, #tpu.memory_space<vmem_shared>>) target(%dma_start3A_118 : memref<128xf32, #tpu.memory_space<vmem>>) offsets(%dma_start3A_121 : memref<128xi32, #tpu.memory_space<vmem>>) semaphore(%arg34 : memref<!tpu.dma_semaphore, #tpu.memory_space<semaphore_mem>>)
        %dma_start3A_124 = arith.constant 0 : i32
        %dma_start3A_125 = arith.constant 0 : i32
        %dma_start3A_126 = tpu.memref_slice %arg32[%dma_start3A_124, %dma_start3A_125] : memref<6x128xf32, #tpu.memory_space<vmem>> -> memref<1x128xf32, #tpu.memory_space<vmem>>
        %dma_start3A_127 = tpu.memref_squeeze %dma_start3A_126 : memref<1x128xf32, #tpu.memory_space<vmem>> -> memref<128xf32, #tpu.memory_space<vmem>>
        %dma_start3A_128 = arith.constant 0 : i32
        %dma_start3A_129 = tpu.memref_slice %arg29[%add3A_70, %dma_start3A_128] : memref<16x128xi32, #tpu.memory_space<vmem>> -> memref<1x128xi32, #tpu.memory_space<vmem>>
        %dma_start3A_130 = tpu.memref_squeeze %dma_start3A_129 : memref<1x128xi32, #tpu.memory_space<vmem>> -> memref<128xi32, #tpu.memory_space<vmem>>
        %dma_start3A_131 = arith.constant 0 : i32
        %dma_start3A_132 = tpu.memref_slice %arg17[%dma_start3A_131] : memref<50176xf32, #tpu.memory_space<vmem_shared>> -> memref<50176xf32, #tpu.memory_space<vmem_shared>>
        tpu.enqueue_indirect_dma source(%dma_start3A_132 : memref<50176xf32, #tpu.memory_space<vmem_shared>>) target(%dma_start3A_127 : memref<128xf32, #tpu.memory_space<vmem>>) offsets(%dma_start3A_130 : memref<128xi32, #tpu.memory_space<vmem>>) semaphore(%arg34 : memref<!tpu.dma_semaphore, #tpu.memory_space<semaphore_mem>>)
        %dma_start3A_133 = arith.constant 1 : i32
        %dma_start3A_134 = arith.constant 0 : i32
        %dma_start3A_135 = tpu.memref_slice %arg32[%dma_start3A_133, %dma_start3A_134] : memref<6x128xf32, #tpu.memory_space<vmem>> -> memref<1x128xf32, #tpu.memory_space<vmem>>
        %dma_start3A_136 = tpu.memref_squeeze %dma_start3A_135 : memref<1x128xf32, #tpu.memory_space<vmem>> -> memref<128xf32, #tpu.memory_space<vmem>>
        %dma_start3A_137 = arith.constant 0 : i32
        %dma_start3A_138 = tpu.memref_slice %arg29[%add3A_70, %dma_start3A_137] : memref<16x128xi32, #tpu.memory_space<vmem>> -> memref<1x128xi32, #tpu.memory_space<vmem>>
        %dma_start3A_139 = tpu.memref_squeeze %dma_start3A_138 : memref<1x128xi32, #tpu.memory_space<vmem>> -> memref<128xi32, #tpu.memory_space<vmem>>
        %dma_start3A_140 = arith.constant 0 : i32
        %dma_start3A_141 = tpu.memref_slice %arg18[%dma_start3A_140] : memref<50176xf32, #tpu.memory_space<vmem_shared>> -> memref<50176xf32, #tpu.memory_space<vmem_shared>>
        tpu.enqueue_indirect_dma source(%dma_start3A_141 : memref<50176xf32, #tpu.memory_space<vmem_shared>>) target(%dma_start3A_136 : memref<128xf32, #tpu.memory_space<vmem>>) offsets(%dma_start3A_139 : memref<128xi32, #tpu.memory_space<vmem>>) semaphore(%arg34 : memref<!tpu.dma_semaphore, #tpu.memory_space<semaphore_mem>>)
        %dma_start3A_142 = arith.constant 2 : i32
        %dma_start3A_143 = arith.constant 0 : i32
        %dma_start3A_144 = tpu.memref_slice %arg32[%dma_start3A_142, %dma_start3A_143] : memref<6x128xf32, #tpu.memory_space<vmem>> -> memref<1x128xf32, #tpu.memory_space<vmem>>
        %dma_start3A_145 = tpu.memref_squeeze %dma_start3A_144 : memref<1x128xf32, #tpu.memory_space<vmem>> -> memref<128xf32, #tpu.memory_space<vmem>>
        %dma_start3A_146 = arith.constant 0 : i32
        %dma_start3A_147 = tpu.memref_slice %arg29[%add3A_70, %dma_start3A_146] : memref<16x128xi32, #tpu.memory_space<vmem>> -> memref<1x128xi32, #tpu.memory_space<vmem>>
        %dma_start3A_148 = tpu.memref_squeeze %dma_start3A_147 : memref<1x128xi32, #tpu.memory_space<vmem>> -> memref<128xi32, #tpu.memory_space<vmem>>
        %dma_start3A_149 = arith.constant 0 : i32
        %dma_start3A_150 = tpu.memref_slice %arg19[%dma_start3A_149] : memref<50176xf32, #tpu.memory_space<vmem_shared>> -> memref<50176xf32, #tpu.memory_space<vmem_shared>>
        tpu.enqueue_indirect_dma source(%dma_start3A_150 : memref<50176xf32, #tpu.memory_space<vmem_shared>>) target(%dma_start3A_145 : memref<128xf32, #tpu.memory_space<vmem>>) offsets(%dma_start3A_148 : memref<128xi32, #tpu.memory_space<vmem>>) semaphore(%arg34 : memref<!tpu.dma_semaphore, #tpu.memory_space<semaphore_mem>>)
        %dma_start3A_151 = arith.constant 3 : i32
        %dma_start3A_152 = arith.constant 0 : i32
        %dma_start3A_153 = tpu.memref_slice %arg32[%dma_start3A_151, %dma_start3A_152] : memref<6x128xf32, #tpu.memory_space<vmem>> -> memref<1x128xf32, #tpu.memory_space<vmem>>
        %dma_start3A_154 = tpu.memref_squeeze %dma_start3A_153 : memref<1x128xf32, #tpu.memory_space<vmem>> -> memref<128xf32, #tpu.memory_space<vmem>>
        %dma_start3A_155 = arith.constant 0 : i32
        %dma_start3A_156 = tpu.memref_slice %arg29[%add3A_70, %dma_start3A_155] : memref<16x128xi32, #tpu.memory_space<vmem>> -> memref<1x128xi32, #tpu.memory_space<vmem>>
        %dma_start3A_157 = tpu.memref_squeeze %dma_start3A_156 : memref<1x128xi32, #tpu.memory_space<vmem>> -> memref<128xi32, #tpu.memory_space<vmem>>
        %dma_start3A_158 = arith.constant 0 : i32
        %dma_start3A_159 = tpu.memref_slice %arg20[%dma_start3A_158] : memref<50176xf32, #tpu.memory_space<vmem_shared>> -> memref<50176xf32, #tpu.memory_space<vmem_shared>>
        tpu.enqueue_indirect_dma source(%dma_start3A_159 : memref<50176xf32, #tpu.memory_space<vmem_shared>>) target(%dma_start3A_154 : memref<128xf32, #tpu.memory_space<vmem>>) offsets(%dma_start3A_157 : memref<128xi32, #tpu.memory_space<vmem>>) semaphore(%arg34 : memref<!tpu.dma_semaphore, #tpu.memory_space<semaphore_mem>>)
        %dma_start3A_160 = arith.constant 4 : i32
        %dma_start3A_161 = arith.constant 0 : i32
        %dma_start3A_162 = tpu.memref_slice %arg32[%dma_start3A_160, %dma_start3A_161] : memref<6x128xf32, #tpu.memory_space<vmem>> -> memref<1x128xf32, #tpu.memory_space<vmem>>
        %dma_start3A_163 = tpu.memref_squeeze %dma_start3A_162 : memref<1x128xf32, #tpu.memory_space<vmem>> -> memref<128xf32, #tpu.memory_space<vmem>>
        %dma_start3A_164 = arith.constant 0 : i32
        %dma_start3A_165 = tpu.memref_slice %arg29[%add3A_70, %dma_start3A_164] : memref<16x128xi32, #tpu.memory_space<vmem>> -> memref<1x128xi32, #tpu.memory_space<vmem>>
        %dma_start3A_166 = tpu.memref_squeeze %dma_start3A_165 : memref<1x128xi32, #tpu.memory_space<vmem>> -> memref<128xi32, #tpu.memory_space<vmem>>
        %dma_start3A_167 = arith.constant 0 : i32
        %dma_start3A_168 = tpu.memref_slice %arg21[%dma_start3A_167] : memref<50176xf32, #tpu.memory_space<vmem_shared>> -> memref<50176xf32, #tpu.memory_space<vmem_shared>>
        tpu.enqueue_indirect_dma source(%dma_start3A_168 : memref<50176xf32, #tpu.memory_space<vmem_shared>>) target(%dma_start3A_163 : memref<128xf32, #tpu.memory_space<vmem>>) offsets(%dma_start3A_166 : memref<128xi32, #tpu.memory_space<vmem>>) semaphore(%arg34 : memref<!tpu.dma_semaphore, #tpu.memory_space<semaphore_mem>>)
        %dma_start3A_169 = arith.constant 5 : i32
        %dma_start3A_170 = arith.constant 0 : i32
        %dma_start3A_171 = tpu.memref_slice %arg32[%dma_start3A_169, %dma_start3A_170] : memref<6x128xf32, #tpu.memory_space<vmem>> -> memref<1x128xf32, #tpu.memory_space<vmem>>
        %dma_start3A_172 = tpu.memref_squeeze %dma_start3A_171 : memref<1x128xf32, #tpu.memory_space<vmem>> -> memref<128xf32, #tpu.memory_space<vmem>>
        %dma_start3A_173 = arith.constant 0 : i32
        %dma_start3A_174 = tpu.memref_slice %arg29[%add3A_70, %dma_start3A_173] : memref<16x128xi32, #tpu.memory_space<vmem>> -> memref<1x128xi32, #tpu.memory_space<vmem>>
        %dma_start3A_175 = tpu.memref_squeeze %dma_start3A_174 : memref<1x128xi32, #tpu.memory_space<vmem>> -> memref<128xi32, #tpu.memory_space<vmem>>
        %dma_start3A_176 = arith.constant 0 : i32
        %dma_start3A_177 = tpu.memref_slice %arg22[%dma_start3A_176] : memref<50176xf32, #tpu.memory_space<vmem_shared>> -> memref<50176xf32, #tpu.memory_space<vmem_shared>>
        tpu.enqueue_indirect_dma source(%dma_start3A_177 : memref<50176xf32, #tpu.memory_space<vmem_shared>>) target(%dma_start3A_172 : memref<128xf32, #tpu.memory_space<vmem>>) offsets(%dma_start3A_175 : memref<128xi32, #tpu.memory_space<vmem>>) semaphore(%arg34 : memref<!tpu.dma_semaphore, #tpu.memory_space<semaphore_mem>>)
        %dma_wait3A = arith.constant 0 : i32
        %dma_wait3A_178 = arith.constant 0 : i32
        %dma_wait3A_179 = tpu.memref_slice %arg31[%dma_wait3A, %dma_wait3A_178] : memref<6x128xf32, #tpu.memory_space<vmem>> -> memref<1x128xf32, #tpu.memory_space<vmem>>
        %dma_wait3A_180 = tpu.memref_squeeze %dma_wait3A_179 : memref<1x128xf32, #tpu.memory_space<vmem>> -> memref<128xf32, #tpu.memory_space<vmem>>
        %dma_wait3A_181 = arith.constant 0 : i32
        %dma_wait3A_182 = tpu.memref_slice %arg29[%mul3A_68, %dma_wait3A_181] : memref<16x128xi32, #tpu.memory_space<vmem>> -> memref<1x128xi32, #tpu.memory_space<vmem>>
        %dma_wait3A_183 = tpu.memref_squeeze %dma_wait3A_182 : memref<1x128xi32, #tpu.memory_space<vmem>> -> memref<128xi32, #tpu.memory_space<vmem>>
        %dma_wait3A_184 = arith.constant 0 : i32
        %dma_wait3A_185 = tpu.memref_slice %arg17[%dma_wait3A_184] : memref<50176xf32, #tpu.memory_space<vmem_shared>> -> memref<50176xf32, #tpu.memory_space<vmem_shared>>
        tpu.wait_indirect_dma semaphore(%arg34 : memref<!tpu.dma_semaphore, #tpu.memory_space<semaphore_mem>>) src(%dma_wait3A_185 : memref<50176xf32, #tpu.memory_space<vmem_shared>>) dst(%dma_wait3A_180 : memref<128xf32, #tpu.memory_space<vmem>>)
        %dma_wait3A_186 = arith.constant 1 : i32
        %dma_wait3A_187 = arith.constant 0 : i32
        %dma_wait3A_188 = tpu.memref_slice %arg31[%dma_wait3A_186, %dma_wait3A_187] : memref<6x128xf32, #tpu.memory_space<vmem>> -> memref<1x128xf32, #tpu.memory_space<vmem>>
        %dma_wait3A_189 = tpu.memref_squeeze %dma_wait3A_188 : memref<1x128xf32, #tpu.memory_space<vmem>> -> memref<128xf32, #tpu.memory_space<vmem>>
        %dma_wait3A_190 = arith.constant 0 : i32
        %dma_wait3A_191 = tpu.memref_slice %arg29[%mul3A_68, %dma_wait3A_190] : memref<16x128xi32, #tpu.memory_space<vmem>> -> memref<1x128xi32, #tpu.memory_space<vmem>>
        %dma_wait3A_192 = tpu.memref_squeeze %dma_wait3A_191 : memref<1x128xi32, #tpu.memory_space<vmem>> -> memref<128xi32, #tpu.memory_space<vmem>>
        %dma_wait3A_193 = arith.constant 0 : i32
        %dma_wait3A_194 = tpu.memref_slice %arg18[%dma_wait3A_193] : memref<50176xf32, #tpu.memory_space<vmem_shared>> -> memref<50176xf32, #tpu.memory_space<vmem_shared>>
        tpu.wait_indirect_dma semaphore(%arg34 : memref<!tpu.dma_semaphore, #tpu.memory_space<semaphore_mem>>) src(%dma_wait3A_194 : memref<50176xf32, #tpu.memory_space<vmem_shared>>) dst(%dma_wait3A_189 : memref<128xf32, #tpu.memory_space<vmem>>)
        %dma_wait3A_195 = arith.constant 2 : i32
        %dma_wait3A_196 = arith.constant 0 : i32
        %dma_wait3A_197 = tpu.memref_slice %arg31[%dma_wait3A_195, %dma_wait3A_196] : memref<6x128xf32, #tpu.memory_space<vmem>> -> memref<1x128xf32, #tpu.memory_space<vmem>>
        %dma_wait3A_198 = tpu.memref_squeeze %dma_wait3A_197 : memref<1x128xf32, #tpu.memory_space<vmem>> -> memref<128xf32, #tpu.memory_space<vmem>>
        %dma_wait3A_199 = arith.constant 0 : i32
        %dma_wait3A_200 = tpu.memref_slice %arg29[%mul3A_68, %dma_wait3A_199] : memref<16x128xi32, #tpu.memory_space<vmem>> -> memref<1x128xi32, #tpu.memory_space<vmem>>
        %dma_wait3A_201 = tpu.memref_squeeze %dma_wait3A_200 : memref<1x128xi32, #tpu.memory_space<vmem>> -> memref<128xi32, #tpu.memory_space<vmem>>
        %dma_wait3A_202 = arith.constant 0 : i32
        %dma_wait3A_203 = tpu.memref_slice %arg19[%dma_wait3A_202] : memref<50176xf32, #tpu.memory_space<vmem_shared>> -> memref<50176xf32, #tpu.memory_space<vmem_shared>>
        tpu.wait_indirect_dma semaphore(%arg34 : memref<!tpu.dma_semaphore, #tpu.memory_space<semaphore_mem>>) src(%dma_wait3A_203 : memref<50176xf32, #tpu.memory_space<vmem_shared>>) dst(%dma_wait3A_198 : memref<128xf32, #tpu.memory_space<vmem>>)
        %dma_wait3A_204 = arith.constant 3 : i32
        %dma_wait3A_205 = arith.constant 0 : i32
        %dma_wait3A_206 = tpu.memref_slice %arg31[%dma_wait3A_204, %dma_wait3A_205] : memref<6x128xf32, #tpu.memory_space<vmem>> -> memref<1x128xf32, #tpu.memory_space<vmem>>
        %dma_wait3A_207 = tpu.memref_squeeze %dma_wait3A_206 : memref<1x128xf32, #tpu.memory_space<vmem>> -> memref<128xf32, #tpu.memory_space<vmem>>
        %dma_wait3A_208 = arith.constant 0 : i32
        %dma_wait3A_209 = tpu.memref_slice %arg29[%mul3A_68, %dma_wait3A_208] : memref<16x128xi32, #tpu.memory_space<vmem>> -> memref<1x128xi32, #tpu.memory_space<vmem>>
        %dma_wait3A_210 = tpu.memref_squeeze %dma_wait3A_209 : memref<1x128xi32, #tpu.memory_space<vmem>> -> memref<128xi32, #tpu.memory_space<vmem>>
        %dma_wait3A_211 = arith.constant 0 : i32
        %dma_wait3A_212 = tpu.memref_slice %arg20[%dma_wait3A_211] : memref<50176xf32, #tpu.memory_space<vmem_shared>> -> memref<50176xf32, #tpu.memory_space<vmem_shared>>
        tpu.wait_indirect_dma semaphore(%arg34 : memref<!tpu.dma_semaphore, #tpu.memory_space<semaphore_mem>>) src(%dma_wait3A_212 : memref<50176xf32, #tpu.memory_space<vmem_shared>>) dst(%dma_wait3A_207 : memref<128xf32, #tpu.memory_space<vmem>>)
        %dma_wait3A_213 = arith.constant 4 : i32
        %dma_wait3A_214 = arith.constant 0 : i32
        %dma_wait3A_215 = tpu.memref_slice %arg31[%dma_wait3A_213, %dma_wait3A_214] : memref<6x128xf32, #tpu.memory_space<vmem>> -> memref<1x128xf32, #tpu.memory_space<vmem>>
        %dma_wait3A_216 = tpu.memref_squeeze %dma_wait3A_215 : memref<1x128xf32, #tpu.memory_space<vmem>> -> memref<128xf32, #tpu.memory_space<vmem>>
        %dma_wait3A_217 = arith.constant 0 : i32
        %dma_wait3A_218 = tpu.memref_slice %arg29[%mul3A_68, %dma_wait3A_217] : memref<16x128xi32, #tpu.memory_space<vmem>> -> memref<1x128xi32, #tpu.memory_space<vmem>>
        %dma_wait3A_219 = tpu.memref_squeeze %dma_wait3A_218 : memref<1x128xi32, #tpu.memory_space<vmem>> -> memref<128xi32, #tpu.memory_space<vmem>>
        %dma_wait3A_220 = arith.constant 0 : i32
        %dma_wait3A_221 = tpu.memref_slice %arg21[%dma_wait3A_220] : memref<50176xf32, #tpu.memory_space<vmem_shared>> -> memref<50176xf32, #tpu.memory_space<vmem_shared>>
        tpu.wait_indirect_dma semaphore(%arg34 : memref<!tpu.dma_semaphore, #tpu.memory_space<semaphore_mem>>) src(%dma_wait3A_221 : memref<50176xf32, #tpu.memory_space<vmem_shared>>) dst(%dma_wait3A_216 : memref<128xf32, #tpu.memory_space<vmem>>)
        %dma_wait3A_222 = arith.constant 5 : i32
        %dma_wait3A_223 = arith.constant 0 : i32
        %dma_wait3A_224 = tpu.memref_slice %arg31[%dma_wait3A_222, %dma_wait3A_223] : memref<6x128xf32, #tpu.memory_space<vmem>> -> memref<1x128xf32, #tpu.memory_space<vmem>>
        %dma_wait3A_225 = tpu.memref_squeeze %dma_wait3A_224 : memref<1x128xf32, #tpu.memory_space<vmem>> -> memref<128xf32, #tpu.memory_space<vmem>>
        %dma_wait3A_226 = arith.constant 0 : i32
        %dma_wait3A_227 = tpu.memref_slice %arg29[%mul3A_68, %dma_wait3A_226] : memref<16x128xi32, #tpu.memory_space<vmem>> -> memref<1x128xi32, #tpu.memory_space<vmem>>
        %dma_wait3A_228 = tpu.memref_squeeze %dma_wait3A_227 : memref<1x128xi32, #tpu.memory_space<vmem>> -> memref<128xi32, #tpu.memory_space<vmem>>
        %dma_wait3A_229 = arith.constant 0 : i32
        %dma_wait3A_230 = tpu.memref_slice %arg22[%dma_wait3A_229] : memref<50176xf32, #tpu.memory_space<vmem_shared>> -> memref<50176xf32, #tpu.memory_space<vmem_shared>>
        tpu.wait_indirect_dma semaphore(%arg34 : memref<!tpu.dma_semaphore, #tpu.memory_space<semaphore_mem>>) src(%dma_wait3A_230 : memref<50176xf32, #tpu.memory_space<vmem_shared>>) dst(%dma_wait3A_225 : memref<128xf32, #tpu.memory_space<vmem>>)
        %dma_start3A_231 = arith.constant 0 : i32
        %dma_start3A_232 = arith.constant 0 : i32
        %dma_start3A_233 = tpu.memref_slice %arg31[%dma_start3A_231, %dma_start3A_232] : memref<6x128xf32, #tpu.memory_space<vmem>> -> memref<1x128xf32, #tpu.memory_space<vmem>>
        %dma_start3A_234 = tpu.memref_squeeze %dma_start3A_233 : memref<1x128xf32, #tpu.memory_space<vmem>> -> memref<128xf32, #tpu.memory_space<vmem>>
        %dma_start3A_235 = arith.constant 0 : i32
        %dma_start3A_236 = tpu.memref_slice %arg30[%mul3A_68, %dma_start3A_235] : memref<16x128xi32, #tpu.memory_space<vmem>> -> memref<1x128xi32, #tpu.memory_space<vmem>>
        %dma_start3A_237 = tpu.memref_squeeze %dma_start3A_236 : memref<1x128xi32, #tpu.memory_space<vmem>> -> memref<128xi32, #tpu.memory_space<vmem>>
        %dma_start3A_238 = arith.constant 0 : i32
        %dma_start3A_239 = tpu.memref_slice %arg23[%dma_start3A_238] : memref<50176xf32, #tpu.memory_space<vmem_shared>> -> memref<50176xf32, #tpu.memory_space<vmem_shared>>
        tpu.enqueue_indirect_dma source(%dma_start3A_234 : memref<128xf32, #tpu.memory_space<vmem>>) target(%dma_start3A_239 : memref<50176xf32, #tpu.memory_space<vmem_shared>>) offsets(%dma_start3A_237 : memref<128xi32, #tpu.memory_space<vmem>>) semaphore(%arg35 : memref<!tpu.dma_semaphore, #tpu.memory_space<semaphore_mem>>) {add = true}
        %dma_start3A_240 = arith.constant 1 : i32
        %dma_start3A_241 = arith.constant 0 : i32
        %dma_start3A_242 = tpu.memref_slice %arg31[%dma_start3A_240, %dma_start3A_241] : memref<6x128xf32, #tpu.memory_space<vmem>> -> memref<1x128xf32, #tpu.memory_space<vmem>>
        %dma_start3A_243 = tpu.memref_squeeze %dma_start3A_242 : memref<1x128xf32, #tpu.memory_space<vmem>> -> memref<128xf32, #tpu.memory_space<vmem>>
        %dma_start3A_244 = arith.constant 0 : i32
        %dma_start3A_245 = tpu.memref_slice %arg30[%mul3A_68, %dma_start3A_244] : memref<16x128xi32, #tpu.memory_space<vmem>> -> memref<1x128xi32, #tpu.memory_space<vmem>>
        %dma_start3A_246 = tpu.memref_squeeze %dma_start3A_245 : memref<1x128xi32, #tpu.memory_space<vmem>> -> memref<128xi32, #tpu.memory_space<vmem>>
        %dma_start3A_247 = arith.constant 0 : i32
        %dma_start3A_248 = tpu.memref_slice %arg24[%dma_start3A_247] : memref<50176xf32, #tpu.memory_space<vmem_shared>> -> memref<50176xf32, #tpu.memory_space<vmem_shared>>
        tpu.enqueue_indirect_dma source(%dma_start3A_243 : memref<128xf32, #tpu.memory_space<vmem>>) target(%dma_start3A_248 : memref<50176xf32, #tpu.memory_space<vmem_shared>>) offsets(%dma_start3A_246 : memref<128xi32, #tpu.memory_space<vmem>>) semaphore(%arg35 : memref<!tpu.dma_semaphore, #tpu.memory_space<semaphore_mem>>) {add = true}
        %dma_start3A_249 = arith.constant 2 : i32
        %dma_start3A_250 = arith.constant 0 : i32
        %dma_start3A_251 = tpu.memref_slice %arg31[%dma_start3A_249, %dma_start3A_250] : memref<6x128xf32, #tpu.memory_space<vmem>> -> memref<1x128xf32, #tpu.memory_space<vmem>>
        %dma_start3A_252 = tpu.memref_squeeze %dma_start3A_251 : memref<1x128xf32, #tpu.memory_space<vmem>> -> memref<128xf32, #tpu.memory_space<vmem>>
        %dma_start3A_253 = arith.constant 0 : i32
        %dma_start3A_254 = tpu.memref_slice %arg30[%mul3A_68, %dma_start3A_253] : memref<16x128xi32, #tpu.memory_space<vmem>> -> memref<1x128xi32, #tpu.memory_space<vmem>>
        %dma_start3A_255 = tpu.memref_squeeze %dma_start3A_254 : memref<1x128xi32, #tpu.memory_space<vmem>> -> memref<128xi32, #tpu.memory_space<vmem>>
        %dma_start3A_256 = arith.constant 0 : i32
        %dma_start3A_257 = tpu.memref_slice %arg25[%dma_start3A_256] : memref<50176xf32, #tpu.memory_space<vmem_shared>> -> memref<50176xf32, #tpu.memory_space<vmem_shared>>
        tpu.enqueue_indirect_dma source(%dma_start3A_252 : memref<128xf32, #tpu.memory_space<vmem>>) target(%dma_start3A_257 : memref<50176xf32, #tpu.memory_space<vmem_shared>>) offsets(%dma_start3A_255 : memref<128xi32, #tpu.memory_space<vmem>>) semaphore(%arg35 : memref<!tpu.dma_semaphore, #tpu.memory_space<semaphore_mem>>) {add = true}
        %dma_start3A_258 = arith.constant 3 : i32
        %dma_start3A_259 = arith.constant 0 : i32
        %dma_start3A_260 = tpu.memref_slice %arg31[%dma_start3A_258, %dma_start3A_259] : memref<6x128xf32, #tpu.memory_space<vmem>> -> memref<1x128xf32, #tpu.memory_space<vmem>>
        %dma_start3A_261 = tpu.memref_squeeze %dma_start3A_260 : memref<1x128xf32, #tpu.memory_space<vmem>> -> memref<128xf32, #tpu.memory_space<vmem>>
        %dma_start3A_262 = arith.constant 0 : i32
        %dma_start3A_263 = tpu.memref_slice %arg30[%mul3A_68, %dma_start3A_262] : memref<16x128xi32, #tpu.memory_space<vmem>> -> memref<1x128xi32, #tpu.memory_space<vmem>>
        %dma_start3A_264 = tpu.memref_squeeze %dma_start3A_263 : memref<1x128xi32, #tpu.memory_space<vmem>> -> memref<128xi32, #tpu.memory_space<vmem>>
        %dma_start3A_265 = arith.constant 0 : i32
        %dma_start3A_266 = tpu.memref_slice %arg26[%dma_start3A_265] : memref<50176xf32, #tpu.memory_space<vmem_shared>> -> memref<50176xf32, #tpu.memory_space<vmem_shared>>
        tpu.enqueue_indirect_dma source(%dma_start3A_261 : memref<128xf32, #tpu.memory_space<vmem>>) target(%dma_start3A_266 : memref<50176xf32, #tpu.memory_space<vmem_shared>>) offsets(%dma_start3A_264 : memref<128xi32, #tpu.memory_space<vmem>>) semaphore(%arg35 : memref<!tpu.dma_semaphore, #tpu.memory_space<semaphore_mem>>) {add = true}
        %dma_start3A_267 = arith.constant 4 : i32
        %dma_start3A_268 = arith.constant 0 : i32
        %dma_start3A_269 = tpu.memref_slice %arg31[%dma_start3A_267, %dma_start3A_268] : memref<6x128xf32, #tpu.memory_space<vmem>> -> memref<1x128xf32, #tpu.memory_space<vmem>>
        %dma_start3A_270 = tpu.memref_squeeze %dma_start3A_269 : memref<1x128xf32, #tpu.memory_space<vmem>> -> memref<128xf32, #tpu.memory_space<vmem>>
        %dma_start3A_271 = arith.constant 0 : i32
        %dma_start3A_272 = tpu.memref_slice %arg30[%mul3A_68, %dma_start3A_271] : memref<16x128xi32, #tpu.memory_space<vmem>> -> memref<1x128xi32, #tpu.memory_space<vmem>>
        %dma_start3A_273 = tpu.memref_squeeze %dma_start3A_272 : memref<1x128xi32, #tpu.memory_space<vmem>> -> memref<128xi32, #tpu.memory_space<vmem>>
        %dma_start3A_274 = arith.constant 0 : i32
        %dma_start3A_275 = tpu.memref_slice %arg27[%dma_start3A_274] : memref<50176xf32, #tpu.memory_space<vmem_shared>> -> memref<50176xf32, #tpu.memory_space<vmem_shared>>
        tpu.enqueue_indirect_dma source(%dma_start3A_270 : memref<128xf32, #tpu.memory_space<vmem>>) target(%dma_start3A_275 : memref<50176xf32, #tpu.memory_space<vmem_shared>>) offsets(%dma_start3A_273 : memref<128xi32, #tpu.memory_space<vmem>>) semaphore(%arg35 : memref<!tpu.dma_semaphore, #tpu.memory_space<semaphore_mem>>) {add = true}
        %dma_start3A_276 = arith.constant 5 : i32
        %dma_start3A_277 = arith.constant 0 : i32
        %dma_start3A_278 = tpu.memref_slice %arg31[%dma_start3A_276, %dma_start3A_277] : memref<6x128xf32, #tpu.memory_space<vmem>> -> memref<1x128xf32, #tpu.memory_space<vmem>>
        %dma_start3A_279 = tpu.memref_squeeze %dma_start3A_278 : memref<1x128xf32, #tpu.memory_space<vmem>> -> memref<128xf32, #tpu.memory_space<vmem>>
        %dma_start3A_280 = arith.constant 0 : i32
        %dma_start3A_281 = tpu.memref_slice %arg30[%mul3A_68, %dma_start3A_280] : memref<16x128xi32, #tpu.memory_space<vmem>> -> memref<1x128xi32, #tpu.memory_space<vmem>>
        %dma_start3A_282 = tpu.memref_squeeze %dma_start3A_281 : memref<1x128xi32, #tpu.memory_space<vmem>> -> memref<128xi32, #tpu.memory_space<vmem>>
        %dma_start3A_283 = arith.constant 0 : i32
        %dma_start3A_284 = tpu.memref_slice %arg28[%dma_start3A_283] : memref<50176xf32, #tpu.memory_space<vmem_shared>> -> memref<50176xf32, #tpu.memory_space<vmem_shared>>
        tpu.enqueue_indirect_dma source(%dma_start3A_279 : memref<128xf32, #tpu.memory_space<vmem>>) target(%dma_start3A_284 : memref<50176xf32, #tpu.memory_space<vmem_shared>>) offsets(%dma_start3A_282 : memref<128xi32, #tpu.memory_space<vmem>>) semaphore(%arg35 : memref<!tpu.dma_semaphore, #tpu.memory_space<semaphore_mem>>) {add = true}
        %dma_wait3A_285 = arith.constant 0 : i32
        %dma_wait3A_286 = arith.constant 0 : i32
        %dma_wait3A_287 = tpu.memref_slice %arg32[%dma_wait3A_285, %dma_wait3A_286] : memref<6x128xf32, #tpu.memory_space<vmem>> -> memref<1x128xf32, #tpu.memory_space<vmem>>
        %dma_wait3A_288 = tpu.memref_squeeze %dma_wait3A_287 : memref<1x128xf32, #tpu.memory_space<vmem>> -> memref<128xf32, #tpu.memory_space<vmem>>
        %dma_wait3A_289 = arith.constant 0 : i32
        %dma_wait3A_290 = tpu.memref_slice %arg29[%add3A_70, %dma_wait3A_289] : memref<16x128xi32, #tpu.memory_space<vmem>> -> memref<1x128xi32, #tpu.memory_space<vmem>>
        %dma_wait3A_291 = tpu.memref_squeeze %dma_wait3A_290 : memref<1x128xi32, #tpu.memory_space<vmem>> -> memref<128xi32, #tpu.memory_space<vmem>>
        %dma_wait3A_292 = arith.constant 0 : i32
        %dma_wait3A_293 = tpu.memref_slice %arg17[%dma_wait3A_292] : memref<50176xf32, #tpu.memory_space<vmem_shared>> -> memref<50176xf32, #tpu.memory_space<vmem_shared>>
        tpu.wait_indirect_dma semaphore(%arg34 : memref<!tpu.dma_semaphore, #tpu.memory_space<semaphore_mem>>) src(%dma_wait3A_293 : memref<50176xf32, #tpu.memory_space<vmem_shared>>) dst(%dma_wait3A_288 : memref<128xf32, #tpu.memory_space<vmem>>)
        %dma_wait3A_294 = arith.constant 1 : i32
        %dma_wait3A_295 = arith.constant 0 : i32
        %dma_wait3A_296 = tpu.memref_slice %arg32[%dma_wait3A_294, %dma_wait3A_295] : memref<6x128xf32, #tpu.memory_space<vmem>> -> memref<1x128xf32, #tpu.memory_space<vmem>>
        %dma_wait3A_297 = tpu.memref_squeeze %dma_wait3A_296 : memref<1x128xf32, #tpu.memory_space<vmem>> -> memref<128xf32, #tpu.memory_space<vmem>>
        %dma_wait3A_298 = arith.constant 0 : i32
        %dma_wait3A_299 = tpu.memref_slice %arg29[%add3A_70, %dma_wait3A_298] : memref<16x128xi32, #tpu.memory_space<vmem>> -> memref<1x128xi32, #tpu.memory_space<vmem>>
        %dma_wait3A_300 = tpu.memref_squeeze %dma_wait3A_299 : memref<1x128xi32, #tpu.memory_space<vmem>> -> memref<128xi32, #tpu.memory_space<vmem>>
        %dma_wait3A_301 = arith.constant 0 : i32
        %dma_wait3A_302 = tpu.memref_slice %arg18[%dma_wait3A_301] : memref<50176xf32, #tpu.memory_space<vmem_shared>> -> memref<50176xf32, #tpu.memory_space<vmem_shared>>
        tpu.wait_indirect_dma semaphore(%arg34 : memref<!tpu.dma_semaphore, #tpu.memory_space<semaphore_mem>>) src(%dma_wait3A_302 : memref<50176xf32, #tpu.memory_space<vmem_shared>>) dst(%dma_wait3A_297 : memref<128xf32, #tpu.memory_space<vmem>>)
        %dma_wait3A_303 = arith.constant 2 : i32
        %dma_wait3A_304 = arith.constant 0 : i32
        %dma_wait3A_305 = tpu.memref_slice %arg32[%dma_wait3A_303, %dma_wait3A_304] : memref<6x128xf32, #tpu.memory_space<vmem>> -> memref<1x128xf32, #tpu.memory_space<vmem>>
        %dma_wait3A_306 = tpu.memref_squeeze %dma_wait3A_305 : memref<1x128xf32, #tpu.memory_space<vmem>> -> memref<128xf32, #tpu.memory_space<vmem>>
        %dma_wait3A_307 = arith.constant 0 : i32
        %dma_wait3A_308 = tpu.memref_slice %arg29[%add3A_70, %dma_wait3A_307] : memref<16x128xi32, #tpu.memory_space<vmem>> -> memref<1x128xi32, #tpu.memory_space<vmem>>
        %dma_wait3A_309 = tpu.memref_squeeze %dma_wait3A_308 : memref<1x128xi32, #tpu.memory_space<vmem>> -> memref<128xi32, #tpu.memory_space<vmem>>
        %dma_wait3A_310 = arith.constant 0 : i32
        %dma_wait3A_311 = tpu.memref_slice %arg19[%dma_wait3A_310] : memref<50176xf32, #tpu.memory_space<vmem_shared>> -> memref<50176xf32, #tpu.memory_space<vmem_shared>>
        tpu.wait_indirect_dma semaphore(%arg34 : memref<!tpu.dma_semaphore, #tpu.memory_space<semaphore_mem>>) src(%dma_wait3A_311 : memref<50176xf32, #tpu.memory_space<vmem_shared>>) dst(%dma_wait3A_306 : memref<128xf32, #tpu.memory_space<vmem>>)
        %dma_wait3A_312 = arith.constant 3 : i32
        %dma_wait3A_313 = arith.constant 0 : i32
        %dma_wait3A_314 = tpu.memref_slice %arg32[%dma_wait3A_312, %dma_wait3A_313] : memref<6x128xf32, #tpu.memory_space<vmem>> -> memref<1x128xf32, #tpu.memory_space<vmem>>
        %dma_wait3A_315 = tpu.memref_squeeze %dma_wait3A_314 : memref<1x128xf32, #tpu.memory_space<vmem>> -> memref<128xf32, #tpu.memory_space<vmem>>
        %dma_wait3A_316 = arith.constant 0 : i32
        %dma_wait3A_317 = tpu.memref_slice %arg29[%add3A_70, %dma_wait3A_316] : memref<16x128xi32, #tpu.memory_space<vmem>> -> memref<1x128xi32, #tpu.memory_space<vmem>>
        %dma_wait3A_318 = tpu.memref_squeeze %dma_wait3A_317 : memref<1x128xi32, #tpu.memory_space<vmem>> -> memref<128xi32, #tpu.memory_space<vmem>>
        %dma_wait3A_319 = arith.constant 0 : i32
        %dma_wait3A_320 = tpu.memref_slice %arg20[%dma_wait3A_319] : memref<50176xf32, #tpu.memory_space<vmem_shared>> -> memref<50176xf32, #tpu.memory_space<vmem_shared>>
        tpu.wait_indirect_dma semaphore(%arg34 : memref<!tpu.dma_semaphore, #tpu.memory_space<semaphore_mem>>) src(%dma_wait3A_320 : memref<50176xf32, #tpu.memory_space<vmem_shared>>) dst(%dma_wait3A_315 : memref<128xf32, #tpu.memory_space<vmem>>)
        %dma_wait3A_321 = arith.constant 4 : i32
        %dma_wait3A_322 = arith.constant 0 : i32
        %dma_wait3A_323 = tpu.memref_slice %arg32[%dma_wait3A_321, %dma_wait3A_322] : memref<6x128xf32, #tpu.memory_space<vmem>> -> memref<1x128xf32, #tpu.memory_space<vmem>>
        %dma_wait3A_324 = tpu.memref_squeeze %dma_wait3A_323 : memref<1x128xf32, #tpu.memory_space<vmem>> -> memref<128xf32, #tpu.memory_space<vmem>>
        %dma_wait3A_325 = arith.constant 0 : i32
        %dma_wait3A_326 = tpu.memref_slice %arg29[%add3A_70, %dma_wait3A_325] : memref<16x128xi32, #tpu.memory_space<vmem>> -> memref<1x128xi32, #tpu.memory_space<vmem>>
        %dma_wait3A_327 = tpu.memref_squeeze %dma_wait3A_326 : memref<1x128xi32, #tpu.memory_space<vmem>> -> memref<128xi32, #tpu.memory_space<vmem>>
        %dma_wait3A_328 = arith.constant 0 : i32
        %dma_wait3A_329 = tpu.memref_slice %arg21[%dma_wait3A_328] : memref<50176xf32, #tpu.memory_space<vmem_shared>> -> memref<50176xf32, #tpu.memory_space<vmem_shared>>
        tpu.wait_indirect_dma semaphore(%arg34 : memref<!tpu.dma_semaphore, #tpu.memory_space<semaphore_mem>>) src(%dma_wait3A_329 : memref<50176xf32, #tpu.memory_space<vmem_shared>>) dst(%dma_wait3A_324 : memref<128xf32, #tpu.memory_space<vmem>>)
        %dma_wait3A_330 = arith.constant 5 : i32
        %dma_wait3A_331 = arith.constant 0 : i32
        %dma_wait3A_332 = tpu.memref_slice %arg32[%dma_wait3A_330, %dma_wait3A_331] : memref<6x128xf32, #tpu.memory_space<vmem>> -> memref<1x128xf32, #tpu.memory_space<vmem>>
        %dma_wait3A_333 = tpu.memref_squeeze %dma_wait3A_332 : memref<1x128xf32, #tpu.memory_space<vmem>> -> memref<128xf32, #tpu.memory_space<vmem>>
        %dma_wait3A_334 = arith.constant 0 : i32
        %dma_wait3A_335 = tpu.memref_slice %arg29[%add3A_70, %dma_wait3A_334] : memref<16x128xi32, #tpu.memory_space<vmem>> -> memref<1x128xi32, #tpu.memory_space<vmem>>
        %dma_wait3A_336 = tpu.memref_squeeze %dma_wait3A_335 : memref<1x128xi32, #tpu.memory_space<vmem>> -> memref<128xi32, #tpu.memory_space<vmem>>
        %dma_wait3A_337 = arith.constant 0 : i32
        %dma_wait3A_338 = tpu.memref_slice %arg22[%dma_wait3A_337] : memref<50176xf32, #tpu.memory_space<vmem_shared>> -> memref<50176xf32, #tpu.memory_space<vmem_shared>>
        tpu.wait_indirect_dma semaphore(%arg34 : memref<!tpu.dma_semaphore, #tpu.memory_space<semaphore_mem>>) src(%dma_wait3A_338 : memref<50176xf32, #tpu.memory_space<vmem_shared>>) dst(%dma_wait3A_333 : memref<128xf32, #tpu.memory_space<vmem>>)
        %dma_start3A_339 = arith.constant 0 : i32
        %dma_start3A_340 = arith.constant 0 : i32
        %dma_start3A_341 = tpu.memref_slice %arg32[%dma_start3A_339, %dma_start3A_340] : memref<6x128xf32, #tpu.memory_space<vmem>> -> memref<1x128xf32, #tpu.memory_space<vmem>>
        %dma_start3A_342 = tpu.memref_squeeze %dma_start3A_341 : memref<1x128xf32, #tpu.memory_space<vmem>> -> memref<128xf32, #tpu.memory_space<vmem>>
        %dma_start3A_343 = arith.constant 0 : i32
        %dma_start3A_344 = tpu.memref_slice %arg30[%add3A_70, %dma_start3A_343] : memref<16x128xi32, #tpu.memory_space<vmem>> -> memref<1x128xi32, #tpu.memory_space<vmem>>
        %dma_start3A_345 = tpu.memref_squeeze %dma_start3A_344 : memref<1x128xi32, #tpu.memory_space<vmem>> -> memref<128xi32, #tpu.memory_space<vmem>>
        %dma_start3A_346 = arith.constant 0 : i32
        %dma_start3A_347 = tpu.memref_slice %arg23[%dma_start3A_346] : memref<50176xf32, #tpu.memory_space<vmem_shared>> -> memref<50176xf32, #tpu.memory_space<vmem_shared>>
        tpu.enqueue_indirect_dma source(%dma_start3A_342 : memref<128xf32, #tpu.memory_space<vmem>>) target(%dma_start3A_347 : memref<50176xf32, #tpu.memory_space<vmem_shared>>) offsets(%dma_start3A_345 : memref<128xi32, #tpu.memory_space<vmem>>) semaphore(%arg35 : memref<!tpu.dma_semaphore, #tpu.memory_space<semaphore_mem>>) {add = true}
        %dma_start3A_348 = arith.constant 1 : i32
        %dma_start3A_349 = arith.constant 0 : i32
        %dma_start3A_350 = tpu.memref_slice %arg32[%dma_start3A_348, %dma_start3A_349] : memref<6x128xf32, #tpu.memory_space<vmem>> -> memref<1x128xf32, #tpu.memory_space<vmem>>
        %dma_start3A_351 = tpu.memref_squeeze %dma_start3A_350 : memref<1x128xf32, #tpu.memory_space<vmem>> -> memref<128xf32, #tpu.memory_space<vmem>>
        %dma_start3A_352 = arith.constant 0 : i32
        %dma_start3A_353 = tpu.memref_slice %arg30[%add3A_70, %dma_start3A_352] : memref<16x128xi32, #tpu.memory_space<vmem>> -> memref<1x128xi32, #tpu.memory_space<vmem>>
        %dma_start3A_354 = tpu.memref_squeeze %dma_start3A_353 : memref<1x128xi32, #tpu.memory_space<vmem>> -> memref<128xi32, #tpu.memory_space<vmem>>
        %dma_start3A_355 = arith.constant 0 : i32
        %dma_start3A_356 = tpu.memref_slice %arg24[%dma_start3A_355] : memref<50176xf32, #tpu.memory_space<vmem_shared>> -> memref<50176xf32, #tpu.memory_space<vmem_shared>>
        tpu.enqueue_indirect_dma source(%dma_start3A_351 : memref<128xf32, #tpu.memory_space<vmem>>) target(%dma_start3A_356 : memref<50176xf32, #tpu.memory_space<vmem_shared>>) offsets(%dma_start3A_354 : memref<128xi32, #tpu.memory_space<vmem>>) semaphore(%arg35 : memref<!tpu.dma_semaphore, #tpu.memory_space<semaphore_mem>>) {add = true}
        %dma_start3A_357 = arith.constant 2 : i32
        %dma_start3A_358 = arith.constant 0 : i32
        %dma_start3A_359 = tpu.memref_slice %arg32[%dma_start3A_357, %dma_start3A_358] : memref<6x128xf32, #tpu.memory_space<vmem>> -> memref<1x128xf32, #tpu.memory_space<vmem>>
        %dma_start3A_360 = tpu.memref_squeeze %dma_start3A_359 : memref<1x128xf32, #tpu.memory_space<vmem>> -> memref<128xf32, #tpu.memory_space<vmem>>
        %dma_start3A_361 = arith.constant 0 : i32
        %dma_start3A_362 = tpu.memref_slice %arg30[%add3A_70, %dma_start3A_361] : memref<16x128xi32, #tpu.memory_space<vmem>> -> memref<1x128xi32, #tpu.memory_space<vmem>>
        %dma_start3A_363 = tpu.memref_squeeze %dma_start3A_362 : memref<1x128xi32, #tpu.memory_space<vmem>> -> memref<128xi32, #tpu.memory_space<vmem>>
        %dma_start3A_364 = arith.constant 0 : i32
        %dma_start3A_365 = tpu.memref_slice %arg25[%dma_start3A_364] : memref<50176xf32, #tpu.memory_space<vmem_shared>> -> memref<50176xf32, #tpu.memory_space<vmem_shared>>
        tpu.enqueue_indirect_dma source(%dma_start3A_360 : memref<128xf32, #tpu.memory_space<vmem>>) target(%dma_start3A_365 : memref<50176xf32, #tpu.memory_space<vmem_shared>>) offsets(%dma_start3A_363 : memref<128xi32, #tpu.memory_space<vmem>>) semaphore(%arg35 : memref<!tpu.dma_semaphore, #tpu.memory_space<semaphore_mem>>) {add = true}
        %dma_start3A_366 = arith.constant 3 : i32
        %dma_start3A_367 = arith.constant 0 : i32
        %dma_start3A_368 = tpu.memref_slice %arg32[%dma_start3A_366, %dma_start3A_367] : memref<6x128xf32, #tpu.memory_space<vmem>> -> memref<1x128xf32, #tpu.memory_space<vmem>>
        %dma_start3A_369 = tpu.memref_squeeze %dma_start3A_368 : memref<1x128xf32, #tpu.memory_space<vmem>> -> memref<128xf32, #tpu.memory_space<vmem>>
        %dma_start3A_370 = arith.constant 0 : i32
        %dma_start3A_371 = tpu.memref_slice %arg30[%add3A_70, %dma_start3A_370] : memref<16x128xi32, #tpu.memory_space<vmem>> -> memref<1x128xi32, #tpu.memory_space<vmem>>
        %dma_start3A_372 = tpu.memref_squeeze %dma_start3A_371 : memref<1x128xi32, #tpu.memory_space<vmem>> -> memref<128xi32, #tpu.memory_space<vmem>>
        %dma_start3A_373 = arith.constant 0 : i32
        %dma_start3A_374 = tpu.memref_slice %arg26[%dma_start3A_373] : memref<50176xf32, #tpu.memory_space<vmem_shared>> -> memref<50176xf32, #tpu.memory_space<vmem_shared>>
        tpu.enqueue_indirect_dma source(%dma_start3A_369 : memref<128xf32, #tpu.memory_space<vmem>>) target(%dma_start3A_374 : memref<50176xf32, #tpu.memory_space<vmem_shared>>) offsets(%dma_start3A_372 : memref<128xi32, #tpu.memory_space<vmem>>) semaphore(%arg35 : memref<!tpu.dma_semaphore, #tpu.memory_space<semaphore_mem>>) {add = true}
        %dma_start3A_375 = arith.constant 4 : i32
        %dma_start3A_376 = arith.constant 0 : i32
        %dma_start3A_377 = tpu.memref_slice %arg32[%dma_start3A_375, %dma_start3A_376] : memref<6x128xf32, #tpu.memory_space<vmem>> -> memref<1x128xf32, #tpu.memory_space<vmem>>
        %dma_start3A_378 = tpu.memref_squeeze %dma_start3A_377 : memref<1x128xf32, #tpu.memory_space<vmem>> -> memref<128xf32, #tpu.memory_space<vmem>>
        %dma_start3A_379 = arith.constant 0 : i32
        %dma_start3A_380 = tpu.memref_slice %arg30[%add3A_70, %dma_start3A_379] : memref<16x128xi32, #tpu.memory_space<vmem>> -> memref<1x128xi32, #tpu.memory_space<vmem>>
        %dma_start3A_381 = tpu.memref_squeeze %dma_start3A_380 : memref<1x128xi32, #tpu.memory_space<vmem>> -> memref<128xi32, #tpu.memory_space<vmem>>
        %dma_start3A_382 = arith.constant 0 : i32
        %dma_start3A_383 = tpu.memref_slice %arg27[%dma_start3A_382] : memref<50176xf32, #tpu.memory_space<vmem_shared>> -> memref<50176xf32, #tpu.memory_space<vmem_shared>>
        tpu.enqueue_indirect_dma source(%dma_start3A_378 : memref<128xf32, #tpu.memory_space<vmem>>) target(%dma_start3A_383 : memref<50176xf32, #tpu.memory_space<vmem_shared>>) offsets(%dma_start3A_381 : memref<128xi32, #tpu.memory_space<vmem>>) semaphore(%arg35 : memref<!tpu.dma_semaphore, #tpu.memory_space<semaphore_mem>>) {add = true}
        %dma_start3A_384 = arith.constant 5 : i32
        %dma_start3A_385 = arith.constant 0 : i32
        %dma_start3A_386 = tpu.memref_slice %arg32[%dma_start3A_384, %dma_start3A_385] : memref<6x128xf32, #tpu.memory_space<vmem>> -> memref<1x128xf32, #tpu.memory_space<vmem>>
        %dma_start3A_387 = tpu.memref_squeeze %dma_start3A_386 : memref<1x128xf32, #tpu.memory_space<vmem>> -> memref<128xf32, #tpu.memory_space<vmem>>
        %dma_start3A_388 = arith.constant 0 : i32
        %dma_start3A_389 = tpu.memref_slice %arg30[%add3A_70, %dma_start3A_388] : memref<16x128xi32, #tpu.memory_space<vmem>> -> memref<1x128xi32, #tpu.memory_space<vmem>>
        %dma_start3A_390 = tpu.memref_squeeze %dma_start3A_389 : memref<1x128xi32, #tpu.memory_space<vmem>> -> memref<128xi32, #tpu.memory_space<vmem>>
        %dma_start3A_391 = arith.constant 0 : i32
        %dma_start3A_392 = tpu.memref_slice %arg28[%dma_start3A_391] : memref<50176xf32, #tpu.memory_space<vmem_shared>> -> memref<50176xf32, #tpu.memory_space<vmem_shared>>
        tpu.enqueue_indirect_dma source(%dma_start3A_387 : memref<128xf32, #tpu.memory_space<vmem>>) target(%dma_start3A_392 : memref<50176xf32, #tpu.memory_space<vmem_shared>>) offsets(%dma_start3A_390 : memref<128xi32, #tpu.memory_space<vmem>>) semaphore(%arg35 : memref<!tpu.dma_semaphore, #tpu.memory_space<semaphore_mem>>) {add = true}
        %dma_wait3A_393 = arith.constant 0 : i32
        %dma_wait3A_394 = arith.constant 0 : i32
        %dma_wait3A_395 = tpu.memref_slice %arg31[%dma_wait3A_393, %dma_wait3A_394] : memref<6x128xf32, #tpu.memory_space<vmem>> -> memref<1x128xf32, #tpu.memory_space<vmem>>
        %dma_wait3A_396 = tpu.memref_squeeze %dma_wait3A_395 : memref<1x128xf32, #tpu.memory_space<vmem>> -> memref<128xf32, #tpu.memory_space<vmem>>
        %dma_wait3A_397 = arith.constant 0 : i32
        %dma_wait3A_398 = tpu.memref_slice %arg30[%mul3A_68, %dma_wait3A_397] : memref<16x128xi32, #tpu.memory_space<vmem>> -> memref<1x128xi32, #tpu.memory_space<vmem>>
        %dma_wait3A_399 = tpu.memref_squeeze %dma_wait3A_398 : memref<1x128xi32, #tpu.memory_space<vmem>> -> memref<128xi32, #tpu.memory_space<vmem>>
        %dma_wait3A_400 = arith.constant 0 : i32
        %dma_wait3A_401 = tpu.memref_slice %arg23[%dma_wait3A_400] : memref<50176xf32, #tpu.memory_space<vmem_shared>> -> memref<50176xf32, #tpu.memory_space<vmem_shared>>
        tpu.wait_indirect_dma semaphore(%arg35 : memref<!tpu.dma_semaphore, #tpu.memory_space<semaphore_mem>>) src(%dma_wait3A_396 : memref<128xf32, #tpu.memory_space<vmem>>) dst(%dma_wait3A_401 : memref<50176xf32, #tpu.memory_space<vmem_shared>>)
        %dma_wait3A_402 = arith.constant 1 : i32
        %dma_wait3A_403 = arith.constant 0 : i32
        %dma_wait3A_404 = tpu.memref_slice %arg31[%dma_wait3A_402, %dma_wait3A_403] : memref<6x128xf32, #tpu.memory_space<vmem>> -> memref<1x128xf32, #tpu.memory_space<vmem>>
        %dma_wait3A_405 = tpu.memref_squeeze %dma_wait3A_404 : memref<1x128xf32, #tpu.memory_space<vmem>> -> memref<128xf32, #tpu.memory_space<vmem>>
        %dma_wait3A_406 = arith.constant 0 : i32
        %dma_wait3A_407 = tpu.memref_slice %arg30[%mul3A_68, %dma_wait3A_406] : memref<16x128xi32, #tpu.memory_space<vmem>> -> memref<1x128xi32, #tpu.memory_space<vmem>>
        %dma_wait3A_408 = tpu.memref_squeeze %dma_wait3A_407 : memref<1x128xi32, #tpu.memory_space<vmem>> -> memref<128xi32, #tpu.memory_space<vmem>>
        %dma_wait3A_409 = arith.constant 0 : i32
        %dma_wait3A_410 = tpu.memref_slice %arg24[%dma_wait3A_409] : memref<50176xf32, #tpu.memory_space<vmem_shared>> -> memref<50176xf32, #tpu.memory_space<vmem_shared>>
        tpu.wait_indirect_dma semaphore(%arg35 : memref<!tpu.dma_semaphore, #tpu.memory_space<semaphore_mem>>) src(%dma_wait3A_405 : memref<128xf32, #tpu.memory_space<vmem>>) dst(%dma_wait3A_410 : memref<50176xf32, #tpu.memory_space<vmem_shared>>)
        %dma_wait3A_411 = arith.constant 2 : i32
        %dma_wait3A_412 = arith.constant 0 : i32
        %dma_wait3A_413 = tpu.memref_slice %arg31[%dma_wait3A_411, %dma_wait3A_412] : memref<6x128xf32, #tpu.memory_space<vmem>> -> memref<1x128xf32, #tpu.memory_space<vmem>>
        %dma_wait3A_414 = tpu.memref_squeeze %dma_wait3A_413 : memref<1x128xf32, #tpu.memory_space<vmem>> -> memref<128xf32, #tpu.memory_space<vmem>>
        %dma_wait3A_415 = arith.constant 0 : i32
        %dma_wait3A_416 = tpu.memref_slice %arg30[%mul3A_68, %dma_wait3A_415] : memref<16x128xi32, #tpu.memory_space<vmem>> -> memref<1x128xi32, #tpu.memory_space<vmem>>
        %dma_wait3A_417 = tpu.memref_squeeze %dma_wait3A_416 : memref<1x128xi32, #tpu.memory_space<vmem>> -> memref<128xi32, #tpu.memory_space<vmem>>
        %dma_wait3A_418 = arith.constant 0 : i32
        %dma_wait3A_419 = tpu.memref_slice %arg25[%dma_wait3A_418] : memref<50176xf32, #tpu.memory_space<vmem_shared>> -> memref<50176xf32, #tpu.memory_space<vmem_shared>>
        tpu.wait_indirect_dma semaphore(%arg35 : memref<!tpu.dma_semaphore, #tpu.memory_space<semaphore_mem>>) src(%dma_wait3A_414 : memref<128xf32, #tpu.memory_space<vmem>>) dst(%dma_wait3A_419 : memref<50176xf32, #tpu.memory_space<vmem_shared>>)
        %dma_wait3A_420 = arith.constant 3 : i32
        %dma_wait3A_421 = arith.constant 0 : i32
        %dma_wait3A_422 = tpu.memref_slice %arg31[%dma_wait3A_420, %dma_wait3A_421] : memref<6x128xf32, #tpu.memory_space<vmem>> -> memref<1x128xf32, #tpu.memory_space<vmem>>
        %dma_wait3A_423 = tpu.memref_squeeze %dma_wait3A_422 : memref<1x128xf32, #tpu.memory_space<vmem>> -> memref<128xf32, #tpu.memory_space<vmem>>
        %dma_wait3A_424 = arith.constant 0 : i32
        %dma_wait3A_425 = tpu.memref_slice %arg30[%mul3A_68, %dma_wait3A_424] : memref<16x128xi32, #tpu.memory_space<vmem>> -> memref<1x128xi32, #tpu.memory_space<vmem>>
        %dma_wait3A_426 = tpu.memref_squeeze %dma_wait3A_425 : memref<1x128xi32, #tpu.memory_space<vmem>> -> memref<128xi32, #tpu.memory_space<vmem>>
        %dma_wait3A_427 = arith.constant 0 : i32
        %dma_wait3A_428 = tpu.memref_slice %arg26[%dma_wait3A_427] : memref<50176xf32, #tpu.memory_space<vmem_shared>> -> memref<50176xf32, #tpu.memory_space<vmem_shared>>
        tpu.wait_indirect_dma semaphore(%arg35 : memref<!tpu.dma_semaphore, #tpu.memory_space<semaphore_mem>>) src(%dma_wait3A_423 : memref<128xf32, #tpu.memory_space<vmem>>) dst(%dma_wait3A_428 : memref<50176xf32, #tpu.memory_space<vmem_shared>>)
        %dma_wait3A_429 = arith.constant 4 : i32
        %dma_wait3A_430 = arith.constant 0 : i32
        %dma_wait3A_431 = tpu.memref_slice %arg31[%dma_wait3A_429, %dma_wait3A_430] : memref<6x128xf32, #tpu.memory_space<vmem>> -> memref<1x128xf32, #tpu.memory_space<vmem>>
        %dma_wait3A_432 = tpu.memref_squeeze %dma_wait3A_431 : memref<1x128xf32, #tpu.memory_space<vmem>> -> memref<128xf32, #tpu.memory_space<vmem>>
        %dma_wait3A_433 = arith.constant 0 : i32
        %dma_wait3A_434 = tpu.memref_slice %arg30[%mul3A_68, %dma_wait3A_433] : memref<16x128xi32, #tpu.memory_space<vmem>> -> memref<1x128xi32, #tpu.memory_space<vmem>>
        %dma_wait3A_435 = tpu.memref_squeeze %dma_wait3A_434 : memref<1x128xi32, #tpu.memory_space<vmem>> -> memref<128xi32, #tpu.memory_space<vmem>>
        %dma_wait3A_436 = arith.constant 0 : i32
        %dma_wait3A_437 = tpu.memref_slice %arg27[%dma_wait3A_436] : memref<50176xf32, #tpu.memory_space<vmem_shared>> -> memref<50176xf32, #tpu.memory_space<vmem_shared>>
        tpu.wait_indirect_dma semaphore(%arg35 : memref<!tpu.dma_semaphore, #tpu.memory_space<semaphore_mem>>) src(%dma_wait3A_432 : memref<128xf32, #tpu.memory_space<vmem>>) dst(%dma_wait3A_437 : memref<50176xf32, #tpu.memory_space<vmem_shared>>)
        %dma_wait3A_438 = arith.constant 5 : i32
        %dma_wait3A_439 = arith.constant 0 : i32
        %dma_wait3A_440 = tpu.memref_slice %arg31[%dma_wait3A_438, %dma_wait3A_439] : memref<6x128xf32, #tpu.memory_space<vmem>> -> memref<1x128xf32, #tpu.memory_space<vmem>>
        %dma_wait3A_441 = tpu.memref_squeeze %dma_wait3A_440 : memref<1x128xf32, #tpu.memory_space<vmem>> -> memref<128xf32, #tpu.memory_space<vmem>>
        %dma_wait3A_442 = arith.constant 0 : i32
        %dma_wait3A_443 = tpu.memref_slice %arg30[%mul3A_68, %dma_wait3A_442] : memref<16x128xi32, #tpu.memory_space<vmem>> -> memref<1x128xi32, #tpu.memory_space<vmem>>
        %dma_wait3A_444 = tpu.memref_squeeze %dma_wait3A_443 : memref<1x128xi32, #tpu.memory_space<vmem>> -> memref<128xi32, #tpu.memory_space<vmem>>
        %dma_wait3A_445 = arith.constant 0 : i32
        %dma_wait3A_446 = tpu.memref_slice %arg28[%dma_wait3A_445] : memref<50176xf32, #tpu.memory_space<vmem_shared>> -> memref<50176xf32, #tpu.memory_space<vmem_shared>>
        tpu.wait_indirect_dma semaphore(%arg35 : memref<!tpu.dma_semaphore, #tpu.memory_space<semaphore_mem>>) src(%dma_wait3A_441 : memref<128xf32, #tpu.memory_space<vmem>>) dst(%dma_wait3A_446 : memref<50176xf32, #tpu.memory_space<vmem_shared>>)
        %dma_wait3A_447 = arith.constant 0 : i32
        %dma_wait3A_448 = arith.constant 0 : i32
        %dma_wait3A_449 = tpu.memref_slice %arg32[%dma_wait3A_447, %dma_wait3A_448] : memref<6x128xf32, #tpu.memory_space<vmem>> -> memref<1x128xf32, #tpu.memory_space<vmem>>
        %dma_wait3A_450 = tpu.memref_squeeze %dma_wait3A_449 : memref<1x128xf32, #tpu.memory_space<vmem>> -> memref<128xf32, #tpu.memory_space<vmem>>
        %dma_wait3A_451 = arith.constant 0 : i32
        %dma_wait3A_452 = tpu.memref_slice %arg30[%add3A_70, %dma_wait3A_451] : memref<16x128xi32, #tpu.memory_space<vmem>> -> memref<1x128xi32, #tpu.memory_space<vmem>>
        %dma_wait3A_453 = tpu.memref_squeeze %dma_wait3A_452 : memref<1x128xi32, #tpu.memory_space<vmem>> -> memref<128xi32, #tpu.memory_space<vmem>>
        %dma_wait3A_454 = arith.constant 0 : i32
        %dma_wait3A_455 = tpu.memref_slice %arg23[%dma_wait3A_454] : memref<50176xf32, #tpu.memory_space<vmem_shared>> -> memref<50176xf32, #tpu.memory_space<vmem_shared>>
        tpu.wait_indirect_dma semaphore(%arg35 : memref<!tpu.dma_semaphore, #tpu.memory_space<semaphore_mem>>) src(%dma_wait3A_450 : memref<128xf32, #tpu.memory_space<vmem>>) dst(%dma_wait3A_455 : memref<50176xf32, #tpu.memory_space<vmem_shared>>)
        %dma_wait3A_456 = arith.constant 1 : i32
        %dma_wait3A_457 = arith.constant 0 : i32
        %dma_wait3A_458 = tpu.memref_slice %arg32[%dma_wait3A_456, %dma_wait3A_457] : memref<6x128xf32, #tpu.memory_space<vmem>> -> memref<1x128xf32, #tpu.memory_space<vmem>>
        %dma_wait3A_459 = tpu.memref_squeeze %dma_wait3A_458 : memref<1x128xf32, #tpu.memory_space<vmem>> -> memref<128xf32, #tpu.memory_space<vmem>>
        %dma_wait3A_460 = arith.constant 0 : i32
        %dma_wait3A_461 = tpu.memref_slice %arg30[%add3A_70, %dma_wait3A_460] : memref<16x128xi32, #tpu.memory_space<vmem>> -> memref<1x128xi32, #tpu.memory_space<vmem>>
        %dma_wait3A_462 = tpu.memref_squeeze %dma_wait3A_461 : memref<1x128xi32, #tpu.memory_space<vmem>> -> memref<128xi32, #tpu.memory_space<vmem>>
        %dma_wait3A_463 = arith.constant 0 : i32
        %dma_wait3A_464 = tpu.memref_slice %arg24[%dma_wait3A_463] : memref<50176xf32, #tpu.memory_space<vmem_shared>> -> memref<50176xf32, #tpu.memory_space<vmem_shared>>
        tpu.wait_indirect_dma semaphore(%arg35 : memref<!tpu.dma_semaphore, #tpu.memory_space<semaphore_mem>>) src(%dma_wait3A_459 : memref<128xf32, #tpu.memory_space<vmem>>) dst(%dma_wait3A_464 : memref<50176xf32, #tpu.memory_space<vmem_shared>>)
        %dma_wait3A_465 = arith.constant 2 : i32
        %dma_wait3A_466 = arith.constant 0 : i32
        %dma_wait3A_467 = tpu.memref_slice %arg32[%dma_wait3A_465, %dma_wait3A_466] : memref<6x128xf32, #tpu.memory_space<vmem>> -> memref<1x128xf32, #tpu.memory_space<vmem>>
        %dma_wait3A_468 = tpu.memref_squeeze %dma_wait3A_467 : memref<1x128xf32, #tpu.memory_space<vmem>> -> memref<128xf32, #tpu.memory_space<vmem>>
        %dma_wait3A_469 = arith.constant 0 : i32
        %dma_wait3A_470 = tpu.memref_slice %arg30[%add3A_70, %dma_wait3A_469] : memref<16x128xi32, #tpu.memory_space<vmem>> -> memref<1x128xi32, #tpu.memory_space<vmem>>
        %dma_wait3A_471 = tpu.memref_squeeze %dma_wait3A_470 : memref<1x128xi32, #tpu.memory_space<vmem>> -> memref<128xi32, #tpu.memory_space<vmem>>
        %dma_wait3A_472 = arith.constant 0 : i32
        %dma_wait3A_473 = tpu.memref_slice %arg25[%dma_wait3A_472] : memref<50176xf32, #tpu.memory_space<vmem_shared>> -> memref<50176xf32, #tpu.memory_space<vmem_shared>>
        tpu.wait_indirect_dma semaphore(%arg35 : memref<!tpu.dma_semaphore, #tpu.memory_space<semaphore_mem>>) src(%dma_wait3A_468 : memref<128xf32, #tpu.memory_space<vmem>>) dst(%dma_wait3A_473 : memref<50176xf32, #tpu.memory_space<vmem_shared>>)
        %dma_wait3A_474 = arith.constant 3 : i32
        %dma_wait3A_475 = arith.constant 0 : i32
        %dma_wait3A_476 = tpu.memref_slice %arg32[%dma_wait3A_474, %dma_wait3A_475] : memref<6x128xf32, #tpu.memory_space<vmem>> -> memref<1x128xf32, #tpu.memory_space<vmem>>
        %dma_wait3A_477 = tpu.memref_squeeze %dma_wait3A_476 : memref<1x128xf32, #tpu.memory_space<vmem>> -> memref<128xf32, #tpu.memory_space<vmem>>
        %dma_wait3A_478 = arith.constant 0 : i32
        %dma_wait3A_479 = tpu.memref_slice %arg30[%add3A_70, %dma_wait3A_478] : memref<16x128xi32, #tpu.memory_space<vmem>> -> memref<1x128xi32, #tpu.memory_space<vmem>>
        %dma_wait3A_480 = tpu.memref_squeeze %dma_wait3A_479 : memref<1x128xi32, #tpu.memory_space<vmem>> -> memref<128xi32, #tpu.memory_space<vmem>>
        %dma_wait3A_481 = arith.constant 0 : i32
        %dma_wait3A_482 = tpu.memref_slice %arg26[%dma_wait3A_481] : memref<50176xf32, #tpu.memory_space<vmem_shared>> -> memref<50176xf32, #tpu.memory_space<vmem_shared>>
        tpu.wait_indirect_dma semaphore(%arg35 : memref<!tpu.dma_semaphore, #tpu.memory_space<semaphore_mem>>) src(%dma_wait3A_477 : memref<128xf32, #tpu.memory_space<vmem>>) dst(%dma_wait3A_482 : memref<50176xf32, #tpu.memory_space<vmem_shared>>)
        %dma_wait3A_483 = arith.constant 4 : i32
        %dma_wait3A_484 = arith.constant 0 : i32
        %dma_wait3A_485 = tpu.memref_slice %arg32[%dma_wait3A_483, %dma_wait3A_484] : memref<6x128xf32, #tpu.memory_space<vmem>> -> memref<1x128xf32, #tpu.memory_space<vmem>>
        %dma_wait3A_486 = tpu.memref_squeeze %dma_wait3A_485 : memref<1x128xf32, #tpu.memory_space<vmem>> -> memref<128xf32, #tpu.memory_space<vmem>>
        %dma_wait3A_487 = arith.constant 0 : i32
        %dma_wait3A_488 = tpu.memref_slice %arg30[%add3A_70, %dma_wait3A_487] : memref<16x128xi32, #tpu.memory_space<vmem>> -> memref<1x128xi32, #tpu.memory_space<vmem>>
        %dma_wait3A_489 = tpu.memref_squeeze %dma_wait3A_488 : memref<1x128xi32, #tpu.memory_space<vmem>> -> memref<128xi32, #tpu.memory_space<vmem>>
        %dma_wait3A_490 = arith.constant 0 : i32
        %dma_wait3A_491 = tpu.memref_slice %arg27[%dma_wait3A_490] : memref<50176xf32, #tpu.memory_space<vmem_shared>> -> memref<50176xf32, #tpu.memory_space<vmem_shared>>
        tpu.wait_indirect_dma semaphore(%arg35 : memref<!tpu.dma_semaphore, #tpu.memory_space<semaphore_mem>>) src(%dma_wait3A_486 : memref<128xf32, #tpu.memory_space<vmem>>) dst(%dma_wait3A_491 : memref<50176xf32, #tpu.memory_space<vmem_shared>>)
        %dma_wait3A_492 = arith.constant 5 : i32
        %dma_wait3A_493 = arith.constant 0 : i32
        %dma_wait3A_494 = tpu.memref_slice %arg32[%dma_wait3A_492, %dma_wait3A_493] : memref<6x128xf32, #tpu.memory_space<vmem>> -> memref<1x128xf32, #tpu.memory_space<vmem>>
        %dma_wait3A_495 = tpu.memref_squeeze %dma_wait3A_494 : memref<1x128xf32, #tpu.memory_space<vmem>> -> memref<128xf32, #tpu.memory_space<vmem>>
        %dma_wait3A_496 = arith.constant 0 : i32
        %dma_wait3A_497 = tpu.memref_slice %arg30[%add3A_70, %dma_wait3A_496] : memref<16x128xi32, #tpu.memory_space<vmem>> -> memref<1x128xi32, #tpu.memory_space<vmem>>
        %dma_wait3A_498 = tpu.memref_squeeze %dma_wait3A_497 : memref<1x128xi32, #tpu.memory_space<vmem>> -> memref<128xi32, #tpu.memory_space<vmem>>
        %dma_wait3A_499 = arith.constant 0 : i32
        %dma_wait3A_500 = tpu.memref_slice %arg28[%dma_wait3A_499] : memref<50176xf32, #tpu.memory_space<vmem_shared>> -> memref<50176xf32, #tpu.memory_space<vmem_shared>>
        tpu.wait_indirect_dma semaphore(%arg35 : memref<!tpu.dma_semaphore, #tpu.memory_space<semaphore_mem>>) src(%dma_wait3A_495 : memref<128xf32, #tpu.memory_space<vmem>>) dst(%dma_wait3A_500 : memref<50176xf32, #tpu.memory_space<vmem_shared>>)
      }
      %scan3A_65 = arith.constant 8 : i32
    }
    %while3A_34 = arith.constant 1 : i32
    scf.for %while3A_54 = %while3A_32 to %while3A_28 step %while3A_34  : i32 {
      %mul3A_55 = arith.constant 16 : i32
      %mul3A_56 = arith.muli %while3A_54, %mul3A_55 : i32
      %add3A_57 = arith.addi %add3A, %mul3A_56 : i32
      "tpu.region"() ({
        %run_scoped3A = tpu.sem_alloc : memref<!tpu.dma_semaphore, #tpu.memory_space<semaphore_mem>>
        %dma_start3A = arith.constant 0 : i32
        %dma_start3A_66 = tpu.memref_slice %arg2[%add3A_57, %dma_start3A] : memref<6656x128xi32, #tpu.memory_space<hbm>> -> memref<16x128xi32, #tpu.memory_space<hbm>>
        %dma_start3A_67 = arith.constant 0 : i32
        %dma_start3A_68 = tpu.memref_slice %arg2[%add3A_57, %dma_start3A_67] : memref<6656x128xi32, #tpu.memory_space<hbm>> -> memref<16x128xi32, #tpu.memory_space<hbm>>
        tpu.enqueue_dma source(%dma_start3A_68 : memref<16x128xi32, #tpu.memory_space<hbm>>) target(%arg29 : memref<16x128xi32, #tpu.memory_space<vmem>>) target_semaphore(%run_scoped3A : memref<!tpu.dma_semaphore, #tpu.memory_space<semaphore_mem>>)
        %dma_wait3A = arith.constant 0 : i32
        %dma_wait3A_69 = tpu.memref_slice %arg2[%add3A_57, %dma_wait3A] : memref<6656x128xi32, #tpu.memory_space<hbm>> -> memref<16x128xi32, #tpu.memory_space<hbm>>
        %dma_wait3A_70 = arith.constant 0 : i32
        %dma_wait3A_71 = tpu.memref_slice %arg2[%add3A_57, %dma_wait3A_70] : memref<6656x128xi32, #tpu.memory_space<hbm>> -> memref<16x128xi32, #tpu.memory_space<hbm>>
        tpu.wait_dma2 semaphore(%run_scoped3A : memref<!tpu.dma_semaphore, #tpu.memory_space<semaphore_mem>>) src(%dma_wait3A_71 : memref<16x128xi32, #tpu.memory_space<hbm>>) dst(%arg29 : memref<16x128xi32, #tpu.memory_space<vmem>>)
        tpu.yield
      }) : () -> ()
      %mul3A_58 = arith.constant 16 : i32
      %mul3A_59 = arith.muli %while3A_54, %mul3A_58 : i32
      %add3A_60 = arith.addi %add3A, %mul3A_59 : i32
      "tpu.region"() ({
        %run_scoped3A = tpu.sem_alloc : memref<!tpu.dma_semaphore, #tpu.memory_space<semaphore_mem>>
        %dma_start3A = arith.constant 0 : i32
        %dma_start3A_66 = tpu.memref_slice %arg3[%add3A_60, %dma_start3A] : memref<6656x128xi32, #tpu.memory_space<hbm>> -> memref<16x128xi32, #tpu.memory_space<hbm>>
        %dma_start3A_67 = arith.constant 0 : i32
        %dma_start3A_68 = tpu.memref_slice %arg3[%add3A_60, %dma_start3A_67] : memref<6656x128xi32, #tpu.memory_space<hbm>> -> memref<16x128xi32, #tpu.memory_space<hbm>>
        tpu.enqueue_dma source(%dma_start3A_68 : memref<16x128xi32, #tpu.memory_space<hbm>>) target(%arg30 : memref<16x128xi32, #tpu.memory_space<vmem>>) target_semaphore(%run_scoped3A : memref<!tpu.dma_semaphore, #tpu.memory_space<semaphore_mem>>)
        %dma_wait3A = arith.constant 0 : i32
        %dma_wait3A_69 = tpu.memref_slice %arg3[%add3A_60, %dma_wait3A] : memref<6656x128xi32, #tpu.memory_space<hbm>> -> memref<16x128xi32, #tpu.memory_space<hbm>>
        %dma_wait3A_70 = arith.constant 0 : i32
        %dma_wait3A_71 = tpu.memref_slice %arg3[%add3A_60, %dma_wait3A_70] : memref<6656x128xi32, #tpu.memory_space<hbm>> -> memref<16x128xi32, #tpu.memory_space<hbm>>
        tpu.wait_dma2 semaphore(%run_scoped3A : memref<!tpu.dma_semaphore, #tpu.memory_space<semaphore_mem>>) src(%dma_wait3A_71 : memref<16x128xi32, #tpu.memory_space<hbm>>) dst(%arg30 : memref<16x128xi32, #tpu.memory_space<vmem>>)
        tpu.yield
      }) : () -> ()
      %scan3A = arith.constant 0 : i32
      %scan3A_61 = arith.constant 0 : i32
      %scan3A_62 = arith.constant 8 : i32
      %scan3A_63 = arith.addi %scan3A_61, %scan3A_62 : i32
      %scan3A_64 = arith.constant 1 : i32
      scf.for %scan3A_66 = %scan3A_61 to %scan3A_63 step %scan3A_64  : i32 {
        %mul3A_67 = arith.constant 2 : i32
        %mul3A_68 = arith.muli %mul3A_67, %scan3A_66 : i32
        %add3A_69 = arith.constant 1 : i32
        %add3A_70 = arith.addi %mul3A_68, %add3A_69 : i32
        %dma_start3A = arith.constant 0 : i32
        %dma_start3A_71 = arith.constant 0 : i32
        %dma_start3A_72 = tpu.memref_slice %arg31[%dma_start3A, %dma_start3A_71] : memref<6x128xf32, #tpu.memory_space<vmem>> -> memref<1x128xf32, #tpu.memory_space<vmem>>
        %dma_start3A_73 = tpu.memref_squeeze %dma_start3A_72 : memref<1x128xf32, #tpu.memory_space<vmem>> -> memref<128xf32, #tpu.memory_space<vmem>>
        %dma_start3A_74 = arith.constant 0 : i32
        %dma_start3A_75 = tpu.memref_slice %arg29[%mul3A_68, %dma_start3A_74] : memref<16x128xi32, #tpu.memory_space<vmem>> -> memref<1x128xi32, #tpu.memory_space<vmem>>
        %dma_start3A_76 = tpu.memref_squeeze %dma_start3A_75 : memref<1x128xi32, #tpu.memory_space<vmem>> -> memref<128xi32, #tpu.memory_space<vmem>>
        %dma_start3A_77 = arith.constant 0 : i32
        %dma_start3A_78 = tpu.memref_slice %arg17[%dma_start3A_77] : memref<50176xf32, #tpu.memory_space<vmem_shared>> -> memref<50176xf32, #tpu.memory_space<vmem_shared>>
        tpu.enqueue_indirect_dma source(%dma_start3A_78 : memref<50176xf32, #tpu.memory_space<vmem_shared>>) target(%dma_start3A_73 : memref<128xf32, #tpu.memory_space<vmem>>) offsets(%dma_start3A_76 : memref<128xi32, #tpu.memory_space<vmem>>) semaphore(%arg34 : memref<!tpu.dma_semaphore, #tpu.memory_space<semaphore_mem>>)
        %dma_start3A_79 = arith.constant 1 : i32
        %dma_start3A_80 = arith.constant 0 : i32
        %dma_start3A_81 = tpu.memref_slice %arg31[%dma_start3A_79, %dma_start3A_80] : memref<6x128xf32, #tpu.memory_space<vmem>> -> memref<1x128xf32, #tpu.memory_space<vmem>>
        %dma_start3A_82 = tpu.memref_squeeze %dma_start3A_81 : memref<1x128xf32, #tpu.memory_space<vmem>> -> memref<128xf32, #tpu.memory_space<vmem>>
        %dma_start3A_83 = arith.constant 0 : i32
        %dma_start3A_84 = tpu.memref_slice %arg29[%mul3A_68, %dma_start3A_83] : memref<16x128xi32, #tpu.memory_space<vmem>> -> memref<1x128xi32, #tpu.memory_space<vmem>>
        %dma_start3A_85 = tpu.memref_squeeze %dma_start3A_84 : memref<1x128xi32, #tpu.memory_space<vmem>> -> memref<128xi32, #tpu.memory_space<vmem>>
        %dma_start3A_86 = arith.constant 0 : i32
        %dma_start3A_87 = tpu.memref_slice %arg18[%dma_start3A_86] : memref<50176xf32, #tpu.memory_space<vmem_shared>> -> memref<50176xf32, #tpu.memory_space<vmem_shared>>
        tpu.enqueue_indirect_dma source(%dma_start3A_87 : memref<50176xf32, #tpu.memory_space<vmem_shared>>) target(%dma_start3A_82 : memref<128xf32, #tpu.memory_space<vmem>>) offsets(%dma_start3A_85 : memref<128xi32, #tpu.memory_space<vmem>>) semaphore(%arg34 : memref<!tpu.dma_semaphore, #tpu.memory_space<semaphore_mem>>)
        %dma_start3A_88 = arith.constant 2 : i32
        %dma_start3A_89 = arith.constant 0 : i32
        %dma_start3A_90 = tpu.memref_slice %arg31[%dma_start3A_88, %dma_start3A_89] : memref<6x128xf32, #tpu.memory_space<vmem>> -> memref<1x128xf32, #tpu.memory_space<vmem>>
        %dma_start3A_91 = tpu.memref_squeeze %dma_start3A_90 : memref<1x128xf32, #tpu.memory_space<vmem>> -> memref<128xf32, #tpu.memory_space<vmem>>
        %dma_start3A_92 = arith.constant 0 : i32
        %dma_start3A_93 = tpu.memref_slice %arg29[%mul3A_68, %dma_start3A_92] : memref<16x128xi32, #tpu.memory_space<vmem>> -> memref<1x128xi32, #tpu.memory_space<vmem>>
        %dma_start3A_94 = tpu.memref_squeeze %dma_start3A_93 : memref<1x128xi32, #tpu.memory_space<vmem>> -> memref<128xi32, #tpu.memory_space<vmem>>
        %dma_start3A_95 = arith.constant 0 : i32
        %dma_start3A_96 = tpu.memref_slice %arg19[%dma_start3A_95] : memref<50176xf32, #tpu.memory_space<vmem_shared>> -> memref<50176xf32, #tpu.memory_space<vmem_shared>>
        tpu.enqueue_indirect_dma source(%dma_start3A_96 : memref<50176xf32, #tpu.memory_space<vmem_shared>>) target(%dma_start3A_91 : memref<128xf32, #tpu.memory_space<vmem>>) offsets(%dma_start3A_94 : memref<128xi32, #tpu.memory_space<vmem>>) semaphore(%arg34 : memref<!tpu.dma_semaphore, #tpu.memory_space<semaphore_mem>>)
        %dma_start3A_97 = arith.constant 3 : i32
        %dma_start3A_98 = arith.constant 0 : i32
        %dma_start3A_99 = tpu.memref_slice %arg31[%dma_start3A_97, %dma_start3A_98] : memref<6x128xf32, #tpu.memory_space<vmem>> -> memref<1x128xf32, #tpu.memory_space<vmem>>
        %dma_start3A_100 = tpu.memref_squeeze %dma_start3A_99 : memref<1x128xf32, #tpu.memory_space<vmem>> -> memref<128xf32, #tpu.memory_space<vmem>>
        %dma_start3A_101 = arith.constant 0 : i32
        %dma_start3A_102 = tpu.memref_slice %arg29[%mul3A_68, %dma_start3A_101] : memref<16x128xi32, #tpu.memory_space<vmem>> -> memref<1x128xi32, #tpu.memory_space<vmem>>
        %dma_start3A_103 = tpu.memref_squeeze %dma_start3A_102 : memref<1x128xi32, #tpu.memory_space<vmem>> -> memref<128xi32, #tpu.memory_space<vmem>>
        %dma_start3A_104 = arith.constant 0 : i32
        %dma_start3A_105 = tpu.memref_slice %arg20[%dma_start3A_104] : memref<50176xf32, #tpu.memory_space<vmem_shared>> -> memref<50176xf32, #tpu.memory_space<vmem_shared>>
        tpu.enqueue_indirect_dma source(%dma_start3A_105 : memref<50176xf32, #tpu.memory_space<vmem_shared>>) target(%dma_start3A_100 : memref<128xf32, #tpu.memory_space<vmem>>) offsets(%dma_start3A_103 : memref<128xi32, #tpu.memory_space<vmem>>) semaphore(%arg34 : memref<!tpu.dma_semaphore, #tpu.memory_space<semaphore_mem>>)
        %dma_start3A_106 = arith.constant 4 : i32
        %dma_start3A_107 = arith.constant 0 : i32
        %dma_start3A_108 = tpu.memref_slice %arg31[%dma_start3A_106, %dma_start3A_107] : memref<6x128xf32, #tpu.memory_space<vmem>> -> memref<1x128xf32, #tpu.memory_space<vmem>>
        %dma_start3A_109 = tpu.memref_squeeze %dma_start3A_108 : memref<1x128xf32, #tpu.memory_space<vmem>> -> memref<128xf32, #tpu.memory_space<vmem>>
        %dma_start3A_110 = arith.constant 0 : i32
        %dma_start3A_111 = tpu.memref_slice %arg29[%mul3A_68, %dma_start3A_110] : memref<16x128xi32, #tpu.memory_space<vmem>> -> memref<1x128xi32, #tpu.memory_space<vmem>>
        %dma_start3A_112 = tpu.memref_squeeze %dma_start3A_111 : memref<1x128xi32, #tpu.memory_space<vmem>> -> memref<128xi32, #tpu.memory_space<vmem>>
        %dma_start3A_113 = arith.constant 0 : i32
        %dma_start3A_114 = tpu.memref_slice %arg21[%dma_start3A_113] : memref<50176xf32, #tpu.memory_space<vmem_shared>> -> memref<50176xf32, #tpu.memory_space<vmem_shared>>
        tpu.enqueue_indirect_dma source(%dma_start3A_114 : memref<50176xf32, #tpu.memory_space<vmem_shared>>) target(%dma_start3A_109 : memref<128xf32, #tpu.memory_space<vmem>>) offsets(%dma_start3A_112 : memref<128xi32, #tpu.memory_space<vmem>>) semaphore(%arg34 : memref<!tpu.dma_semaphore, #tpu.memory_space<semaphore_mem>>)
        %dma_start3A_115 = arith.constant 5 : i32
        %dma_start3A_116 = arith.constant 0 : i32
        %dma_start3A_117 = tpu.memref_slice %arg31[%dma_start3A_115, %dma_start3A_116] : memref<6x128xf32, #tpu.memory_space<vmem>> -> memref<1x128xf32, #tpu.memory_space<vmem>>
        %dma_start3A_118 = tpu.memref_squeeze %dma_start3A_117 : memref<1x128xf32, #tpu.memory_space<vmem>> -> memref<128xf32, #tpu.memory_space<vmem>>
        %dma_start3A_119 = arith.constant 0 : i32
        %dma_start3A_120 = tpu.memref_slice %arg29[%mul3A_68, %dma_start3A_119] : memref<16x128xi32, #tpu.memory_space<vmem>> -> memref<1x128xi32, #tpu.memory_space<vmem>>
        %dma_start3A_121 = tpu.memref_squeeze %dma_start3A_120 : memref<1x128xi32, #tpu.memory_space<vmem>> -> memref<128xi32, #tpu.memory_space<vmem>>
        %dma_start3A_122 = arith.constant 0 : i32
        %dma_start3A_123 = tpu.memref_slice %arg22[%dma_start3A_122] : memref<50176xf32, #tpu.memory_space<vmem_shared>> -> memref<50176xf32, #tpu.memory_space<vmem_shared>>
        tpu.enqueue_indirect_dma source(%dma_start3A_123 : memref<50176xf32, #tpu.memory_space<vmem_shared>>) target(%dma_start3A_118 : memref<128xf32, #tpu.memory_space<vmem>>) offsets(%dma_start3A_121 : memref<128xi32, #tpu.memory_space<vmem>>) semaphore(%arg34 : memref<!tpu.dma_semaphore, #tpu.memory_space<semaphore_mem>>)
        %dma_start3A_124 = arith.constant 0 : i32
        %dma_start3A_125 = arith.constant 0 : i32
        %dma_start3A_126 = tpu.memref_slice %arg32[%dma_start3A_124, %dma_start3A_125] : memref<6x128xf32, #tpu.memory_space<vmem>> -> memref<1x128xf32, #tpu.memory_space<vmem>>
        %dma_start3A_127 = tpu.memref_squeeze %dma_start3A_126 : memref<1x128xf32, #tpu.memory_space<vmem>> -> memref<128xf32, #tpu.memory_space<vmem>>
        %dma_start3A_128 = arith.constant 0 : i32
        %dma_start3A_129 = tpu.memref_slice %arg29[%add3A_70, %dma_start3A_128] : memref<16x128xi32, #tpu.memory_space<vmem>> -> memref<1x128xi32, #tpu.memory_space<vmem>>
        %dma_start3A_130 = tpu.memref_squeeze %dma_start3A_129 : memref<1x128xi32, #tpu.memory_space<vmem>> -> memref<128xi32, #tpu.memory_space<vmem>>
        %dma_start3A_131 = arith.constant 0 : i32
        %dma_start3A_132 = tpu.memref_slice %arg17[%dma_start3A_131] : memref<50176xf32, #tpu.memory_space<vmem_shared>> -> memref<50176xf32, #tpu.memory_space<vmem_shared>>
        tpu.enqueue_indirect_dma source(%dma_start3A_132 : memref<50176xf32, #tpu.memory_space<vmem_shared>>) target(%dma_start3A_127 : memref<128xf32, #tpu.memory_space<vmem>>) offsets(%dma_start3A_130 : memref<128xi32, #tpu.memory_space<vmem>>) semaphore(%arg34 : memref<!tpu.dma_semaphore, #tpu.memory_space<semaphore_mem>>)
        %dma_start3A_133 = arith.constant 1 : i32
        %dma_start3A_134 = arith.constant 0 : i32
        %dma_start3A_135 = tpu.memref_slice %arg32[%dma_start3A_133, %dma_start3A_134] : memref<6x128xf32, #tpu.memory_space<vmem>> -> memref<1x128xf32, #tpu.memory_space<vmem>>
        %dma_start3A_136 = tpu.memref_squeeze %dma_start3A_135 : memref<1x128xf32, #tpu.memory_space<vmem>> -> memref<128xf32, #tpu.memory_space<vmem>>
        %dma_start3A_137 = arith.constant 0 : i32
        %dma_start3A_138 = tpu.memref_slice %arg29[%add3A_70, %dma_start3A_137] : memref<16x128xi32, #tpu.memory_space<vmem>> -> memref<1x128xi32, #tpu.memory_space<vmem>>
        %dma_start3A_139 = tpu.memref_squeeze %dma_start3A_138 : memref<1x128xi32, #tpu.memory_space<vmem>> -> memref<128xi32, #tpu.memory_space<vmem>>
        %dma_start3A_140 = arith.constant 0 : i32
        %dma_start3A_141 = tpu.memref_slice %arg18[%dma_start3A_140] : memref<50176xf32, #tpu.memory_space<vmem_shared>> -> memref<50176xf32, #tpu.memory_space<vmem_shared>>
        tpu.enqueue_indirect_dma source(%dma_start3A_141 : memref<50176xf32, #tpu.memory_space<vmem_shared>>) target(%dma_start3A_136 : memref<128xf32, #tpu.memory_space<vmem>>) offsets(%dma_start3A_139 : memref<128xi32, #tpu.memory_space<vmem>>) semaphore(%arg34 : memref<!tpu.dma_semaphore, #tpu.memory_space<semaphore_mem>>)
        %dma_start3A_142 = arith.constant 2 : i32
        %dma_start3A_143 = arith.constant 0 : i32
        %dma_start3A_144 = tpu.memref_slice %arg32[%dma_start3A_142, %dma_start3A_143] : memref<6x128xf32, #tpu.memory_space<vmem>> -> memref<1x128xf32, #tpu.memory_space<vmem>>
        %dma_start3A_145 = tpu.memref_squeeze %dma_start3A_144 : memref<1x128xf32, #tpu.memory_space<vmem>> -> memref<128xf32, #tpu.memory_space<vmem>>
        %dma_start3A_146 = arith.constant 0 : i32
        %dma_start3A_147 = tpu.memref_slice %arg29[%add3A_70, %dma_start3A_146] : memref<16x128xi32, #tpu.memory_space<vmem>> -> memref<1x128xi32, #tpu.memory_space<vmem>>
        %dma_start3A_148 = tpu.memref_squeeze %dma_start3A_147 : memref<1x128xi32, #tpu.memory_space<vmem>> -> memref<128xi32, #tpu.memory_space<vmem>>
        %dma_start3A_149 = arith.constant 0 : i32
        %dma_start3A_150 = tpu.memref_slice %arg19[%dma_start3A_149] : memref<50176xf32, #tpu.memory_space<vmem_shared>> -> memref<50176xf32, #tpu.memory_space<vmem_shared>>
        tpu.enqueue_indirect_dma source(%dma_start3A_150 : memref<50176xf32, #tpu.memory_space<vmem_shared>>) target(%dma_start3A_145 : memref<128xf32, #tpu.memory_space<vmem>>) offsets(%dma_start3A_148 : memref<128xi32, #tpu.memory_space<vmem>>) semaphore(%arg34 : memref<!tpu.dma_semaphore, #tpu.memory_space<semaphore_mem>>)
        %dma_start3A_151 = arith.constant 3 : i32
        %dma_start3A_152 = arith.constant 0 : i32
        %dma_start3A_153 = tpu.memref_slice %arg32[%dma_start3A_151, %dma_start3A_152] : memref<6x128xf32, #tpu.memory_space<vmem>> -> memref<1x128xf32, #tpu.memory_space<vmem>>
        %dma_start3A_154 = tpu.memref_squeeze %dma_start3A_153 : memref<1x128xf32, #tpu.memory_space<vmem>> -> memref<128xf32, #tpu.memory_space<vmem>>
        %dma_start3A_155 = arith.constant 0 : i32
        %dma_start3A_156 = tpu.memref_slice %arg29[%add3A_70, %dma_start3A_155] : memref<16x128xi32, #tpu.memory_space<vmem>> -> memref<1x128xi32, #tpu.memory_space<vmem>>
        %dma_start3A_157 = tpu.memref_squeeze %dma_start3A_156 : memref<1x128xi32, #tpu.memory_space<vmem>> -> memref<128xi32, #tpu.memory_space<vmem>>
        %dma_start3A_158 = arith.constant 0 : i32
        %dma_start3A_159 = tpu.memref_slice %arg20[%dma_start3A_158] : memref<50176xf32, #tpu.memory_space<vmem_shared>> -> memref<50176xf32, #tpu.memory_space<vmem_shared>>
        tpu.enqueue_indirect_dma source(%dma_start3A_159 : memref<50176xf32, #tpu.memory_space<vmem_shared>>) target(%dma_start3A_154 : memref<128xf32, #tpu.memory_space<vmem>>) offsets(%dma_start3A_157 : memref<128xi32, #tpu.memory_space<vmem>>) semaphore(%arg34 : memref<!tpu.dma_semaphore, #tpu.memory_space<semaphore_mem>>)
        %dma_start3A_160 = arith.constant 4 : i32
        %dma_start3A_161 = arith.constant 0 : i32
        %dma_start3A_162 = tpu.memref_slice %arg32[%dma_start3A_160, %dma_start3A_161] : memref<6x128xf32, #tpu.memory_space<vmem>> -> memref<1x128xf32, #tpu.memory_space<vmem>>
        %dma_start3A_163 = tpu.memref_squeeze %dma_start3A_162 : memref<1x128xf32, #tpu.memory_space<vmem>> -> memref<128xf32, #tpu.memory_space<vmem>>
        %dma_start3A_164 = arith.constant 0 : i32
        %dma_start3A_165 = tpu.memref_slice %arg29[%add3A_70, %dma_start3A_164] : memref<16x128xi32, #tpu.memory_space<vmem>> -> memref<1x128xi32, #tpu.memory_space<vmem>>
        %dma_start3A_166 = tpu.memref_squeeze %dma_start3A_165 : memref<1x128xi32, #tpu.memory_space<vmem>> -> memref<128xi32, #tpu.memory_space<vmem>>
        %dma_start3A_167 = arith.constant 0 : i32
        %dma_start3A_168 = tpu.memref_slice %arg21[%dma_start3A_167] : memref<50176xf32, #tpu.memory_space<vmem_shared>> -> memref<50176xf32, #tpu.memory_space<vmem_shared>>
        tpu.enqueue_indirect_dma source(%dma_start3A_168 : memref<50176xf32, #tpu.memory_space<vmem_shared>>) target(%dma_start3A_163 : memref<128xf32, #tpu.memory_space<vmem>>) offsets(%dma_start3A_166 : memref<128xi32, #tpu.memory_space<vmem>>) semaphore(%arg34 : memref<!tpu.dma_semaphore, #tpu.memory_space<semaphore_mem>>)
        %dma_start3A_169 = arith.constant 5 : i32
        %dma_start3A_170 = arith.constant 0 : i32
        %dma_start3A_171 = tpu.memref_slice %arg32[%dma_start3A_169, %dma_start3A_170] : memref<6x128xf32, #tpu.memory_space<vmem>> -> memref<1x128xf32, #tpu.memory_space<vmem>>
        %dma_start3A_172 = tpu.memref_squeeze %dma_start3A_171 : memref<1x128xf32, #tpu.memory_space<vmem>> -> memref<128xf32, #tpu.memory_space<vmem>>
        %dma_start3A_173 = arith.constant 0 : i32
        %dma_start3A_174 = tpu.memref_slice %arg29[%add3A_70, %dma_start3A_173] : memref<16x128xi32, #tpu.memory_space<vmem>> -> memref<1x128xi32, #tpu.memory_space<vmem>>
        %dma_start3A_175 = tpu.memref_squeeze %dma_start3A_174 : memref<1x128xi32, #tpu.memory_space<vmem>> -> memref<128xi32, #tpu.memory_space<vmem>>
        %dma_start3A_176 = arith.constant 0 : i32
        %dma_start3A_177 = tpu.memref_slice %arg22[%dma_start3A_176] : memref<50176xf32, #tpu.memory_space<vmem_shared>> -> memref<50176xf32, #tpu.memory_space<vmem_shared>>
        tpu.enqueue_indirect_dma source(%dma_start3A_177 : memref<50176xf32, #tpu.memory_space<vmem_shared>>) target(%dma_start3A_172 : memref<128xf32, #tpu.memory_space<vmem>>) offsets(%dma_start3A_175 : memref<128xi32, #tpu.memory_space<vmem>>) semaphore(%arg34 : memref<!tpu.dma_semaphore, #tpu.memory_space<semaphore_mem>>)
        %dma_wait3A = arith.constant 0 : i32
        %dma_wait3A_178 = arith.constant 0 : i32
        %dma_wait3A_179 = tpu.memref_slice %arg31[%dma_wait3A, %dma_wait3A_178] : memref<6x128xf32, #tpu.memory_space<vmem>> -> memref<1x128xf32, #tpu.memory_space<vmem>>
        %dma_wait3A_180 = tpu.memref_squeeze %dma_wait3A_179 : memref<1x128xf32, #tpu.memory_space<vmem>> -> memref<128xf32, #tpu.memory_space<vmem>>
        %dma_wait3A_181 = arith.constant 0 : i32
        %dma_wait3A_182 = tpu.memref_slice %arg29[%mul3A_68, %dma_wait3A_181] : memref<16x128xi32, #tpu.memory_space<vmem>> -> memref<1x128xi32, #tpu.memory_space<vmem>>
        %dma_wait3A_183 = tpu.memref_squeeze %dma_wait3A_182 : memref<1x128xi32, #tpu.memory_space<vmem>> -> memref<128xi32, #tpu.memory_space<vmem>>
        %dma_wait3A_184 = arith.constant 0 : i32
        %dma_wait3A_185 = tpu.memref_slice %arg17[%dma_wait3A_184] : memref<50176xf32, #tpu.memory_space<vmem_shared>> -> memref<50176xf32, #tpu.memory_space<vmem_shared>>
        tpu.wait_indirect_dma semaphore(%arg34 : memref<!tpu.dma_semaphore, #tpu.memory_space<semaphore_mem>>) src(%dma_wait3A_185 : memref<50176xf32, #tpu.memory_space<vmem_shared>>) dst(%dma_wait3A_180 : memref<128xf32, #tpu.memory_space<vmem>>)
        %dma_wait3A_186 = arith.constant 1 : i32
        %dma_wait3A_187 = arith.constant 0 : i32
        %dma_wait3A_188 = tpu.memref_slice %arg31[%dma_wait3A_186, %dma_wait3A_187] : memref<6x128xf32, #tpu.memory_space<vmem>> -> memref<1x128xf32, #tpu.memory_space<vmem>>
        %dma_wait3A_189 = tpu.memref_squeeze %dma_wait3A_188 : memref<1x128xf32, #tpu.memory_space<vmem>> -> memref<128xf32, #tpu.memory_space<vmem>>
        %dma_wait3A_190 = arith.constant 0 : i32
        %dma_wait3A_191 = tpu.memref_slice %arg29[%mul3A_68, %dma_wait3A_190] : memref<16x128xi32, #tpu.memory_space<vmem>> -> memref<1x128xi32, #tpu.memory_space<vmem>>
        %dma_wait3A_192 = tpu.memref_squeeze %dma_wait3A_191 : memref<1x128xi32, #tpu.memory_space<vmem>> -> memref<128xi32, #tpu.memory_space<vmem>>
        %dma_wait3A_193 = arith.constant 0 : i32
        %dma_wait3A_194 = tpu.memref_slice %arg18[%dma_wait3A_193] : memref<50176xf32, #tpu.memory_space<vmem_shared>> -> memref<50176xf32, #tpu.memory_space<vmem_shared>>
        tpu.wait_indirect_dma semaphore(%arg34 : memref<!tpu.dma_semaphore, #tpu.memory_space<semaphore_mem>>) src(%dma_wait3A_194 : memref<50176xf32, #tpu.memory_space<vmem_shared>>) dst(%dma_wait3A_189 : memref<128xf32, #tpu.memory_space<vmem>>)
        %dma_wait3A_195 = arith.constant 2 : i32
        %dma_wait3A_196 = arith.constant 0 : i32
        %dma_wait3A_197 = tpu.memref_slice %arg31[%dma_wait3A_195, %dma_wait3A_196] : memref<6x128xf32, #tpu.memory_space<vmem>> -> memref<1x128xf32, #tpu.memory_space<vmem>>
        %dma_wait3A_198 = tpu.memref_squeeze %dma_wait3A_197 : memref<1x128xf32, #tpu.memory_space<vmem>> -> memref<128xf32, #tpu.memory_space<vmem>>
        %dma_wait3A_199 = arith.constant 0 : i32
        %dma_wait3A_200 = tpu.memref_slice %arg29[%mul3A_68, %dma_wait3A_199] : memref<16x128xi32, #tpu.memory_space<vmem>> -> memref<1x128xi32, #tpu.memory_space<vmem>>
        %dma_wait3A_201 = tpu.memref_squeeze %dma_wait3A_200 : memref<1x128xi32, #tpu.memory_space<vmem>> -> memref<128xi32, #tpu.memory_space<vmem>>
        %dma_wait3A_202 = arith.constant 0 : i32
        %dma_wait3A_203 = tpu.memref_slice %arg19[%dma_wait3A_202] : memref<50176xf32, #tpu.memory_space<vmem_shared>> -> memref<50176xf32, #tpu.memory_space<vmem_shared>>
        tpu.wait_indirect_dma semaphore(%arg34 : memref<!tpu.dma_semaphore, #tpu.memory_space<semaphore_mem>>) src(%dma_wait3A_203 : memref<50176xf32, #tpu.memory_space<vmem_shared>>) dst(%dma_wait3A_198 : memref<128xf32, #tpu.memory_space<vmem>>)
        %dma_wait3A_204 = arith.constant 3 : i32
        %dma_wait3A_205 = arith.constant 0 : i32
        %dma_wait3A_206 = tpu.memref_slice %arg31[%dma_wait3A_204, %dma_wait3A_205] : memref<6x128xf32, #tpu.memory_space<vmem>> -> memref<1x128xf32, #tpu.memory_space<vmem>>
        %dma_wait3A_207 = tpu.memref_squeeze %dma_wait3A_206 : memref<1x128xf32, #tpu.memory_space<vmem>> -> memref<128xf32, #tpu.memory_space<vmem>>
        %dma_wait3A_208 = arith.constant 0 : i32
        %dma_wait3A_209 = tpu.memref_slice %arg29[%mul3A_68, %dma_wait3A_208] : memref<16x128xi32, #tpu.memory_space<vmem>> -> memref<1x128xi32, #tpu.memory_space<vmem>>
        %dma_wait3A_210 = tpu.memref_squeeze %dma_wait3A_209 : memref<1x128xi32, #tpu.memory_space<vmem>> -> memref<128xi32, #tpu.memory_space<vmem>>
        %dma_wait3A_211 = arith.constant 0 : i32
        %dma_wait3A_212 = tpu.memref_slice %arg20[%dma_wait3A_211] : memref<50176xf32, #tpu.memory_space<vmem_shared>> -> memref<50176xf32, #tpu.memory_space<vmem_shared>>
        tpu.wait_indirect_dma semaphore(%arg34 : memref<!tpu.dma_semaphore, #tpu.memory_space<semaphore_mem>>) src(%dma_wait3A_212 : memref<50176xf32, #tpu.memory_space<vmem_shared>>) dst(%dma_wait3A_207 : memref<128xf32, #tpu.memory_space<vmem>>)
        %dma_wait3A_213 = arith.constant 4 : i32
        %dma_wait3A_214 = arith.constant 0 : i32
        %dma_wait3A_215 = tpu.memref_slice %arg31[%dma_wait3A_213, %dma_wait3A_214] : memref<6x128xf32, #tpu.memory_space<vmem>> -> memref<1x128xf32, #tpu.memory_space<vmem>>
        %dma_wait3A_216 = tpu.memref_squeeze %dma_wait3A_215 : memref<1x128xf32, #tpu.memory_space<vmem>> -> memref<128xf32, #tpu.memory_space<vmem>>
        %dma_wait3A_217 = arith.constant 0 : i32
        %dma_wait3A_218 = tpu.memref_slice %arg29[%mul3A_68, %dma_wait3A_217] : memref<16x128xi32, #tpu.memory_space<vmem>> -> memref<1x128xi32, #tpu.memory_space<vmem>>
        %dma_wait3A_219 = tpu.memref_squeeze %dma_wait3A_218 : memref<1x128xi32, #tpu.memory_space<vmem>> -> memref<128xi32, #tpu.memory_space<vmem>>
        %dma_wait3A_220 = arith.constant 0 : i32
        %dma_wait3A_221 = tpu.memref_slice %arg21[%dma_wait3A_220] : memref<50176xf32, #tpu.memory_space<vmem_shared>> -> memref<50176xf32, #tpu.memory_space<vmem_shared>>
        tpu.wait_indirect_dma semaphore(%arg34 : memref<!tpu.dma_semaphore, #tpu.memory_space<semaphore_mem>>) src(%dma_wait3A_221 : memref<50176xf32, #tpu.memory_space<vmem_shared>>) dst(%dma_wait3A_216 : memref<128xf32, #tpu.memory_space<vmem>>)
        %dma_wait3A_222 = arith.constant 5 : i32
        %dma_wait3A_223 = arith.constant 0 : i32
        %dma_wait3A_224 = tpu.memref_slice %arg31[%dma_wait3A_222, %dma_wait3A_223] : memref<6x128xf32, #tpu.memory_space<vmem>> -> memref<1x128xf32, #tpu.memory_space<vmem>>
        %dma_wait3A_225 = tpu.memref_squeeze %dma_wait3A_224 : memref<1x128xf32, #tpu.memory_space<vmem>> -> memref<128xf32, #tpu.memory_space<vmem>>
        %dma_wait3A_226 = arith.constant 0 : i32
        %dma_wait3A_227 = tpu.memref_slice %arg29[%mul3A_68, %dma_wait3A_226] : memref<16x128xi32, #tpu.memory_space<vmem>> -> memref<1x128xi32, #tpu.memory_space<vmem>>
        %dma_wait3A_228 = tpu.memref_squeeze %dma_wait3A_227 : memref<1x128xi32, #tpu.memory_space<vmem>> -> memref<128xi32, #tpu.memory_space<vmem>>
        %dma_wait3A_229 = arith.constant 0 : i32
        %dma_wait3A_230 = tpu.memref_slice %arg22[%dma_wait3A_229] : memref<50176xf32, #tpu.memory_space<vmem_shared>> -> memref<50176xf32, #tpu.memory_space<vmem_shared>>
        tpu.wait_indirect_dma semaphore(%arg34 : memref<!tpu.dma_semaphore, #tpu.memory_space<semaphore_mem>>) src(%dma_wait3A_230 : memref<50176xf32, #tpu.memory_space<vmem_shared>>) dst(%dma_wait3A_225 : memref<128xf32, #tpu.memory_space<vmem>>)
        %dma_start3A_231 = arith.constant 0 : i32
        %dma_start3A_232 = arith.constant 0 : i32
        %dma_start3A_233 = tpu.memref_slice %arg31[%dma_start3A_231, %dma_start3A_232] : memref<6x128xf32, #tpu.memory_space<vmem>> -> memref<1x128xf32, #tpu.memory_space<vmem>>
        %dma_start3A_234 = tpu.memref_squeeze %dma_start3A_233 : memref<1x128xf32, #tpu.memory_space<vmem>> -> memref<128xf32, #tpu.memory_space<vmem>>
        %dma_start3A_235 = arith.constant 0 : i32
        %dma_start3A_236 = tpu.memref_slice %arg30[%mul3A_68, %dma_start3A_235] : memref<16x128xi32, #tpu.memory_space<vmem>> -> memref<1x128xi32, #tpu.memory_space<vmem>>
        %dma_start3A_237 = tpu.memref_squeeze %dma_start3A_236 : memref<1x128xi32, #tpu.memory_space<vmem>> -> memref<128xi32, #tpu.memory_space<vmem>>
        %dma_start3A_238 = arith.constant 0 : i32
        %dma_start3A_239 = tpu.memref_slice %arg23[%dma_start3A_238] : memref<50176xf32, #tpu.memory_space<vmem_shared>> -> memref<50176xf32, #tpu.memory_space<vmem_shared>>
        tpu.enqueue_indirect_dma source(%dma_start3A_234 : memref<128xf32, #tpu.memory_space<vmem>>) target(%dma_start3A_239 : memref<50176xf32, #tpu.memory_space<vmem_shared>>) offsets(%dma_start3A_237 : memref<128xi32, #tpu.memory_space<vmem>>) semaphore(%arg35 : memref<!tpu.dma_semaphore, #tpu.memory_space<semaphore_mem>>) {add = true}
        %dma_start3A_240 = arith.constant 1 : i32
        %dma_start3A_241 = arith.constant 0 : i32
        %dma_start3A_242 = tpu.memref_slice %arg31[%dma_start3A_240, %dma_start3A_241] : memref<6x128xf32, #tpu.memory_space<vmem>> -> memref<1x128xf32, #tpu.memory_space<vmem>>
        %dma_start3A_243 = tpu.memref_squeeze %dma_start3A_242 : memref<1x128xf32, #tpu.memory_space<vmem>> -> memref<128xf32, #tpu.memory_space<vmem>>
        %dma_start3A_244 = arith.constant 0 : i32
        %dma_start3A_245 = tpu.memref_slice %arg30[%mul3A_68, %dma_start3A_244] : memref<16x128xi32, #tpu.memory_space<vmem>> -> memref<1x128xi32, #tpu.memory_space<vmem>>
        %dma_start3A_246 = tpu.memref_squeeze %dma_start3A_245 : memref<1x128xi32, #tpu.memory_space<vmem>> -> memref<128xi32, #tpu.memory_space<vmem>>
        %dma_start3A_247 = arith.constant 0 : i32
        %dma_start3A_248 = tpu.memref_slice %arg24[%dma_start3A_247] : memref<50176xf32, #tpu.memory_space<vmem_shared>> -> memref<50176xf32, #tpu.memory_space<vmem_shared>>
        tpu.enqueue_indirect_dma source(%dma_start3A_243 : memref<128xf32, #tpu.memory_space<vmem>>) target(%dma_start3A_248 : memref<50176xf32, #tpu.memory_space<vmem_shared>>) offsets(%dma_start3A_246 : memref<128xi32, #tpu.memory_space<vmem>>) semaphore(%arg35 : memref<!tpu.dma_semaphore, #tpu.memory_space<semaphore_mem>>) {add = true}
        %dma_start3A_249 = arith.constant 2 : i32
        %dma_start3A_250 = arith.constant 0 : i32
        %dma_start3A_251 = tpu.memref_slice %arg31[%dma_start3A_249, %dma_start3A_250] : memref<6x128xf32, #tpu.memory_space<vmem>> -> memref<1x128xf32, #tpu.memory_space<vmem>>
        %dma_start3A_252 = tpu.memref_squeeze %dma_start3A_251 : memref<1x128xf32, #tpu.memory_space<vmem>> -> memref<128xf32, #tpu.memory_space<vmem>>
        %dma_start3A_253 = arith.constant 0 : i32
        %dma_start3A_254 = tpu.memref_slice %arg30[%mul3A_68, %dma_start3A_253] : memref<16x128xi32, #tpu.memory_space<vmem>> -> memref<1x128xi32, #tpu.memory_space<vmem>>
        %dma_start3A_255 = tpu.memref_squeeze %dma_start3A_254 : memref<1x128xi32, #tpu.memory_space<vmem>> -> memref<128xi32, #tpu.memory_space<vmem>>
        %dma_start3A_256 = arith.constant 0 : i32
        %dma_start3A_257 = tpu.memref_slice %arg25[%dma_start3A_256] : memref<50176xf32, #tpu.memory_space<vmem_shared>> -> memref<50176xf32, #tpu.memory_space<vmem_shared>>
        tpu.enqueue_indirect_dma source(%dma_start3A_252 : memref<128xf32, #tpu.memory_space<vmem>>) target(%dma_start3A_257 : memref<50176xf32, #tpu.memory_space<vmem_shared>>) offsets(%dma_start3A_255 : memref<128xi32, #tpu.memory_space<vmem>>) semaphore(%arg35 : memref<!tpu.dma_semaphore, #tpu.memory_space<semaphore_mem>>) {add = true}
        %dma_start3A_258 = arith.constant 3 : i32
        %dma_start3A_259 = arith.constant 0 : i32
        %dma_start3A_260 = tpu.memref_slice %arg31[%dma_start3A_258, %dma_start3A_259] : memref<6x128xf32, #tpu.memory_space<vmem>> -> memref<1x128xf32, #tpu.memory_space<vmem>>
        %dma_start3A_261 = tpu.memref_squeeze %dma_start3A_260 : memref<1x128xf32, #tpu.memory_space<vmem>> -> memref<128xf32, #tpu.memory_space<vmem>>
        %dma_start3A_262 = arith.constant 0 : i32
        %dma_start3A_263 = tpu.memref_slice %arg30[%mul3A_68, %dma_start3A_262] : memref<16x128xi32, #tpu.memory_space<vmem>> -> memref<1x128xi32, #tpu.memory_space<vmem>>
        %dma_start3A_264 = tpu.memref_squeeze %dma_start3A_263 : memref<1x128xi32, #tpu.memory_space<vmem>> -> memref<128xi32, #tpu.memory_space<vmem>>
        %dma_start3A_265 = arith.constant 0 : i32
        %dma_start3A_266 = tpu.memref_slice %arg26[%dma_start3A_265] : memref<50176xf32, #tpu.memory_space<vmem_shared>> -> memref<50176xf32, #tpu.memory_space<vmem_shared>>
        tpu.enqueue_indirect_dma source(%dma_start3A_261 : memref<128xf32, #tpu.memory_space<vmem>>) target(%dma_start3A_266 : memref<50176xf32, #tpu.memory_space<vmem_shared>>) offsets(%dma_start3A_264 : memref<128xi32, #tpu.memory_space<vmem>>) semaphore(%arg35 : memref<!tpu.dma_semaphore, #tpu.memory_space<semaphore_mem>>) {add = true}
        %dma_start3A_267 = arith.constant 4 : i32
        %dma_start3A_268 = arith.constant 0 : i32
        %dma_start3A_269 = tpu.memref_slice %arg31[%dma_start3A_267, %dma_start3A_268] : memref<6x128xf32, #tpu.memory_space<vmem>> -> memref<1x128xf32, #tpu.memory_space<vmem>>
        %dma_start3A_270 = tpu.memref_squeeze %dma_start3A_269 : memref<1x128xf32, #tpu.memory_space<vmem>> -> memref<128xf32, #tpu.memory_space<vmem>>
        %dma_start3A_271 = arith.constant 0 : i32
        %dma_start3A_272 = tpu.memref_slice %arg30[%mul3A_68, %dma_start3A_271] : memref<16x128xi32, #tpu.memory_space<vmem>> -> memref<1x128xi32, #tpu.memory_space<vmem>>
        %dma_start3A_273 = tpu.memref_squeeze %dma_start3A_272 : memref<1x128xi32, #tpu.memory_space<vmem>> -> memref<128xi32, #tpu.memory_space<vmem>>
        %dma_start3A_274 = arith.constant 0 : i32
        %dma_start3A_275 = tpu.memref_slice %arg27[%dma_start3A_274] : memref<50176xf32, #tpu.memory_space<vmem_shared>> -> memref<50176xf32, #tpu.memory_space<vmem_shared>>
        tpu.enqueue_indirect_dma source(%dma_start3A_270 : memref<128xf32, #tpu.memory_space<vmem>>) target(%dma_start3A_275 : memref<50176xf32, #tpu.memory_space<vmem_shared>>) offsets(%dma_start3A_273 : memref<128xi32, #tpu.memory_space<vmem>>) semaphore(%arg35 : memref<!tpu.dma_semaphore, #tpu.memory_space<semaphore_mem>>) {add = true}
        %dma_start3A_276 = arith.constant 5 : i32
        %dma_start3A_277 = arith.constant 0 : i32
        %dma_start3A_278 = tpu.memref_slice %arg31[%dma_start3A_276, %dma_start3A_277] : memref<6x128xf32, #tpu.memory_space<vmem>> -> memref<1x128xf32, #tpu.memory_space<vmem>>
        %dma_start3A_279 = tpu.memref_squeeze %dma_start3A_278 : memref<1x128xf32, #tpu.memory_space<vmem>> -> memref<128xf32, #tpu.memory_space<vmem>>
        %dma_start3A_280 = arith.constant 0 : i32
        %dma_start3A_281 = tpu.memref_slice %arg30[%mul3A_68, %dma_start3A_280] : memref<16x128xi32, #tpu.memory_space<vmem>> -> memref<1x128xi32, #tpu.memory_space<vmem>>
        %dma_start3A_282 = tpu.memref_squeeze %dma_start3A_281 : memref<1x128xi32, #tpu.memory_space<vmem>> -> memref<128xi32, #tpu.memory_space<vmem>>
        %dma_start3A_283 = arith.constant 0 : i32
        %dma_start3A_284 = tpu.memref_slice %arg28[%dma_start3A_283] : memref<50176xf32, #tpu.memory_space<vmem_shared>> -> memref<50176xf32, #tpu.memory_space<vmem_shared>>
        tpu.enqueue_indirect_dma source(%dma_start3A_279 : memref<128xf32, #tpu.memory_space<vmem>>) target(%dma_start3A_284 : memref<50176xf32, #tpu.memory_space<vmem_shared>>) offsets(%dma_start3A_282 : memref<128xi32, #tpu.memory_space<vmem>>) semaphore(%arg35 : memref<!tpu.dma_semaphore, #tpu.memory_space<semaphore_mem>>) {add = true}
        %dma_wait3A_285 = arith.constant 0 : i32
        %dma_wait3A_286 = arith.constant 0 : i32
        %dma_wait3A_287 = tpu.memref_slice %arg32[%dma_wait3A_285, %dma_wait3A_286] : memref<6x128xf32, #tpu.memory_space<vmem>> -> memref<1x128xf32, #tpu.memory_space<vmem>>
        %dma_wait3A_288 = tpu.memref_squeeze %dma_wait3A_287 : memref<1x128xf32, #tpu.memory_space<vmem>> -> memref<128xf32, #tpu.memory_space<vmem>>
        %dma_wait3A_289 = arith.constant 0 : i32
        %dma_wait3A_290 = tpu.memref_slice %arg29[%add3A_70, %dma_wait3A_289] : memref<16x128xi32, #tpu.memory_space<vmem>> -> memref<1x128xi32, #tpu.memory_space<vmem>>
        %dma_wait3A_291 = tpu.memref_squeeze %dma_wait3A_290 : memref<1x128xi32, #tpu.memory_space<vmem>> -> memref<128xi32, #tpu.memory_space<vmem>>
        %dma_wait3A_292 = arith.constant 0 : i32
        %dma_wait3A_293 = tpu.memref_slice %arg17[%dma_wait3A_292] : memref<50176xf32, #tpu.memory_space<vmem_shared>> -> memref<50176xf32, #tpu.memory_space<vmem_shared>>
        tpu.wait_indirect_dma semaphore(%arg34 : memref<!tpu.dma_semaphore, #tpu.memory_space<semaphore_mem>>) src(%dma_wait3A_293 : memref<50176xf32, #tpu.memory_space<vmem_shared>>) dst(%dma_wait3A_288 : memref<128xf32, #tpu.memory_space<vmem>>)
        %dma_wait3A_294 = arith.constant 1 : i32
        %dma_wait3A_295 = arith.constant 0 : i32
        %dma_wait3A_296 = tpu.memref_slice %arg32[%dma_wait3A_294, %dma_wait3A_295] : memref<6x128xf32, #tpu.memory_space<vmem>> -> memref<1x128xf32, #tpu.memory_space<vmem>>
        %dma_wait3A_297 = tpu.memref_squeeze %dma_wait3A_296 : memref<1x128xf32, #tpu.memory_space<vmem>> -> memref<128xf32, #tpu.memory_space<vmem>>
        %dma_wait3A_298 = arith.constant 0 : i32
        %dma_wait3A_299 = tpu.memref_slice %arg29[%add3A_70, %dma_wait3A_298] : memref<16x128xi32, #tpu.memory_space<vmem>> -> memref<1x128xi32, #tpu.memory_space<vmem>>
        %dma_wait3A_300 = tpu.memref_squeeze %dma_wait3A_299 : memref<1x128xi32, #tpu.memory_space<vmem>> -> memref<128xi32, #tpu.memory_space<vmem>>
        %dma_wait3A_301 = arith.constant 0 : i32
        %dma_wait3A_302 = tpu.memref_slice %arg18[%dma_wait3A_301] : memref<50176xf32, #tpu.memory_space<vmem_shared>> -> memref<50176xf32, #tpu.memory_space<vmem_shared>>
        tpu.wait_indirect_dma semaphore(%arg34 : memref<!tpu.dma_semaphore, #tpu.memory_space<semaphore_mem>>) src(%dma_wait3A_302 : memref<50176xf32, #tpu.memory_space<vmem_shared>>) dst(%dma_wait3A_297 : memref<128xf32, #tpu.memory_space<vmem>>)
        %dma_wait3A_303 = arith.constant 2 : i32
        %dma_wait3A_304 = arith.constant 0 : i32
        %dma_wait3A_305 = tpu.memref_slice %arg32[%dma_wait3A_303, %dma_wait3A_304] : memref<6x128xf32, #tpu.memory_space<vmem>> -> memref<1x128xf32, #tpu.memory_space<vmem>>
        %dma_wait3A_306 = tpu.memref_squeeze %dma_wait3A_305 : memref<1x128xf32, #tpu.memory_space<vmem>> -> memref<128xf32, #tpu.memory_space<vmem>>
        %dma_wait3A_307 = arith.constant 0 : i32
        %dma_wait3A_308 = tpu.memref_slice %arg29[%add3A_70, %dma_wait3A_307] : memref<16x128xi32, #tpu.memory_space<vmem>> -> memref<1x128xi32, #tpu.memory_space<vmem>>
        %dma_wait3A_309 = tpu.memref_squeeze %dma_wait3A_308 : memref<1x128xi32, #tpu.memory_space<vmem>> -> memref<128xi32, #tpu.memory_space<vmem>>
        %dma_wait3A_310 = arith.constant 0 : i32
        %dma_wait3A_311 = tpu.memref_slice %arg19[%dma_wait3A_310] : memref<50176xf32, #tpu.memory_space<vmem_shared>> -> memref<50176xf32, #tpu.memory_space<vmem_shared>>
        tpu.wait_indirect_dma semaphore(%arg34 : memref<!tpu.dma_semaphore, #tpu.memory_space<semaphore_mem>>) src(%dma_wait3A_311 : memref<50176xf32, #tpu.memory_space<vmem_shared>>) dst(%dma_wait3A_306 : memref<128xf32, #tpu.memory_space<vmem>>)
        %dma_wait3A_312 = arith.constant 3 : i32
        %dma_wait3A_313 = arith.constant 0 : i32
        %dma_wait3A_314 = tpu.memref_slice %arg32[%dma_wait3A_312, %dma_wait3A_313] : memref<6x128xf32, #tpu.memory_space<vmem>> -> memref<1x128xf32, #tpu.memory_space<vmem>>
        %dma_wait3A_315 = tpu.memref_squeeze %dma_wait3A_314 : memref<1x128xf32, #tpu.memory_space<vmem>> -> memref<128xf32, #tpu.memory_space<vmem>>
        %dma_wait3A_316 = arith.constant 0 : i32
        %dma_wait3A_317 = tpu.memref_slice %arg29[%add3A_70, %dma_wait3A_316] : memref<16x128xi32, #tpu.memory_space<vmem>> -> memref<1x128xi32, #tpu.memory_space<vmem>>
        %dma_wait3A_318 = tpu.memref_squeeze %dma_wait3A_317 : memref<1x128xi32, #tpu.memory_space<vmem>> -> memref<128xi32, #tpu.memory_space<vmem>>
        %dma_wait3A_319 = arith.constant 0 : i32
        %dma_wait3A_320 = tpu.memref_slice %arg20[%dma_wait3A_319] : memref<50176xf32, #tpu.memory_space<vmem_shared>> -> memref<50176xf32, #tpu.memory_space<vmem_shared>>
        tpu.wait_indirect_dma semaphore(%arg34 : memref<!tpu.dma_semaphore, #tpu.memory_space<semaphore_mem>>) src(%dma_wait3A_320 : memref<50176xf32, #tpu.memory_space<vmem_shared>>) dst(%dma_wait3A_315 : memref<128xf32, #tpu.memory_space<vmem>>)
        %dma_wait3A_321 = arith.constant 4 : i32
        %dma_wait3A_322 = arith.constant 0 : i32
        %dma_wait3A_323 = tpu.memref_slice %arg32[%dma_wait3A_321, %dma_wait3A_322] : memref<6x128xf32, #tpu.memory_space<vmem>> -> memref<1x128xf32, #tpu.memory_space<vmem>>
        %dma_wait3A_324 = tpu.memref_squeeze %dma_wait3A_323 : memref<1x128xf32, #tpu.memory_space<vmem>> -> memref<128xf32, #tpu.memory_space<vmem>>
        %dma_wait3A_325 = arith.constant 0 : i32
        %dma_wait3A_326 = tpu.memref_slice %arg29[%add3A_70, %dma_wait3A_325] : memref<16x128xi32, #tpu.memory_space<vmem>> -> memref<1x128xi32, #tpu.memory_space<vmem>>
        %dma_wait3A_327 = tpu.memref_squeeze %dma_wait3A_326 : memref<1x128xi32, #tpu.memory_space<vmem>> -> memref<128xi32, #tpu.memory_space<vmem>>
        %dma_wait3A_328 = arith.constant 0 : i32
        %dma_wait3A_329 = tpu.memref_slice %arg21[%dma_wait3A_328] : memref<50176xf32, #tpu.memory_space<vmem_shared>> -> memref<50176xf32, #tpu.memory_space<vmem_shared>>
        tpu.wait_indirect_dma semaphore(%arg34 : memref<!tpu.dma_semaphore, #tpu.memory_space<semaphore_mem>>) src(%dma_wait3A_329 : memref<50176xf32, #tpu.memory_space<vmem_shared>>) dst(%dma_wait3A_324 : memref<128xf32, #tpu.memory_space<vmem>>)
        %dma_wait3A_330 = arith.constant 5 : i32
        %dma_wait3A_331 = arith.constant 0 : i32
        %dma_wait3A_332 = tpu.memref_slice %arg32[%dma_wait3A_330, %dma_wait3A_331] : memref<6x128xf32, #tpu.memory_space<vmem>> -> memref<1x128xf32, #tpu.memory_space<vmem>>
        %dma_wait3A_333 = tpu.memref_squeeze %dma_wait3A_332 : memref<1x128xf32, #tpu.memory_space<vmem>> -> memref<128xf32, #tpu.memory_space<vmem>>
        %dma_wait3A_334 = arith.constant 0 : i32
        %dma_wait3A_335 = tpu.memref_slice %arg29[%add3A_70, %dma_wait3A_334] : memref<16x128xi32, #tpu.memory_space<vmem>> -> memref<1x128xi32, #tpu.memory_space<vmem>>
        %dma_wait3A_336 = tpu.memref_squeeze %dma_wait3A_335 : memref<1x128xi32, #tpu.memory_space<vmem>> -> memref<128xi32, #tpu.memory_space<vmem>>
        %dma_wait3A_337 = arith.constant 0 : i32
        %dma_wait3A_338 = tpu.memref_slice %arg22[%dma_wait3A_337] : memref<50176xf32, #tpu.memory_space<vmem_shared>> -> memref<50176xf32, #tpu.memory_space<vmem_shared>>
        tpu.wait_indirect_dma semaphore(%arg34 : memref<!tpu.dma_semaphore, #tpu.memory_space<semaphore_mem>>) src(%dma_wait3A_338 : memref<50176xf32, #tpu.memory_space<vmem_shared>>) dst(%dma_wait3A_333 : memref<128xf32, #tpu.memory_space<vmem>>)
        %dma_start3A_339 = arith.constant 0 : i32
        %dma_start3A_340 = arith.constant 0 : i32
        %dma_start3A_341 = tpu.memref_slice %arg32[%dma_start3A_339, %dma_start3A_340] : memref<6x128xf32, #tpu.memory_space<vmem>> -> memref<1x128xf32, #tpu.memory_space<vmem>>
        %dma_start3A_342 = tpu.memref_squeeze %dma_start3A_341 : memref<1x128xf32, #tpu.memory_space<vmem>> -> memref<128xf32, #tpu.memory_space<vmem>>
        %dma_start3A_343 = arith.constant 0 : i32
        %dma_start3A_344 = tpu.memref_slice %arg30[%add3A_70, %dma_start3A_343] : memref<16x128xi32, #tpu.memory_space<vmem>> -> memref<1x128xi32, #tpu.memory_space<vmem>>
        %dma_start3A_345 = tpu.memref_squeeze %dma_start3A_344 : memref<1x128xi32, #tpu.memory_space<vmem>> -> memref<128xi32, #tpu.memory_space<vmem>>
        %dma_start3A_346 = arith.constant 0 : i32
        %dma_start3A_347 = tpu.memref_slice %arg23[%dma_start3A_346] : memref<50176xf32, #tpu.memory_space<vmem_shared>> -> memref<50176xf32, #tpu.memory_space<vmem_shared>>
        tpu.enqueue_indirect_dma source(%dma_start3A_342 : memref<128xf32, #tpu.memory_space<vmem>>) target(%dma_start3A_347 : memref<50176xf32, #tpu.memory_space<vmem_shared>>) offsets(%dma_start3A_345 : memref<128xi32, #tpu.memory_space<vmem>>) semaphore(%arg35 : memref<!tpu.dma_semaphore, #tpu.memory_space<semaphore_mem>>) {add = true}
        %dma_start3A_348 = arith.constant 1 : i32
        %dma_start3A_349 = arith.constant 0 : i32
        %dma_start3A_350 = tpu.memref_slice %arg32[%dma_start3A_348, %dma_start3A_349] : memref<6x128xf32, #tpu.memory_space<vmem>> -> memref<1x128xf32, #tpu.memory_space<vmem>>
        %dma_start3A_351 = tpu.memref_squeeze %dma_start3A_350 : memref<1x128xf32, #tpu.memory_space<vmem>> -> memref<128xf32, #tpu.memory_space<vmem>>
        %dma_start3A_352 = arith.constant 0 : i32
        %dma_start3A_353 = tpu.memref_slice %arg30[%add3A_70, %dma_start3A_352] : memref<16x128xi32, #tpu.memory_space<vmem>> -> memref<1x128xi32, #tpu.memory_space<vmem>>
        %dma_start3A_354 = tpu.memref_squeeze %dma_start3A_353 : memref<1x128xi32, #tpu.memory_space<vmem>> -> memref<128xi32, #tpu.memory_space<vmem>>
        %dma_start3A_355 = arith.constant 0 : i32
        %dma_start3A_356 = tpu.memref_slice %arg24[%dma_start3A_355] : memref<50176xf32, #tpu.memory_space<vmem_shared>> -> memref<50176xf32, #tpu.memory_space<vmem_shared>>
        tpu.enqueue_indirect_dma source(%dma_start3A_351 : memref<128xf32, #tpu.memory_space<vmem>>) target(%dma_start3A_356 : memref<50176xf32, #tpu.memory_space<vmem_shared>>) offsets(%dma_start3A_354 : memref<128xi32, #tpu.memory_space<vmem>>) semaphore(%arg35 : memref<!tpu.dma_semaphore, #tpu.memory_space<semaphore_mem>>) {add = true}
        %dma_start3A_357 = arith.constant 2 : i32
        %dma_start3A_358 = arith.constant 0 : i32
        %dma_start3A_359 = tpu.memref_slice %arg32[%dma_start3A_357, %dma_start3A_358] : memref<6x128xf32, #tpu.memory_space<vmem>> -> memref<1x128xf32, #tpu.memory_space<vmem>>
        %dma_start3A_360 = tpu.memref_squeeze %dma_start3A_359 : memref<1x128xf32, #tpu.memory_space<vmem>> -> memref<128xf32, #tpu.memory_space<vmem>>
        %dma_start3A_361 = arith.constant 0 : i32
        %dma_start3A_362 = tpu.memref_slice %arg30[%add3A_70, %dma_start3A_361] : memref<16x128xi32, #tpu.memory_space<vmem>> -> memref<1x128xi32, #tpu.memory_space<vmem>>
        %dma_start3A_363 = tpu.memref_squeeze %dma_start3A_362 : memref<1x128xi32, #tpu.memory_space<vmem>> -> memref<128xi32, #tpu.memory_space<vmem>>
        %dma_start3A_364 = arith.constant 0 : i32
        %dma_start3A_365 = tpu.memref_slice %arg25[%dma_start3A_364] : memref<50176xf32, #tpu.memory_space<vmem_shared>> -> memref<50176xf32, #tpu.memory_space<vmem_shared>>
        tpu.enqueue_indirect_dma source(%dma_start3A_360 : memref<128xf32, #tpu.memory_space<vmem>>) target(%dma_start3A_365 : memref<50176xf32, #tpu.memory_space<vmem_shared>>) offsets(%dma_start3A_363 : memref<128xi32, #tpu.memory_space<vmem>>) semaphore(%arg35 : memref<!tpu.dma_semaphore, #tpu.memory_space<semaphore_mem>>) {add = true}
        %dma_start3A_366 = arith.constant 3 : i32
        %dma_start3A_367 = arith.constant 0 : i32
        %dma_start3A_368 = tpu.memref_slice %arg32[%dma_start3A_366, %dma_start3A_367] : memref<6x128xf32, #tpu.memory_space<vmem>> -> memref<1x128xf32, #tpu.memory_space<vmem>>
        %dma_start3A_369 = tpu.memref_squeeze %dma_start3A_368 : memref<1x128xf32, #tpu.memory_space<vmem>> -> memref<128xf32, #tpu.memory_space<vmem>>
        %dma_start3A_370 = arith.constant 0 : i32
        %dma_start3A_371 = tpu.memref_slice %arg30[%add3A_70, %dma_start3A_370] : memref<16x128xi32, #tpu.memory_space<vmem>> -> memref<1x128xi32, #tpu.memory_space<vmem>>
        %dma_start3A_372 = tpu.memref_squeeze %dma_start3A_371 : memref<1x128xi32, #tpu.memory_space<vmem>> -> memref<128xi32, #tpu.memory_space<vmem>>
        %dma_start3A_373 = arith.constant 0 : i32
        %dma_start3A_374 = tpu.memref_slice %arg26[%dma_start3A_373] : memref<50176xf32, #tpu.memory_space<vmem_shared>> -> memref<50176xf32, #tpu.memory_space<vmem_shared>>
        tpu.enqueue_indirect_dma source(%dma_start3A_369 : memref<128xf32, #tpu.memory_space<vmem>>) target(%dma_start3A_374 : memref<50176xf32, #tpu.memory_space<vmem_shared>>) offsets(%dma_start3A_372 : memref<128xi32, #tpu.memory_space<vmem>>) semaphore(%arg35 : memref<!tpu.dma_semaphore, #tpu.memory_space<semaphore_mem>>) {add = true}
        %dma_start3A_375 = arith.constant 4 : i32
        %dma_start3A_376 = arith.constant 0 : i32
        %dma_start3A_377 = tpu.memref_slice %arg32[%dma_start3A_375, %dma_start3A_376] : memref<6x128xf32, #tpu.memory_space<vmem>> -> memref<1x128xf32, #tpu.memory_space<vmem>>
        %dma_start3A_378 = tpu.memref_squeeze %dma_start3A_377 : memref<1x128xf32, #tpu.memory_space<vmem>> -> memref<128xf32, #tpu.memory_space<vmem>>
        %dma_start3A_379 = arith.constant 0 : i32
        %dma_start3A_380 = tpu.memref_slice %arg30[%add3A_70, %dma_start3A_379] : memref<16x128xi32, #tpu.memory_space<vmem>> -> memref<1x128xi32, #tpu.memory_space<vmem>>
        %dma_start3A_381 = tpu.memref_squeeze %dma_start3A_380 : memref<1x128xi32, #tpu.memory_space<vmem>> -> memref<128xi32, #tpu.memory_space<vmem>>
        %dma_start3A_382 = arith.constant 0 : i32
        %dma_start3A_383 = tpu.memref_slice %arg27[%dma_start3A_382] : memref<50176xf32, #tpu.memory_space<vmem_shared>> -> memref<50176xf32, #tpu.memory_space<vmem_shared>>
        tpu.enqueue_indirect_dma source(%dma_start3A_378 : memref<128xf32, #tpu.memory_space<vmem>>) target(%dma_start3A_383 : memref<50176xf32, #tpu.memory_space<vmem_shared>>) offsets(%dma_start3A_381 : memref<128xi32, #tpu.memory_space<vmem>>) semaphore(%arg35 : memref<!tpu.dma_semaphore, #tpu.memory_space<semaphore_mem>>) {add = true}
        %dma_start3A_384 = arith.constant 5 : i32
        %dma_start3A_385 = arith.constant 0 : i32
        %dma_start3A_386 = tpu.memref_slice %arg32[%dma_start3A_384, %dma_start3A_385] : memref<6x128xf32, #tpu.memory_space<vmem>> -> memref<1x128xf32, #tpu.memory_space<vmem>>
        %dma_start3A_387 = tpu.memref_squeeze %dma_start3A_386 : memref<1x128xf32, #tpu.memory_space<vmem>> -> memref<128xf32, #tpu.memory_space<vmem>>
        %dma_start3A_388 = arith.constant 0 : i32
        %dma_start3A_389 = tpu.memref_slice %arg30[%add3A_70, %dma_start3A_388] : memref<16x128xi32, #tpu.memory_space<vmem>> -> memref<1x128xi32, #tpu.memory_space<vmem>>
        %dma_start3A_390 = tpu.memref_squeeze %dma_start3A_389 : memref<1x128xi32, #tpu.memory_space<vmem>> -> memref<128xi32, #tpu.memory_space<vmem>>
        %dma_start3A_391 = arith.constant 0 : i32
        %dma_start3A_392 = tpu.memref_slice %arg28[%dma_start3A_391] : memref<50176xf32, #tpu.memory_space<vmem_shared>> -> memref<50176xf32, #tpu.memory_space<vmem_shared>>
        tpu.enqueue_indirect_dma source(%dma_start3A_387 : memref<128xf32, #tpu.memory_space<vmem>>) target(%dma_start3A_392 : memref<50176xf32, #tpu.memory_space<vmem_shared>>) offsets(%dma_start3A_390 : memref<128xi32, #tpu.memory_space<vmem>>) semaphore(%arg35 : memref<!tpu.dma_semaphore, #tpu.memory_space<semaphore_mem>>) {add = true}
        %dma_wait3A_393 = arith.constant 0 : i32
        %dma_wait3A_394 = arith.constant 0 : i32
        %dma_wait3A_395 = tpu.memref_slice %arg31[%dma_wait3A_393, %dma_wait3A_394] : memref<6x128xf32, #tpu.memory_space<vmem>> -> memref<1x128xf32, #tpu.memory_space<vmem>>
        %dma_wait3A_396 = tpu.memref_squeeze %dma_wait3A_395 : memref<1x128xf32, #tpu.memory_space<vmem>> -> memref<128xf32, #tpu.memory_space<vmem>>
        %dma_wait3A_397 = arith.constant 0 : i32
        %dma_wait3A_398 = tpu.memref_slice %arg30[%mul3A_68, %dma_wait3A_397] : memref<16x128xi32, #tpu.memory_space<vmem>> -> memref<1x128xi32, #tpu.memory_space<vmem>>
        %dma_wait3A_399 = tpu.memref_squeeze %dma_wait3A_398 : memref<1x128xi32, #tpu.memory_space<vmem>> -> memref<128xi32, #tpu.memory_space<vmem>>
        %dma_wait3A_400 = arith.constant 0 : i32
        %dma_wait3A_401 = tpu.memref_slice %arg23[%dma_wait3A_400] : memref<50176xf32, #tpu.memory_space<vmem_shared>> -> memref<50176xf32, #tpu.memory_space<vmem_shared>>
        tpu.wait_indirect_dma semaphore(%arg35 : memref<!tpu.dma_semaphore, #tpu.memory_space<semaphore_mem>>) src(%dma_wait3A_396 : memref<128xf32, #tpu.memory_space<vmem>>) dst(%dma_wait3A_401 : memref<50176xf32, #tpu.memory_space<vmem_shared>>)
        %dma_wait3A_402 = arith.constant 1 : i32
        %dma_wait3A_403 = arith.constant 0 : i32
        %dma_wait3A_404 = tpu.memref_slice %arg31[%dma_wait3A_402, %dma_wait3A_403] : memref<6x128xf32, #tpu.memory_space<vmem>> -> memref<1x128xf32, #tpu.memory_space<vmem>>
        %dma_wait3A_405 = tpu.memref_squeeze %dma_wait3A_404 : memref<1x128xf32, #tpu.memory_space<vmem>> -> memref<128xf32, #tpu.memory_space<vmem>>
        %dma_wait3A_406 = arith.constant 0 : i32
        %dma_wait3A_407 = tpu.memref_slice %arg30[%mul3A_68, %dma_wait3A_406] : memref<16x128xi32, #tpu.memory_space<vmem>> -> memref<1x128xi32, #tpu.memory_space<vmem>>
        %dma_wait3A_408 = tpu.memref_squeeze %dma_wait3A_407 : memref<1x128xi32, #tpu.memory_space<vmem>> -> memref<128xi32, #tpu.memory_space<vmem>>
        %dma_wait3A_409 = arith.constant 0 : i32
        %dma_wait3A_410 = tpu.memref_slice %arg24[%dma_wait3A_409] : memref<50176xf32, #tpu.memory_space<vmem_shared>> -> memref<50176xf32, #tpu.memory_space<vmem_shared>>
        tpu.wait_indirect_dma semaphore(%arg35 : memref<!tpu.dma_semaphore, #tpu.memory_space<semaphore_mem>>) src(%dma_wait3A_405 : memref<128xf32, #tpu.memory_space<vmem>>) dst(%dma_wait3A_410 : memref<50176xf32, #tpu.memory_space<vmem_shared>>)
        %dma_wait3A_411 = arith.constant 2 : i32
        %dma_wait3A_412 = arith.constant 0 : i32
        %dma_wait3A_413 = tpu.memref_slice %arg31[%dma_wait3A_411, %dma_wait3A_412] : memref<6x128xf32, #tpu.memory_space<vmem>> -> memref<1x128xf32, #tpu.memory_space<vmem>>
        %dma_wait3A_414 = tpu.memref_squeeze %dma_wait3A_413 : memref<1x128xf32, #tpu.memory_space<vmem>> -> memref<128xf32, #tpu.memory_space<vmem>>
        %dma_wait3A_415 = arith.constant 0 : i32
        %dma_wait3A_416 = tpu.memref_slice %arg30[%mul3A_68, %dma_wait3A_415] : memref<16x128xi32, #tpu.memory_space<vmem>> -> memref<1x128xi32, #tpu.memory_space<vmem>>
        %dma_wait3A_417 = tpu.memref_squeeze %dma_wait3A_416 : memref<1x128xi32, #tpu.memory_space<vmem>> -> memref<128xi32, #tpu.memory_space<vmem>>
        %dma_wait3A_418 = arith.constant 0 : i32
        %dma_wait3A_419 = tpu.memref_slice %arg25[%dma_wait3A_418] : memref<50176xf32, #tpu.memory_space<vmem_shared>> -> memref<50176xf32, #tpu.memory_space<vmem_shared>>
        tpu.wait_indirect_dma semaphore(%arg35 : memref<!tpu.dma_semaphore, #tpu.memory_space<semaphore_mem>>) src(%dma_wait3A_414 : memref<128xf32, #tpu.memory_space<vmem>>) dst(%dma_wait3A_419 : memref<50176xf32, #tpu.memory_space<vmem_shared>>)
        %dma_wait3A_420 = arith.constant 3 : i32
        %dma_wait3A_421 = arith.constant 0 : i32
        %dma_wait3A_422 = tpu.memref_slice %arg31[%dma_wait3A_420, %dma_wait3A_421] : memref<6x128xf32, #tpu.memory_space<vmem>> -> memref<1x128xf32, #tpu.memory_space<vmem>>
        %dma_wait3A_423 = tpu.memref_squeeze %dma_wait3A_422 : memref<1x128xf32, #tpu.memory_space<vmem>> -> memref<128xf32, #tpu.memory_space<vmem>>
        %dma_wait3A_424 = arith.constant 0 : i32
        %dma_wait3A_425 = tpu.memref_slice %arg30[%mul3A_68, %dma_wait3A_424] : memref<16x128xi32, #tpu.memory_space<vmem>> -> memref<1x128xi32, #tpu.memory_space<vmem>>
        %dma_wait3A_426 = tpu.memref_squeeze %dma_wait3A_425 : memref<1x128xi32, #tpu.memory_space<vmem>> -> memref<128xi32, #tpu.memory_space<vmem>>
        %dma_wait3A_427 = arith.constant 0 : i32
        %dma_wait3A_428 = tpu.memref_slice %arg26[%dma_wait3A_427] : memref<50176xf32, #tpu.memory_space<vmem_shared>> -> memref<50176xf32, #tpu.memory_space<vmem_shared>>
        tpu.wait_indirect_dma semaphore(%arg35 : memref<!tpu.dma_semaphore, #tpu.memory_space<semaphore_mem>>) src(%dma_wait3A_423 : memref<128xf32, #tpu.memory_space<vmem>>) dst(%dma_wait3A_428 : memref<50176xf32, #tpu.memory_space<vmem_shared>>)
        %dma_wait3A_429 = arith.constant 4 : i32
        %dma_wait3A_430 = arith.constant 0 : i32
        %dma_wait3A_431 = tpu.memref_slice %arg31[%dma_wait3A_429, %dma_wait3A_430] : memref<6x128xf32, #tpu.memory_space<vmem>> -> memref<1x128xf32, #tpu.memory_space<vmem>>
        %dma_wait3A_432 = tpu.memref_squeeze %dma_wait3A_431 : memref<1x128xf32, #tpu.memory_space<vmem>> -> memref<128xf32, #tpu.memory_space<vmem>>
        %dma_wait3A_433 = arith.constant 0 : i32
        %dma_wait3A_434 = tpu.memref_slice %arg30[%mul3A_68, %dma_wait3A_433] : memref<16x128xi32, #tpu.memory_space<vmem>> -> memref<1x128xi32, #tpu.memory_space<vmem>>
        %dma_wait3A_435 = tpu.memref_squeeze %dma_wait3A_434 : memref<1x128xi32, #tpu.memory_space<vmem>> -> memref<128xi32, #tpu.memory_space<vmem>>
        %dma_wait3A_436 = arith.constant 0 : i32
        %dma_wait3A_437 = tpu.memref_slice %arg27[%dma_wait3A_436] : memref<50176xf32, #tpu.memory_space<vmem_shared>> -> memref<50176xf32, #tpu.memory_space<vmem_shared>>
        tpu.wait_indirect_dma semaphore(%arg35 : memref<!tpu.dma_semaphore, #tpu.memory_space<semaphore_mem>>) src(%dma_wait3A_432 : memref<128xf32, #tpu.memory_space<vmem>>) dst(%dma_wait3A_437 : memref<50176xf32, #tpu.memory_space<vmem_shared>>)
        %dma_wait3A_438 = arith.constant 5 : i32
        %dma_wait3A_439 = arith.constant 0 : i32
        %dma_wait3A_440 = tpu.memref_slice %arg31[%dma_wait3A_438, %dma_wait3A_439] : memref<6x128xf32, #tpu.memory_space<vmem>> -> memref<1x128xf32, #tpu.memory_space<vmem>>
        %dma_wait3A_441 = tpu.memref_squeeze %dma_wait3A_440 : memref<1x128xf32, #tpu.memory_space<vmem>> -> memref<128xf32, #tpu.memory_space<vmem>>
        %dma_wait3A_442 = arith.constant 0 : i32
        %dma_wait3A_443 = tpu.memref_slice %arg30[%mul3A_68, %dma_wait3A_442] : memref<16x128xi32, #tpu.memory_space<vmem>> -> memref<1x128xi32, #tpu.memory_space<vmem>>
        %dma_wait3A_444 = tpu.memref_squeeze %dma_wait3A_443 : memref<1x128xi32, #tpu.memory_space<vmem>> -> memref<128xi32, #tpu.memory_space<vmem>>
        %dma_wait3A_445 = arith.constant 0 : i32
        %dma_wait3A_446 = tpu.memref_slice %arg28[%dma_wait3A_445] : memref<50176xf32, #tpu.memory_space<vmem_shared>> -> memref<50176xf32, #tpu.memory_space<vmem_shared>>
        tpu.wait_indirect_dma semaphore(%arg35 : memref<!tpu.dma_semaphore, #tpu.memory_space<semaphore_mem>>) src(%dma_wait3A_441 : memref<128xf32, #tpu.memory_space<vmem>>) dst(%dma_wait3A_446 : memref<50176xf32, #tpu.memory_space<vmem_shared>>)
        %dma_wait3A_447 = arith.constant 0 : i32
        %dma_wait3A_448 = arith.constant 0 : i32
        %dma_wait3A_449 = tpu.memref_slice %arg32[%dma_wait3A_447, %dma_wait3A_448] : memref<6x128xf32, #tpu.memory_space<vmem>> -> memref<1x128xf32, #tpu.memory_space<vmem>>
        %dma_wait3A_450 = tpu.memref_squeeze %dma_wait3A_449 : memref<1x128xf32, #tpu.memory_space<vmem>> -> memref<128xf32, #tpu.memory_space<vmem>>
        %dma_wait3A_451 = arith.constant 0 : i32
        %dma_wait3A_452 = tpu.memref_slice %arg30[%add3A_70, %dma_wait3A_451] : memref<16x128xi32, #tpu.memory_space<vmem>> -> memref<1x128xi32, #tpu.memory_space<vmem>>
        %dma_wait3A_453 = tpu.memref_squeeze %dma_wait3A_452 : memref<1x128xi32, #tpu.memory_space<vmem>> -> memref<128xi32, #tpu.memory_space<vmem>>
        %dma_wait3A_454 = arith.constant 0 : i32
        %dma_wait3A_455 = tpu.memref_slice %arg23[%dma_wait3A_454] : memref<50176xf32, #tpu.memory_space<vmem_shared>> -> memref<50176xf32, #tpu.memory_space<vmem_shared>>
        tpu.wait_indirect_dma semaphore(%arg35 : memref<!tpu.dma_semaphore, #tpu.memory_space<semaphore_mem>>) src(%dma_wait3A_450 : memref<128xf32, #tpu.memory_space<vmem>>) dst(%dma_wait3A_455 : memref<50176xf32, #tpu.memory_space<vmem_shared>>)
        %dma_wait3A_456 = arith.constant 1 : i32
        %dma_wait3A_457 = arith.constant 0 : i32
        %dma_wait3A_458 = tpu.memref_slice %arg32[%dma_wait3A_456, %dma_wait3A_457] : memref<6x128xf32, #tpu.memory_space<vmem>> -> memref<1x128xf32, #tpu.memory_space<vmem>>
        %dma_wait3A_459 = tpu.memref_squeeze %dma_wait3A_458 : memref<1x128xf32, #tpu.memory_space<vmem>> -> memref<128xf32, #tpu.memory_space<vmem>>
        %dma_wait3A_460 = arith.constant 0 : i32
        %dma_wait3A_461 = tpu.memref_slice %arg30[%add3A_70, %dma_wait3A_460] : memref<16x128xi32, #tpu.memory_space<vmem>> -> memref<1x128xi32, #tpu.memory_space<vmem>>
        %dma_wait3A_462 = tpu.memref_squeeze %dma_wait3A_461 : memref<1x128xi32, #tpu.memory_space<vmem>> -> memref<128xi32, #tpu.memory_space<vmem>>
        %dma_wait3A_463 = arith.constant 0 : i32
        %dma_wait3A_464 = tpu.memref_slice %arg24[%dma_wait3A_463] : memref<50176xf32, #tpu.memory_space<vmem_shared>> -> memref<50176xf32, #tpu.memory_space<vmem_shared>>
        tpu.wait_indirect_dma semaphore(%arg35 : memref<!tpu.dma_semaphore, #tpu.memory_space<semaphore_mem>>) src(%dma_wait3A_459 : memref<128xf32, #tpu.memory_space<vmem>>) dst(%dma_wait3A_464 : memref<50176xf32, #tpu.memory_space<vmem_shared>>)
        %dma_wait3A_465 = arith.constant 2 : i32
        %dma_wait3A_466 = arith.constant 0 : i32
        %dma_wait3A_467 = tpu.memref_slice %arg32[%dma_wait3A_465, %dma_wait3A_466] : memref<6x128xf32, #tpu.memory_space<vmem>> -> memref<1x128xf32, #tpu.memory_space<vmem>>
        %dma_wait3A_468 = tpu.memref_squeeze %dma_wait3A_467 : memref<1x128xf32, #tpu.memory_space<vmem>> -> memref<128xf32, #tpu.memory_space<vmem>>
        %dma_wait3A_469 = arith.constant 0 : i32
        %dma_wait3A_470 = tpu.memref_slice %arg30[%add3A_70, %dma_wait3A_469] : memref<16x128xi32, #tpu.memory_space<vmem>> -> memref<1x128xi32, #tpu.memory_space<vmem>>
        %dma_wait3A_471 = tpu.memref_squeeze %dma_wait3A_470 : memref<1x128xi32, #tpu.memory_space<vmem>> -> memref<128xi32, #tpu.memory_space<vmem>>
        %dma_wait3A_472 = arith.constant 0 : i32
        %dma_wait3A_473 = tpu.memref_slice %arg25[%dma_wait3A_472] : memref<50176xf32, #tpu.memory_space<vmem_shared>> -> memref<50176xf32, #tpu.memory_space<vmem_shared>>
        tpu.wait_indirect_dma semaphore(%arg35 : memref<!tpu.dma_semaphore, #tpu.memory_space<semaphore_mem>>) src(%dma_wait3A_468 : memref<128xf32, #tpu.memory_space<vmem>>) dst(%dma_wait3A_473 : memref<50176xf32, #tpu.memory_space<vmem_shared>>)
        %dma_wait3A_474 = arith.constant 3 : i32
        %dma_wait3A_475 = arith.constant 0 : i32
        %dma_wait3A_476 = tpu.memref_slice %arg32[%dma_wait3A_474, %dma_wait3A_475] : memref<6x128xf32, #tpu.memory_space<vmem>> -> memref<1x128xf32, #tpu.memory_space<vmem>>
        %dma_wait3A_477 = tpu.memref_squeeze %dma_wait3A_476 : memref<1x128xf32, #tpu.memory_space<vmem>> -> memref<128xf32, #tpu.memory_space<vmem>>
        %dma_wait3A_478 = arith.constant 0 : i32
        %dma_wait3A_479 = tpu.memref_slice %arg30[%add3A_70, %dma_wait3A_478] : memref<16x128xi32, #tpu.memory_space<vmem>> -> memref<1x128xi32, #tpu.memory_space<vmem>>
        %dma_wait3A_480 = tpu.memref_squeeze %dma_wait3A_479 : memref<1x128xi32, #tpu.memory_space<vmem>> -> memref<128xi32, #tpu.memory_space<vmem>>
        %dma_wait3A_481 = arith.constant 0 : i32
        %dma_wait3A_482 = tpu.memref_slice %arg26[%dma_wait3A_481] : memref<50176xf32, #tpu.memory_space<vmem_shared>> -> memref<50176xf32, #tpu.memory_space<vmem_shared>>
        tpu.wait_indirect_dma semaphore(%arg35 : memref<!tpu.dma_semaphore, #tpu.memory_space<semaphore_mem>>) src(%dma_wait3A_477 : memref<128xf32, #tpu.memory_space<vmem>>) dst(%dma_wait3A_482 : memref<50176xf32, #tpu.memory_space<vmem_shared>>)
        %dma_wait3A_483 = arith.constant 4 : i32
        %dma_wait3A_484 = arith.constant 0 : i32
        %dma_wait3A_485 = tpu.memref_slice %arg32[%dma_wait3A_483, %dma_wait3A_484] : memref<6x128xf32, #tpu.memory_space<vmem>> -> memref<1x128xf32, #tpu.memory_space<vmem>>
        %dma_wait3A_486 = tpu.memref_squeeze %dma_wait3A_485 : memref<1x128xf32, #tpu.memory_space<vmem>> -> memref<128xf32, #tpu.memory_space<vmem>>
        %dma_wait3A_487 = arith.constant 0 : i32
        %dma_wait3A_488 = tpu.memref_slice %arg30[%add3A_70, %dma_wait3A_487] : memref<16x128xi32, #tpu.memory_space<vmem>> -> memref<1x128xi32, #tpu.memory_space<vmem>>
        %dma_wait3A_489 = tpu.memref_squeeze %dma_wait3A_488 : memref<1x128xi32, #tpu.memory_space<vmem>> -> memref<128xi32, #tpu.memory_space<vmem>>
        %dma_wait3A_490 = arith.constant 0 : i32
        %dma_wait3A_491 = tpu.memref_slice %arg27[%dma_wait3A_490] : memref<50176xf32, #tpu.memory_space<vmem_shared>> -> memref<50176xf32, #tpu.memory_space<vmem_shared>>
        tpu.wait_indirect_dma semaphore(%arg35 : memref<!tpu.dma_semaphore, #tpu.memory_space<semaphore_mem>>) src(%dma_wait3A_486 : memref<128xf32, #tpu.memory_space<vmem>>) dst(%dma_wait3A_491 : memref<50176xf32, #tpu.memory_space<vmem_shared>>)
        %dma_wait3A_492 = arith.constant 5 : i32
        %dma_wait3A_493 = arith.constant 0 : i32
        %dma_wait3A_494 = tpu.memref_slice %arg32[%dma_wait3A_492, %dma_wait3A_493] : memref<6x128xf32, #tpu.memory_space<vmem>> -> memref<1x128xf32, #tpu.memory_space<vmem>>
        %dma_wait3A_495 = tpu.memref_squeeze %dma_wait3A_494 : memref<1x128xf32, #tpu.memory_space<vmem>> -> memref<128xf32, #tpu.memory_space<vmem>>
        %dma_wait3A_496 = arith.constant 0 : i32
        %dma_wait3A_497 = tpu.memref_slice %arg30[%add3A_70, %dma_wait3A_496] : memref<16x128xi32, #tpu.memory_space<vmem>> -> memref<1x128xi32, #tpu.memory_space<vmem>>
        %dma_wait3A_498 = tpu.memref_squeeze %dma_wait3A_497 : memref<1x128xi32, #tpu.memory_space<vmem>> -> memref<128xi32, #tpu.memory_space<vmem>>
        %dma_wait3A_499 = arith.constant 0 : i32
        %dma_wait3A_500 = tpu.memref_slice %arg28[%dma_wait3A_499] : memref<50176xf32, #tpu.memory_space<vmem_shared>> -> memref<50176xf32, #tpu.memory_space<vmem_shared>>
        tpu.wait_indirect_dma semaphore(%arg35 : memref<!tpu.dma_semaphore, #tpu.memory_space<semaphore_mem>>) src(%dma_wait3A_495 : memref<128xf32, #tpu.memory_space<vmem>>) dst(%dma_wait3A_500 : memref<50176xf32, #tpu.memory_space<vmem_shared>>)
      }
      %scan3A_65 = arith.constant 8 : i32
    }
    %barrier3A_35 = arith.constant 0 : index
    tpu.barrier barrier_id(%barrier3A_35)
    "tpu.region"() ({
      %run_scoped3A = tpu.sem_alloc : memref<!tpu.dma_semaphore, #tpu.memory_space<semaphore_mem>>
      %dma_start3A = tpu.memref_slice %arg23[%mul3A_0] : memref<50176xf32, #tpu.memory_space<vmem_shared>> -> memref<3136xf32, #tpu.memory_space<vmem_shared>>
      %dma_start3A_54 = tpu.memref_slice %arg23[%mul3A_0] : memref<50176xf32, #tpu.memory_space<vmem_shared>> -> memref<3136xf32, #tpu.memory_space<vmem_shared>>
      tpu.enqueue_dma source(%dma_start3A_54 : memref<3136xf32, #tpu.memory_space<vmem_shared>>) target(%arg33 : memref<3136xf32, #tpu.memory_space<vmem>>) target_semaphore(%run_scoped3A : memref<!tpu.dma_semaphore, #tpu.memory_space<semaphore_mem>>)
      %dma_wait3A = tpu.memref_slice %arg23[%mul3A_0] : memref<50176xf32, #tpu.memory_space<vmem_shared>> -> memref<3136xf32, #tpu.memory_space<vmem_shared>>
      %dma_wait3A_55 = tpu.memref_slice %arg23[%mul3A_0] : memref<50176xf32, #tpu.memory_space<vmem_shared>> -> memref<3136xf32, #tpu.memory_space<vmem_shared>>
      tpu.wait_dma2 semaphore(%run_scoped3A : memref<!tpu.dma_semaphore, #tpu.memory_space<semaphore_mem>>) src(%dma_wait3A_55 : memref<3136xf32, #tpu.memory_space<vmem_shared>>) dst(%arg33 : memref<3136xf32, #tpu.memory_space<vmem>>)
      tpu.yield
    }) : () -> ()
    %mul3A_36 = arith.constant 50176 : i32
    %mul3A_37 = arith.muli %arg0, %mul3A_36 : i32
    %add3A_38 = arith.addi %mul3A_37, %mul3A_0 : i32
    "tpu.region"() ({
      %run_scoped3A = tpu.sem_alloc : memref<!tpu.dma_semaphore, #tpu.memory_space<semaphore_mem>>
      %dma_start3A = tpu.memref_slice %arg11[%add3A_38] : memref<100352xf32, #tpu.memory_space<hbm>> -> memref<3136xf32, #tpu.memory_space<hbm>>
      %dma_start3A_54 = tpu.memref_slice %arg11[%add3A_38] : memref<100352xf32, #tpu.memory_space<hbm>> -> memref<3136xf32, #tpu.memory_space<hbm>>
      tpu.enqueue_dma source(%arg33 : memref<3136xf32, #tpu.memory_space<vmem>>) target(%dma_start3A_54 : memref<3136xf32, #tpu.memory_space<hbm>>) target_semaphore(%run_scoped3A : memref<!tpu.dma_semaphore, #tpu.memory_space<semaphore_mem>>)
      %dma_wait3A = tpu.memref_slice %arg11[%add3A_38] : memref<100352xf32, #tpu.memory_space<hbm>> -> memref<3136xf32, #tpu.memory_space<hbm>>
      %dma_wait3A_55 = tpu.memref_slice %arg11[%add3A_38] : memref<100352xf32, #tpu.memory_space<hbm>> -> memref<3136xf32, #tpu.memory_space<hbm>>
      tpu.wait_dma2 semaphore(%run_scoped3A : memref<!tpu.dma_semaphore, #tpu.memory_space<semaphore_mem>>) src(%arg33 : memref<3136xf32, #tpu.memory_space<vmem>>) dst(%dma_wait3A_55 : memref<3136xf32, #tpu.memory_space<hbm>>)
      tpu.yield
    }) : () -> ()
    "tpu.region"() ({
      %run_scoped3A = tpu.sem_alloc : memref<!tpu.dma_semaphore, #tpu.memory_space<semaphore_mem>>
      %dma_start3A = tpu.memref_slice %arg24[%mul3A_0] : memref<50176xf32, #tpu.memory_space<vmem_shared>> -> memref<3136xf32, #tpu.memory_space<vmem_shared>>
      %dma_start3A_54 = tpu.memref_slice %arg24[%mul3A_0] : memref<50176xf32, #tpu.memory_space<vmem_shared>> -> memref<3136xf32, #tpu.memory_space<vmem_shared>>
      tpu.enqueue_dma source(%dma_start3A_54 : memref<3136xf32, #tpu.memory_space<vmem_shared>>) target(%arg33 : memref<3136xf32, #tpu.memory_space<vmem>>) target_semaphore(%run_scoped3A : memref<!tpu.dma_semaphore, #tpu.memory_space<semaphore_mem>>)
      %dma_wait3A = tpu.memref_slice %arg24[%mul3A_0] : memref<50176xf32, #tpu.memory_space<vmem_shared>> -> memref<3136xf32, #tpu.memory_space<vmem_shared>>
      %dma_wait3A_55 = tpu.memref_slice %arg24[%mul3A_0] : memref<50176xf32, #tpu.memory_space<vmem_shared>> -> memref<3136xf32, #tpu.memory_space<vmem_shared>>
      tpu.wait_dma2 semaphore(%run_scoped3A : memref<!tpu.dma_semaphore, #tpu.memory_space<semaphore_mem>>) src(%dma_wait3A_55 : memref<3136xf32, #tpu.memory_space<vmem_shared>>) dst(%arg33 : memref<3136xf32, #tpu.memory_space<vmem>>)
      tpu.yield
    }) : () -> ()
    %mul3A_39 = arith.constant 50176 : i32
    %mul3A_40 = arith.muli %arg0, %mul3A_39 : i32
    %add3A_41 = arith.addi %mul3A_40, %mul3A_0 : i32
    "tpu.region"() ({
      %run_scoped3A = tpu.sem_alloc : memref<!tpu.dma_semaphore, #tpu.memory_space<semaphore_mem>>
      %dma_start3A = tpu.memref_slice %arg12[%add3A_41] : memref<100352xf32, #tpu.memory_space<hbm>> -> memref<3136xf32, #tpu.memory_space<hbm>>
      %dma_start3A_54 = tpu.memref_slice %arg12[%add3A_41] : memref<100352xf32, #tpu.memory_space<hbm>> -> memref<3136xf32, #tpu.memory_space<hbm>>
      tpu.enqueue_dma source(%arg33 : memref<3136xf32, #tpu.memory_space<vmem>>) target(%dma_start3A_54 : memref<3136xf32, #tpu.memory_space<hbm>>) target_semaphore(%run_scoped3A : memref<!tpu.dma_semaphore, #tpu.memory_space<semaphore_mem>>)
      %dma_wait3A = tpu.memref_slice %arg12[%add3A_41] : memref<100352xf32, #tpu.memory_space<hbm>> -> memref<3136xf32, #tpu.memory_space<hbm>>
      %dma_wait3A_55 = tpu.memref_slice %arg12[%add3A_41] : memref<100352xf32, #tpu.memory_space<hbm>> -> memref<3136xf32, #tpu.memory_space<hbm>>
      tpu.wait_dma2 semaphore(%run_scoped3A : memref<!tpu.dma_semaphore, #tpu.memory_space<semaphore_mem>>) src(%arg33 : memref<3136xf32, #tpu.memory_space<vmem>>) dst(%dma_wait3A_55 : memref<3136xf32, #tpu.memory_space<hbm>>)
      tpu.yield
    }) : () -> ()
    "tpu.region"() ({
      %run_scoped3A = tpu.sem_alloc : memref<!tpu.dma_semaphore, #tpu.memory_space<semaphore_mem>>
      %dma_start3A = tpu.memref_slice %arg25[%mul3A_0] : memref<50176xf32, #tpu.memory_space<vmem_shared>> -> memref<3136xf32, #tpu.memory_space<vmem_shared>>
      %dma_start3A_54 = tpu.memref_slice %arg25[%mul3A_0] : memref<50176xf32, #tpu.memory_space<vmem_shared>> -> memref<3136xf32, #tpu.memory_space<vmem_shared>>
      tpu.enqueue_dma source(%dma_start3A_54 : memref<3136xf32, #tpu.memory_space<vmem_shared>>) target(%arg33 : memref<3136xf32, #tpu.memory_space<vmem>>) target_semaphore(%run_scoped3A : memref<!tpu.dma_semaphore, #tpu.memory_space<semaphore_mem>>)
      %dma_wait3A = tpu.memref_slice %arg25[%mul3A_0] : memref<50176xf32, #tpu.memory_space<vmem_shared>> -> memref<3136xf32, #tpu.memory_space<vmem_shared>>
      %dma_wait3A_55 = tpu.memref_slice %arg25[%mul3A_0] : memref<50176xf32, #tpu.memory_space<vmem_shared>> -> memref<3136xf32, #tpu.memory_space<vmem_shared>>
      tpu.wait_dma2 semaphore(%run_scoped3A : memref<!tpu.dma_semaphore, #tpu.memory_space<semaphore_mem>>) src(%dma_wait3A_55 : memref<3136xf32, #tpu.memory_space<vmem_shared>>) dst(%arg33 : memref<3136xf32, #tpu.memory_space<vmem>>)
      tpu.yield
    }) : () -> ()
    %mul3A_42 = arith.constant 50176 : i32
    %mul3A_43 = arith.muli %arg0, %mul3A_42 : i32
    %add3A_44 = arith.addi %mul3A_43, %mul3A_0 : i32
    "tpu.region"() ({
      %run_scoped3A = tpu.sem_alloc : memref<!tpu.dma_semaphore, #tpu.memory_space<semaphore_mem>>
      %dma_start3A = tpu.memref_slice %arg13[%add3A_44] : memref<100352xf32, #tpu.memory_space<hbm>> -> memref<3136xf32, #tpu.memory_space<hbm>>
      %dma_start3A_54 = tpu.memref_slice %arg13[%add3A_44] : memref<100352xf32, #tpu.memory_space<hbm>> -> memref<3136xf32, #tpu.memory_space<hbm>>
      tpu.enqueue_dma source(%arg33 : memref<3136xf32, #tpu.memory_space<vmem>>) target(%dma_start3A_54 : memref<3136xf32, #tpu.memory_space<hbm>>) target_semaphore(%run_scoped3A : memref<!tpu.dma_semaphore, #tpu.memory_space<semaphore_mem>>)
      %dma_wait3A = tpu.memref_slice %arg13[%add3A_44] : memref<100352xf32, #tpu.memory_space<hbm>> -> memref<3136xf32, #tpu.memory_space<hbm>>
      %dma_wait3A_55 = tpu.memref_slice %arg13[%add3A_44] : memref<100352xf32, #tpu.memory_space<hbm>> -> memref<3136xf32, #tpu.memory_space<hbm>>
      tpu.wait_dma2 semaphore(%run_scoped3A : memref<!tpu.dma_semaphore, #tpu.memory_space<semaphore_mem>>) src(%arg33 : memref<3136xf32, #tpu.memory_space<vmem>>) dst(%dma_wait3A_55 : memref<3136xf32, #tpu.memory_space<hbm>>)
      tpu.yield
    }) : () -> ()
    "tpu.region"() ({
      %run_scoped3A = tpu.sem_alloc : memref<!tpu.dma_semaphore, #tpu.memory_space<semaphore_mem>>
      %dma_start3A = tpu.memref_slice %arg26[%mul3A_0] : memref<50176xf32, #tpu.memory_space<vmem_shared>> -> memref<3136xf32, #tpu.memory_space<vmem_shared>>
      %dma_start3A_54 = tpu.memref_slice %arg26[%mul3A_0] : memref<50176xf32, #tpu.memory_space<vmem_shared>> -> memref<3136xf32, #tpu.memory_space<vmem_shared>>
      tpu.enqueue_dma source(%dma_start3A_54 : memref<3136xf32, #tpu.memory_space<vmem_shared>>) target(%arg33 : memref<3136xf32, #tpu.memory_space<vmem>>) target_semaphore(%run_scoped3A : memref<!tpu.dma_semaphore, #tpu.memory_space<semaphore_mem>>)
      %dma_wait3A = tpu.memref_slice %arg26[%mul3A_0] : memref<50176xf32, #tpu.memory_space<vmem_shared>> -> memref<3136xf32, #tpu.memory_space<vmem_shared>>
      %dma_wait3A_55 = tpu.memref_slice %arg26[%mul3A_0] : memref<50176xf32, #tpu.memory_space<vmem_shared>> -> memref<3136xf32, #tpu.memory_space<vmem_shared>>
      tpu.wait_dma2 semaphore(%run_scoped3A : memref<!tpu.dma_semaphore, #tpu.memory_space<semaphore_mem>>) src(%dma_wait3A_55 : memref<3136xf32, #tpu.memory_space<vmem_shared>>) dst(%arg33 : memref<3136xf32, #tpu.memory_space<vmem>>)
      tpu.yield
    }) : () -> ()
    %mul3A_45 = arith.constant 50176 : i32
    %mul3A_46 = arith.muli %arg0, %mul3A_45 : i32
    %add3A_47 = arith.addi %mul3A_46, %mul3A_0 : i32
    "tpu.region"() ({
      %run_scoped3A = tpu.sem_alloc : memref<!tpu.dma_semaphore, #tpu.memory_space<semaphore_mem>>
      %dma_start3A = tpu.memref_slice %arg14[%add3A_47] : memref<100352xf32, #tpu.memory_space<hbm>> -> memref<3136xf32, #tpu.memory_space<hbm>>
      %dma_start3A_54 = tpu.memref_slice %arg14[%add3A_47] : memref<100352xf32, #tpu.memory_space<hbm>> -> memref<3136xf32, #tpu.memory_space<hbm>>
      tpu.enqueue_dma source(%arg33 : memref<3136xf32, #tpu.memory_space<vmem>>) target(%dma_start3A_54 : memref<3136xf32, #tpu.memory_space<hbm>>) target_semaphore(%run_scoped3A : memref<!tpu.dma_semaphore, #tpu.memory_space<semaphore_mem>>)
      %dma_wait3A = tpu.memref_slice %arg14[%add3A_47] : memref<100352xf32, #tpu.memory_space<hbm>> -> memref<3136xf32, #tpu.memory_space<hbm>>
      %dma_wait3A_55 = tpu.memref_slice %arg14[%add3A_47] : memref<100352xf32, #tpu.memory_space<hbm>> -> memref<3136xf32, #tpu.memory_space<hbm>>
      tpu.wait_dma2 semaphore(%run_scoped3A : memref<!tpu.dma_semaphore, #tpu.memory_space<semaphore_mem>>) src(%arg33 : memref<3136xf32, #tpu.memory_space<vmem>>) dst(%dma_wait3A_55 : memref<3136xf32, #tpu.memory_space<hbm>>)
      tpu.yield
    }) : () -> ()
    "tpu.region"() ({
      %run_scoped3A = tpu.sem_alloc : memref<!tpu.dma_semaphore, #tpu.memory_space<semaphore_mem>>
      %dma_start3A = tpu.memref_slice %arg27[%mul3A_0] : memref<50176xf32, #tpu.memory_space<vmem_shared>> -> memref<3136xf32, #tpu.memory_space<vmem_shared>>
      %dma_start3A_54 = tpu.memref_slice %arg27[%mul3A_0] : memref<50176xf32, #tpu.memory_space<vmem_shared>> -> memref<3136xf32, #tpu.memory_space<vmem_shared>>
      tpu.enqueue_dma source(%dma_start3A_54 : memref<3136xf32, #tpu.memory_space<vmem_shared>>) target(%arg33 : memref<3136xf32, #tpu.memory_space<vmem>>) target_semaphore(%run_scoped3A : memref<!tpu.dma_semaphore, #tpu.memory_space<semaphore_mem>>)
      %dma_wait3A = tpu.memref_slice %arg27[%mul3A_0] : memref<50176xf32, #tpu.memory_space<vmem_shared>> -> memref<3136xf32, #tpu.memory_space<vmem_shared>>
      %dma_wait3A_55 = tpu.memref_slice %arg27[%mul3A_0] : memref<50176xf32, #tpu.memory_space<vmem_shared>> -> memref<3136xf32, #tpu.memory_space<vmem_shared>>
      tpu.wait_dma2 semaphore(%run_scoped3A : memref<!tpu.dma_semaphore, #tpu.memory_space<semaphore_mem>>) src(%dma_wait3A_55 : memref<3136xf32, #tpu.memory_space<vmem_shared>>) dst(%arg33 : memref<3136xf32, #tpu.memory_space<vmem>>)
      tpu.yield
    }) : () -> ()
    %mul3A_48 = arith.constant 50176 : i32
    %mul3A_49 = arith.muli %arg0, %mul3A_48 : i32
    %add3A_50 = arith.addi %mul3A_49, %mul3A_0 : i32
    "tpu.region"() ({
      %run_scoped3A = tpu.sem_alloc : memref<!tpu.dma_semaphore, #tpu.memory_space<semaphore_mem>>
      %dma_start3A = tpu.memref_slice %arg15[%add3A_50] : memref<100352xf32, #tpu.memory_space<hbm>> -> memref<3136xf32, #tpu.memory_space<hbm>>
      %dma_start3A_54 = tpu.memref_slice %arg15[%add3A_50] : memref<100352xf32, #tpu.memory_space<hbm>> -> memref<3136xf32, #tpu.memory_space<hbm>>
      tpu.enqueue_dma source(%arg33 : memref<3136xf32, #tpu.memory_space<vmem>>) target(%dma_start3A_54 : memref<3136xf32, #tpu.memory_space<hbm>>) target_semaphore(%run_scoped3A : memref<!tpu.dma_semaphore, #tpu.memory_space<semaphore_mem>>)
      %dma_wait3A = tpu.memref_slice %arg15[%add3A_50] : memref<100352xf32, #tpu.memory_space<hbm>> -> memref<3136xf32, #tpu.memory_space<hbm>>
      %dma_wait3A_55 = tpu.memref_slice %arg15[%add3A_50] : memref<100352xf32, #tpu.memory_space<hbm>> -> memref<3136xf32, #tpu.memory_space<hbm>>
      tpu.wait_dma2 semaphore(%run_scoped3A : memref<!tpu.dma_semaphore, #tpu.memory_space<semaphore_mem>>) src(%arg33 : memref<3136xf32, #tpu.memory_space<vmem>>) dst(%dma_wait3A_55 : memref<3136xf32, #tpu.memory_space<hbm>>)
      tpu.yield
    }) : () -> ()
    "tpu.region"() ({
      %run_scoped3A = tpu.sem_alloc : memref<!tpu.dma_semaphore, #tpu.memory_space<semaphore_mem>>
      %dma_start3A = tpu.memref_slice %arg28[%mul3A_0] : memref<50176xf32, #tpu.memory_space<vmem_shared>> -> memref<3136xf32, #tpu.memory_space<vmem_shared>>
      %dma_start3A_54 = tpu.memref_slice %arg28[%mul3A_0] : memref<50176xf32, #tpu.memory_space<vmem_shared>> -> memref<3136xf32, #tpu.memory_space<vmem_shared>>
      tpu.enqueue_dma source(%dma_start3A_54 : memref<3136xf32, #tpu.memory_space<vmem_shared>>) target(%arg33 : memref<3136xf32, #tpu.memory_space<vmem>>) target_semaphore(%run_scoped3A : memref<!tpu.dma_semaphore, #tpu.memory_space<semaphore_mem>>)
      %dma_wait3A = tpu.memref_slice %arg28[%mul3A_0] : memref<50176xf32, #tpu.memory_space<vmem_shared>> -> memref<3136xf32, #tpu.memory_space<vmem_shared>>
      %dma_wait3A_55 = tpu.memref_slice %arg28[%mul3A_0] : memref<50176xf32, #tpu.memory_space<vmem_shared>> -> memref<3136xf32, #tpu.memory_space<vmem_shared>>
      tpu.wait_dma2 semaphore(%run_scoped3A : memref<!tpu.dma_semaphore, #tpu.memory_space<semaphore_mem>>) src(%dma_wait3A_55 : memref<3136xf32, #tpu.memory_space<vmem_shared>>) dst(%arg33 : memref<3136xf32, #tpu.memory_space<vmem>>)
      tpu.yield
    }) : () -> ()
    %mul3A_51 = arith.constant 50176 : i32
    %mul3A_52 = arith.muli %arg0, %mul3A_51 : i32
    %add3A_53 = arith.addi %mul3A_52, %mul3A_0 : i32
    "tpu.region"() ({
      %run_scoped3A = tpu.sem_alloc : memref<!tpu.dma_semaphore, #tpu.memory_space<semaphore_mem>>
      %dma_start3A = tpu.memref_slice %arg16[%add3A_53] : memref<100352xf32, #tpu.memory_space<hbm>> -> memref<3136xf32, #tpu.memory_space<hbm>>
      %dma_start3A_54 = tpu.memref_slice %arg16[%add3A_53] : memref<100352xf32, #tpu.memory_space<hbm>> -> memref<3136xf32, #tpu.memory_space<hbm>>
      tpu.enqueue_dma source(%arg33 : memref<3136xf32, #tpu.memory_space<vmem>>) target(%dma_start3A_54 : memref<3136xf32, #tpu.memory_space<hbm>>) target_semaphore(%run_scoped3A : memref<!tpu.dma_semaphore, #tpu.memory_space<semaphore_mem>>)
      %dma_wait3A = tpu.memref_slice %arg16[%add3A_53] : memref<100352xf32, #tpu.memory_space<hbm>> -> memref<3136xf32, #tpu.memory_space<hbm>>
      %dma_wait3A_55 = tpu.memref_slice %arg16[%add3A_53] : memref<100352xf32, #tpu.memory_space<hbm>> -> memref<3136xf32, #tpu.memory_space<hbm>>
      tpu.wait_dma2 semaphore(%run_scoped3A : memref<!tpu.dma_semaphore, #tpu.memory_space<semaphore_mem>>) src(%arg33 : memref<3136xf32, #tpu.memory_space<vmem>>) dst(%dma_wait3A_55 : memref<3136xf32, #tpu.memory_space<hbm>>)
      tpu.yield
    }) : () -> ()
    return
  }
}

#map = affine_map<(d0, d1) -> (0, 0)>
#map1 = affine_map<(d0, d1) -> (0)>
module attributes {stable_mosaic.version = 14 : i64} {
  func.func @k(%arg0: i32, %arg1: i32, %arg2: memref<6656x128xi32, #tpu.memory_space<hbm>>, %arg3: memref<6656x128xi32, #tpu.memory_space<hbm>>, %arg4: memref<50176xf32, #tpu.memory_space<hbm>>, %arg5: memref<50176xf32, #tpu.memory_space<hbm>>, %arg6: memref<50176xf32, #tpu.memory_space<hbm>>, %arg7: memref<50176xf32, #tpu.memory_space<hbm>>, %arg8: memref<50176xf32, #tpu.memory_space<hbm>>, %arg9: memref<100352xf32, #tpu.memory_space<hbm>>, %arg10: memref<100352xf32, #tpu.memory_space<hbm>>, %arg11: memref<100352xf32, #tpu.memory_space<hbm>>, %arg12: memref<100352xf32, #tpu.memory_space<hbm>>, %arg13: memref<50176xf32, #tpu.memory_space<vmem_shared>>, %arg14: memref<50176xf32, #tpu.memory_space<vmem_shared>>, %arg15: memref<50176xf32, #tpu.memory_space<vmem_shared>>, %arg16: memref<50176xf32, #tpu.memory_space<vmem_shared>>, %arg17: memref<50176xf32, #tpu.memory_space<vmem_shared>>, %arg18: memref<50176xf32, #tpu.memory_space<vmem_shared>>, %arg19: memref<50176xf32, #tpu.memory_space<vmem_shared>>, %arg20: memref<50176xf32, #tpu.memory_space<vmem_shared>>, %arg21: memref<16x128xi32, #tpu.memory_space<vmem>>, %arg22: memref<16x128xi32, #tpu.memory_space<vmem>>, %arg23: memref<4x128xf32, #tpu.memory_space<vmem>>, %arg24: memref<4x128xf32, #tpu.memory_space<vmem>>, %arg25: memref<3136xf32, #tpu.memory_space<vmem>>, %arg26: memref<!tpu.dma_semaphore, #tpu.memory_space<semaphore_mem>>, %arg27: memref<!tpu.dma_semaphore, #tpu.memory_space<semaphore_mem>>) attributes {dimension_semantics = [#tpu.dimension_semantics<core_parallel>, #tpu.dimension_semantics<subcore_parallel>], iteration_bounds = array<i64: 2, 16>, scalar_prefetch = 0 : i64, scratch_operands = 15 : i64, tpu.core_type = #tpu.core_type<sc_vector_subcore>, window_params = [{transform_indices = #map}, {transform_indices = #map}, {transform_indices = #map1}, {transform_indices = #map1}, {transform_indices = #map1}, {transform_indices = #map1}, {transform_indices = #map1}, {transform_indices = #map1}, {transform_indices = #map1}, {transform_indices = #map1}, {transform_indices = #map1}]} {
    %mul3A = arith.constant 3136 : i32
    %mul3A_0 = arith.muli %arg1, %mul3A : i32
    "tpu.region"() ({
      %run_scoped3A = tpu.sem_alloc : memref<!tpu.dma_semaphore, #tpu.memory_space<semaphore_mem>>
      %dma_start3A = tpu.memref_slice %arg8[%mul3A_0] : memref<50176xf32, #tpu.memory_space<hbm>> -> memref<3136xf32, #tpu.memory_space<hbm>>
      %dma_start3A_48 = tpu.memref_slice %arg8[%mul3A_0] : memref<50176xf32, #tpu.memory_space<hbm>> -> memref<3136xf32, #tpu.memory_space<hbm>>
      tpu.enqueue_dma source(%dma_start3A_48 : memref<3136xf32, #tpu.memory_space<hbm>>) target(%arg25 : memref<3136xf32, #tpu.memory_space<vmem>>) target_semaphore(%run_scoped3A : memref<!tpu.dma_semaphore, #tpu.memory_space<semaphore_mem>>)
      %dma_wait3A = tpu.memref_slice %arg8[%mul3A_0] : memref<50176xf32, #tpu.memory_space<hbm>> -> memref<3136xf32, #tpu.memory_space<hbm>>
      %dma_wait3A_49 = tpu.memref_slice %arg8[%mul3A_0] : memref<50176xf32, #tpu.memory_space<hbm>> -> memref<3136xf32, #tpu.memory_space<hbm>>
      tpu.wait_dma2 semaphore(%run_scoped3A : memref<!tpu.dma_semaphore, #tpu.memory_space<semaphore_mem>>) src(%dma_wait3A_49 : memref<3136xf32, #tpu.memory_space<hbm>>) dst(%arg25 : memref<3136xf32, #tpu.memory_space<vmem>>)
      tpu.yield
    }) : () -> ()
    "tpu.region"() ({
      %run_scoped3A = tpu.sem_alloc : memref<!tpu.dma_semaphore, #tpu.memory_space<semaphore_mem>>
      %dma_start3A = tpu.memref_slice %arg17[%mul3A_0] : memref<50176xf32, #tpu.memory_space<vmem_shared>> -> memref<3136xf32, #tpu.memory_space<vmem_shared>>
      %dma_start3A_48 = tpu.memref_slice %arg17[%mul3A_0] : memref<50176xf32, #tpu.memory_space<vmem_shared>> -> memref<3136xf32, #tpu.memory_space<vmem_shared>>
      tpu.enqueue_dma source(%arg25 : memref<3136xf32, #tpu.memory_space<vmem>>) target(%dma_start3A_48 : memref<3136xf32, #tpu.memory_space<vmem_shared>>) target_semaphore(%run_scoped3A : memref<!tpu.dma_semaphore, #tpu.memory_space<semaphore_mem>>)
      %dma_wait3A = tpu.memref_slice %arg17[%mul3A_0] : memref<50176xf32, #tpu.memory_space<vmem_shared>> -> memref<3136xf32, #tpu.memory_space<vmem_shared>>
      %dma_wait3A_49 = tpu.memref_slice %arg17[%mul3A_0] : memref<50176xf32, #tpu.memory_space<vmem_shared>> -> memref<3136xf32, #tpu.memory_space<vmem_shared>>
      tpu.wait_dma2 semaphore(%run_scoped3A : memref<!tpu.dma_semaphore, #tpu.memory_space<semaphore_mem>>) src(%arg25 : memref<3136xf32, #tpu.memory_space<vmem>>) dst(%dma_wait3A_49 : memref<3136xf32, #tpu.memory_space<vmem_shared>>)
      tpu.yield
    }) : () -> ()
    "tpu.region"() ({
      %run_scoped3A = tpu.sem_alloc : memref<!tpu.dma_semaphore, #tpu.memory_space<semaphore_mem>>
      %dma_start3A = tpu.memref_slice %arg18[%mul3A_0] : memref<50176xf32, #tpu.memory_space<vmem_shared>> -> memref<3136xf32, #tpu.memory_space<vmem_shared>>
      %dma_start3A_48 = tpu.memref_slice %arg18[%mul3A_0] : memref<50176xf32, #tpu.memory_space<vmem_shared>> -> memref<3136xf32, #tpu.memory_space<vmem_shared>>
      tpu.enqueue_dma source(%arg25 : memref<3136xf32, #tpu.memory_space<vmem>>) target(%dma_start3A_48 : memref<3136xf32, #tpu.memory_space<vmem_shared>>) target_semaphore(%run_scoped3A : memref<!tpu.dma_semaphore, #tpu.memory_space<semaphore_mem>>)
      %dma_wait3A = tpu.memref_slice %arg18[%mul3A_0] : memref<50176xf32, #tpu.memory_space<vmem_shared>> -> memref<3136xf32, #tpu.memory_space<vmem_shared>>
      %dma_wait3A_49 = tpu.memref_slice %arg18[%mul3A_0] : memref<50176xf32, #tpu.memory_space<vmem_shared>> -> memref<3136xf32, #tpu.memory_space<vmem_shared>>
      tpu.wait_dma2 semaphore(%run_scoped3A : memref<!tpu.dma_semaphore, #tpu.memory_space<semaphore_mem>>) src(%arg25 : memref<3136xf32, #tpu.memory_space<vmem>>) dst(%dma_wait3A_49 : memref<3136xf32, #tpu.memory_space<vmem_shared>>)
      tpu.yield
    }) : () -> ()
    "tpu.region"() ({
      %run_scoped3A = tpu.sem_alloc : memref<!tpu.dma_semaphore, #tpu.memory_space<semaphore_mem>>
      %dma_start3A = tpu.memref_slice %arg19[%mul3A_0] : memref<50176xf32, #tpu.memory_space<vmem_shared>> -> memref<3136xf32, #tpu.memory_space<vmem_shared>>
      %dma_start3A_48 = tpu.memref_slice %arg19[%mul3A_0] : memref<50176xf32, #tpu.memory_space<vmem_shared>> -> memref<3136xf32, #tpu.memory_space<vmem_shared>>
      tpu.enqueue_dma source(%arg25 : memref<3136xf32, #tpu.memory_space<vmem>>) target(%dma_start3A_48 : memref<3136xf32, #tpu.memory_space<vmem_shared>>) target_semaphore(%run_scoped3A : memref<!tpu.dma_semaphore, #tpu.memory_space<semaphore_mem>>)
      %dma_wait3A = tpu.memref_slice %arg19[%mul3A_0] : memref<50176xf32, #tpu.memory_space<vmem_shared>> -> memref<3136xf32, #tpu.memory_space<vmem_shared>>
      %dma_wait3A_49 = tpu.memref_slice %arg19[%mul3A_0] : memref<50176xf32, #tpu.memory_space<vmem_shared>> -> memref<3136xf32, #tpu.memory_space<vmem_shared>>
      tpu.wait_dma2 semaphore(%run_scoped3A : memref<!tpu.dma_semaphore, #tpu.memory_space<semaphore_mem>>) src(%arg25 : memref<3136xf32, #tpu.memory_space<vmem>>) dst(%dma_wait3A_49 : memref<3136xf32, #tpu.memory_space<vmem_shared>>)
      tpu.yield
    }) : () -> ()
    "tpu.region"() ({
      %run_scoped3A = tpu.sem_alloc : memref<!tpu.dma_semaphore, #tpu.memory_space<semaphore_mem>>
      %dma_start3A = tpu.memref_slice %arg20[%mul3A_0] : memref<50176xf32, #tpu.memory_space<vmem_shared>> -> memref<3136xf32, #tpu.memory_space<vmem_shared>>
      %dma_start3A_48 = tpu.memref_slice %arg20[%mul3A_0] : memref<50176xf32, #tpu.memory_space<vmem_shared>> -> memref<3136xf32, #tpu.memory_space<vmem_shared>>
      tpu.enqueue_dma source(%arg25 : memref<3136xf32, #tpu.memory_space<vmem>>) target(%dma_start3A_48 : memref<3136xf32, #tpu.memory_space<vmem_shared>>) target_semaphore(%run_scoped3A : memref<!tpu.dma_semaphore, #tpu.memory_space<semaphore_mem>>)
      %dma_wait3A = tpu.memref_slice %arg20[%mul3A_0] : memref<50176xf32, #tpu.memory_space<vmem_shared>> -> memref<3136xf32, #tpu.memory_space<vmem_shared>>
      %dma_wait3A_49 = tpu.memref_slice %arg20[%mul3A_0] : memref<50176xf32, #tpu.memory_space<vmem_shared>> -> memref<3136xf32, #tpu.memory_space<vmem_shared>>
      tpu.wait_dma2 semaphore(%run_scoped3A : memref<!tpu.dma_semaphore, #tpu.memory_space<semaphore_mem>>) src(%arg25 : memref<3136xf32, #tpu.memory_space<vmem>>) dst(%dma_wait3A_49 : memref<3136xf32, #tpu.memory_space<vmem_shared>>)
      tpu.yield
    }) : () -> ()
    "tpu.region"() ({
      %run_scoped3A = tpu.sem_alloc : memref<!tpu.dma_semaphore, #tpu.memory_space<semaphore_mem>>
      %dma_start3A = tpu.memref_slice %arg4[%mul3A_0] : memref<50176xf32, #tpu.memory_space<hbm>> -> memref<3136xf32, #tpu.memory_space<hbm>>
      %dma_start3A_48 = tpu.memref_slice %arg4[%mul3A_0] : memref<50176xf32, #tpu.memory_space<hbm>> -> memref<3136xf32, #tpu.memory_space<hbm>>
      tpu.enqueue_dma source(%dma_start3A_48 : memref<3136xf32, #tpu.memory_space<hbm>>) target(%arg25 : memref<3136xf32, #tpu.memory_space<vmem>>) target_semaphore(%run_scoped3A : memref<!tpu.dma_semaphore, #tpu.memory_space<semaphore_mem>>)
      %dma_wait3A = tpu.memref_slice %arg4[%mul3A_0] : memref<50176xf32, #tpu.memory_space<hbm>> -> memref<3136xf32, #tpu.memory_space<hbm>>
      %dma_wait3A_49 = tpu.memref_slice %arg4[%mul3A_0] : memref<50176xf32, #tpu.memory_space<hbm>> -> memref<3136xf32, #tpu.memory_space<hbm>>
      tpu.wait_dma2 semaphore(%run_scoped3A : memref<!tpu.dma_semaphore, #tpu.memory_space<semaphore_mem>>) src(%dma_wait3A_49 : memref<3136xf32, #tpu.memory_space<hbm>>) dst(%arg25 : memref<3136xf32, #tpu.memory_space<vmem>>)
      tpu.yield
    }) : () -> ()
    "tpu.region"() ({
      %run_scoped3A = tpu.sem_alloc : memref<!tpu.dma_semaphore, #tpu.memory_space<semaphore_mem>>
      %dma_start3A = tpu.memref_slice %arg13[%mul3A_0] : memref<50176xf32, #tpu.memory_space<vmem_shared>> -> memref<3136xf32, #tpu.memory_space<vmem_shared>>
      %dma_start3A_48 = tpu.memref_slice %arg13[%mul3A_0] : memref<50176xf32, #tpu.memory_space<vmem_shared>> -> memref<3136xf32, #tpu.memory_space<vmem_shared>>
      tpu.enqueue_dma source(%arg25 : memref<3136xf32, #tpu.memory_space<vmem>>) target(%dma_start3A_48 : memref<3136xf32, #tpu.memory_space<vmem_shared>>) target_semaphore(%run_scoped3A : memref<!tpu.dma_semaphore, #tpu.memory_space<semaphore_mem>>)
      %dma_wait3A = tpu.memref_slice %arg13[%mul3A_0] : memref<50176xf32, #tpu.memory_space<vmem_shared>> -> memref<3136xf32, #tpu.memory_space<vmem_shared>>
      %dma_wait3A_49 = tpu.memref_slice %arg13[%mul3A_0] : memref<50176xf32, #tpu.memory_space<vmem_shared>> -> memref<3136xf32, #tpu.memory_space<vmem_shared>>
      tpu.wait_dma2 semaphore(%run_scoped3A : memref<!tpu.dma_semaphore, #tpu.memory_space<semaphore_mem>>) src(%arg25 : memref<3136xf32, #tpu.memory_space<vmem>>) dst(%dma_wait3A_49 : memref<3136xf32, #tpu.memory_space<vmem_shared>>)
      tpu.yield
    }) : () -> ()
    "tpu.region"() ({
      %run_scoped3A = tpu.sem_alloc : memref<!tpu.dma_semaphore, #tpu.memory_space<semaphore_mem>>
      %dma_start3A = tpu.memref_slice %arg5[%mul3A_0] : memref<50176xf32, #tpu.memory_space<hbm>> -> memref<3136xf32, #tpu.memory_space<hbm>>
      %dma_start3A_48 = tpu.memref_slice %arg5[%mul3A_0] : memref<50176xf32, #tpu.memory_space<hbm>> -> memref<3136xf32, #tpu.memory_space<hbm>>
      tpu.enqueue_dma source(%dma_start3A_48 : memref<3136xf32, #tpu.memory_space<hbm>>) target(%arg25 : memref<3136xf32, #tpu.memory_space<vmem>>) target_semaphore(%run_scoped3A : memref<!tpu.dma_semaphore, #tpu.memory_space<semaphore_mem>>)
      %dma_wait3A = tpu.memref_slice %arg5[%mul3A_0] : memref<50176xf32, #tpu.memory_space<hbm>> -> memref<3136xf32, #tpu.memory_space<hbm>>
      %dma_wait3A_49 = tpu.memref_slice %arg5[%mul3A_0] : memref<50176xf32, #tpu.memory_space<hbm>> -> memref<3136xf32, #tpu.memory_space<hbm>>
      tpu.wait_dma2 semaphore(%run_scoped3A : memref<!tpu.dma_semaphore, #tpu.memory_space<semaphore_mem>>) src(%dma_wait3A_49 : memref<3136xf32, #tpu.memory_space<hbm>>) dst(%arg25 : memref<3136xf32, #tpu.memory_space<vmem>>)
      tpu.yield
    }) : () -> ()
    "tpu.region"() ({
      %run_scoped3A = tpu.sem_alloc : memref<!tpu.dma_semaphore, #tpu.memory_space<semaphore_mem>>
      %dma_start3A = tpu.memref_slice %arg14[%mul3A_0] : memref<50176xf32, #tpu.memory_space<vmem_shared>> -> memref<3136xf32, #tpu.memory_space<vmem_shared>>
      %dma_start3A_48 = tpu.memref_slice %arg14[%mul3A_0] : memref<50176xf32, #tpu.memory_space<vmem_shared>> -> memref<3136xf32, #tpu.memory_space<vmem_shared>>
      tpu.enqueue_dma source(%arg25 : memref<3136xf32, #tpu.memory_space<vmem>>) target(%dma_start3A_48 : memref<3136xf32, #tpu.memory_space<vmem_shared>>) target_semaphore(%run_scoped3A : memref<!tpu.dma_semaphore, #tpu.memory_space<semaphore_mem>>)
      %dma_wait3A = tpu.memref_slice %arg14[%mul3A_0] : memref<50176xf32, #tpu.memory_space<vmem_shared>> -> memref<3136xf32, #tpu.memory_space<vmem_shared>>
      %dma_wait3A_49 = tpu.memref_slice %arg14[%mul3A_0] : memref<50176xf32, #tpu.memory_space<vmem_shared>> -> memref<3136xf32, #tpu.memory_space<vmem_shared>>
      tpu.wait_dma2 semaphore(%run_scoped3A : memref<!tpu.dma_semaphore, #tpu.memory_space<semaphore_mem>>) src(%arg25 : memref<3136xf32, #tpu.memory_space<vmem>>) dst(%dma_wait3A_49 : memref<3136xf32, #tpu.memory_space<vmem_shared>>)
      tpu.yield
    }) : () -> ()
    "tpu.region"() ({
      %run_scoped3A = tpu.sem_alloc : memref<!tpu.dma_semaphore, #tpu.memory_space<semaphore_mem>>
      %dma_start3A = tpu.memref_slice %arg6[%mul3A_0] : memref<50176xf32, #tpu.memory_space<hbm>> -> memref<3136xf32, #tpu.memory_space<hbm>>
      %dma_start3A_48 = tpu.memref_slice %arg6[%mul3A_0] : memref<50176xf32, #tpu.memory_space<hbm>> -> memref<3136xf32, #tpu.memory_space<hbm>>
      tpu.enqueue_dma source(%dma_start3A_48 : memref<3136xf32, #tpu.memory_space<hbm>>) target(%arg25 : memref<3136xf32, #tpu.memory_space<vmem>>) target_semaphore(%run_scoped3A : memref<!tpu.dma_semaphore, #tpu.memory_space<semaphore_mem>>)
      %dma_wait3A = tpu.memref_slice %arg6[%mul3A_0] : memref<50176xf32, #tpu.memory_space<hbm>> -> memref<3136xf32, #tpu.memory_space<hbm>>
      %dma_wait3A_49 = tpu.memref_slice %arg6[%mul3A_0] : memref<50176xf32, #tpu.memory_space<hbm>> -> memref<3136xf32, #tpu.memory_space<hbm>>
      tpu.wait_dma2 semaphore(%run_scoped3A : memref<!tpu.dma_semaphore, #tpu.memory_space<semaphore_mem>>) src(%dma_wait3A_49 : memref<3136xf32, #tpu.memory_space<hbm>>) dst(%arg25 : memref<3136xf32, #tpu.memory_space<vmem>>)
      tpu.yield
    }) : () -> ()
    "tpu.region"() ({
      %run_scoped3A = tpu.sem_alloc : memref<!tpu.dma_semaphore, #tpu.memory_space<semaphore_mem>>
      %dma_start3A = tpu.memref_slice %arg15[%mul3A_0] : memref<50176xf32, #tpu.memory_space<vmem_shared>> -> memref<3136xf32, #tpu.memory_space<vmem_shared>>
      %dma_start3A_48 = tpu.memref_slice %arg15[%mul3A_0] : memref<50176xf32, #tpu.memory_space<vmem_shared>> -> memref<3136xf32, #tpu.memory_space<vmem_shared>>
      tpu.enqueue_dma source(%arg25 : memref<3136xf32, #tpu.memory_space<vmem>>) target(%dma_start3A_48 : memref<3136xf32, #tpu.memory_space<vmem_shared>>) target_semaphore(%run_scoped3A : memref<!tpu.dma_semaphore, #tpu.memory_space<semaphore_mem>>)
      %dma_wait3A = tpu.memref_slice %arg15[%mul3A_0] : memref<50176xf32, #tpu.memory_space<vmem_shared>> -> memref<3136xf32, #tpu.memory_space<vmem_shared>>
      %dma_wait3A_49 = tpu.memref_slice %arg15[%mul3A_0] : memref<50176xf32, #tpu.memory_space<vmem_shared>> -> memref<3136xf32, #tpu.memory_space<vmem_shared>>
      tpu.wait_dma2 semaphore(%run_scoped3A : memref<!tpu.dma_semaphore, #tpu.memory_space<semaphore_mem>>) src(%arg25 : memref<3136xf32, #tpu.memory_space<vmem>>) dst(%dma_wait3A_49 : memref<3136xf32, #tpu.memory_space<vmem_shared>>)
      tpu.yield
    }) : () -> ()
    "tpu.region"() ({
      %run_scoped3A = tpu.sem_alloc : memref<!tpu.dma_semaphore, #tpu.memory_space<semaphore_mem>>
      %dma_start3A = tpu.memref_slice %arg7[%mul3A_0] : memref<50176xf32, #tpu.memory_space<hbm>> -> memref<3136xf32, #tpu.memory_space<hbm>>
      %dma_start3A_48 = tpu.memref_slice %arg7[%mul3A_0] : memref<50176xf32, #tpu.memory_space<hbm>> -> memref<3136xf32, #tpu.memory_space<hbm>>
      tpu.enqueue_dma source(%dma_start3A_48 : memref<3136xf32, #tpu.memory_space<hbm>>) target(%arg25 : memref<3136xf32, #tpu.memory_space<vmem>>) target_semaphore(%run_scoped3A : memref<!tpu.dma_semaphore, #tpu.memory_space<semaphore_mem>>)
      %dma_wait3A = tpu.memref_slice %arg7[%mul3A_0] : memref<50176xf32, #tpu.memory_space<hbm>> -> memref<3136xf32, #tpu.memory_space<hbm>>
      %dma_wait3A_49 = tpu.memref_slice %arg7[%mul3A_0] : memref<50176xf32, #tpu.memory_space<hbm>> -> memref<3136xf32, #tpu.memory_space<hbm>>
      tpu.wait_dma2 semaphore(%run_scoped3A : memref<!tpu.dma_semaphore, #tpu.memory_space<semaphore_mem>>) src(%dma_wait3A_49 : memref<3136xf32, #tpu.memory_space<hbm>>) dst(%arg25 : memref<3136xf32, #tpu.memory_space<vmem>>)
      tpu.yield
    }) : () -> ()
    "tpu.region"() ({
      %run_scoped3A = tpu.sem_alloc : memref<!tpu.dma_semaphore, #tpu.memory_space<semaphore_mem>>
      %dma_start3A = tpu.memref_slice %arg16[%mul3A_0] : memref<50176xf32, #tpu.memory_space<vmem_shared>> -> memref<3136xf32, #tpu.memory_space<vmem_shared>>
      %dma_start3A_48 = tpu.memref_slice %arg16[%mul3A_0] : memref<50176xf32, #tpu.memory_space<vmem_shared>> -> memref<3136xf32, #tpu.memory_space<vmem_shared>>
      tpu.enqueue_dma source(%arg25 : memref<3136xf32, #tpu.memory_space<vmem>>) target(%dma_start3A_48 : memref<3136xf32, #tpu.memory_space<vmem_shared>>) target_semaphore(%run_scoped3A : memref<!tpu.dma_semaphore, #tpu.memory_space<semaphore_mem>>)
      %dma_wait3A = tpu.memref_slice %arg16[%mul3A_0] : memref<50176xf32, #tpu.memory_space<vmem_shared>> -> memref<3136xf32, #tpu.memory_space<vmem_shared>>
      %dma_wait3A_49 = tpu.memref_slice %arg16[%mul3A_0] : memref<50176xf32, #tpu.memory_space<vmem_shared>> -> memref<3136xf32, #tpu.memory_space<vmem_shared>>
      tpu.wait_dma2 semaphore(%run_scoped3A : memref<!tpu.dma_semaphore, #tpu.memory_space<semaphore_mem>>) src(%arg25 : memref<3136xf32, #tpu.memory_space<vmem>>) dst(%dma_wait3A_49 : memref<3136xf32, #tpu.memory_space<vmem_shared>>)
      tpu.yield
    }) : () -> ()
    %barrier3A = arith.constant 0 : index
    tpu.barrier barrier_id(%barrier3A)
    %eq3A = arith.constant 0 : i32
    %eq3A_1 = arith.cmpi eq, %arg0, %eq3A : i32
    %jit3A = arith.constant 304 : i32
    %jit3A_2 = arith.constant 112 : i32
    %select_n3A = arith.select %eq3A_1, %jit3A, %jit3A_2 : i32
    %mul3A_3 = arith.constant 16 : i32
    %mul3A_4 = arith.muli %arg0, %mul3A_3 : i32
    %mul3A_5 = arith.constant 304 : i32
    %mul3A_6 = arith.muli %mul3A_4, %mul3A_5 : i32
    %mul3A_7 = arith.muli %arg1, %select_n3A : i32
    %add3A = arith.addi %mul3A_6, %mul3A_7 : i32
    %jit3A_8 = arith.constant 16 : i32
    %div3A = arith.divsi %select_n3A, %jit3A_8 : i32
    %sign3A = arith.constant 0 : i32
    %sign3A_9 = arith.cmpi sgt, %select_n3A, %sign3A : i32
    %sign3A_10 = arith.extui %sign3A_9 : i1 to i32
    %sign3A_11 = arith.constant 0 : i32
    %sign3A_12 = arith.cmpi slt, %select_n3A, %sign3A_11 : i32
    %sign3A_13 = arith.extui %sign3A_12 : i1 to i32
    %sign3A_14 = arith.subi %sign3A_10, %sign3A_13 : i32
    %sign3A_15 = arith.constant 0 : i32
    %sign3A_16 = arith.cmpi sgt, %jit3A_8, %sign3A_15 : i32
    %sign3A_17 = arith.extui %sign3A_16 : i1 to i32
    %sign3A_18 = arith.constant 0 : i32
    %sign3A_19 = arith.cmpi slt, %jit3A_8, %sign3A_18 : i32
    %sign3A_20 = arith.extui %sign3A_19 : i1 to i32
    %sign3A_21 = arith.subi %sign3A_17, %sign3A_20 : i32
    %ne3A = arith.cmpi ne, %sign3A_14, %sign3A_21 : i32
    %rem3A = arith.remsi %select_n3A, %jit3A_8 : i32
    %ne3A_22 = arith.constant 0 : i32
    %ne3A_23 = arith.cmpi ne, %rem3A, %ne3A_22 : i32
    %and3A = arith.andi %ne3A, %ne3A_23 : i1
    %sub3A = arith.constant 1 : i32
    %sub3A_24 = arith.subi %div3A, %sub3A : i32
    %select_n3A_25 = arith.select %and3A, %sub3A_24, %div3A : i32
    %while3A = arith.constant 0 : i32
    %while3A_26 = arith.constant 0 : i32
    %while3A_27 = arith.subi %select_n3A_25, %while3A_26 : i32
    %while3A_28 = arith.addi %while3A_26, %while3A_27 : i32
    %while3A_29 = arith.constant 1 : i32
    %while3A_30 = arith.divsi %while3A_27, %while3A_29 : i32
    %while3A_31 = arith.muli %while3A_30, %while3A_29 : i32
    %while3A_32 = arith.addi %while3A_26, %while3A_31 : i32
    %while3A_33 = arith.constant 1 : i32
    scf.for %while3A_48 = %while3A_26 to %while3A_32 step %while3A_33  : i32 {
      %mul3A_49 = arith.constant 16 : i32
      %mul3A_50 = arith.muli %while3A_48, %mul3A_49 : i32
      %add3A_51 = arith.addi %add3A, %mul3A_50 : i32
      "tpu.region"() ({
        %run_scoped3A = tpu.sem_alloc : memref<!tpu.dma_semaphore, #tpu.memory_space<semaphore_mem>>
        %dma_start3A = arith.constant 0 : i32
        %dma_start3A_60 = tpu.memref_slice %arg2[%add3A_51, %dma_start3A] : memref<6656x128xi32, #tpu.memory_space<hbm>> -> memref<16x128xi32, #tpu.memory_space<hbm>>
        %dma_start3A_61 = arith.constant 0 : i32
        %dma_start3A_62 = tpu.memref_slice %arg2[%add3A_51, %dma_start3A_61] : memref<6656x128xi32, #tpu.memory_space<hbm>> -> memref<16x128xi32, #tpu.memory_space<hbm>>
        tpu.enqueue_dma source(%dma_start3A_62 : memref<16x128xi32, #tpu.memory_space<hbm>>) target(%arg21 : memref<16x128xi32, #tpu.memory_space<vmem>>) target_semaphore(%run_scoped3A : memref<!tpu.dma_semaphore, #tpu.memory_space<semaphore_mem>>)
        %dma_wait3A = arith.constant 0 : i32
        %dma_wait3A_63 = tpu.memref_slice %arg2[%add3A_51, %dma_wait3A] : memref<6656x128xi32, #tpu.memory_space<hbm>> -> memref<16x128xi32, #tpu.memory_space<hbm>>
        %dma_wait3A_64 = arith.constant 0 : i32
        %dma_wait3A_65 = tpu.memref_slice %arg2[%add3A_51, %dma_wait3A_64] : memref<6656x128xi32, #tpu.memory_space<hbm>> -> memref<16x128xi32, #tpu.memory_space<hbm>>
        tpu.wait_dma2 semaphore(%run_scoped3A : memref<!tpu.dma_semaphore, #tpu.memory_space<semaphore_mem>>) src(%dma_wait3A_65 : memref<16x128xi32, #tpu.memory_space<hbm>>) dst(%arg21 : memref<16x128xi32, #tpu.memory_space<vmem>>)
        tpu.yield
      }) : () -> ()
      %mul3A_52 = arith.constant 16 : i32
      %mul3A_53 = arith.muli %while3A_48, %mul3A_52 : i32
      %add3A_54 = arith.addi %add3A, %mul3A_53 : i32
      "tpu.region"() ({
        %run_scoped3A = tpu.sem_alloc : memref<!tpu.dma_semaphore, #tpu.memory_space<semaphore_mem>>
        %dma_start3A = arith.constant 0 : i32
        %dma_start3A_60 = tpu.memref_slice %arg3[%add3A_54, %dma_start3A] : memref<6656x128xi32, #tpu.memory_space<hbm>> -> memref<16x128xi32, #tpu.memory_space<hbm>>
        %dma_start3A_61 = arith.constant 0 : i32
        %dma_start3A_62 = tpu.memref_slice %arg3[%add3A_54, %dma_start3A_61] : memref<6656x128xi32, #tpu.memory_space<hbm>> -> memref<16x128xi32, #tpu.memory_space<hbm>>
        tpu.enqueue_dma source(%dma_start3A_62 : memref<16x128xi32, #tpu.memory_space<hbm>>) target(%arg22 : memref<16x128xi32, #tpu.memory_space<vmem>>) target_semaphore(%run_scoped3A : memref<!tpu.dma_semaphore, #tpu.memory_space<semaphore_mem>>)
        %dma_wait3A = arith.constant 0 : i32
        %dma_wait3A_63 = tpu.memref_slice %arg3[%add3A_54, %dma_wait3A] : memref<6656x128xi32, #tpu.memory_space<hbm>> -> memref<16x128xi32, #tpu.memory_space<hbm>>
        %dma_wait3A_64 = arith.constant 0 : i32
        %dma_wait3A_65 = tpu.memref_slice %arg3[%add3A_54, %dma_wait3A_64] : memref<6656x128xi32, #tpu.memory_space<hbm>> -> memref<16x128xi32, #tpu.memory_space<hbm>>
        tpu.wait_dma2 semaphore(%run_scoped3A : memref<!tpu.dma_semaphore, #tpu.memory_space<semaphore_mem>>) src(%dma_wait3A_65 : memref<16x128xi32, #tpu.memory_space<hbm>>) dst(%arg22 : memref<16x128xi32, #tpu.memory_space<vmem>>)
        tpu.yield
      }) : () -> ()
      %scan3A = arith.constant 0 : i32
      %scan3A_55 = arith.constant 0 : i32
      %scan3A_56 = arith.constant 8 : i32
      %scan3A_57 = arith.addi %scan3A_55, %scan3A_56 : i32
      %scan3A_58 = arith.constant 1 : i32
      scf.for %scan3A_60 = %scan3A_55 to %scan3A_57 step %scan3A_58  : i32 {
        %mul3A_61 = arith.constant 2 : i32
        %mul3A_62 = arith.muli %mul3A_61, %scan3A_60 : i32
        %add3A_63 = arith.constant 1 : i32
        %add3A_64 = arith.addi %mul3A_62, %add3A_63 : i32
        %dma_start3A = arith.constant 0 : i32
        %dma_start3A_65 = arith.constant 0 : i32
        %dma_start3A_66 = tpu.memref_slice %arg23[%dma_start3A, %dma_start3A_65] : memref<4x128xf32, #tpu.memory_space<vmem>> -> memref<1x128xf32, #tpu.memory_space<vmem>>
        %dma_start3A_67 = tpu.memref_squeeze %dma_start3A_66 : memref<1x128xf32, #tpu.memory_space<vmem>> -> memref<128xf32, #tpu.memory_space<vmem>>
        %dma_start3A_68 = arith.constant 0 : i32
        %dma_start3A_69 = tpu.memref_slice %arg21[%mul3A_62, %dma_start3A_68] : memref<16x128xi32, #tpu.memory_space<vmem>> -> memref<1x128xi32, #tpu.memory_space<vmem>>
        %dma_start3A_70 = tpu.memref_squeeze %dma_start3A_69 : memref<1x128xi32, #tpu.memory_space<vmem>> -> memref<128xi32, #tpu.memory_space<vmem>>
        %dma_start3A_71 = arith.constant 0 : i32
        %dma_start3A_72 = tpu.memref_slice %arg13[%dma_start3A_71] : memref<50176xf32, #tpu.memory_space<vmem_shared>> -> memref<50176xf32, #tpu.memory_space<vmem_shared>>
        tpu.enqueue_indirect_dma source(%dma_start3A_72 : memref<50176xf32, #tpu.memory_space<vmem_shared>>) target(%dma_start3A_67 : memref<128xf32, #tpu.memory_space<vmem>>) offsets(%dma_start3A_70 : memref<128xi32, #tpu.memory_space<vmem>>) semaphore(%arg26 : memref<!tpu.dma_semaphore, #tpu.memory_space<semaphore_mem>>)
        %dma_start3A_73 = arith.constant 1 : i32
        %dma_start3A_74 = arith.constant 0 : i32
        %dma_start3A_75 = tpu.memref_slice %arg23[%dma_start3A_73, %dma_start3A_74] : memref<4x128xf32, #tpu.memory_space<vmem>> -> memref<1x128xf32, #tpu.memory_space<vmem>>
        %dma_start3A_76 = tpu.memref_squeeze %dma_start3A_75 : memref<1x128xf32, #tpu.memory_space<vmem>> -> memref<128xf32, #tpu.memory_space<vmem>>
        %dma_start3A_77 = arith.constant 0 : i32
        %dma_start3A_78 = tpu.memref_slice %arg21[%mul3A_62, %dma_start3A_77] : memref<16x128xi32, #tpu.memory_space<vmem>> -> memref<1x128xi32, #tpu.memory_space<vmem>>
        %dma_start3A_79 = tpu.memref_squeeze %dma_start3A_78 : memref<1x128xi32, #tpu.memory_space<vmem>> -> memref<128xi32, #tpu.memory_space<vmem>>
        %dma_start3A_80 = arith.constant 0 : i32
        %dma_start3A_81 = tpu.memref_slice %arg14[%dma_start3A_80] : memref<50176xf32, #tpu.memory_space<vmem_shared>> -> memref<50176xf32, #tpu.memory_space<vmem_shared>>
        tpu.enqueue_indirect_dma source(%dma_start3A_81 : memref<50176xf32, #tpu.memory_space<vmem_shared>>) target(%dma_start3A_76 : memref<128xf32, #tpu.memory_space<vmem>>) offsets(%dma_start3A_79 : memref<128xi32, #tpu.memory_space<vmem>>) semaphore(%arg26 : memref<!tpu.dma_semaphore, #tpu.memory_space<semaphore_mem>>)
        %dma_start3A_82 = arith.constant 2 : i32
        %dma_start3A_83 = arith.constant 0 : i32
        %dma_start3A_84 = tpu.memref_slice %arg23[%dma_start3A_82, %dma_start3A_83] : memref<4x128xf32, #tpu.memory_space<vmem>> -> memref<1x128xf32, #tpu.memory_space<vmem>>
        %dma_start3A_85 = tpu.memref_squeeze %dma_start3A_84 : memref<1x128xf32, #tpu.memory_space<vmem>> -> memref<128xf32, #tpu.memory_space<vmem>>
        %dma_start3A_86 = arith.constant 0 : i32
        %dma_start3A_87 = tpu.memref_slice %arg21[%mul3A_62, %dma_start3A_86] : memref<16x128xi32, #tpu.memory_space<vmem>> -> memref<1x128xi32, #tpu.memory_space<vmem>>
        %dma_start3A_88 = tpu.memref_squeeze %dma_start3A_87 : memref<1x128xi32, #tpu.memory_space<vmem>> -> memref<128xi32, #tpu.memory_space<vmem>>
        %dma_start3A_89 = arith.constant 0 : i32
        %dma_start3A_90 = tpu.memref_slice %arg15[%dma_start3A_89] : memref<50176xf32, #tpu.memory_space<vmem_shared>> -> memref<50176xf32, #tpu.memory_space<vmem_shared>>
        tpu.enqueue_indirect_dma source(%dma_start3A_90 : memref<50176xf32, #tpu.memory_space<vmem_shared>>) target(%dma_start3A_85 : memref<128xf32, #tpu.memory_space<vmem>>) offsets(%dma_start3A_88 : memref<128xi32, #tpu.memory_space<vmem>>) semaphore(%arg26 : memref<!tpu.dma_semaphore, #tpu.memory_space<semaphore_mem>>)
        %dma_start3A_91 = arith.constant 3 : i32
        %dma_start3A_92 = arith.constant 0 : i32
        %dma_start3A_93 = tpu.memref_slice %arg23[%dma_start3A_91, %dma_start3A_92] : memref<4x128xf32, #tpu.memory_space<vmem>> -> memref<1x128xf32, #tpu.memory_space<vmem>>
        %dma_start3A_94 = tpu.memref_squeeze %dma_start3A_93 : memref<1x128xf32, #tpu.memory_space<vmem>> -> memref<128xf32, #tpu.memory_space<vmem>>
        %dma_start3A_95 = arith.constant 0 : i32
        %dma_start3A_96 = tpu.memref_slice %arg21[%mul3A_62, %dma_start3A_95] : memref<16x128xi32, #tpu.memory_space<vmem>> -> memref<1x128xi32, #tpu.memory_space<vmem>>
        %dma_start3A_97 = tpu.memref_squeeze %dma_start3A_96 : memref<1x128xi32, #tpu.memory_space<vmem>> -> memref<128xi32, #tpu.memory_space<vmem>>
        %dma_start3A_98 = arith.constant 0 : i32
        %dma_start3A_99 = tpu.memref_slice %arg16[%dma_start3A_98] : memref<50176xf32, #tpu.memory_space<vmem_shared>> -> memref<50176xf32, #tpu.memory_space<vmem_shared>>
        tpu.enqueue_indirect_dma source(%dma_start3A_99 : memref<50176xf32, #tpu.memory_space<vmem_shared>>) target(%dma_start3A_94 : memref<128xf32, #tpu.memory_space<vmem>>) offsets(%dma_start3A_97 : memref<128xi32, #tpu.memory_space<vmem>>) semaphore(%arg26 : memref<!tpu.dma_semaphore, #tpu.memory_space<semaphore_mem>>)
        %dma_start3A_100 = arith.constant 0 : i32
        %dma_start3A_101 = arith.constant 0 : i32
        %dma_start3A_102 = tpu.memref_slice %arg24[%dma_start3A_100, %dma_start3A_101] : memref<4x128xf32, #tpu.memory_space<vmem>> -> memref<1x128xf32, #tpu.memory_space<vmem>>
        %dma_start3A_103 = tpu.memref_squeeze %dma_start3A_102 : memref<1x128xf32, #tpu.memory_space<vmem>> -> memref<128xf32, #tpu.memory_space<vmem>>
        %dma_start3A_104 = arith.constant 0 : i32
        %dma_start3A_105 = tpu.memref_slice %arg21[%add3A_64, %dma_start3A_104] : memref<16x128xi32, #tpu.memory_space<vmem>> -> memref<1x128xi32, #tpu.memory_space<vmem>>
        %dma_start3A_106 = tpu.memref_squeeze %dma_start3A_105 : memref<1x128xi32, #tpu.memory_space<vmem>> -> memref<128xi32, #tpu.memory_space<vmem>>
        %dma_start3A_107 = arith.constant 0 : i32
        %dma_start3A_108 = tpu.memref_slice %arg13[%dma_start3A_107] : memref<50176xf32, #tpu.memory_space<vmem_shared>> -> memref<50176xf32, #tpu.memory_space<vmem_shared>>
        tpu.enqueue_indirect_dma source(%dma_start3A_108 : memref<50176xf32, #tpu.memory_space<vmem_shared>>) target(%dma_start3A_103 : memref<128xf32, #tpu.memory_space<vmem>>) offsets(%dma_start3A_106 : memref<128xi32, #tpu.memory_space<vmem>>) semaphore(%arg26 : memref<!tpu.dma_semaphore, #tpu.memory_space<semaphore_mem>>)
        %dma_start3A_109 = arith.constant 1 : i32
        %dma_start3A_110 = arith.constant 0 : i32
        %dma_start3A_111 = tpu.memref_slice %arg24[%dma_start3A_109, %dma_start3A_110] : memref<4x128xf32, #tpu.memory_space<vmem>> -> memref<1x128xf32, #tpu.memory_space<vmem>>
        %dma_start3A_112 = tpu.memref_squeeze %dma_start3A_111 : memref<1x128xf32, #tpu.memory_space<vmem>> -> memref<128xf32, #tpu.memory_space<vmem>>
        %dma_start3A_113 = arith.constant 0 : i32
        %dma_start3A_114 = tpu.memref_slice %arg21[%add3A_64, %dma_start3A_113] : memref<16x128xi32, #tpu.memory_space<vmem>> -> memref<1x128xi32, #tpu.memory_space<vmem>>
        %dma_start3A_115 = tpu.memref_squeeze %dma_start3A_114 : memref<1x128xi32, #tpu.memory_space<vmem>> -> memref<128xi32, #tpu.memory_space<vmem>>
        %dma_start3A_116 = arith.constant 0 : i32
        %dma_start3A_117 = tpu.memref_slice %arg14[%dma_start3A_116] : memref<50176xf32, #tpu.memory_space<vmem_shared>> -> memref<50176xf32, #tpu.memory_space<vmem_shared>>
        tpu.enqueue_indirect_dma source(%dma_start3A_117 : memref<50176xf32, #tpu.memory_space<vmem_shared>>) target(%dma_start3A_112 : memref<128xf32, #tpu.memory_space<vmem>>) offsets(%dma_start3A_115 : memref<128xi32, #tpu.memory_space<vmem>>) semaphore(%arg26 : memref<!tpu.dma_semaphore, #tpu.memory_space<semaphore_mem>>)
        %dma_start3A_118 = arith.constant 2 : i32
        %dma_start3A_119 = arith.constant 0 : i32
        %dma_start3A_120 = tpu.memref_slice %arg24[%dma_start3A_118, %dma_start3A_119] : memref<4x128xf32, #tpu.memory_space<vmem>> -> memref<1x128xf32, #tpu.memory_space<vmem>>
        %dma_start3A_121 = tpu.memref_squeeze %dma_start3A_120 : memref<1x128xf32, #tpu.memory_space<vmem>> -> memref<128xf32, #tpu.memory_space<vmem>>
        %dma_start3A_122 = arith.constant 0 : i32
        %dma_start3A_123 = tpu.memref_slice %arg21[%add3A_64, %dma_start3A_122] : memref<16x128xi32, #tpu.memory_space<vmem>> -> memref<1x128xi32, #tpu.memory_space<vmem>>
        %dma_start3A_124 = tpu.memref_squeeze %dma_start3A_123 : memref<1x128xi32, #tpu.memory_space<vmem>> -> memref<128xi32, #tpu.memory_space<vmem>>
        %dma_start3A_125 = arith.constant 0 : i32
        %dma_start3A_126 = tpu.memref_slice %arg15[%dma_start3A_125] : memref<50176xf32, #tpu.memory_space<vmem_shared>> -> memref<50176xf32, #tpu.memory_space<vmem_shared>>
        tpu.enqueue_indirect_dma source(%dma_start3A_126 : memref<50176xf32, #tpu.memory_space<vmem_shared>>) target(%dma_start3A_121 : memref<128xf32, #tpu.memory_space<vmem>>) offsets(%dma_start3A_124 : memref<128xi32, #tpu.memory_space<vmem>>) semaphore(%arg26 : memref<!tpu.dma_semaphore, #tpu.memory_space<semaphore_mem>>)
        %dma_start3A_127 = arith.constant 3 : i32
        %dma_start3A_128 = arith.constant 0 : i32
        %dma_start3A_129 = tpu.memref_slice %arg24[%dma_start3A_127, %dma_start3A_128] : memref<4x128xf32, #tpu.memory_space<vmem>> -> memref<1x128xf32, #tpu.memory_space<vmem>>
        %dma_start3A_130 = tpu.memref_squeeze %dma_start3A_129 : memref<1x128xf32, #tpu.memory_space<vmem>> -> memref<128xf32, #tpu.memory_space<vmem>>
        %dma_start3A_131 = arith.constant 0 : i32
        %dma_start3A_132 = tpu.memref_slice %arg21[%add3A_64, %dma_start3A_131] : memref<16x128xi32, #tpu.memory_space<vmem>> -> memref<1x128xi32, #tpu.memory_space<vmem>>
        %dma_start3A_133 = tpu.memref_squeeze %dma_start3A_132 : memref<1x128xi32, #tpu.memory_space<vmem>> -> memref<128xi32, #tpu.memory_space<vmem>>
        %dma_start3A_134 = arith.constant 0 : i32
        %dma_start3A_135 = tpu.memref_slice %arg16[%dma_start3A_134] : memref<50176xf32, #tpu.memory_space<vmem_shared>> -> memref<50176xf32, #tpu.memory_space<vmem_shared>>
        tpu.enqueue_indirect_dma source(%dma_start3A_135 : memref<50176xf32, #tpu.memory_space<vmem_shared>>) target(%dma_start3A_130 : memref<128xf32, #tpu.memory_space<vmem>>) offsets(%dma_start3A_133 : memref<128xi32, #tpu.memory_space<vmem>>) semaphore(%arg26 : memref<!tpu.dma_semaphore, #tpu.memory_space<semaphore_mem>>)
        %dma_wait3A = arith.constant 0 : i32
        %dma_wait3A_136 = arith.constant 0 : i32
        %dma_wait3A_137 = tpu.memref_slice %arg23[%dma_wait3A, %dma_wait3A_136] : memref<4x128xf32, #tpu.memory_space<vmem>> -> memref<1x128xf32, #tpu.memory_space<vmem>>
        %dma_wait3A_138 = tpu.memref_squeeze %dma_wait3A_137 : memref<1x128xf32, #tpu.memory_space<vmem>> -> memref<128xf32, #tpu.memory_space<vmem>>
        %dma_wait3A_139 = arith.constant 0 : i32
        %dma_wait3A_140 = tpu.memref_slice %arg21[%mul3A_62, %dma_wait3A_139] : memref<16x128xi32, #tpu.memory_space<vmem>> -> memref<1x128xi32, #tpu.memory_space<vmem>>
        %dma_wait3A_141 = tpu.memref_squeeze %dma_wait3A_140 : memref<1x128xi32, #tpu.memory_space<vmem>> -> memref<128xi32, #tpu.memory_space<vmem>>
        %dma_wait3A_142 = arith.constant 0 : i32
        %dma_wait3A_143 = tpu.memref_slice %arg13[%dma_wait3A_142] : memref<50176xf32, #tpu.memory_space<vmem_shared>> -> memref<50176xf32, #tpu.memory_space<vmem_shared>>
        tpu.wait_indirect_dma semaphore(%arg26 : memref<!tpu.dma_semaphore, #tpu.memory_space<semaphore_mem>>) src(%dma_wait3A_143 : memref<50176xf32, #tpu.memory_space<vmem_shared>>) dst(%dma_wait3A_138 : memref<128xf32, #tpu.memory_space<vmem>>)
        %dma_wait3A_144 = arith.constant 1 : i32
        %dma_wait3A_145 = arith.constant 0 : i32
        %dma_wait3A_146 = tpu.memref_slice %arg23[%dma_wait3A_144, %dma_wait3A_145] : memref<4x128xf32, #tpu.memory_space<vmem>> -> memref<1x128xf32, #tpu.memory_space<vmem>>
        %dma_wait3A_147 = tpu.memref_squeeze %dma_wait3A_146 : memref<1x128xf32, #tpu.memory_space<vmem>> -> memref<128xf32, #tpu.memory_space<vmem>>
        %dma_wait3A_148 = arith.constant 0 : i32
        %dma_wait3A_149 = tpu.memref_slice %arg21[%mul3A_62, %dma_wait3A_148] : memref<16x128xi32, #tpu.memory_space<vmem>> -> memref<1x128xi32, #tpu.memory_space<vmem>>
        %dma_wait3A_150 = tpu.memref_squeeze %dma_wait3A_149 : memref<1x128xi32, #tpu.memory_space<vmem>> -> memref<128xi32, #tpu.memory_space<vmem>>
        %dma_wait3A_151 = arith.constant 0 : i32
        %dma_wait3A_152 = tpu.memref_slice %arg14[%dma_wait3A_151] : memref<50176xf32, #tpu.memory_space<vmem_shared>> -> memref<50176xf32, #tpu.memory_space<vmem_shared>>
        tpu.wait_indirect_dma semaphore(%arg26 : memref<!tpu.dma_semaphore, #tpu.memory_space<semaphore_mem>>) src(%dma_wait3A_152 : memref<50176xf32, #tpu.memory_space<vmem_shared>>) dst(%dma_wait3A_147 : memref<128xf32, #tpu.memory_space<vmem>>)
        %dma_wait3A_153 = arith.constant 2 : i32
        %dma_wait3A_154 = arith.constant 0 : i32
        %dma_wait3A_155 = tpu.memref_slice %arg23[%dma_wait3A_153, %dma_wait3A_154] : memref<4x128xf32, #tpu.memory_space<vmem>> -> memref<1x128xf32, #tpu.memory_space<vmem>>
        %dma_wait3A_156 = tpu.memref_squeeze %dma_wait3A_155 : memref<1x128xf32, #tpu.memory_space<vmem>> -> memref<128xf32, #tpu.memory_space<vmem>>
        %dma_wait3A_157 = arith.constant 0 : i32
        %dma_wait3A_158 = tpu.memref_slice %arg21[%mul3A_62, %dma_wait3A_157] : memref<16x128xi32, #tpu.memory_space<vmem>> -> memref<1x128xi32, #tpu.memory_space<vmem>>
        %dma_wait3A_159 = tpu.memref_squeeze %dma_wait3A_158 : memref<1x128xi32, #tpu.memory_space<vmem>> -> memref<128xi32, #tpu.memory_space<vmem>>
        %dma_wait3A_160 = arith.constant 0 : i32
        %dma_wait3A_161 = tpu.memref_slice %arg15[%dma_wait3A_160] : memref<50176xf32, #tpu.memory_space<vmem_shared>> -> memref<50176xf32, #tpu.memory_space<vmem_shared>>
        tpu.wait_indirect_dma semaphore(%arg26 : memref<!tpu.dma_semaphore, #tpu.memory_space<semaphore_mem>>) src(%dma_wait3A_161 : memref<50176xf32, #tpu.memory_space<vmem_shared>>) dst(%dma_wait3A_156 : memref<128xf32, #tpu.memory_space<vmem>>)
        %dma_wait3A_162 = arith.constant 3 : i32
        %dma_wait3A_163 = arith.constant 0 : i32
        %dma_wait3A_164 = tpu.memref_slice %arg23[%dma_wait3A_162, %dma_wait3A_163] : memref<4x128xf32, #tpu.memory_space<vmem>> -> memref<1x128xf32, #tpu.memory_space<vmem>>
        %dma_wait3A_165 = tpu.memref_squeeze %dma_wait3A_164 : memref<1x128xf32, #tpu.memory_space<vmem>> -> memref<128xf32, #tpu.memory_space<vmem>>
        %dma_wait3A_166 = arith.constant 0 : i32
        %dma_wait3A_167 = tpu.memref_slice %arg21[%mul3A_62, %dma_wait3A_166] : memref<16x128xi32, #tpu.memory_space<vmem>> -> memref<1x128xi32, #tpu.memory_space<vmem>>
        %dma_wait3A_168 = tpu.memref_squeeze %dma_wait3A_167 : memref<1x128xi32, #tpu.memory_space<vmem>> -> memref<128xi32, #tpu.memory_space<vmem>>
        %dma_wait3A_169 = arith.constant 0 : i32
        %dma_wait3A_170 = tpu.memref_slice %arg16[%dma_wait3A_169] : memref<50176xf32, #tpu.memory_space<vmem_shared>> -> memref<50176xf32, #tpu.memory_space<vmem_shared>>
        tpu.wait_indirect_dma semaphore(%arg26 : memref<!tpu.dma_semaphore, #tpu.memory_space<semaphore_mem>>) src(%dma_wait3A_170 : memref<50176xf32, #tpu.memory_space<vmem_shared>>) dst(%dma_wait3A_165 : memref<128xf32, #tpu.memory_space<vmem>>)
        %dma_start3A_171 = arith.constant 0 : i32
        %dma_start3A_172 = arith.constant 0 : i32
        %dma_start3A_173 = tpu.memref_slice %arg23[%dma_start3A_171, %dma_start3A_172] : memref<4x128xf32, #tpu.memory_space<vmem>> -> memref<1x128xf32, #tpu.memory_space<vmem>>
        %dma_start3A_174 = tpu.memref_squeeze %dma_start3A_173 : memref<1x128xf32, #tpu.memory_space<vmem>> -> memref<128xf32, #tpu.memory_space<vmem>>
        %dma_start3A_175 = arith.constant 0 : i32
        %dma_start3A_176 = tpu.memref_slice %arg22[%mul3A_62, %dma_start3A_175] : memref<16x128xi32, #tpu.memory_space<vmem>> -> memref<1x128xi32, #tpu.memory_space<vmem>>
        %dma_start3A_177 = tpu.memref_squeeze %dma_start3A_176 : memref<1x128xi32, #tpu.memory_space<vmem>> -> memref<128xi32, #tpu.memory_space<vmem>>
        %dma_start3A_178 = arith.constant 0 : i32
        %dma_start3A_179 = tpu.memref_slice %arg17[%dma_start3A_178] : memref<50176xf32, #tpu.memory_space<vmem_shared>> -> memref<50176xf32, #tpu.memory_space<vmem_shared>>
        tpu.enqueue_indirect_dma source(%dma_start3A_174 : memref<128xf32, #tpu.memory_space<vmem>>) target(%dma_start3A_179 : memref<50176xf32, #tpu.memory_space<vmem_shared>>) offsets(%dma_start3A_177 : memref<128xi32, #tpu.memory_space<vmem>>) semaphore(%arg27 : memref<!tpu.dma_semaphore, #tpu.memory_space<semaphore_mem>>) {add = true}
        %dma_start3A_180 = arith.constant 1 : i32
        %dma_start3A_181 = arith.constant 0 : i32
        %dma_start3A_182 = tpu.memref_slice %arg23[%dma_start3A_180, %dma_start3A_181] : memref<4x128xf32, #tpu.memory_space<vmem>> -> memref<1x128xf32, #tpu.memory_space<vmem>>
        %dma_start3A_183 = tpu.memref_squeeze %dma_start3A_182 : memref<1x128xf32, #tpu.memory_space<vmem>> -> memref<128xf32, #tpu.memory_space<vmem>>
        %dma_start3A_184 = arith.constant 0 : i32
        %dma_start3A_185 = tpu.memref_slice %arg22[%mul3A_62, %dma_start3A_184] : memref<16x128xi32, #tpu.memory_space<vmem>> -> memref<1x128xi32, #tpu.memory_space<vmem>>
        %dma_start3A_186 = tpu.memref_squeeze %dma_start3A_185 : memref<1x128xi32, #tpu.memory_space<vmem>> -> memref<128xi32, #tpu.memory_space<vmem>>
        %dma_start3A_187 = arith.constant 0 : i32
        %dma_start3A_188 = tpu.memref_slice %arg18[%dma_start3A_187] : memref<50176xf32, #tpu.memory_space<vmem_shared>> -> memref<50176xf32, #tpu.memory_space<vmem_shared>>
        tpu.enqueue_indirect_dma source(%dma_start3A_183 : memref<128xf32, #tpu.memory_space<vmem>>) target(%dma_start3A_188 : memref<50176xf32, #tpu.memory_space<vmem_shared>>) offsets(%dma_start3A_186 : memref<128xi32, #tpu.memory_space<vmem>>) semaphore(%arg27 : memref<!tpu.dma_semaphore, #tpu.memory_space<semaphore_mem>>) {add = true}
        %dma_start3A_189 = arith.constant 2 : i32
        %dma_start3A_190 = arith.constant 0 : i32
        %dma_start3A_191 = tpu.memref_slice %arg23[%dma_start3A_189, %dma_start3A_190] : memref<4x128xf32, #tpu.memory_space<vmem>> -> memref<1x128xf32, #tpu.memory_space<vmem>>
        %dma_start3A_192 = tpu.memref_squeeze %dma_start3A_191 : memref<1x128xf32, #tpu.memory_space<vmem>> -> memref<128xf32, #tpu.memory_space<vmem>>
        %dma_start3A_193 = arith.constant 0 : i32
        %dma_start3A_194 = tpu.memref_slice %arg22[%mul3A_62, %dma_start3A_193] : memref<16x128xi32, #tpu.memory_space<vmem>> -> memref<1x128xi32, #tpu.memory_space<vmem>>
        %dma_start3A_195 = tpu.memref_squeeze %dma_start3A_194 : memref<1x128xi32, #tpu.memory_space<vmem>> -> memref<128xi32, #tpu.memory_space<vmem>>
        %dma_start3A_196 = arith.constant 0 : i32
        %dma_start3A_197 = tpu.memref_slice %arg19[%dma_start3A_196] : memref<50176xf32, #tpu.memory_space<vmem_shared>> -> memref<50176xf32, #tpu.memory_space<vmem_shared>>
        tpu.enqueue_indirect_dma source(%dma_start3A_192 : memref<128xf32, #tpu.memory_space<vmem>>) target(%dma_start3A_197 : memref<50176xf32, #tpu.memory_space<vmem_shared>>) offsets(%dma_start3A_195 : memref<128xi32, #tpu.memory_space<vmem>>) semaphore(%arg27 : memref<!tpu.dma_semaphore, #tpu.memory_space<semaphore_mem>>) {add = true}
        %dma_start3A_198 = arith.constant 3 : i32
        %dma_start3A_199 = arith.constant 0 : i32
        %dma_start3A_200 = tpu.memref_slice %arg23[%dma_start3A_198, %dma_start3A_199] : memref<4x128xf32, #tpu.memory_space<vmem>> -> memref<1x128xf32, #tpu.memory_space<vmem>>
        %dma_start3A_201 = tpu.memref_squeeze %dma_start3A_200 : memref<1x128xf32, #tpu.memory_space<vmem>> -> memref<128xf32, #tpu.memory_space<vmem>>
        %dma_start3A_202 = arith.constant 0 : i32
        %dma_start3A_203 = tpu.memref_slice %arg22[%mul3A_62, %dma_start3A_202] : memref<16x128xi32, #tpu.memory_space<vmem>> -> memref<1x128xi32, #tpu.memory_space<vmem>>
        %dma_start3A_204 = tpu.memref_squeeze %dma_start3A_203 : memref<1x128xi32, #tpu.memory_space<vmem>> -> memref<128xi32, #tpu.memory_space<vmem>>
        %dma_start3A_205 = arith.constant 0 : i32
        %dma_start3A_206 = tpu.memref_slice %arg20[%dma_start3A_205] : memref<50176xf32, #tpu.memory_space<vmem_shared>> -> memref<50176xf32, #tpu.memory_space<vmem_shared>>
        tpu.enqueue_indirect_dma source(%dma_start3A_201 : memref<128xf32, #tpu.memory_space<vmem>>) target(%dma_start3A_206 : memref<50176xf32, #tpu.memory_space<vmem_shared>>) offsets(%dma_start3A_204 : memref<128xi32, #tpu.memory_space<vmem>>) semaphore(%arg27 : memref<!tpu.dma_semaphore, #tpu.memory_space<semaphore_mem>>) {add = true}
        %dma_wait3A_207 = arith.constant 0 : i32
        %dma_wait3A_208 = arith.constant 0 : i32
        %dma_wait3A_209 = tpu.memref_slice %arg24[%dma_wait3A_207, %dma_wait3A_208] : memref<4x128xf32, #tpu.memory_space<vmem>> -> memref<1x128xf32, #tpu.memory_space<vmem>>
        %dma_wait3A_210 = tpu.memref_squeeze %dma_wait3A_209 : memref<1x128xf32, #tpu.memory_space<vmem>> -> memref<128xf32, #tpu.memory_space<vmem>>
        %dma_wait3A_211 = arith.constant 0 : i32
        %dma_wait3A_212 = tpu.memref_slice %arg21[%add3A_64, %dma_wait3A_211] : memref<16x128xi32, #tpu.memory_space<vmem>> -> memref<1x128xi32, #tpu.memory_space<vmem>>
        %dma_wait3A_213 = tpu.memref_squeeze %dma_wait3A_212 : memref<1x128xi32, #tpu.memory_space<vmem>> -> memref<128xi32, #tpu.memory_space<vmem>>
        %dma_wait3A_214 = arith.constant 0 : i32
        %dma_wait3A_215 = tpu.memref_slice %arg13[%dma_wait3A_214] : memref<50176xf32, #tpu.memory_space<vmem_shared>> -> memref<50176xf32, #tpu.memory_space<vmem_shared>>
        tpu.wait_indirect_dma semaphore(%arg26 : memref<!tpu.dma_semaphore, #tpu.memory_space<semaphore_mem>>) src(%dma_wait3A_215 : memref<50176xf32, #tpu.memory_space<vmem_shared>>) dst(%dma_wait3A_210 : memref<128xf32, #tpu.memory_space<vmem>>)
        %dma_wait3A_216 = arith.constant 1 : i32
        %dma_wait3A_217 = arith.constant 0 : i32
        %dma_wait3A_218 = tpu.memref_slice %arg24[%dma_wait3A_216, %dma_wait3A_217] : memref<4x128xf32, #tpu.memory_space<vmem>> -> memref<1x128xf32, #tpu.memory_space<vmem>>
        %dma_wait3A_219 = tpu.memref_squeeze %dma_wait3A_218 : memref<1x128xf32, #tpu.memory_space<vmem>> -> memref<128xf32, #tpu.memory_space<vmem>>
        %dma_wait3A_220 = arith.constant 0 : i32
        %dma_wait3A_221 = tpu.memref_slice %arg21[%add3A_64, %dma_wait3A_220] : memref<16x128xi32, #tpu.memory_space<vmem>> -> memref<1x128xi32, #tpu.memory_space<vmem>>
        %dma_wait3A_222 = tpu.memref_squeeze %dma_wait3A_221 : memref<1x128xi32, #tpu.memory_space<vmem>> -> memref<128xi32, #tpu.memory_space<vmem>>
        %dma_wait3A_223 = arith.constant 0 : i32
        %dma_wait3A_224 = tpu.memref_slice %arg14[%dma_wait3A_223] : memref<50176xf32, #tpu.memory_space<vmem_shared>> -> memref<50176xf32, #tpu.memory_space<vmem_shared>>
        tpu.wait_indirect_dma semaphore(%arg26 : memref<!tpu.dma_semaphore, #tpu.memory_space<semaphore_mem>>) src(%dma_wait3A_224 : memref<50176xf32, #tpu.memory_space<vmem_shared>>) dst(%dma_wait3A_219 : memref<128xf32, #tpu.memory_space<vmem>>)
        %dma_wait3A_225 = arith.constant 2 : i32
        %dma_wait3A_226 = arith.constant 0 : i32
        %dma_wait3A_227 = tpu.memref_slice %arg24[%dma_wait3A_225, %dma_wait3A_226] : memref<4x128xf32, #tpu.memory_space<vmem>> -> memref<1x128xf32, #tpu.memory_space<vmem>>
        %dma_wait3A_228 = tpu.memref_squeeze %dma_wait3A_227 : memref<1x128xf32, #tpu.memory_space<vmem>> -> memref<128xf32, #tpu.memory_space<vmem>>
        %dma_wait3A_229 = arith.constant 0 : i32
        %dma_wait3A_230 = tpu.memref_slice %arg21[%add3A_64, %dma_wait3A_229] : memref<16x128xi32, #tpu.memory_space<vmem>> -> memref<1x128xi32, #tpu.memory_space<vmem>>
        %dma_wait3A_231 = tpu.memref_squeeze %dma_wait3A_230 : memref<1x128xi32, #tpu.memory_space<vmem>> -> memref<128xi32, #tpu.memory_space<vmem>>
        %dma_wait3A_232 = arith.constant 0 : i32
        %dma_wait3A_233 = tpu.memref_slice %arg15[%dma_wait3A_232] : memref<50176xf32, #tpu.memory_space<vmem_shared>> -> memref<50176xf32, #tpu.memory_space<vmem_shared>>
        tpu.wait_indirect_dma semaphore(%arg26 : memref<!tpu.dma_semaphore, #tpu.memory_space<semaphore_mem>>) src(%dma_wait3A_233 : memref<50176xf32, #tpu.memory_space<vmem_shared>>) dst(%dma_wait3A_228 : memref<128xf32, #tpu.memory_space<vmem>>)
        %dma_wait3A_234 = arith.constant 3 : i32
        %dma_wait3A_235 = arith.constant 0 : i32
        %dma_wait3A_236 = tpu.memref_slice %arg24[%dma_wait3A_234, %dma_wait3A_235] : memref<4x128xf32, #tpu.memory_space<vmem>> -> memref<1x128xf32, #tpu.memory_space<vmem>>
        %dma_wait3A_237 = tpu.memref_squeeze %dma_wait3A_236 : memref<1x128xf32, #tpu.memory_space<vmem>> -> memref<128xf32, #tpu.memory_space<vmem>>
        %dma_wait3A_238 = arith.constant 0 : i32
        %dma_wait3A_239 = tpu.memref_slice %arg21[%add3A_64, %dma_wait3A_238] : memref<16x128xi32, #tpu.memory_space<vmem>> -> memref<1x128xi32, #tpu.memory_space<vmem>>
        %dma_wait3A_240 = tpu.memref_squeeze %dma_wait3A_239 : memref<1x128xi32, #tpu.memory_space<vmem>> -> memref<128xi32, #tpu.memory_space<vmem>>
        %dma_wait3A_241 = arith.constant 0 : i32
        %dma_wait3A_242 = tpu.memref_slice %arg16[%dma_wait3A_241] : memref<50176xf32, #tpu.memory_space<vmem_shared>> -> memref<50176xf32, #tpu.memory_space<vmem_shared>>
        tpu.wait_indirect_dma semaphore(%arg26 : memref<!tpu.dma_semaphore, #tpu.memory_space<semaphore_mem>>) src(%dma_wait3A_242 : memref<50176xf32, #tpu.memory_space<vmem_shared>>) dst(%dma_wait3A_237 : memref<128xf32, #tpu.memory_space<vmem>>)
        %dma_start3A_243 = arith.constant 0 : i32
        %dma_start3A_244 = arith.constant 0 : i32
        %dma_start3A_245 = tpu.memref_slice %arg24[%dma_start3A_243, %dma_start3A_244] : memref<4x128xf32, #tpu.memory_space<vmem>> -> memref<1x128xf32, #tpu.memory_space<vmem>>
        %dma_start3A_246 = tpu.memref_squeeze %dma_start3A_245 : memref<1x128xf32, #tpu.memory_space<vmem>> -> memref<128xf32, #tpu.memory_space<vmem>>
        %dma_start3A_247 = arith.constant 0 : i32
        %dma_start3A_248 = tpu.memref_slice %arg22[%add3A_64, %dma_start3A_247] : memref<16x128xi32, #tpu.memory_space<vmem>> -> memref<1x128xi32, #tpu.memory_space<vmem>>
        %dma_start3A_249 = tpu.memref_squeeze %dma_start3A_248 : memref<1x128xi32, #tpu.memory_space<vmem>> -> memref<128xi32, #tpu.memory_space<vmem>>
        %dma_start3A_250 = arith.constant 0 : i32
        %dma_start3A_251 = tpu.memref_slice %arg17[%dma_start3A_250] : memref<50176xf32, #tpu.memory_space<vmem_shared>> -> memref<50176xf32, #tpu.memory_space<vmem_shared>>
        tpu.enqueue_indirect_dma source(%dma_start3A_246 : memref<128xf32, #tpu.memory_space<vmem>>) target(%dma_start3A_251 : memref<50176xf32, #tpu.memory_space<vmem_shared>>) offsets(%dma_start3A_249 : memref<128xi32, #tpu.memory_space<vmem>>) semaphore(%arg27 : memref<!tpu.dma_semaphore, #tpu.memory_space<semaphore_mem>>) {add = true}
        %dma_start3A_252 = arith.constant 1 : i32
        %dma_start3A_253 = arith.constant 0 : i32
        %dma_start3A_254 = tpu.memref_slice %arg24[%dma_start3A_252, %dma_start3A_253] : memref<4x128xf32, #tpu.memory_space<vmem>> -> memref<1x128xf32, #tpu.memory_space<vmem>>
        %dma_start3A_255 = tpu.memref_squeeze %dma_start3A_254 : memref<1x128xf32, #tpu.memory_space<vmem>> -> memref<128xf32, #tpu.memory_space<vmem>>
        %dma_start3A_256 = arith.constant 0 : i32
        %dma_start3A_257 = tpu.memref_slice %arg22[%add3A_64, %dma_start3A_256] : memref<16x128xi32, #tpu.memory_space<vmem>> -> memref<1x128xi32, #tpu.memory_space<vmem>>
        %dma_start3A_258 = tpu.memref_squeeze %dma_start3A_257 : memref<1x128xi32, #tpu.memory_space<vmem>> -> memref<128xi32, #tpu.memory_space<vmem>>
        %dma_start3A_259 = arith.constant 0 : i32
        %dma_start3A_260 = tpu.memref_slice %arg18[%dma_start3A_259] : memref<50176xf32, #tpu.memory_space<vmem_shared>> -> memref<50176xf32, #tpu.memory_space<vmem_shared>>
        tpu.enqueue_indirect_dma source(%dma_start3A_255 : memref<128xf32, #tpu.memory_space<vmem>>) target(%dma_start3A_260 : memref<50176xf32, #tpu.memory_space<vmem_shared>>) offsets(%dma_start3A_258 : memref<128xi32, #tpu.memory_space<vmem>>) semaphore(%arg27 : memref<!tpu.dma_semaphore, #tpu.memory_space<semaphore_mem>>) {add = true}
        %dma_start3A_261 = arith.constant 2 : i32
        %dma_start3A_262 = arith.constant 0 : i32
        %dma_start3A_263 = tpu.memref_slice %arg24[%dma_start3A_261, %dma_start3A_262] : memref<4x128xf32, #tpu.memory_space<vmem>> -> memref<1x128xf32, #tpu.memory_space<vmem>>
        %dma_start3A_264 = tpu.memref_squeeze %dma_start3A_263 : memref<1x128xf32, #tpu.memory_space<vmem>> -> memref<128xf32, #tpu.memory_space<vmem>>
        %dma_start3A_265 = arith.constant 0 : i32
        %dma_start3A_266 = tpu.memref_slice %arg22[%add3A_64, %dma_start3A_265] : memref<16x128xi32, #tpu.memory_space<vmem>> -> memref<1x128xi32, #tpu.memory_space<vmem>>
        %dma_start3A_267 = tpu.memref_squeeze %dma_start3A_266 : memref<1x128xi32, #tpu.memory_space<vmem>> -> memref<128xi32, #tpu.memory_space<vmem>>
        %dma_start3A_268 = arith.constant 0 : i32
        %dma_start3A_269 = tpu.memref_slice %arg19[%dma_start3A_268] : memref<50176xf32, #tpu.memory_space<vmem_shared>> -> memref<50176xf32, #tpu.memory_space<vmem_shared>>
        tpu.enqueue_indirect_dma source(%dma_start3A_264 : memref<128xf32, #tpu.memory_space<vmem>>) target(%dma_start3A_269 : memref<50176xf32, #tpu.memory_space<vmem_shared>>) offsets(%dma_start3A_267 : memref<128xi32, #tpu.memory_space<vmem>>) semaphore(%arg27 : memref<!tpu.dma_semaphore, #tpu.memory_space<semaphore_mem>>) {add = true}
        %dma_start3A_270 = arith.constant 3 : i32
        %dma_start3A_271 = arith.constant 0 : i32
        %dma_start3A_272 = tpu.memref_slice %arg24[%dma_start3A_270, %dma_start3A_271] : memref<4x128xf32, #tpu.memory_space<vmem>> -> memref<1x128xf32, #tpu.memory_space<vmem>>
        %dma_start3A_273 = tpu.memref_squeeze %dma_start3A_272 : memref<1x128xf32, #tpu.memory_space<vmem>> -> memref<128xf32, #tpu.memory_space<vmem>>
        %dma_start3A_274 = arith.constant 0 : i32
        %dma_start3A_275 = tpu.memref_slice %arg22[%add3A_64, %dma_start3A_274] : memref<16x128xi32, #tpu.memory_space<vmem>> -> memref<1x128xi32, #tpu.memory_space<vmem>>
        %dma_start3A_276 = tpu.memref_squeeze %dma_start3A_275 : memref<1x128xi32, #tpu.memory_space<vmem>> -> memref<128xi32, #tpu.memory_space<vmem>>
        %dma_start3A_277 = arith.constant 0 : i32
        %dma_start3A_278 = tpu.memref_slice %arg20[%dma_start3A_277] : memref<50176xf32, #tpu.memory_space<vmem_shared>> -> memref<50176xf32, #tpu.memory_space<vmem_shared>>
        tpu.enqueue_indirect_dma source(%dma_start3A_273 : memref<128xf32, #tpu.memory_space<vmem>>) target(%dma_start3A_278 : memref<50176xf32, #tpu.memory_space<vmem_shared>>) offsets(%dma_start3A_276 : memref<128xi32, #tpu.memory_space<vmem>>) semaphore(%arg27 : memref<!tpu.dma_semaphore, #tpu.memory_space<semaphore_mem>>) {add = true}
        %dma_wait3A_279 = arith.constant 0 : i32
        %dma_wait3A_280 = arith.constant 0 : i32
        %dma_wait3A_281 = tpu.memref_slice %arg23[%dma_wait3A_279, %dma_wait3A_280] : memref<4x128xf32, #tpu.memory_space<vmem>> -> memref<1x128xf32, #tpu.memory_space<vmem>>
        %dma_wait3A_282 = tpu.memref_squeeze %dma_wait3A_281 : memref<1x128xf32, #tpu.memory_space<vmem>> -> memref<128xf32, #tpu.memory_space<vmem>>
        %dma_wait3A_283 = arith.constant 0 : i32
        %dma_wait3A_284 = tpu.memref_slice %arg22[%mul3A_62, %dma_wait3A_283] : memref<16x128xi32, #tpu.memory_space<vmem>> -> memref<1x128xi32, #tpu.memory_space<vmem>>
        %dma_wait3A_285 = tpu.memref_squeeze %dma_wait3A_284 : memref<1x128xi32, #tpu.memory_space<vmem>> -> memref<128xi32, #tpu.memory_space<vmem>>
        %dma_wait3A_286 = arith.constant 0 : i32
        %dma_wait3A_287 = tpu.memref_slice %arg17[%dma_wait3A_286] : memref<50176xf32, #tpu.memory_space<vmem_shared>> -> memref<50176xf32, #tpu.memory_space<vmem_shared>>
        tpu.wait_indirect_dma semaphore(%arg27 : memref<!tpu.dma_semaphore, #tpu.memory_space<semaphore_mem>>) src(%dma_wait3A_282 : memref<128xf32, #tpu.memory_space<vmem>>) dst(%dma_wait3A_287 : memref<50176xf32, #tpu.memory_space<vmem_shared>>)
        %dma_wait3A_288 = arith.constant 1 : i32
        %dma_wait3A_289 = arith.constant 0 : i32
        %dma_wait3A_290 = tpu.memref_slice %arg23[%dma_wait3A_288, %dma_wait3A_289] : memref<4x128xf32, #tpu.memory_space<vmem>> -> memref<1x128xf32, #tpu.memory_space<vmem>>
        %dma_wait3A_291 = tpu.memref_squeeze %dma_wait3A_290 : memref<1x128xf32, #tpu.memory_space<vmem>> -> memref<128xf32, #tpu.memory_space<vmem>>
        %dma_wait3A_292 = arith.constant 0 : i32
        %dma_wait3A_293 = tpu.memref_slice %arg22[%mul3A_62, %dma_wait3A_292] : memref<16x128xi32, #tpu.memory_space<vmem>> -> memref<1x128xi32, #tpu.memory_space<vmem>>
        %dma_wait3A_294 = tpu.memref_squeeze %dma_wait3A_293 : memref<1x128xi32, #tpu.memory_space<vmem>> -> memref<128xi32, #tpu.memory_space<vmem>>
        %dma_wait3A_295 = arith.constant 0 : i32
        %dma_wait3A_296 = tpu.memref_slice %arg18[%dma_wait3A_295] : memref<50176xf32, #tpu.memory_space<vmem_shared>> -> memref<50176xf32, #tpu.memory_space<vmem_shared>>
        tpu.wait_indirect_dma semaphore(%arg27 : memref<!tpu.dma_semaphore, #tpu.memory_space<semaphore_mem>>) src(%dma_wait3A_291 : memref<128xf32, #tpu.memory_space<vmem>>) dst(%dma_wait3A_296 : memref<50176xf32, #tpu.memory_space<vmem_shared>>)
        %dma_wait3A_297 = arith.constant 2 : i32
        %dma_wait3A_298 = arith.constant 0 : i32
        %dma_wait3A_299 = tpu.memref_slice %arg23[%dma_wait3A_297, %dma_wait3A_298] : memref<4x128xf32, #tpu.memory_space<vmem>> -> memref<1x128xf32, #tpu.memory_space<vmem>>
        %dma_wait3A_300 = tpu.memref_squeeze %dma_wait3A_299 : memref<1x128xf32, #tpu.memory_space<vmem>> -> memref<128xf32, #tpu.memory_space<vmem>>
        %dma_wait3A_301 = arith.constant 0 : i32
        %dma_wait3A_302 = tpu.memref_slice %arg22[%mul3A_62, %dma_wait3A_301] : memref<16x128xi32, #tpu.memory_space<vmem>> -> memref<1x128xi32, #tpu.memory_space<vmem>>
        %dma_wait3A_303 = tpu.memref_squeeze %dma_wait3A_302 : memref<1x128xi32, #tpu.memory_space<vmem>> -> memref<128xi32, #tpu.memory_space<vmem>>
        %dma_wait3A_304 = arith.constant 0 : i32
        %dma_wait3A_305 = tpu.memref_slice %arg19[%dma_wait3A_304] : memref<50176xf32, #tpu.memory_space<vmem_shared>> -> memref<50176xf32, #tpu.memory_space<vmem_shared>>
        tpu.wait_indirect_dma semaphore(%arg27 : memref<!tpu.dma_semaphore, #tpu.memory_space<semaphore_mem>>) src(%dma_wait3A_300 : memref<128xf32, #tpu.memory_space<vmem>>) dst(%dma_wait3A_305 : memref<50176xf32, #tpu.memory_space<vmem_shared>>)
        %dma_wait3A_306 = arith.constant 3 : i32
        %dma_wait3A_307 = arith.constant 0 : i32
        %dma_wait3A_308 = tpu.memref_slice %arg23[%dma_wait3A_306, %dma_wait3A_307] : memref<4x128xf32, #tpu.memory_space<vmem>> -> memref<1x128xf32, #tpu.memory_space<vmem>>
        %dma_wait3A_309 = tpu.memref_squeeze %dma_wait3A_308 : memref<1x128xf32, #tpu.memory_space<vmem>> -> memref<128xf32, #tpu.memory_space<vmem>>
        %dma_wait3A_310 = arith.constant 0 : i32
        %dma_wait3A_311 = tpu.memref_slice %arg22[%mul3A_62, %dma_wait3A_310] : memref<16x128xi32, #tpu.memory_space<vmem>> -> memref<1x128xi32, #tpu.memory_space<vmem>>
        %dma_wait3A_312 = tpu.memref_squeeze %dma_wait3A_311 : memref<1x128xi32, #tpu.memory_space<vmem>> -> memref<128xi32, #tpu.memory_space<vmem>>
        %dma_wait3A_313 = arith.constant 0 : i32
        %dma_wait3A_314 = tpu.memref_slice %arg20[%dma_wait3A_313] : memref<50176xf32, #tpu.memory_space<vmem_shared>> -> memref<50176xf32, #tpu.memory_space<vmem_shared>>
        tpu.wait_indirect_dma semaphore(%arg27 : memref<!tpu.dma_semaphore, #tpu.memory_space<semaphore_mem>>) src(%dma_wait3A_309 : memref<128xf32, #tpu.memory_space<vmem>>) dst(%dma_wait3A_314 : memref<50176xf32, #tpu.memory_space<vmem_shared>>)
        %dma_wait3A_315 = arith.constant 0 : i32
        %dma_wait3A_316 = arith.constant 0 : i32
        %dma_wait3A_317 = tpu.memref_slice %arg24[%dma_wait3A_315, %dma_wait3A_316] : memref<4x128xf32, #tpu.memory_space<vmem>> -> memref<1x128xf32, #tpu.memory_space<vmem>>
        %dma_wait3A_318 = tpu.memref_squeeze %dma_wait3A_317 : memref<1x128xf32, #tpu.memory_space<vmem>> -> memref<128xf32, #tpu.memory_space<vmem>>
        %dma_wait3A_319 = arith.constant 0 : i32
        %dma_wait3A_320 = tpu.memref_slice %arg22[%add3A_64, %dma_wait3A_319] : memref<16x128xi32, #tpu.memory_space<vmem>> -> memref<1x128xi32, #tpu.memory_space<vmem>>
        %dma_wait3A_321 = tpu.memref_squeeze %dma_wait3A_320 : memref<1x128xi32, #tpu.memory_space<vmem>> -> memref<128xi32, #tpu.memory_space<vmem>>
        %dma_wait3A_322 = arith.constant 0 : i32
        %dma_wait3A_323 = tpu.memref_slice %arg17[%dma_wait3A_322] : memref<50176xf32, #tpu.memory_space<vmem_shared>> -> memref<50176xf32, #tpu.memory_space<vmem_shared>>
        tpu.wait_indirect_dma semaphore(%arg27 : memref<!tpu.dma_semaphore, #tpu.memory_space<semaphore_mem>>) src(%dma_wait3A_318 : memref<128xf32, #tpu.memory_space<vmem>>) dst(%dma_wait3A_323 : memref<50176xf32, #tpu.memory_space<vmem_shared>>)
        %dma_wait3A_324 = arith.constant 1 : i32
        %dma_wait3A_325 = arith.constant 0 : i32
        %dma_wait3A_326 = tpu.memref_slice %arg24[%dma_wait3A_324, %dma_wait3A_325] : memref<4x128xf32, #tpu.memory_space<vmem>> -> memref<1x128xf32, #tpu.memory_space<vmem>>
        %dma_wait3A_327 = tpu.memref_squeeze %dma_wait3A_326 : memref<1x128xf32, #tpu.memory_space<vmem>> -> memref<128xf32, #tpu.memory_space<vmem>>
        %dma_wait3A_328 = arith.constant 0 : i32
        %dma_wait3A_329 = tpu.memref_slice %arg22[%add3A_64, %dma_wait3A_328] : memref<16x128xi32, #tpu.memory_space<vmem>> -> memref<1x128xi32, #tpu.memory_space<vmem>>
        %dma_wait3A_330 = tpu.memref_squeeze %dma_wait3A_329 : memref<1x128xi32, #tpu.memory_space<vmem>> -> memref<128xi32, #tpu.memory_space<vmem>>
        %dma_wait3A_331 = arith.constant 0 : i32
        %dma_wait3A_332 = tpu.memref_slice %arg18[%dma_wait3A_331] : memref<50176xf32, #tpu.memory_space<vmem_shared>> -> memref<50176xf32, #tpu.memory_space<vmem_shared>>
        tpu.wait_indirect_dma semaphore(%arg27 : memref<!tpu.dma_semaphore, #tpu.memory_space<semaphore_mem>>) src(%dma_wait3A_327 : memref<128xf32, #tpu.memory_space<vmem>>) dst(%dma_wait3A_332 : memref<50176xf32, #tpu.memory_space<vmem_shared>>)
        %dma_wait3A_333 = arith.constant 2 : i32
        %dma_wait3A_334 = arith.constant 0 : i32
        %dma_wait3A_335 = tpu.memref_slice %arg24[%dma_wait3A_333, %dma_wait3A_334] : memref<4x128xf32, #tpu.memory_space<vmem>> -> memref<1x128xf32, #tpu.memory_space<vmem>>
        %dma_wait3A_336 = tpu.memref_squeeze %dma_wait3A_335 : memref<1x128xf32, #tpu.memory_space<vmem>> -> memref<128xf32, #tpu.memory_space<vmem>>
        %dma_wait3A_337 = arith.constant 0 : i32
        %dma_wait3A_338 = tpu.memref_slice %arg22[%add3A_64, %dma_wait3A_337] : memref<16x128xi32, #tpu.memory_space<vmem>> -> memref<1x128xi32, #tpu.memory_space<vmem>>
        %dma_wait3A_339 = tpu.memref_squeeze %dma_wait3A_338 : memref<1x128xi32, #tpu.memory_space<vmem>> -> memref<128xi32, #tpu.memory_space<vmem>>
        %dma_wait3A_340 = arith.constant 0 : i32
        %dma_wait3A_341 = tpu.memref_slice %arg19[%dma_wait3A_340] : memref<50176xf32, #tpu.memory_space<vmem_shared>> -> memref<50176xf32, #tpu.memory_space<vmem_shared>>
        tpu.wait_indirect_dma semaphore(%arg27 : memref<!tpu.dma_semaphore, #tpu.memory_space<semaphore_mem>>) src(%dma_wait3A_336 : memref<128xf32, #tpu.memory_space<vmem>>) dst(%dma_wait3A_341 : memref<50176xf32, #tpu.memory_space<vmem_shared>>)
        %dma_wait3A_342 = arith.constant 3 : i32
        %dma_wait3A_343 = arith.constant 0 : i32
        %dma_wait3A_344 = tpu.memref_slice %arg24[%dma_wait3A_342, %dma_wait3A_343] : memref<4x128xf32, #tpu.memory_space<vmem>> -> memref<1x128xf32, #tpu.memory_space<vmem>>
        %dma_wait3A_345 = tpu.memref_squeeze %dma_wait3A_344 : memref<1x128xf32, #tpu.memory_space<vmem>> -> memref<128xf32, #tpu.memory_space<vmem>>
        %dma_wait3A_346 = arith.constant 0 : i32
        %dma_wait3A_347 = tpu.memref_slice %arg22[%add3A_64, %dma_wait3A_346] : memref<16x128xi32, #tpu.memory_space<vmem>> -> memref<1x128xi32, #tpu.memory_space<vmem>>
        %dma_wait3A_348 = tpu.memref_squeeze %dma_wait3A_347 : memref<1x128xi32, #tpu.memory_space<vmem>> -> memref<128xi32, #tpu.memory_space<vmem>>
        %dma_wait3A_349 = arith.constant 0 : i32
        %dma_wait3A_350 = tpu.memref_slice %arg20[%dma_wait3A_349] : memref<50176xf32, #tpu.memory_space<vmem_shared>> -> memref<50176xf32, #tpu.memory_space<vmem_shared>>
        tpu.wait_indirect_dma semaphore(%arg27 : memref<!tpu.dma_semaphore, #tpu.memory_space<semaphore_mem>>) src(%dma_wait3A_345 : memref<128xf32, #tpu.memory_space<vmem>>) dst(%dma_wait3A_350 : memref<50176xf32, #tpu.memory_space<vmem_shared>>)
      }
      %scan3A_59 = arith.constant 8 : i32
    }
    %while3A_34 = arith.constant 1 : i32
    scf.for %while3A_48 = %while3A_32 to %while3A_28 step %while3A_34  : i32 {
      %mul3A_49 = arith.constant 16 : i32
      %mul3A_50 = arith.muli %while3A_48, %mul3A_49 : i32
      %add3A_51 = arith.addi %add3A, %mul3A_50 : i32
      "tpu.region"() ({
        %run_scoped3A = tpu.sem_alloc : memref<!tpu.dma_semaphore, #tpu.memory_space<semaphore_mem>>
        %dma_start3A = arith.constant 0 : i32
        %dma_start3A_60 = tpu.memref_slice %arg2[%add3A_51, %dma_start3A] : memref<6656x128xi32, #tpu.memory_space<hbm>> -> memref<16x128xi32, #tpu.memory_space<hbm>>
        %dma_start3A_61 = arith.constant 0 : i32
        %dma_start3A_62 = tpu.memref_slice %arg2[%add3A_51, %dma_start3A_61] : memref<6656x128xi32, #tpu.memory_space<hbm>> -> memref<16x128xi32, #tpu.memory_space<hbm>>
        tpu.enqueue_dma source(%dma_start3A_62 : memref<16x128xi32, #tpu.memory_space<hbm>>) target(%arg21 : memref<16x128xi32, #tpu.memory_space<vmem>>) target_semaphore(%run_scoped3A : memref<!tpu.dma_semaphore, #tpu.memory_space<semaphore_mem>>)
        %dma_wait3A = arith.constant 0 : i32
        %dma_wait3A_63 = tpu.memref_slice %arg2[%add3A_51, %dma_wait3A] : memref<6656x128xi32, #tpu.memory_space<hbm>> -> memref<16x128xi32, #tpu.memory_space<hbm>>
        %dma_wait3A_64 = arith.constant 0 : i32
        %dma_wait3A_65 = tpu.memref_slice %arg2[%add3A_51, %dma_wait3A_64] : memref<6656x128xi32, #tpu.memory_space<hbm>> -> memref<16x128xi32, #tpu.memory_space<hbm>>
        tpu.wait_dma2 semaphore(%run_scoped3A : memref<!tpu.dma_semaphore, #tpu.memory_space<semaphore_mem>>) src(%dma_wait3A_65 : memref<16x128xi32, #tpu.memory_space<hbm>>) dst(%arg21 : memref<16x128xi32, #tpu.memory_space<vmem>>)
        tpu.yield
      }) : () -> ()
      %mul3A_52 = arith.constant 16 : i32
      %mul3A_53 = arith.muli %while3A_48, %mul3A_52 : i32
      %add3A_54 = arith.addi %add3A, %mul3A_53 : i32
      "tpu.region"() ({
        %run_scoped3A = tpu.sem_alloc : memref<!tpu.dma_semaphore, #tpu.memory_space<semaphore_mem>>
        %dma_start3A = arith.constant 0 : i32
        %dma_start3A_60 = tpu.memref_slice %arg3[%add3A_54, %dma_start3A] : memref<6656x128xi32, #tpu.memory_space<hbm>> -> memref<16x128xi32, #tpu.memory_space<hbm>>
        %dma_start3A_61 = arith.constant 0 : i32
        %dma_start3A_62 = tpu.memref_slice %arg3[%add3A_54, %dma_start3A_61] : memref<6656x128xi32, #tpu.memory_space<hbm>> -> memref<16x128xi32, #tpu.memory_space<hbm>>
        tpu.enqueue_dma source(%dma_start3A_62 : memref<16x128xi32, #tpu.memory_space<hbm>>) target(%arg22 : memref<16x128xi32, #tpu.memory_space<vmem>>) target_semaphore(%run_scoped3A : memref<!tpu.dma_semaphore, #tpu.memory_space<semaphore_mem>>)
        %dma_wait3A = arith.constant 0 : i32
        %dma_wait3A_63 = tpu.memref_slice %arg3[%add3A_54, %dma_wait3A] : memref<6656x128xi32, #tpu.memory_space<hbm>> -> memref<16x128xi32, #tpu.memory_space<hbm>>
        %dma_wait3A_64 = arith.constant 0 : i32
        %dma_wait3A_65 = tpu.memref_slice %arg3[%add3A_54, %dma_wait3A_64] : memref<6656x128xi32, #tpu.memory_space<hbm>> -> memref<16x128xi32, #tpu.memory_space<hbm>>
        tpu.wait_dma2 semaphore(%run_scoped3A : memref<!tpu.dma_semaphore, #tpu.memory_space<semaphore_mem>>) src(%dma_wait3A_65 : memref<16x128xi32, #tpu.memory_space<hbm>>) dst(%arg22 : memref<16x128xi32, #tpu.memory_space<vmem>>)
        tpu.yield
      }) : () -> ()
      %scan3A = arith.constant 0 : i32
      %scan3A_55 = arith.constant 0 : i32
      %scan3A_56 = arith.constant 8 : i32
      %scan3A_57 = arith.addi %scan3A_55, %scan3A_56 : i32
      %scan3A_58 = arith.constant 1 : i32
      scf.for %scan3A_60 = %scan3A_55 to %scan3A_57 step %scan3A_58  : i32 {
        %mul3A_61 = arith.constant 2 : i32
        %mul3A_62 = arith.muli %mul3A_61, %scan3A_60 : i32
        %add3A_63 = arith.constant 1 : i32
        %add3A_64 = arith.addi %mul3A_62, %add3A_63 : i32
        %dma_start3A = arith.constant 0 : i32
        %dma_start3A_65 = arith.constant 0 : i32
        %dma_start3A_66 = tpu.memref_slice %arg23[%dma_start3A, %dma_start3A_65] : memref<4x128xf32, #tpu.memory_space<vmem>> -> memref<1x128xf32, #tpu.memory_space<vmem>>
        %dma_start3A_67 = tpu.memref_squeeze %dma_start3A_66 : memref<1x128xf32, #tpu.memory_space<vmem>> -> memref<128xf32, #tpu.memory_space<vmem>>
        %dma_start3A_68 = arith.constant 0 : i32
        %dma_start3A_69 = tpu.memref_slice %arg21[%mul3A_62, %dma_start3A_68] : memref<16x128xi32, #tpu.memory_space<vmem>> -> memref<1x128xi32, #tpu.memory_space<vmem>>
        %dma_start3A_70 = tpu.memref_squeeze %dma_start3A_69 : memref<1x128xi32, #tpu.memory_space<vmem>> -> memref<128xi32, #tpu.memory_space<vmem>>
        %dma_start3A_71 = arith.constant 0 : i32
        %dma_start3A_72 = tpu.memref_slice %arg13[%dma_start3A_71] : memref<50176xf32, #tpu.memory_space<vmem_shared>> -> memref<50176xf32, #tpu.memory_space<vmem_shared>>
        tpu.enqueue_indirect_dma source(%dma_start3A_72 : memref<50176xf32, #tpu.memory_space<vmem_shared>>) target(%dma_start3A_67 : memref<128xf32, #tpu.memory_space<vmem>>) offsets(%dma_start3A_70 : memref<128xi32, #tpu.memory_space<vmem>>) semaphore(%arg26 : memref<!tpu.dma_semaphore, #tpu.memory_space<semaphore_mem>>)
        %dma_start3A_73 = arith.constant 1 : i32
        %dma_start3A_74 = arith.constant 0 : i32
        %dma_start3A_75 = tpu.memref_slice %arg23[%dma_start3A_73, %dma_start3A_74] : memref<4x128xf32, #tpu.memory_space<vmem>> -> memref<1x128xf32, #tpu.memory_space<vmem>>
        %dma_start3A_76 = tpu.memref_squeeze %dma_start3A_75 : memref<1x128xf32, #tpu.memory_space<vmem>> -> memref<128xf32, #tpu.memory_space<vmem>>
        %dma_start3A_77 = arith.constant 0 : i32
        %dma_start3A_78 = tpu.memref_slice %arg21[%mul3A_62, %dma_start3A_77] : memref<16x128xi32, #tpu.memory_space<vmem>> -> memref<1x128xi32, #tpu.memory_space<vmem>>
        %dma_start3A_79 = tpu.memref_squeeze %dma_start3A_78 : memref<1x128xi32, #tpu.memory_space<vmem>> -> memref<128xi32, #tpu.memory_space<vmem>>
        %dma_start3A_80 = arith.constant 0 : i32
        %dma_start3A_81 = tpu.memref_slice %arg14[%dma_start3A_80] : memref<50176xf32, #tpu.memory_space<vmem_shared>> -> memref<50176xf32, #tpu.memory_space<vmem_shared>>
        tpu.enqueue_indirect_dma source(%dma_start3A_81 : memref<50176xf32, #tpu.memory_space<vmem_shared>>) target(%dma_start3A_76 : memref<128xf32, #tpu.memory_space<vmem>>) offsets(%dma_start3A_79 : memref<128xi32, #tpu.memory_space<vmem>>) semaphore(%arg26 : memref<!tpu.dma_semaphore, #tpu.memory_space<semaphore_mem>>)
        %dma_start3A_82 = arith.constant 2 : i32
        %dma_start3A_83 = arith.constant 0 : i32
        %dma_start3A_84 = tpu.memref_slice %arg23[%dma_start3A_82, %dma_start3A_83] : memref<4x128xf32, #tpu.memory_space<vmem>> -> memref<1x128xf32, #tpu.memory_space<vmem>>
        %dma_start3A_85 = tpu.memref_squeeze %dma_start3A_84 : memref<1x128xf32, #tpu.memory_space<vmem>> -> memref<128xf32, #tpu.memory_space<vmem>>
        %dma_start3A_86 = arith.constant 0 : i32
        %dma_start3A_87 = tpu.memref_slice %arg21[%mul3A_62, %dma_start3A_86] : memref<16x128xi32, #tpu.memory_space<vmem>> -> memref<1x128xi32, #tpu.memory_space<vmem>>
        %dma_start3A_88 = tpu.memref_squeeze %dma_start3A_87 : memref<1x128xi32, #tpu.memory_space<vmem>> -> memref<128xi32, #tpu.memory_space<vmem>>
        %dma_start3A_89 = arith.constant 0 : i32
        %dma_start3A_90 = tpu.memref_slice %arg15[%dma_start3A_89] : memref<50176xf32, #tpu.memory_space<vmem_shared>> -> memref<50176xf32, #tpu.memory_space<vmem_shared>>
        tpu.enqueue_indirect_dma source(%dma_start3A_90 : memref<50176xf32, #tpu.memory_space<vmem_shared>>) target(%dma_start3A_85 : memref<128xf32, #tpu.memory_space<vmem>>) offsets(%dma_start3A_88 : memref<128xi32, #tpu.memory_space<vmem>>) semaphore(%arg26 : memref<!tpu.dma_semaphore, #tpu.memory_space<semaphore_mem>>)
        %dma_start3A_91 = arith.constant 3 : i32
        %dma_start3A_92 = arith.constant 0 : i32
        %dma_start3A_93 = tpu.memref_slice %arg23[%dma_start3A_91, %dma_start3A_92] : memref<4x128xf32, #tpu.memory_space<vmem>> -> memref<1x128xf32, #tpu.memory_space<vmem>>
        %dma_start3A_94 = tpu.memref_squeeze %dma_start3A_93 : memref<1x128xf32, #tpu.memory_space<vmem>> -> memref<128xf32, #tpu.memory_space<vmem>>
        %dma_start3A_95 = arith.constant 0 : i32
        %dma_start3A_96 = tpu.memref_slice %arg21[%mul3A_62, %dma_start3A_95] : memref<16x128xi32, #tpu.memory_space<vmem>> -> memref<1x128xi32, #tpu.memory_space<vmem>>
        %dma_start3A_97 = tpu.memref_squeeze %dma_start3A_96 : memref<1x128xi32, #tpu.memory_space<vmem>> -> memref<128xi32, #tpu.memory_space<vmem>>
        %dma_start3A_98 = arith.constant 0 : i32
        %dma_start3A_99 = tpu.memref_slice %arg16[%dma_start3A_98] : memref<50176xf32, #tpu.memory_space<vmem_shared>> -> memref<50176xf32, #tpu.memory_space<vmem_shared>>
        tpu.enqueue_indirect_dma source(%dma_start3A_99 : memref<50176xf32, #tpu.memory_space<vmem_shared>>) target(%dma_start3A_94 : memref<128xf32, #tpu.memory_space<vmem>>) offsets(%dma_start3A_97 : memref<128xi32, #tpu.memory_space<vmem>>) semaphore(%arg26 : memref<!tpu.dma_semaphore, #tpu.memory_space<semaphore_mem>>)
        %dma_start3A_100 = arith.constant 0 : i32
        %dma_start3A_101 = arith.constant 0 : i32
        %dma_start3A_102 = tpu.memref_slice %arg24[%dma_start3A_100, %dma_start3A_101] : memref<4x128xf32, #tpu.memory_space<vmem>> -> memref<1x128xf32, #tpu.memory_space<vmem>>
        %dma_start3A_103 = tpu.memref_squeeze %dma_start3A_102 : memref<1x128xf32, #tpu.memory_space<vmem>> -> memref<128xf32, #tpu.memory_space<vmem>>
        %dma_start3A_104 = arith.constant 0 : i32
        %dma_start3A_105 = tpu.memref_slice %arg21[%add3A_64, %dma_start3A_104] : memref<16x128xi32, #tpu.memory_space<vmem>> -> memref<1x128xi32, #tpu.memory_space<vmem>>
        %dma_start3A_106 = tpu.memref_squeeze %dma_start3A_105 : memref<1x128xi32, #tpu.memory_space<vmem>> -> memref<128xi32, #tpu.memory_space<vmem>>
        %dma_start3A_107 = arith.constant 0 : i32
        %dma_start3A_108 = tpu.memref_slice %arg13[%dma_start3A_107] : memref<50176xf32, #tpu.memory_space<vmem_shared>> -> memref<50176xf32, #tpu.memory_space<vmem_shared>>
        tpu.enqueue_indirect_dma source(%dma_start3A_108 : memref<50176xf32, #tpu.memory_space<vmem_shared>>) target(%dma_start3A_103 : memref<128xf32, #tpu.memory_space<vmem>>) offsets(%dma_start3A_106 : memref<128xi32, #tpu.memory_space<vmem>>) semaphore(%arg26 : memref<!tpu.dma_semaphore, #tpu.memory_space<semaphore_mem>>)
        %dma_start3A_109 = arith.constant 1 : i32
        %dma_start3A_110 = arith.constant 0 : i32
        %dma_start3A_111 = tpu.memref_slice %arg24[%dma_start3A_109, %dma_start3A_110] : memref<4x128xf32, #tpu.memory_space<vmem>> -> memref<1x128xf32, #tpu.memory_space<vmem>>
        %dma_start3A_112 = tpu.memref_squeeze %dma_start3A_111 : memref<1x128xf32, #tpu.memory_space<vmem>> -> memref<128xf32, #tpu.memory_space<vmem>>
        %dma_start3A_113 = arith.constant 0 : i32
        %dma_start3A_114 = tpu.memref_slice %arg21[%add3A_64, %dma_start3A_113] : memref<16x128xi32, #tpu.memory_space<vmem>> -> memref<1x128xi32, #tpu.memory_space<vmem>>
        %dma_start3A_115 = tpu.memref_squeeze %dma_start3A_114 : memref<1x128xi32, #tpu.memory_space<vmem>> -> memref<128xi32, #tpu.memory_space<vmem>>
        %dma_start3A_116 = arith.constant 0 : i32
        %dma_start3A_117 = tpu.memref_slice %arg14[%dma_start3A_116] : memref<50176xf32, #tpu.memory_space<vmem_shared>> -> memref<50176xf32, #tpu.memory_space<vmem_shared>>
        tpu.enqueue_indirect_dma source(%dma_start3A_117 : memref<50176xf32, #tpu.memory_space<vmem_shared>>) target(%dma_start3A_112 : memref<128xf32, #tpu.memory_space<vmem>>) offsets(%dma_start3A_115 : memref<128xi32, #tpu.memory_space<vmem>>) semaphore(%arg26 : memref<!tpu.dma_semaphore, #tpu.memory_space<semaphore_mem>>)
        %dma_start3A_118 = arith.constant 2 : i32
        %dma_start3A_119 = arith.constant 0 : i32
        %dma_start3A_120 = tpu.memref_slice %arg24[%dma_start3A_118, %dma_start3A_119] : memref<4x128xf32, #tpu.memory_space<vmem>> -> memref<1x128xf32, #tpu.memory_space<vmem>>
        %dma_start3A_121 = tpu.memref_squeeze %dma_start3A_120 : memref<1x128xf32, #tpu.memory_space<vmem>> -> memref<128xf32, #tpu.memory_space<vmem>>
        %dma_start3A_122 = arith.constant 0 : i32
        %dma_start3A_123 = tpu.memref_slice %arg21[%add3A_64, %dma_start3A_122] : memref<16x128xi32, #tpu.memory_space<vmem>> -> memref<1x128xi32, #tpu.memory_space<vmem>>
        %dma_start3A_124 = tpu.memref_squeeze %dma_start3A_123 : memref<1x128xi32, #tpu.memory_space<vmem>> -> memref<128xi32, #tpu.memory_space<vmem>>
        %dma_start3A_125 = arith.constant 0 : i32
        %dma_start3A_126 = tpu.memref_slice %arg15[%dma_start3A_125] : memref<50176xf32, #tpu.memory_space<vmem_shared>> -> memref<50176xf32, #tpu.memory_space<vmem_shared>>
        tpu.enqueue_indirect_dma source(%dma_start3A_126 : memref<50176xf32, #tpu.memory_space<vmem_shared>>) target(%dma_start3A_121 : memref<128xf32, #tpu.memory_space<vmem>>) offsets(%dma_start3A_124 : memref<128xi32, #tpu.memory_space<vmem>>) semaphore(%arg26 : memref<!tpu.dma_semaphore, #tpu.memory_space<semaphore_mem>>)
        %dma_start3A_127 = arith.constant 3 : i32
        %dma_start3A_128 = arith.constant 0 : i32
        %dma_start3A_129 = tpu.memref_slice %arg24[%dma_start3A_127, %dma_start3A_128] : memref<4x128xf32, #tpu.memory_space<vmem>> -> memref<1x128xf32, #tpu.memory_space<vmem>>
        %dma_start3A_130 = tpu.memref_squeeze %dma_start3A_129 : memref<1x128xf32, #tpu.memory_space<vmem>> -> memref<128xf32, #tpu.memory_space<vmem>>
        %dma_start3A_131 = arith.constant 0 : i32
        %dma_start3A_132 = tpu.memref_slice %arg21[%add3A_64, %dma_start3A_131] : memref<16x128xi32, #tpu.memory_space<vmem>> -> memref<1x128xi32, #tpu.memory_space<vmem>>
        %dma_start3A_133 = tpu.memref_squeeze %dma_start3A_132 : memref<1x128xi32, #tpu.memory_space<vmem>> -> memref<128xi32, #tpu.memory_space<vmem>>
        %dma_start3A_134 = arith.constant 0 : i32
        %dma_start3A_135 = tpu.memref_slice %arg16[%dma_start3A_134] : memref<50176xf32, #tpu.memory_space<vmem_shared>> -> memref<50176xf32, #tpu.memory_space<vmem_shared>>
        tpu.enqueue_indirect_dma source(%dma_start3A_135 : memref<50176xf32, #tpu.memory_space<vmem_shared>>) target(%dma_start3A_130 : memref<128xf32, #tpu.memory_space<vmem>>) offsets(%dma_start3A_133 : memref<128xi32, #tpu.memory_space<vmem>>) semaphore(%arg26 : memref<!tpu.dma_semaphore, #tpu.memory_space<semaphore_mem>>)
        %dma_wait3A = arith.constant 0 : i32
        %dma_wait3A_136 = arith.constant 0 : i32
        %dma_wait3A_137 = tpu.memref_slice %arg23[%dma_wait3A, %dma_wait3A_136] : memref<4x128xf32, #tpu.memory_space<vmem>> -> memref<1x128xf32, #tpu.memory_space<vmem>>
        %dma_wait3A_138 = tpu.memref_squeeze %dma_wait3A_137 : memref<1x128xf32, #tpu.memory_space<vmem>> -> memref<128xf32, #tpu.memory_space<vmem>>
        %dma_wait3A_139 = arith.constant 0 : i32
        %dma_wait3A_140 = tpu.memref_slice %arg21[%mul3A_62, %dma_wait3A_139] : memref<16x128xi32, #tpu.memory_space<vmem>> -> memref<1x128xi32, #tpu.memory_space<vmem>>
        %dma_wait3A_141 = tpu.memref_squeeze %dma_wait3A_140 : memref<1x128xi32, #tpu.memory_space<vmem>> -> memref<128xi32, #tpu.memory_space<vmem>>
        %dma_wait3A_142 = arith.constant 0 : i32
        %dma_wait3A_143 = tpu.memref_slice %arg13[%dma_wait3A_142] : memref<50176xf32, #tpu.memory_space<vmem_shared>> -> memref<50176xf32, #tpu.memory_space<vmem_shared>>
        tpu.wait_indirect_dma semaphore(%arg26 : memref<!tpu.dma_semaphore, #tpu.memory_space<semaphore_mem>>) src(%dma_wait3A_143 : memref<50176xf32, #tpu.memory_space<vmem_shared>>) dst(%dma_wait3A_138 : memref<128xf32, #tpu.memory_space<vmem>>)
        %dma_wait3A_144 = arith.constant 1 : i32
        %dma_wait3A_145 = arith.constant 0 : i32
        %dma_wait3A_146 = tpu.memref_slice %arg23[%dma_wait3A_144, %dma_wait3A_145] : memref<4x128xf32, #tpu.memory_space<vmem>> -> memref<1x128xf32, #tpu.memory_space<vmem>>
        %dma_wait3A_147 = tpu.memref_squeeze %dma_wait3A_146 : memref<1x128xf32, #tpu.memory_space<vmem>> -> memref<128xf32, #tpu.memory_space<vmem>>
        %dma_wait3A_148 = arith.constant 0 : i32
        %dma_wait3A_149 = tpu.memref_slice %arg21[%mul3A_62, %dma_wait3A_148] : memref<16x128xi32, #tpu.memory_space<vmem>> -> memref<1x128xi32, #tpu.memory_space<vmem>>
        %dma_wait3A_150 = tpu.memref_squeeze %dma_wait3A_149 : memref<1x128xi32, #tpu.memory_space<vmem>> -> memref<128xi32, #tpu.memory_space<vmem>>
        %dma_wait3A_151 = arith.constant 0 : i32
        %dma_wait3A_152 = tpu.memref_slice %arg14[%dma_wait3A_151] : memref<50176xf32, #tpu.memory_space<vmem_shared>> -> memref<50176xf32, #tpu.memory_space<vmem_shared>>
        tpu.wait_indirect_dma semaphore(%arg26 : memref<!tpu.dma_semaphore, #tpu.memory_space<semaphore_mem>>) src(%dma_wait3A_152 : memref<50176xf32, #tpu.memory_space<vmem_shared>>) dst(%dma_wait3A_147 : memref<128xf32, #tpu.memory_space<vmem>>)
        %dma_wait3A_153 = arith.constant 2 : i32
        %dma_wait3A_154 = arith.constant 0 : i32
        %dma_wait3A_155 = tpu.memref_slice %arg23[%dma_wait3A_153, %dma_wait3A_154] : memref<4x128xf32, #tpu.memory_space<vmem>> -> memref<1x128xf32, #tpu.memory_space<vmem>>
        %dma_wait3A_156 = tpu.memref_squeeze %dma_wait3A_155 : memref<1x128xf32, #tpu.memory_space<vmem>> -> memref<128xf32, #tpu.memory_space<vmem>>
        %dma_wait3A_157 = arith.constant 0 : i32
        %dma_wait3A_158 = tpu.memref_slice %arg21[%mul3A_62, %dma_wait3A_157] : memref<16x128xi32, #tpu.memory_space<vmem>> -> memref<1x128xi32, #tpu.memory_space<vmem>>
        %dma_wait3A_159 = tpu.memref_squeeze %dma_wait3A_158 : memref<1x128xi32, #tpu.memory_space<vmem>> -> memref<128xi32, #tpu.memory_space<vmem>>
        %dma_wait3A_160 = arith.constant 0 : i32
        %dma_wait3A_161 = tpu.memref_slice %arg15[%dma_wait3A_160] : memref<50176xf32, #tpu.memory_space<vmem_shared>> -> memref<50176xf32, #tpu.memory_space<vmem_shared>>
        tpu.wait_indirect_dma semaphore(%arg26 : memref<!tpu.dma_semaphore, #tpu.memory_space<semaphore_mem>>) src(%dma_wait3A_161 : memref<50176xf32, #tpu.memory_space<vmem_shared>>) dst(%dma_wait3A_156 : memref<128xf32, #tpu.memory_space<vmem>>)
        %dma_wait3A_162 = arith.constant 3 : i32
        %dma_wait3A_163 = arith.constant 0 : i32
        %dma_wait3A_164 = tpu.memref_slice %arg23[%dma_wait3A_162, %dma_wait3A_163] : memref<4x128xf32, #tpu.memory_space<vmem>> -> memref<1x128xf32, #tpu.memory_space<vmem>>
        %dma_wait3A_165 = tpu.memref_squeeze %dma_wait3A_164 : memref<1x128xf32, #tpu.memory_space<vmem>> -> memref<128xf32, #tpu.memory_space<vmem>>
        %dma_wait3A_166 = arith.constant 0 : i32
        %dma_wait3A_167 = tpu.memref_slice %arg21[%mul3A_62, %dma_wait3A_166] : memref<16x128xi32, #tpu.memory_space<vmem>> -> memref<1x128xi32, #tpu.memory_space<vmem>>
        %dma_wait3A_168 = tpu.memref_squeeze %dma_wait3A_167 : memref<1x128xi32, #tpu.memory_space<vmem>> -> memref<128xi32, #tpu.memory_space<vmem>>
        %dma_wait3A_169 = arith.constant 0 : i32
        %dma_wait3A_170 = tpu.memref_slice %arg16[%dma_wait3A_169] : memref<50176xf32, #tpu.memory_space<vmem_shared>> -> memref<50176xf32, #tpu.memory_space<vmem_shared>>
        tpu.wait_indirect_dma semaphore(%arg26 : memref<!tpu.dma_semaphore, #tpu.memory_space<semaphore_mem>>) src(%dma_wait3A_170 : memref<50176xf32, #tpu.memory_space<vmem_shared>>) dst(%dma_wait3A_165 : memref<128xf32, #tpu.memory_space<vmem>>)
        %dma_start3A_171 = arith.constant 0 : i32
        %dma_start3A_172 = arith.constant 0 : i32
        %dma_start3A_173 = tpu.memref_slice %arg23[%dma_start3A_171, %dma_start3A_172] : memref<4x128xf32, #tpu.memory_space<vmem>> -> memref<1x128xf32, #tpu.memory_space<vmem>>
        %dma_start3A_174 = tpu.memref_squeeze %dma_start3A_173 : memref<1x128xf32, #tpu.memory_space<vmem>> -> memref<128xf32, #tpu.memory_space<vmem>>
        %dma_start3A_175 = arith.constant 0 : i32
        %dma_start3A_176 = tpu.memref_slice %arg22[%mul3A_62, %dma_start3A_175] : memref<16x128xi32, #tpu.memory_space<vmem>> -> memref<1x128xi32, #tpu.memory_space<vmem>>
        %dma_start3A_177 = tpu.memref_squeeze %dma_start3A_176 : memref<1x128xi32, #tpu.memory_space<vmem>> -> memref<128xi32, #tpu.memory_space<vmem>>
        %dma_start3A_178 = arith.constant 0 : i32
        %dma_start3A_179 = tpu.memref_slice %arg17[%dma_start3A_178] : memref<50176xf32, #tpu.memory_space<vmem_shared>> -> memref<50176xf32, #tpu.memory_space<vmem_shared>>
        tpu.enqueue_indirect_dma source(%dma_start3A_174 : memref<128xf32, #tpu.memory_space<vmem>>) target(%dma_start3A_179 : memref<50176xf32, #tpu.memory_space<vmem_shared>>) offsets(%dma_start3A_177 : memref<128xi32, #tpu.memory_space<vmem>>) semaphore(%arg27 : memref<!tpu.dma_semaphore, #tpu.memory_space<semaphore_mem>>) {add = true}
        %dma_start3A_180 = arith.constant 1 : i32
        %dma_start3A_181 = arith.constant 0 : i32
        %dma_start3A_182 = tpu.memref_slice %arg23[%dma_start3A_180, %dma_start3A_181] : memref<4x128xf32, #tpu.memory_space<vmem>> -> memref<1x128xf32, #tpu.memory_space<vmem>>
        %dma_start3A_183 = tpu.memref_squeeze %dma_start3A_182 : memref<1x128xf32, #tpu.memory_space<vmem>> -> memref<128xf32, #tpu.memory_space<vmem>>
        %dma_start3A_184 = arith.constant 0 : i32
        %dma_start3A_185 = tpu.memref_slice %arg22[%mul3A_62, %dma_start3A_184] : memref<16x128xi32, #tpu.memory_space<vmem>> -> memref<1x128xi32, #tpu.memory_space<vmem>>
        %dma_start3A_186 = tpu.memref_squeeze %dma_start3A_185 : memref<1x128xi32, #tpu.memory_space<vmem>> -> memref<128xi32, #tpu.memory_space<vmem>>
        %dma_start3A_187 = arith.constant 0 : i32
        %dma_start3A_188 = tpu.memref_slice %arg18[%dma_start3A_187] : memref<50176xf32, #tpu.memory_space<vmem_shared>> -> memref<50176xf32, #tpu.memory_space<vmem_shared>>
        tpu.enqueue_indirect_dma source(%dma_start3A_183 : memref<128xf32, #tpu.memory_space<vmem>>) target(%dma_start3A_188 : memref<50176xf32, #tpu.memory_space<vmem_shared>>) offsets(%dma_start3A_186 : memref<128xi32, #tpu.memory_space<vmem>>) semaphore(%arg27 : memref<!tpu.dma_semaphore, #tpu.memory_space<semaphore_mem>>) {add = true}
        %dma_start3A_189 = arith.constant 2 : i32
        %dma_start3A_190 = arith.constant 0 : i32
        %dma_start3A_191 = tpu.memref_slice %arg23[%dma_start3A_189, %dma_start3A_190] : memref<4x128xf32, #tpu.memory_space<vmem>> -> memref<1x128xf32, #tpu.memory_space<vmem>>
        %dma_start3A_192 = tpu.memref_squeeze %dma_start3A_191 : memref<1x128xf32, #tpu.memory_space<vmem>> -> memref<128xf32, #tpu.memory_space<vmem>>
        %dma_start3A_193 = arith.constant 0 : i32
        %dma_start3A_194 = tpu.memref_slice %arg22[%mul3A_62, %dma_start3A_193] : memref<16x128xi32, #tpu.memory_space<vmem>> -> memref<1x128xi32, #tpu.memory_space<vmem>>
        %dma_start3A_195 = tpu.memref_squeeze %dma_start3A_194 : memref<1x128xi32, #tpu.memory_space<vmem>> -> memref<128xi32, #tpu.memory_space<vmem>>
        %dma_start3A_196 = arith.constant 0 : i32
        %dma_start3A_197 = tpu.memref_slice %arg19[%dma_start3A_196] : memref<50176xf32, #tpu.memory_space<vmem_shared>> -> memref<50176xf32, #tpu.memory_space<vmem_shared>>
        tpu.enqueue_indirect_dma source(%dma_start3A_192 : memref<128xf32, #tpu.memory_space<vmem>>) target(%dma_start3A_197 : memref<50176xf32, #tpu.memory_space<vmem_shared>>) offsets(%dma_start3A_195 : memref<128xi32, #tpu.memory_space<vmem>>) semaphore(%arg27 : memref<!tpu.dma_semaphore, #tpu.memory_space<semaphore_mem>>) {add = true}
        %dma_start3A_198 = arith.constant 3 : i32
        %dma_start3A_199 = arith.constant 0 : i32
        %dma_start3A_200 = tpu.memref_slice %arg23[%dma_start3A_198, %dma_start3A_199] : memref<4x128xf32, #tpu.memory_space<vmem>> -> memref<1x128xf32, #tpu.memory_space<vmem>>
        %dma_start3A_201 = tpu.memref_squeeze %dma_start3A_200 : memref<1x128xf32, #tpu.memory_space<vmem>> -> memref<128xf32, #tpu.memory_space<vmem>>
        %dma_start3A_202 = arith.constant 0 : i32
        %dma_start3A_203 = tpu.memref_slice %arg22[%mul3A_62, %dma_start3A_202] : memref<16x128xi32, #tpu.memory_space<vmem>> -> memref<1x128xi32, #tpu.memory_space<vmem>>
        %dma_start3A_204 = tpu.memref_squeeze %dma_start3A_203 : memref<1x128xi32, #tpu.memory_space<vmem>> -> memref<128xi32, #tpu.memory_space<vmem>>
        %dma_start3A_205 = arith.constant 0 : i32
        %dma_start3A_206 = tpu.memref_slice %arg20[%dma_start3A_205] : memref<50176xf32, #tpu.memory_space<vmem_shared>> -> memref<50176xf32, #tpu.memory_space<vmem_shared>>
        tpu.enqueue_indirect_dma source(%dma_start3A_201 : memref<128xf32, #tpu.memory_space<vmem>>) target(%dma_start3A_206 : memref<50176xf32, #tpu.memory_space<vmem_shared>>) offsets(%dma_start3A_204 : memref<128xi32, #tpu.memory_space<vmem>>) semaphore(%arg27 : memref<!tpu.dma_semaphore, #tpu.memory_space<semaphore_mem>>) {add = true}
        %dma_wait3A_207 = arith.constant 0 : i32
        %dma_wait3A_208 = arith.constant 0 : i32
        %dma_wait3A_209 = tpu.memref_slice %arg24[%dma_wait3A_207, %dma_wait3A_208] : memref<4x128xf32, #tpu.memory_space<vmem>> -> memref<1x128xf32, #tpu.memory_space<vmem>>
        %dma_wait3A_210 = tpu.memref_squeeze %dma_wait3A_209 : memref<1x128xf32, #tpu.memory_space<vmem>> -> memref<128xf32, #tpu.memory_space<vmem>>
        %dma_wait3A_211 = arith.constant 0 : i32
        %dma_wait3A_212 = tpu.memref_slice %arg21[%add3A_64, %dma_wait3A_211] : memref<16x128xi32, #tpu.memory_space<vmem>> -> memref<1x128xi32, #tpu.memory_space<vmem>>
        %dma_wait3A_213 = tpu.memref_squeeze %dma_wait3A_212 : memref<1x128xi32, #tpu.memory_space<vmem>> -> memref<128xi32, #tpu.memory_space<vmem>>
        %dma_wait3A_214 = arith.constant 0 : i32
        %dma_wait3A_215 = tpu.memref_slice %arg13[%dma_wait3A_214] : memref<50176xf32, #tpu.memory_space<vmem_shared>> -> memref<50176xf32, #tpu.memory_space<vmem_shared>>
        tpu.wait_indirect_dma semaphore(%arg26 : memref<!tpu.dma_semaphore, #tpu.memory_space<semaphore_mem>>) src(%dma_wait3A_215 : memref<50176xf32, #tpu.memory_space<vmem_shared>>) dst(%dma_wait3A_210 : memref<128xf32, #tpu.memory_space<vmem>>)
        %dma_wait3A_216 = arith.constant 1 : i32
        %dma_wait3A_217 = arith.constant 0 : i32
        %dma_wait3A_218 = tpu.memref_slice %arg24[%dma_wait3A_216, %dma_wait3A_217] : memref<4x128xf32, #tpu.memory_space<vmem>> -> memref<1x128xf32, #tpu.memory_space<vmem>>
        %dma_wait3A_219 = tpu.memref_squeeze %dma_wait3A_218 : memref<1x128xf32, #tpu.memory_space<vmem>> -> memref<128xf32, #tpu.memory_space<vmem>>
        %dma_wait3A_220 = arith.constant 0 : i32
        %dma_wait3A_221 = tpu.memref_slice %arg21[%add3A_64, %dma_wait3A_220] : memref<16x128xi32, #tpu.memory_space<vmem>> -> memref<1x128xi32, #tpu.memory_space<vmem>>
        %dma_wait3A_222 = tpu.memref_squeeze %dma_wait3A_221 : memref<1x128xi32, #tpu.memory_space<vmem>> -> memref<128xi32, #tpu.memory_space<vmem>>
        %dma_wait3A_223 = arith.constant 0 : i32
        %dma_wait3A_224 = tpu.memref_slice %arg14[%dma_wait3A_223] : memref<50176xf32, #tpu.memory_space<vmem_shared>> -> memref<50176xf32, #tpu.memory_space<vmem_shared>>
        tpu.wait_indirect_dma semaphore(%arg26 : memref<!tpu.dma_semaphore, #tpu.memory_space<semaphore_mem>>) src(%dma_wait3A_224 : memref<50176xf32, #tpu.memory_space<vmem_shared>>) dst(%dma_wait3A_219 : memref<128xf32, #tpu.memory_space<vmem>>)
        %dma_wait3A_225 = arith.constant 2 : i32
        %dma_wait3A_226 = arith.constant 0 : i32
        %dma_wait3A_227 = tpu.memref_slice %arg24[%dma_wait3A_225, %dma_wait3A_226] : memref<4x128xf32, #tpu.memory_space<vmem>> -> memref<1x128xf32, #tpu.memory_space<vmem>>
        %dma_wait3A_228 = tpu.memref_squeeze %dma_wait3A_227 : memref<1x128xf32, #tpu.memory_space<vmem>> -> memref<128xf32, #tpu.memory_space<vmem>>
        %dma_wait3A_229 = arith.constant 0 : i32
        %dma_wait3A_230 = tpu.memref_slice %arg21[%add3A_64, %dma_wait3A_229] : memref<16x128xi32, #tpu.memory_space<vmem>> -> memref<1x128xi32, #tpu.memory_space<vmem>>
        %dma_wait3A_231 = tpu.memref_squeeze %dma_wait3A_230 : memref<1x128xi32, #tpu.memory_space<vmem>> -> memref<128xi32, #tpu.memory_space<vmem>>
        %dma_wait3A_232 = arith.constant 0 : i32
        %dma_wait3A_233 = tpu.memref_slice %arg15[%dma_wait3A_232] : memref<50176xf32, #tpu.memory_space<vmem_shared>> -> memref<50176xf32, #tpu.memory_space<vmem_shared>>
        tpu.wait_indirect_dma semaphore(%arg26 : memref<!tpu.dma_semaphore, #tpu.memory_space<semaphore_mem>>) src(%dma_wait3A_233 : memref<50176xf32, #tpu.memory_space<vmem_shared>>) dst(%dma_wait3A_228 : memref<128xf32, #tpu.memory_space<vmem>>)
        %dma_wait3A_234 = arith.constant 3 : i32
        %dma_wait3A_235 = arith.constant 0 : i32
        %dma_wait3A_236 = tpu.memref_slice %arg24[%dma_wait3A_234, %dma_wait3A_235] : memref<4x128xf32, #tpu.memory_space<vmem>> -> memref<1x128xf32, #tpu.memory_space<vmem>>
        %dma_wait3A_237 = tpu.memref_squeeze %dma_wait3A_236 : memref<1x128xf32, #tpu.memory_space<vmem>> -> memref<128xf32, #tpu.memory_space<vmem>>
        %dma_wait3A_238 = arith.constant 0 : i32
        %dma_wait3A_239 = tpu.memref_slice %arg21[%add3A_64, %dma_wait3A_238] : memref<16x128xi32, #tpu.memory_space<vmem>> -> memref<1x128xi32, #tpu.memory_space<vmem>>
        %dma_wait3A_240 = tpu.memref_squeeze %dma_wait3A_239 : memref<1x128xi32, #tpu.memory_space<vmem>> -> memref<128xi32, #tpu.memory_space<vmem>>
        %dma_wait3A_241 = arith.constant 0 : i32
        %dma_wait3A_242 = tpu.memref_slice %arg16[%dma_wait3A_241] : memref<50176xf32, #tpu.memory_space<vmem_shared>> -> memref<50176xf32, #tpu.memory_space<vmem_shared>>
        tpu.wait_indirect_dma semaphore(%arg26 : memref<!tpu.dma_semaphore, #tpu.memory_space<semaphore_mem>>) src(%dma_wait3A_242 : memref<50176xf32, #tpu.memory_space<vmem_shared>>) dst(%dma_wait3A_237 : memref<128xf32, #tpu.memory_space<vmem>>)
        %dma_start3A_243 = arith.constant 0 : i32
        %dma_start3A_244 = arith.constant 0 : i32
        %dma_start3A_245 = tpu.memref_slice %arg24[%dma_start3A_243, %dma_start3A_244] : memref<4x128xf32, #tpu.memory_space<vmem>> -> memref<1x128xf32, #tpu.memory_space<vmem>>
        %dma_start3A_246 = tpu.memref_squeeze %dma_start3A_245 : memref<1x128xf32, #tpu.memory_space<vmem>> -> memref<128xf32, #tpu.memory_space<vmem>>
        %dma_start3A_247 = arith.constant 0 : i32
        %dma_start3A_248 = tpu.memref_slice %arg22[%add3A_64, %dma_start3A_247] : memref<16x128xi32, #tpu.memory_space<vmem>> -> memref<1x128xi32, #tpu.memory_space<vmem>>
        %dma_start3A_249 = tpu.memref_squeeze %dma_start3A_248 : memref<1x128xi32, #tpu.memory_space<vmem>> -> memref<128xi32, #tpu.memory_space<vmem>>
        %dma_start3A_250 = arith.constant 0 : i32
        %dma_start3A_251 = tpu.memref_slice %arg17[%dma_start3A_250] : memref<50176xf32, #tpu.memory_space<vmem_shared>> -> memref<50176xf32, #tpu.memory_space<vmem_shared>>
        tpu.enqueue_indirect_dma source(%dma_start3A_246 : memref<128xf32, #tpu.memory_space<vmem>>) target(%dma_start3A_251 : memref<50176xf32, #tpu.memory_space<vmem_shared>>) offsets(%dma_start3A_249 : memref<128xi32, #tpu.memory_space<vmem>>) semaphore(%arg27 : memref<!tpu.dma_semaphore, #tpu.memory_space<semaphore_mem>>) {add = true}
        %dma_start3A_252 = arith.constant 1 : i32
        %dma_start3A_253 = arith.constant 0 : i32
        %dma_start3A_254 = tpu.memref_slice %arg24[%dma_start3A_252, %dma_start3A_253] : memref<4x128xf32, #tpu.memory_space<vmem>> -> memref<1x128xf32, #tpu.memory_space<vmem>>
        %dma_start3A_255 = tpu.memref_squeeze %dma_start3A_254 : memref<1x128xf32, #tpu.memory_space<vmem>> -> memref<128xf32, #tpu.memory_space<vmem>>
        %dma_start3A_256 = arith.constant 0 : i32
        %dma_start3A_257 = tpu.memref_slice %arg22[%add3A_64, %dma_start3A_256] : memref<16x128xi32, #tpu.memory_space<vmem>> -> memref<1x128xi32, #tpu.memory_space<vmem>>
        %dma_start3A_258 = tpu.memref_squeeze %dma_start3A_257 : memref<1x128xi32, #tpu.memory_space<vmem>> -> memref<128xi32, #tpu.memory_space<vmem>>
        %dma_start3A_259 = arith.constant 0 : i32
        %dma_start3A_260 = tpu.memref_slice %arg18[%dma_start3A_259] : memref<50176xf32, #tpu.memory_space<vmem_shared>> -> memref<50176xf32, #tpu.memory_space<vmem_shared>>
        tpu.enqueue_indirect_dma source(%dma_start3A_255 : memref<128xf32, #tpu.memory_space<vmem>>) target(%dma_start3A_260 : memref<50176xf32, #tpu.memory_space<vmem_shared>>) offsets(%dma_start3A_258 : memref<128xi32, #tpu.memory_space<vmem>>) semaphore(%arg27 : memref<!tpu.dma_semaphore, #tpu.memory_space<semaphore_mem>>) {add = true}
        %dma_start3A_261 = arith.constant 2 : i32
        %dma_start3A_262 = arith.constant 0 : i32
        %dma_start3A_263 = tpu.memref_slice %arg24[%dma_start3A_261, %dma_start3A_262] : memref<4x128xf32, #tpu.memory_space<vmem>> -> memref<1x128xf32, #tpu.memory_space<vmem>>
        %dma_start3A_264 = tpu.memref_squeeze %dma_start3A_263 : memref<1x128xf32, #tpu.memory_space<vmem>> -> memref<128xf32, #tpu.memory_space<vmem>>
        %dma_start3A_265 = arith.constant 0 : i32
        %dma_start3A_266 = tpu.memref_slice %arg22[%add3A_64, %dma_start3A_265] : memref<16x128xi32, #tpu.memory_space<vmem>> -> memref<1x128xi32, #tpu.memory_space<vmem>>
        %dma_start3A_267 = tpu.memref_squeeze %dma_start3A_266 : memref<1x128xi32, #tpu.memory_space<vmem>> -> memref<128xi32, #tpu.memory_space<vmem>>
        %dma_start3A_268 = arith.constant 0 : i32
        %dma_start3A_269 = tpu.memref_slice %arg19[%dma_start3A_268] : memref<50176xf32, #tpu.memory_space<vmem_shared>> -> memref<50176xf32, #tpu.memory_space<vmem_shared>>
        tpu.enqueue_indirect_dma source(%dma_start3A_264 : memref<128xf32, #tpu.memory_space<vmem>>) target(%dma_start3A_269 : memref<50176xf32, #tpu.memory_space<vmem_shared>>) offsets(%dma_start3A_267 : memref<128xi32, #tpu.memory_space<vmem>>) semaphore(%arg27 : memref<!tpu.dma_semaphore, #tpu.memory_space<semaphore_mem>>) {add = true}
        %dma_start3A_270 = arith.constant 3 : i32
        %dma_start3A_271 = arith.constant 0 : i32
        %dma_start3A_272 = tpu.memref_slice %arg24[%dma_start3A_270, %dma_start3A_271] : memref<4x128xf32, #tpu.memory_space<vmem>> -> memref<1x128xf32, #tpu.memory_space<vmem>>
        %dma_start3A_273 = tpu.memref_squeeze %dma_start3A_272 : memref<1x128xf32, #tpu.memory_space<vmem>> -> memref<128xf32, #tpu.memory_space<vmem>>
        %dma_start3A_274 = arith.constant 0 : i32
        %dma_start3A_275 = tpu.memref_slice %arg22[%add3A_64, %dma_start3A_274] : memref<16x128xi32, #tpu.memory_space<vmem>> -> memref<1x128xi32, #tpu.memory_space<vmem>>
        %dma_start3A_276 = tpu.memref_squeeze %dma_start3A_275 : memref<1x128xi32, #tpu.memory_space<vmem>> -> memref<128xi32, #tpu.memory_space<vmem>>
        %dma_start3A_277 = arith.constant 0 : i32
        %dma_start3A_278 = tpu.memref_slice %arg20[%dma_start3A_277] : memref<50176xf32, #tpu.memory_space<vmem_shared>> -> memref<50176xf32, #tpu.memory_space<vmem_shared>>
        tpu.enqueue_indirect_dma source(%dma_start3A_273 : memref<128xf32, #tpu.memory_space<vmem>>) target(%dma_start3A_278 : memref<50176xf32, #tpu.memory_space<vmem_shared>>) offsets(%dma_start3A_276 : memref<128xi32, #tpu.memory_space<vmem>>) semaphore(%arg27 : memref<!tpu.dma_semaphore, #tpu.memory_space<semaphore_mem>>) {add = true}
        %dma_wait3A_279 = arith.constant 0 : i32
        %dma_wait3A_280 = arith.constant 0 : i32
        %dma_wait3A_281 = tpu.memref_slice %arg23[%dma_wait3A_279, %dma_wait3A_280] : memref<4x128xf32, #tpu.memory_space<vmem>> -> memref<1x128xf32, #tpu.memory_space<vmem>>
        %dma_wait3A_282 = tpu.memref_squeeze %dma_wait3A_281 : memref<1x128xf32, #tpu.memory_space<vmem>> -> memref<128xf32, #tpu.memory_space<vmem>>
        %dma_wait3A_283 = arith.constant 0 : i32
        %dma_wait3A_284 = tpu.memref_slice %arg22[%mul3A_62, %dma_wait3A_283] : memref<16x128xi32, #tpu.memory_space<vmem>> -> memref<1x128xi32, #tpu.memory_space<vmem>>
        %dma_wait3A_285 = tpu.memref_squeeze %dma_wait3A_284 : memref<1x128xi32, #tpu.memory_space<vmem>> -> memref<128xi32, #tpu.memory_space<vmem>>
        %dma_wait3A_286 = arith.constant 0 : i32
        %dma_wait3A_287 = tpu.memref_slice %arg17[%dma_wait3A_286] : memref<50176xf32, #tpu.memory_space<vmem_shared>> -> memref<50176xf32, #tpu.memory_space<vmem_shared>>
        tpu.wait_indirect_dma semaphore(%arg27 : memref<!tpu.dma_semaphore, #tpu.memory_space<semaphore_mem>>) src(%dma_wait3A_282 : memref<128xf32, #tpu.memory_space<vmem>>) dst(%dma_wait3A_287 : memref<50176xf32, #tpu.memory_space<vmem_shared>>)
        %dma_wait3A_288 = arith.constant 1 : i32
        %dma_wait3A_289 = arith.constant 0 : i32
        %dma_wait3A_290 = tpu.memref_slice %arg23[%dma_wait3A_288, %dma_wait3A_289] : memref<4x128xf32, #tpu.memory_space<vmem>> -> memref<1x128xf32, #tpu.memory_space<vmem>>
        %dma_wait3A_291 = tpu.memref_squeeze %dma_wait3A_290 : memref<1x128xf32, #tpu.memory_space<vmem>> -> memref<128xf32, #tpu.memory_space<vmem>>
        %dma_wait3A_292 = arith.constant 0 : i32
        %dma_wait3A_293 = tpu.memref_slice %arg22[%mul3A_62, %dma_wait3A_292] : memref<16x128xi32, #tpu.memory_space<vmem>> -> memref<1x128xi32, #tpu.memory_space<vmem>>
        %dma_wait3A_294 = tpu.memref_squeeze %dma_wait3A_293 : memref<1x128xi32, #tpu.memory_space<vmem>> -> memref<128xi32, #tpu.memory_space<vmem>>
        %dma_wait3A_295 = arith.constant 0 : i32
        %dma_wait3A_296 = tpu.memref_slice %arg18[%dma_wait3A_295] : memref<50176xf32, #tpu.memory_space<vmem_shared>> -> memref<50176xf32, #tpu.memory_space<vmem_shared>>
        tpu.wait_indirect_dma semaphore(%arg27 : memref<!tpu.dma_semaphore, #tpu.memory_space<semaphore_mem>>) src(%dma_wait3A_291 : memref<128xf32, #tpu.memory_space<vmem>>) dst(%dma_wait3A_296 : memref<50176xf32, #tpu.memory_space<vmem_shared>>)
        %dma_wait3A_297 = arith.constant 2 : i32
        %dma_wait3A_298 = arith.constant 0 : i32
        %dma_wait3A_299 = tpu.memref_slice %arg23[%dma_wait3A_297, %dma_wait3A_298] : memref<4x128xf32, #tpu.memory_space<vmem>> -> memref<1x128xf32, #tpu.memory_space<vmem>>
        %dma_wait3A_300 = tpu.memref_squeeze %dma_wait3A_299 : memref<1x128xf32, #tpu.memory_space<vmem>> -> memref<128xf32, #tpu.memory_space<vmem>>
        %dma_wait3A_301 = arith.constant 0 : i32
        %dma_wait3A_302 = tpu.memref_slice %arg22[%mul3A_62, %dma_wait3A_301] : memref<16x128xi32, #tpu.memory_space<vmem>> -> memref<1x128xi32, #tpu.memory_space<vmem>>
        %dma_wait3A_303 = tpu.memref_squeeze %dma_wait3A_302 : memref<1x128xi32, #tpu.memory_space<vmem>> -> memref<128xi32, #tpu.memory_space<vmem>>
        %dma_wait3A_304 = arith.constant 0 : i32
        %dma_wait3A_305 = tpu.memref_slice %arg19[%dma_wait3A_304] : memref<50176xf32, #tpu.memory_space<vmem_shared>> -> memref<50176xf32, #tpu.memory_space<vmem_shared>>
        tpu.wait_indirect_dma semaphore(%arg27 : memref<!tpu.dma_semaphore, #tpu.memory_space<semaphore_mem>>) src(%dma_wait3A_300 : memref<128xf32, #tpu.memory_space<vmem>>) dst(%dma_wait3A_305 : memref<50176xf32, #tpu.memory_space<vmem_shared>>)
        %dma_wait3A_306 = arith.constant 3 : i32
        %dma_wait3A_307 = arith.constant 0 : i32
        %dma_wait3A_308 = tpu.memref_slice %arg23[%dma_wait3A_306, %dma_wait3A_307] : memref<4x128xf32, #tpu.memory_space<vmem>> -> memref<1x128xf32, #tpu.memory_space<vmem>>
        %dma_wait3A_309 = tpu.memref_squeeze %dma_wait3A_308 : memref<1x128xf32, #tpu.memory_space<vmem>> -> memref<128xf32, #tpu.memory_space<vmem>>
        %dma_wait3A_310 = arith.constant 0 : i32
        %dma_wait3A_311 = tpu.memref_slice %arg22[%mul3A_62, %dma_wait3A_310] : memref<16x128xi32, #tpu.memory_space<vmem>> -> memref<1x128xi32, #tpu.memory_space<vmem>>
        %dma_wait3A_312 = tpu.memref_squeeze %dma_wait3A_311 : memref<1x128xi32, #tpu.memory_space<vmem>> -> memref<128xi32, #tpu.memory_space<vmem>>
        %dma_wait3A_313 = arith.constant 0 : i32
        %dma_wait3A_314 = tpu.memref_slice %arg20[%dma_wait3A_313] : memref<50176xf32, #tpu.memory_space<vmem_shared>> -> memref<50176xf32, #tpu.memory_space<vmem_shared>>
        tpu.wait_indirect_dma semaphore(%arg27 : memref<!tpu.dma_semaphore, #tpu.memory_space<semaphore_mem>>) src(%dma_wait3A_309 : memref<128xf32, #tpu.memory_space<vmem>>) dst(%dma_wait3A_314 : memref<50176xf32, #tpu.memory_space<vmem_shared>>)
        %dma_wait3A_315 = arith.constant 0 : i32
        %dma_wait3A_316 = arith.constant 0 : i32
        %dma_wait3A_317 = tpu.memref_slice %arg24[%dma_wait3A_315, %dma_wait3A_316] : memref<4x128xf32, #tpu.memory_space<vmem>> -> memref<1x128xf32, #tpu.memory_space<vmem>>
        %dma_wait3A_318 = tpu.memref_squeeze %dma_wait3A_317 : memref<1x128xf32, #tpu.memory_space<vmem>> -> memref<128xf32, #tpu.memory_space<vmem>>
        %dma_wait3A_319 = arith.constant 0 : i32
        %dma_wait3A_320 = tpu.memref_slice %arg22[%add3A_64, %dma_wait3A_319] : memref<16x128xi32, #tpu.memory_space<vmem>> -> memref<1x128xi32, #tpu.memory_space<vmem>>
        %dma_wait3A_321 = tpu.memref_squeeze %dma_wait3A_320 : memref<1x128xi32, #tpu.memory_space<vmem>> -> memref<128xi32, #tpu.memory_space<vmem>>
        %dma_wait3A_322 = arith.constant 0 : i32
        %dma_wait3A_323 = tpu.memref_slice %arg17[%dma_wait3A_322] : memref<50176xf32, #tpu.memory_space<vmem_shared>> -> memref<50176xf32, #tpu.memory_space<vmem_shared>>
        tpu.wait_indirect_dma semaphore(%arg27 : memref<!tpu.dma_semaphore, #tpu.memory_space<semaphore_mem>>) src(%dma_wait3A_318 : memref<128xf32, #tpu.memory_space<vmem>>) dst(%dma_wait3A_323 : memref<50176xf32, #tpu.memory_space<vmem_shared>>)
        %dma_wait3A_324 = arith.constant 1 : i32
        %dma_wait3A_325 = arith.constant 0 : i32
        %dma_wait3A_326 = tpu.memref_slice %arg24[%dma_wait3A_324, %dma_wait3A_325] : memref<4x128xf32, #tpu.memory_space<vmem>> -> memref<1x128xf32, #tpu.memory_space<vmem>>
        %dma_wait3A_327 = tpu.memref_squeeze %dma_wait3A_326 : memref<1x128xf32, #tpu.memory_space<vmem>> -> memref<128xf32, #tpu.memory_space<vmem>>
        %dma_wait3A_328 = arith.constant 0 : i32
        %dma_wait3A_329 = tpu.memref_slice %arg22[%add3A_64, %dma_wait3A_328] : memref<16x128xi32, #tpu.memory_space<vmem>> -> memref<1x128xi32, #tpu.memory_space<vmem>>
        %dma_wait3A_330 = tpu.memref_squeeze %dma_wait3A_329 : memref<1x128xi32, #tpu.memory_space<vmem>> -> memref<128xi32, #tpu.memory_space<vmem>>
        %dma_wait3A_331 = arith.constant 0 : i32
        %dma_wait3A_332 = tpu.memref_slice %arg18[%dma_wait3A_331] : memref<50176xf32, #tpu.memory_space<vmem_shared>> -> memref<50176xf32, #tpu.memory_space<vmem_shared>>
        tpu.wait_indirect_dma semaphore(%arg27 : memref<!tpu.dma_semaphore, #tpu.memory_space<semaphore_mem>>) src(%dma_wait3A_327 : memref<128xf32, #tpu.memory_space<vmem>>) dst(%dma_wait3A_332 : memref<50176xf32, #tpu.memory_space<vmem_shared>>)
        %dma_wait3A_333 = arith.constant 2 : i32
        %dma_wait3A_334 = arith.constant 0 : i32
        %dma_wait3A_335 = tpu.memref_slice %arg24[%dma_wait3A_333, %dma_wait3A_334] : memref<4x128xf32, #tpu.memory_space<vmem>> -> memref<1x128xf32, #tpu.memory_space<vmem>>
        %dma_wait3A_336 = tpu.memref_squeeze %dma_wait3A_335 : memref<1x128xf32, #tpu.memory_space<vmem>> -> memref<128xf32, #tpu.memory_space<vmem>>
        %dma_wait3A_337 = arith.constant 0 : i32
        %dma_wait3A_338 = tpu.memref_slice %arg22[%add3A_64, %dma_wait3A_337] : memref<16x128xi32, #tpu.memory_space<vmem>> -> memref<1x128xi32, #tpu.memory_space<vmem>>
        %dma_wait3A_339 = tpu.memref_squeeze %dma_wait3A_338 : memref<1x128xi32, #tpu.memory_space<vmem>> -> memref<128xi32, #tpu.memory_space<vmem>>
        %dma_wait3A_340 = arith.constant 0 : i32
        %dma_wait3A_341 = tpu.memref_slice %arg19[%dma_wait3A_340] : memref<50176xf32, #tpu.memory_space<vmem_shared>> -> memref<50176xf32, #tpu.memory_space<vmem_shared>>
        tpu.wait_indirect_dma semaphore(%arg27 : memref<!tpu.dma_semaphore, #tpu.memory_space<semaphore_mem>>) src(%dma_wait3A_336 : memref<128xf32, #tpu.memory_space<vmem>>) dst(%dma_wait3A_341 : memref<50176xf32, #tpu.memory_space<vmem_shared>>)
        %dma_wait3A_342 = arith.constant 3 : i32
        %dma_wait3A_343 = arith.constant 0 : i32
        %dma_wait3A_344 = tpu.memref_slice %arg24[%dma_wait3A_342, %dma_wait3A_343] : memref<4x128xf32, #tpu.memory_space<vmem>> -> memref<1x128xf32, #tpu.memory_space<vmem>>
        %dma_wait3A_345 = tpu.memref_squeeze %dma_wait3A_344 : memref<1x128xf32, #tpu.memory_space<vmem>> -> memref<128xf32, #tpu.memory_space<vmem>>
        %dma_wait3A_346 = arith.constant 0 : i32
        %dma_wait3A_347 = tpu.memref_slice %arg22[%add3A_64, %dma_wait3A_346] : memref<16x128xi32, #tpu.memory_space<vmem>> -> memref<1x128xi32, #tpu.memory_space<vmem>>
        %dma_wait3A_348 = tpu.memref_squeeze %dma_wait3A_347 : memref<1x128xi32, #tpu.memory_space<vmem>> -> memref<128xi32, #tpu.memory_space<vmem>>
        %dma_wait3A_349 = arith.constant 0 : i32
        %dma_wait3A_350 = tpu.memref_slice %arg20[%dma_wait3A_349] : memref<50176xf32, #tpu.memory_space<vmem_shared>> -> memref<50176xf32, #tpu.memory_space<vmem_shared>>
        tpu.wait_indirect_dma semaphore(%arg27 : memref<!tpu.dma_semaphore, #tpu.memory_space<semaphore_mem>>) src(%dma_wait3A_345 : memref<128xf32, #tpu.memory_space<vmem>>) dst(%dma_wait3A_350 : memref<50176xf32, #tpu.memory_space<vmem_shared>>)
      }
      %scan3A_59 = arith.constant 8 : i32
    }
    %barrier3A_35 = arith.constant 0 : index
    tpu.barrier barrier_id(%barrier3A_35)
    "tpu.region"() ({
      %run_scoped3A = tpu.sem_alloc : memref<!tpu.dma_semaphore, #tpu.memory_space<semaphore_mem>>
      %dma_start3A = tpu.memref_slice %arg17[%mul3A_0] : memref<50176xf32, #tpu.memory_space<vmem_shared>> -> memref<3136xf32, #tpu.memory_space<vmem_shared>>
      %dma_start3A_48 = tpu.memref_slice %arg17[%mul3A_0] : memref<50176xf32, #tpu.memory_space<vmem_shared>> -> memref<3136xf32, #tpu.memory_space<vmem_shared>>
      tpu.enqueue_dma source(%dma_start3A_48 : memref<3136xf32, #tpu.memory_space<vmem_shared>>) target(%arg25 : memref<3136xf32, #tpu.memory_space<vmem>>) target_semaphore(%run_scoped3A : memref<!tpu.dma_semaphore, #tpu.memory_space<semaphore_mem>>)
      %dma_wait3A = tpu.memref_slice %arg17[%mul3A_0] : memref<50176xf32, #tpu.memory_space<vmem_shared>> -> memref<3136xf32, #tpu.memory_space<vmem_shared>>
      %dma_wait3A_49 = tpu.memref_slice %arg17[%mul3A_0] : memref<50176xf32, #tpu.memory_space<vmem_shared>> -> memref<3136xf32, #tpu.memory_space<vmem_shared>>
      tpu.wait_dma2 semaphore(%run_scoped3A : memref<!tpu.dma_semaphore, #tpu.memory_space<semaphore_mem>>) src(%dma_wait3A_49 : memref<3136xf32, #tpu.memory_space<vmem_shared>>) dst(%arg25 : memref<3136xf32, #tpu.memory_space<vmem>>)
      tpu.yield
    }) : () -> ()
    %mul3A_36 = arith.constant 50176 : i32
    %mul3A_37 = arith.muli %arg0, %mul3A_36 : i32
    %add3A_38 = arith.addi %mul3A_37, %mul3A_0 : i32
    "tpu.region"() ({
      %run_scoped3A = tpu.sem_alloc : memref<!tpu.dma_semaphore, #tpu.memory_space<semaphore_mem>>
      %dma_start3A = tpu.memref_slice %arg9[%add3A_38] : memref<100352xf32, #tpu.memory_space<hbm>> -> memref<3136xf32, #tpu.memory_space<hbm>>
      %dma_start3A_48 = tpu.memref_slice %arg9[%add3A_38] : memref<100352xf32, #tpu.memory_space<hbm>> -> memref<3136xf32, #tpu.memory_space<hbm>>
      tpu.enqueue_dma source(%arg25 : memref<3136xf32, #tpu.memory_space<vmem>>) target(%dma_start3A_48 : memref<3136xf32, #tpu.memory_space<hbm>>) target_semaphore(%run_scoped3A : memref<!tpu.dma_semaphore, #tpu.memory_space<semaphore_mem>>)
      %dma_wait3A = tpu.memref_slice %arg9[%add3A_38] : memref<100352xf32, #tpu.memory_space<hbm>> -> memref<3136xf32, #tpu.memory_space<hbm>>
      %dma_wait3A_49 = tpu.memref_slice %arg9[%add3A_38] : memref<100352xf32, #tpu.memory_space<hbm>> -> memref<3136xf32, #tpu.memory_space<hbm>>
      tpu.wait_dma2 semaphore(%run_scoped3A : memref<!tpu.dma_semaphore, #tpu.memory_space<semaphore_mem>>) src(%arg25 : memref<3136xf32, #tpu.memory_space<vmem>>) dst(%dma_wait3A_49 : memref<3136xf32, #tpu.memory_space<hbm>>)
      tpu.yield
    }) : () -> ()
    "tpu.region"() ({
      %run_scoped3A = tpu.sem_alloc : memref<!tpu.dma_semaphore, #tpu.memory_space<semaphore_mem>>
      %dma_start3A = tpu.memref_slice %arg18[%mul3A_0] : memref<50176xf32, #tpu.memory_space<vmem_shared>> -> memref<3136xf32, #tpu.memory_space<vmem_shared>>
      %dma_start3A_48 = tpu.memref_slice %arg18[%mul3A_0] : memref<50176xf32, #tpu.memory_space<vmem_shared>> -> memref<3136xf32, #tpu.memory_space<vmem_shared>>
      tpu.enqueue_dma source(%dma_start3A_48 : memref<3136xf32, #tpu.memory_space<vmem_shared>>) target(%arg25 : memref<3136xf32, #tpu.memory_space<vmem>>) target_semaphore(%run_scoped3A : memref<!tpu.dma_semaphore, #tpu.memory_space<semaphore_mem>>)
      %dma_wait3A = tpu.memref_slice %arg18[%mul3A_0] : memref<50176xf32, #tpu.memory_space<vmem_shared>> -> memref<3136xf32, #tpu.memory_space<vmem_shared>>
      %dma_wait3A_49 = tpu.memref_slice %arg18[%mul3A_0] : memref<50176xf32, #tpu.memory_space<vmem_shared>> -> memref<3136xf32, #tpu.memory_space<vmem_shared>>
      tpu.wait_dma2 semaphore(%run_scoped3A : memref<!tpu.dma_semaphore, #tpu.memory_space<semaphore_mem>>) src(%dma_wait3A_49 : memref<3136xf32, #tpu.memory_space<vmem_shared>>) dst(%arg25 : memref<3136xf32, #tpu.memory_space<vmem>>)
      tpu.yield
    }) : () -> ()
    %mul3A_39 = arith.constant 50176 : i32
    %mul3A_40 = arith.muli %arg0, %mul3A_39 : i32
    %add3A_41 = arith.addi %mul3A_40, %mul3A_0 : i32
    "tpu.region"() ({
      %run_scoped3A = tpu.sem_alloc : memref<!tpu.dma_semaphore, #tpu.memory_space<semaphore_mem>>
      %dma_start3A = tpu.memref_slice %arg10[%add3A_41] : memref<100352xf32, #tpu.memory_space<hbm>> -> memref<3136xf32, #tpu.memory_space<hbm>>
      %dma_start3A_48 = tpu.memref_slice %arg10[%add3A_41] : memref<100352xf32, #tpu.memory_space<hbm>> -> memref<3136xf32, #tpu.memory_space<hbm>>
      tpu.enqueue_dma source(%arg25 : memref<3136xf32, #tpu.memory_space<vmem>>) target(%dma_start3A_48 : memref<3136xf32, #tpu.memory_space<hbm>>) target_semaphore(%run_scoped3A : memref<!tpu.dma_semaphore, #tpu.memory_space<semaphore_mem>>)
      %dma_wait3A = tpu.memref_slice %arg10[%add3A_41] : memref<100352xf32, #tpu.memory_space<hbm>> -> memref<3136xf32, #tpu.memory_space<hbm>>
      %dma_wait3A_49 = tpu.memref_slice %arg10[%add3A_41] : memref<100352xf32, #tpu.memory_space<hbm>> -> memref<3136xf32, #tpu.memory_space<hbm>>
      tpu.wait_dma2 semaphore(%run_scoped3A : memref<!tpu.dma_semaphore, #tpu.memory_space<semaphore_mem>>) src(%arg25 : memref<3136xf32, #tpu.memory_space<vmem>>) dst(%dma_wait3A_49 : memref<3136xf32, #tpu.memory_space<hbm>>)
      tpu.yield
    }) : () -> ()
    "tpu.region"() ({
      %run_scoped3A = tpu.sem_alloc : memref<!tpu.dma_semaphore, #tpu.memory_space<semaphore_mem>>
      %dma_start3A = tpu.memref_slice %arg19[%mul3A_0] : memref<50176xf32, #tpu.memory_space<vmem_shared>> -> memref<3136xf32, #tpu.memory_space<vmem_shared>>
      %dma_start3A_48 = tpu.memref_slice %arg19[%mul3A_0] : memref<50176xf32, #tpu.memory_space<vmem_shared>> -> memref<3136xf32, #tpu.memory_space<vmem_shared>>
      tpu.enqueue_dma source(%dma_start3A_48 : memref<3136xf32, #tpu.memory_space<vmem_shared>>) target(%arg25 : memref<3136xf32, #tpu.memory_space<vmem>>) target_semaphore(%run_scoped3A : memref<!tpu.dma_semaphore, #tpu.memory_space<semaphore_mem>>)
      %dma_wait3A = tpu.memref_slice %arg19[%mul3A_0] : memref<50176xf32, #tpu.memory_space<vmem_shared>> -> memref<3136xf32, #tpu.memory_space<vmem_shared>>
      %dma_wait3A_49 = tpu.memref_slice %arg19[%mul3A_0] : memref<50176xf32, #tpu.memory_space<vmem_shared>> -> memref<3136xf32, #tpu.memory_space<vmem_shared>>
      tpu.wait_dma2 semaphore(%run_scoped3A : memref<!tpu.dma_semaphore, #tpu.memory_space<semaphore_mem>>) src(%dma_wait3A_49 : memref<3136xf32, #tpu.memory_space<vmem_shared>>) dst(%arg25 : memref<3136xf32, #tpu.memory_space<vmem>>)
      tpu.yield
    }) : () -> ()
    %mul3A_42 = arith.constant 50176 : i32
    %mul3A_43 = arith.muli %arg0, %mul3A_42 : i32
    %add3A_44 = arith.addi %mul3A_43, %mul3A_0 : i32
    "tpu.region"() ({
      %run_scoped3A = tpu.sem_alloc : memref<!tpu.dma_semaphore, #tpu.memory_space<semaphore_mem>>
      %dma_start3A = tpu.memref_slice %arg11[%add3A_44] : memref<100352xf32, #tpu.memory_space<hbm>> -> memref<3136xf32, #tpu.memory_space<hbm>>
      %dma_start3A_48 = tpu.memref_slice %arg11[%add3A_44] : memref<100352xf32, #tpu.memory_space<hbm>> -> memref<3136xf32, #tpu.memory_space<hbm>>
      tpu.enqueue_dma source(%arg25 : memref<3136xf32, #tpu.memory_space<vmem>>) target(%dma_start3A_48 : memref<3136xf32, #tpu.memory_space<hbm>>) target_semaphore(%run_scoped3A : memref<!tpu.dma_semaphore, #tpu.memory_space<semaphore_mem>>)
      %dma_wait3A = tpu.memref_slice %arg11[%add3A_44] : memref<100352xf32, #tpu.memory_space<hbm>> -> memref<3136xf32, #tpu.memory_space<hbm>>
      %dma_wait3A_49 = tpu.memref_slice %arg11[%add3A_44] : memref<100352xf32, #tpu.memory_space<hbm>> -> memref<3136xf32, #tpu.memory_space<hbm>>
      tpu.wait_dma2 semaphore(%run_scoped3A : memref<!tpu.dma_semaphore, #tpu.memory_space<semaphore_mem>>) src(%arg25 : memref<3136xf32, #tpu.memory_space<vmem>>) dst(%dma_wait3A_49 : memref<3136xf32, #tpu.memory_space<hbm>>)
      tpu.yield
    }) : () -> ()
    "tpu.region"() ({
      %run_scoped3A = tpu.sem_alloc : memref<!tpu.dma_semaphore, #tpu.memory_space<semaphore_mem>>
      %dma_start3A = tpu.memref_slice %arg20[%mul3A_0] : memref<50176xf32, #tpu.memory_space<vmem_shared>> -> memref<3136xf32, #tpu.memory_space<vmem_shared>>
      %dma_start3A_48 = tpu.memref_slice %arg20[%mul3A_0] : memref<50176xf32, #tpu.memory_space<vmem_shared>> -> memref<3136xf32, #tpu.memory_space<vmem_shared>>
      tpu.enqueue_dma source(%dma_start3A_48 : memref<3136xf32, #tpu.memory_space<vmem_shared>>) target(%arg25 : memref<3136xf32, #tpu.memory_space<vmem>>) target_semaphore(%run_scoped3A : memref<!tpu.dma_semaphore, #tpu.memory_space<semaphore_mem>>)
      %dma_wait3A = tpu.memref_slice %arg20[%mul3A_0] : memref<50176xf32, #tpu.memory_space<vmem_shared>> -> memref<3136xf32, #tpu.memory_space<vmem_shared>>
      %dma_wait3A_49 = tpu.memref_slice %arg20[%mul3A_0] : memref<50176xf32, #tpu.memory_space<vmem_shared>> -> memref<3136xf32, #tpu.memory_space<vmem_shared>>
      tpu.wait_dma2 semaphore(%run_scoped3A : memref<!tpu.dma_semaphore, #tpu.memory_space<semaphore_mem>>) src(%dma_wait3A_49 : memref<3136xf32, #tpu.memory_space<vmem_shared>>) dst(%arg25 : memref<3136xf32, #tpu.memory_space<vmem>>)
      tpu.yield
    }) : () -> ()
    %mul3A_45 = arith.constant 50176 : i32
    %mul3A_46 = arith.muli %arg0, %mul3A_45 : i32
    %add3A_47 = arith.addi %mul3A_46, %mul3A_0 : i32
    "tpu.region"() ({
      %run_scoped3A = tpu.sem_alloc : memref<!tpu.dma_semaphore, #tpu.memory_space<semaphore_mem>>
      %dma_start3A = tpu.memref_slice %arg12[%add3A_47] : memref<100352xf32, #tpu.memory_space<hbm>> -> memref<3136xf32, #tpu.memory_space<hbm>>
      %dma_start3A_48 = tpu.memref_slice %arg12[%add3A_47] : memref<100352xf32, #tpu.memory_space<hbm>> -> memref<3136xf32, #tpu.memory_space<hbm>>
      tpu.enqueue_dma source(%arg25 : memref<3136xf32, #tpu.memory_space<vmem>>) target(%dma_start3A_48 : memref<3136xf32, #tpu.memory_space<hbm>>) target_semaphore(%run_scoped3A : memref<!tpu.dma_semaphore, #tpu.memory_space<semaphore_mem>>)
      %dma_wait3A = tpu.memref_slice %arg12[%add3A_47] : memref<100352xf32, #tpu.memory_space<hbm>> -> memref<3136xf32, #tpu.memory_space<hbm>>
      %dma_wait3A_49 = tpu.memref_slice %arg12[%add3A_47] : memref<100352xf32, #tpu.memory_space<hbm>> -> memref<3136xf32, #tpu.memory_space<hbm>>
      tpu.wait_dma2 semaphore(%run_scoped3A : memref<!tpu.dma_semaphore, #tpu.memory_space<semaphore_mem>>) src(%arg25 : memref<3136xf32, #tpu.memory_space<vmem>>) dst(%dma_wait3A_49 : memref<3136xf32, #tpu.memory_space<hbm>>)
      tpu.yield
    }) : () -> ()
    return
  }
}

module attributes {stable_mosaic.version = 14 : i64} {
  func.func @body(%arg0: memref<2x50176xf32, #tpu.memory_space<vmem>>, %arg1: memref<4x50176xf32, #tpu.memory_space<vmem>>, %arg2: memref<4x50176xf32, #tpu.memory_space<vmem>>, %arg3: memref<1x50176xf32, #tpu.memory_space<vmem>>) attributes {dimension_semantics = [], scalar_prefetch = 0 : i64, scratch_operands = 0 : i64, tpu.core_type = #tpu.core_type<tc>} {
    %get3A = arith.constant 0 : index
    %get3A_0 = arith.constant 0 : index
    %get3A_1 = vector.load %arg0[%get3A, %get3A_0] : memref<2x50176xf32, #tpu.memory_space<vmem>>, vector<1x50176xf32>
    %get3A_2 = arith.constant 1 : index
    %get3A_3 = arith.constant 0 : index
    %get3A_4 = vector.load %arg0[%get3A_2, %get3A_3] : memref<2x50176xf32, #tpu.memory_space<vmem>>, vector<1x50176xf32>
    %add3A = arith.addf %get3A_1, %get3A_4 : vector<1x50176xf32>
    %add3A_5 = arith.constant 1.000000e+00 : f32
    %add3A_6 = vector.broadcast %add3A_5 : f32 to vector<1x50176xf32>
    %add3A_7 = arith.addf %add3A, %add3A_6 : vector<1x50176xf32>
    %rsqrt3A = math.rsqrt %add3A_7 : vector<1x50176xf32>
    %swap3A = arith.constant 0 : index
    %swap3A_8 = arith.constant 0 : index
    %swap3A_9 = vector.load %arg3[%swap3A, %swap3A_8] : memref<1x50176xf32, #tpu.memory_space<vmem>>, vector<1x50176xf32>
    tpu.vector_store %arg3[%swap3A, %swap3A_8], %rsqrt3A {strides = array<i32>} : memref<1x50176xf32, #tpu.memory_space<vmem>>, vector<1x50176xf32>,
    %get3A_10 = arith.constant 0 : index
    %get3A_11 = arith.constant 0 : index
    %get3A_12 = vector.load %arg1[%get3A_10, %get3A_11] : memref<4x50176xf32, #tpu.memory_space<vmem>>, vector<4x50176xf32>
    %mul3A = vector.broadcast %rsqrt3A : vector<1x50176xf32> to vector<4x50176xf32>
    %mul3A_13 = arith.mulf %get3A_12, %mul3A : vector<4x50176xf32>
    %swap3A_14 = arith.constant 0 : index
    %swap3A_15 = arith.constant 0 : index
    %swap3A_16 = vector.load %arg2[%swap3A_14, %swap3A_15] : memref<4x50176xf32, #tpu.memory_space<vmem>>, vector<4x50176xf32>
    tpu.vector_store %arg2[%swap3A_14, %swap3A_15], %mul3A_13 {strides = array<i32>} : memref<4x50176xf32, #tpu.memory_space<vmem>>, vector<4x50176xf32>,
    return
  }
}

module attributes {stable_mosaic.version = 14 : i64} {
  func.func @body(%arg0: i32, %arg1: memref<2x4x1792xf32, #tpu.memory_space<vmem>>, %arg2: memref<4x1792xf32, #tpu.memory_space<vmem>>, %arg3: memref<1x1792xf32, #tpu.memory_space<vmem>>, %arg4: memref<160x4xf32, #tpu.memory_space<vmem>>, %arg5: memref<160x1xf32, #tpu.memory_space<vmem>>, %arg6: memref<6x160xf32, #tpu.memory_space<vmem>>, %arg7: memref<6x1792xf32, #tpu.memory_space<vmem>>) attributes {dimension_semantics = [#tpu.dimension_semantics<arbitrary>], iteration_bounds = array<i64: 28>, scalar_prefetch = 0 : i64, scratch_operands = 0 : i64, tpu.core_type = #tpu.core_type<tc>, window_params = [{transform_indices = @transform_0, window_bounds = array<i64: 2, 4, 1792>}, {transform_indices = @transform_1, window_bounds = array<i64: 4, 1792>}, {transform_indices = @transform_2, window_bounds = array<i64: 1, 1792>}, {pipeline_mode = #tpu.pipeline_mode<synchronous>, transform_indices = @transform_3, window_bounds = array<i64: 160, 4>}, {pipeline_mode = #tpu.pipeline_mode<synchronous>, transform_indices = @transform_4, window_bounds = array<i64: 160, 1>}, {pipeline_mode = #tpu.pipeline_mode<synchronous>, transform_indices = @transform_5, window_bounds = array<i64: 6, 160>}, {transform_indices = @transform_6, window_bounds = array<i64: 6, 1792>}]} {
    %get3A = arith.constant 0 : index
    %get3A_0 = arith.constant 0 : index
    %get3A_1 = vector.load %arg3[%get3A, %get3A_0] : memref<1x1792xf32, #tpu.memory_space<vmem>>, vector<1x1792xf32>
    %get3A_2 = arith.constant 0 : index
    %get3A_3 = arith.constant 0 : index
    %get3A_4 = arith.constant 0 : index
    %get3A_5 = vector.load %arg1[%get3A_2, %get3A_3, %get3A_4] : memref<2x4x1792xf32, #tpu.memory_space<vmem>>, vector<1x4x1792xf32>
    %get3A_6 = vector.shape_cast %get3A_5 : vector<1x4x1792xf32> to vector<4x1792xf32>
    %get3A_7 = arith.constant 1 : index
    %get3A_8 = arith.constant 0 : index
    %get3A_9 = arith.constant 0 : index
    %get3A_10 = vector.load %arg1[%get3A_7, %get3A_8, %get3A_9] : memref<2x4x1792xf32, #tpu.memory_space<vmem>>, vector<1x4x1792xf32>
    %get3A_11 = vector.shape_cast %get3A_10 : vector<1x4x1792xf32> to vector<4x1792xf32>
    %add3A = arith.addf %get3A_6, %get3A_11 : vector<4x1792xf32>
    %get3A_12 = arith.constant 0 : index
    %get3A_13 = arith.constant 0 : index
    %get3A_14 = vector.load %arg2[%get3A_12, %get3A_13] : memref<4x1792xf32, #tpu.memory_space<vmem>>, vector<4x1792xf32>
    %add3A_15 = arith.addf %add3A, %get3A_14 : vector<4x1792xf32>
    %mul3A = vector.broadcast %get3A_1 : vector<1x1792xf32> to vector<4x1792xf32>
    %mul3A_16 = arith.mulf %mul3A, %add3A_15 : vector<4x1792xf32>
    %get3A_17 = arith.constant 0 : index
    %get3A_18 = arith.constant 0 : index
    %get3A_19 = vector.load %arg4[%get3A_17, %get3A_18] : memref<160x4xf32, #tpu.memory_space<vmem>>, vector<160x4xf32>
    %dot_general3A = arith.constant dense<0.000000e+00> : vector<160x1792xf32>
    %dot_general3A_20 = tpu.matmul %get3A_19, %mul3A_16, %dot_general3A {dimension_numbers = #tpu.dot_dimension_numbers<[1], [0], [0], [1], [0, 0, 1, 1], [], []>, transpose_lhs_hint = false} : vector<160x4xf32>, vector<4x1792xf32>, vector<160x1792xf32> -> vector<160x1792xf32>
    %get3A_21 = arith.constant 0 : index
    %get3A_22 = arith.constant 0 : index
    %get3A_23 = vector.load %arg5[%get3A_21, %get3A_22] : memref<160x1xf32, #tpu.memory_space<vmem>>, vector<160x1xf32>
    %add3A_24 = vector.broadcast %get3A_23 : vector<160x1xf32> to vector<160x1792xf32>
    %add3A_25 = arith.addf %dot_general3A_20, %add3A_24 : vector<160x1792xf32>
    %max3A = arith.constant 0.000000e+00 : f32
    %max3A_26 = vector.broadcast %max3A : f32 to vector<160x1792xf32>
    %max3A_27 = arith.maximumf %add3A_25, %max3A_26 : vector<160x1792xf32>
    %get3A_28 = arith.constant 0 : index
    %get3A_29 = arith.constant 0 : index
    %get3A_30 = vector.load %arg6[%get3A_28, %get3A_29] : memref<6x160xf32, #tpu.memory_space<vmem>>, vector<6x160xf32>
    %dot_general3A_31 = arith.constant dense<0.000000e+00> : vector<6x1792xf32>
    %dot_general3A_32 = tpu.matmul %get3A_30, %max3A_27, %dot_general3A_31 {dimension_numbers = #tpu.dot_dimension_numbers<[1], [0], [0], [1], [0, 0, 1, 1], [], []>, transpose_lhs_hint = false} : vector<6x160xf32>, vector<160x1792xf32>, vector<6x1792xf32> -> vector<6x1792xf32>
    %mul3A_33 = vector.broadcast %get3A_1 : vector<1x1792xf32> to vector<6x1792xf32>
    %mul3A_34 = arith.mulf %mul3A_33, %dot_general3A_32 : vector<6x1792xf32>
    %swap3A = arith.constant 0 : index
    %swap3A_35 = arith.constant 0 : index
    %swap3A_36 = vector.load %arg7[%swap3A, %swap3A_35] : memref<6x1792xf32, #tpu.memory_space<vmem>>, vector<6x1792xf32>
    tpu.vector_store %arg7[%swap3A, %swap3A_35], %mul3A_34 {strides = array<i32>} : memref<6x1792xf32, #tpu.memory_space<vmem>>, vector<6x1792xf32>,
    return
  }
  func.func @transform_0(%arg0: i32) -> (i32, i32, i32) {
    %c0_i32 = arith.constant 0 : i32
    %c0_i32_0 = arith.constant 0 : i32
    %c0_i32_1 = arith.constant 0 : i32
    return %c0_i32, %c0_i32_0, %arg0 : i32, i32, i32
  }
  func.func @transform_1(%arg0: i32) -> (i32, i32) {
    %c0_i32 = arith.constant 0 : i32
    %c0_i32_0 = arith.constant 0 : i32
    return %c0_i32, %arg0 : i32, i32
  }
  func.func @transform_2(%arg0: i32) -> (i32, i32) {
    %c0_i32 = arith.constant 0 : i32
    %c0_i32_0 = arith.constant 0 : i32
    return %c0_i32, %arg0 : i32, i32
  }
  func.func @transform_3(%arg0: i32) -> (i32, i32) {
    %c0_i32 = arith.constant 0 : i32
    %c0_i32_0 = arith.constant 0 : i32
    %c0_i32_1 = arith.constant 0 : i32
    return %c0_i32, %c0_i32_0 : i32, i32
  }
  func.func @transform_4(%arg0: i32) -> (i32, i32) {
    %c0_i32 = arith.constant 0 : i32
    %c0_i32_0 = arith.constant 0 : i32
    %c0_i32_1 = arith.constant 0 : i32
    return %c0_i32, %c0_i32_0 : i32, i32
  }
  func.func @transform_5(%arg0: i32) -> (i32, i32) {
    %c0_i32 = arith.constant 0 : i32
    %c0_i32_0 = arith.constant 0 : i32
    %c0_i32_1 = arith.constant 0 : i32
    return %c0_i32, %c0_i32_0 : i32, i32
  }
  func.func @transform_6(%arg0: i32) -> (i32, i32) {
    %c0_i32 = arith.constant 0 : i32
    %c0_i32_0 = arith.constant 0 : i32
    return %c0_i32, %arg0 : i32, i32
  }
}

module attributes {stable_mosaic.version = 14 : i64} {
  func.func @body(%arg0: i32, %arg1: memref<2x6x1792xf32, #tpu.memory_space<vmem>>, %arg2: memref<6x1792xf32, #tpu.memory_space<vmem>>, %arg3: memref<1x1792xf32, #tpu.memory_space<vmem>>, %arg4: memref<1x1792xi32, #tpu.memory_space<vmem>>, %arg5: memref<1x6xf32, #tpu.memory_space<vmem>>, %arg6: memref<128x6xf32, #tpu.memory_space<vmem>>, %arg7: memref<128x6xf32, #tpu.memory_space<vmem>>, %arg8: memref<128x1xf32, #tpu.memory_space<vmem>>) attributes {dimension_semantics = [#tpu.dimension_semantics<arbitrary>], iteration_bounds = array<i64: 28>, scalar_prefetch = 0 : i64, scratch_operands = 2 : i64, tpu.core_type = #tpu.core_type<tc>, window_params = [{transform_indices = @transform_0, window_bounds = array<i64: 2, 6, 1792>}, {transform_indices = @transform_1, window_bounds = array<i64: 6, 1792>}, {transform_indices = @transform_2, window_bounds = array<i64: 1, 1792>}, {transform_indices = @transform_3, window_bounds = array<i64: 1, 1792>}, {pipeline_mode = #tpu.pipeline_mode<synchronous>, transform_indices = @transform_4, window_bounds = array<i64: 1, 6>}, {pipeline_mode = #tpu.pipeline_mode<synchronous>, transform_indices = @transform_5, window_bounds = array<i64: 128, 6>}]} {
    %eq3A = arith.constant 0 : i32
    %eq3A_0 = arith.cmpi eq, %arg0, %eq3A : i32
    %convert_element_type3A = arith.extui %eq3A_0 : i1 to i32
    %cond3A = arith.constant 0 : i32
    %cond3A_1 = arith.cmpi ne, %convert_element_type3A, %cond3A : i32
    scf.if %cond3A_1 {
      %broadcast_in_dim3A_46 = arith.constant 0.000000e+00 : f32
      %broadcast_in_dim3A_47 = vector.broadcast %broadcast_in_dim3A_46 : f32 to vector<128x6xf32>
      %swap3A_48 = arith.constant 0 : index
      %swap3A_49 = arith.constant 0 : index
      %swap3A_50 = vector.load %arg7[%swap3A_48, %swap3A_49] : memref<128x6xf32, #tpu.memory_space<vmem>>, vector<128x6xf32>
      tpu.vector_store %arg7[%swap3A_48, %swap3A_49], %broadcast_in_dim3A_47 {strides = array<i32>} : memref<128x6xf32, #tpu.memory_space<vmem>>, vector<128x6xf32>,
      %broadcast_in_dim3A_51 = arith.constant 0.000000e+00 : f32
      %broadcast_in_dim3A_52 = vector.broadcast %broadcast_in_dim3A_51 : f32 to vector<128x1xf32>
      %swap3A_53 = arith.constant 0 : index
      %swap3A_54 = arith.constant 0 : index
      %swap3A_55 = vector.load %arg8[%swap3A_53, %swap3A_54] : memref<128x1xf32, #tpu.memory_space<vmem>>, vector<128x1xf32>
      tpu.vector_store %arg8[%swap3A_53, %swap3A_54], %broadcast_in_dim3A_52 {strides = array<i32>} : memref<128x1xf32, #tpu.memory_space<vmem>>, vector<128x1xf32>,
    } else {
    }
    %get3A = arith.constant 0 : index
    %get3A_2 = arith.constant 0 : index
    %get3A_3 = vector.load %arg3[%get3A, %get3A_2] : memref<1x1792xf32, #tpu.memory_space<vmem>>, vector<1x1792xf32>
    %get3A_4 = arith.constant 0 : index
    %get3A_5 = arith.constant 0 : index
    %get3A_6 = arith.constant 0 : index
    %get3A_7 = vector.load %arg1[%get3A_4, %get3A_5, %get3A_6] : memref<2x6x1792xf32, #tpu.memory_space<vmem>>, vector<1x6x1792xf32>
    %get3A_8 = vector.shape_cast %get3A_7 : vector<1x6x1792xf32> to vector<6x1792xf32>
    %get3A_9 = arith.constant 1 : index
    %get3A_10 = arith.constant 0 : index
    %get3A_11 = arith.constant 0 : index
    %get3A_12 = vector.load %arg1[%get3A_9, %get3A_10, %get3A_11] : memref<2x6x1792xf32, #tpu.memory_space<vmem>>, vector<1x6x1792xf32>
    %get3A_13 = vector.shape_cast %get3A_12 : vector<1x6x1792xf32> to vector<6x1792xf32>
    %add3A = arith.addf %get3A_8, %get3A_13 : vector<6x1792xf32>
    %get3A_14 = arith.constant 0 : index
    %get3A_15 = arith.constant 0 : index
    %get3A_16 = vector.load %arg2[%get3A_14, %get3A_15] : memref<6x1792xf32, #tpu.memory_space<vmem>>, vector<6x1792xf32>
    %add3A_17 = arith.addf %add3A, %get3A_16 : vector<6x1792xf32>
    %mul3A = vector.broadcast %get3A_3 : vector<1x1792xf32> to vector<6x1792xf32>
    %mul3A_18 = arith.mulf %mul3A, %add3A_17 : vector<6x1792xf32>
    %iota3A = tpu.iota {dimensions = array<i32: 0>} : vector<128x1792xi32>
    %get3A_19 = arith.constant 0 : index
    %get3A_20 = arith.constant 0 : index
    %get3A_21 = vector.load %arg4[%get3A_19, %get3A_20] : memref<1x1792xi32, #tpu.memory_space<vmem>>, vector<1x1792xi32>
    %eq3A_22 = vector.broadcast %get3A_21 : vector<1x1792xi32> to vector<128x1792xi32>
    %eq3A_23 = arith.cmpi eq, %iota3A, %eq3A_22 : vector<128x1792xi32>
    %convert_element_type3A_24 = arith.extui %eq3A_23 : vector<128x1792xi1> to vector<128x1792xi32>
    %convert_element_type3A_25 = arith.sitofp %convert_element_type3A_24 : vector<128x1792xi32> to vector<128x1792xf32>
    %get3A_26 = arith.constant 0 : index
    %get3A_27 = arith.constant 0 : index
    %get3A_28 = vector.load %arg7[%get3A_26, %get3A_27] : memref<128x6xf32, #tpu.memory_space<vmem>>, vector<128x6xf32>
    %dot_general3A = arith.constant dense<0.000000e+00> : vector<128x6xf32>
    %dot_general3A_29 = tpu.matmul %convert_element_type3A_25, %mul3A_18, %dot_general3A {dimension_numbers = #tpu.dot_dimension_numbers<[1], [1], [0], [0], [0, 0, 1, 0], [], []>, transpose_lhs_hint = false} : vector<128x1792xf32>, vector<6x1792xf32>, vector<128x6xf32> -> vector<128x6xf32>
    %add3A_30 = arith.addf %get3A_28, %dot_general3A_29 : vector<128x6xf32>
    %swap3A = arith.constant 0 : index
    %swap3A_31 = arith.constant 0 : index
    %swap3A_32 = vector.load %arg7[%swap3A, %swap3A_31] : memref<128x6xf32, #tpu.memory_space<vmem>>, vector<128x6xf32>
    tpu.vector_store %arg7[%swap3A, %swap3A_31], %add3A_30 {strides = array<i32>} : memref<128x6xf32, #tpu.memory_space<vmem>>, vector<128x6xf32>,
    %get3A_33 = arith.constant 0 : index
    %get3A_34 = arith.constant 0 : index
    %get3A_35 = vector.load %arg8[%get3A_33, %get3A_34] : memref<128x1xf32, #tpu.memory_space<vmem>>, vector<128x1xf32>
    %reduce_sum3A = arith.constant dense<0.000000e+00> : vector<128xf32>
    %reduce_sum3A_36 = vector.multi_reduction <add>, %convert_element_type3A_25, %reduce_sum3A [1] : vector<128x1792xf32> to vector<128xf32>
    %broadcast_in_dim3A = vector.shape_cast %reduce_sum3A_36 : vector<128xf32> to vector<128x1xf32>
    %add3A_37 = arith.addf %get3A_35, %broadcast_in_dim3A : vector<128x1xf32>
    %swap3A_38 = arith.constant 0 : index
    %swap3A_39 = arith.constant 0 : index
    %swap3A_40 = vector.load %arg8[%swap3A_38, %swap3A_39] : memref<128x1xf32, #tpu.memory_space<vmem>>, vector<128x1xf32>
    tpu.vector_store %arg8[%swap3A_38, %swap3A_39], %add3A_37 {strides = array<i32>} : memref<128x1xf32, #tpu.memory_space<vmem>>, vector<128x1xf32>,
    %eq3A_41 = arith.constant 27 : i32
    %eq3A_42 = arith.cmpi eq, %arg0, %eq3A_41 : i32
    %convert_element_type3A_43 = arith.extui %eq3A_42 : i1 to i32
    %cond3A_44 = arith.constant 0 : i32
    %cond3A_45 = arith.cmpi ne, %convert_element_type3A_43, %cond3A_44 : i32
    scf.if %cond3A_45 {
      %get3A_46 = arith.constant 0 : index
      %get3A_47 = arith.constant 0 : index
      %get3A_48 = vector.load %arg7[%get3A_46, %get3A_47] : memref<128x6xf32, #tpu.memory_space<vmem>>, vector<128x6xf32>
      %get3A_49 = arith.constant 0 : index
      %get3A_50 = arith.constant 0 : index
      %get3A_51 = vector.load %arg8[%get3A_49, %get3A_50] : memref<128x1xf32, #tpu.memory_space<vmem>>, vector<128x1xf32>
      %max3A = arith.constant 1.000000e+00 : f32
      %max3A_52 = vector.broadcast %max3A : f32 to vector<128x1xf32>
      %max3A_53 = arith.maximumf %get3A_51, %max3A_52 : vector<128x1xf32>
      %div3A = vector.broadcast %max3A_53 : vector<128x1xf32> to vector<128x6xf32>
      %div3A_54 = arith.divf %get3A_48, %div3A : vector<128x6xf32>
      %get3A_55 = arith.constant 0 : index
      %get3A_56 = arith.constant 0 : index
      %get3A_57 = vector.load %arg5[%get3A_55, %get3A_56] : memref<1x6xf32, #tpu.memory_space<vmem>>, vector<1x6xf32>
      %add3A_58 = vector.broadcast %get3A_57 : vector<1x6xf32> to vector<128x6xf32>
      %add3A_59 = arith.addf %div3A_54, %add3A_58 : vector<128x6xf32>
      %reduce_max3A = arith.constant dense<0xFF800000> : vector<128xf32>
      %reduce_max3A_60 = vector.multi_reduction <maximumf>, %add3A_59, %reduce_max3A [1] : vector<128x6xf32> to vector<128xf32>
      %broadcast_in_dim3A_61 = vector.shape_cast %reduce_max3A_60 : vector<128xf32> to vector<128x1xf32>
      %sub3A = vector.broadcast %broadcast_in_dim3A_61 : vector<128x1xf32> to vector<128x6xf32>
      %sub3A_62 = arith.subf %add3A_59, %sub3A : vector<128x6xf32>
      %exp3A = math.exp %sub3A_62 : vector<128x6xf32>
      %sub3A_63 = vector.broadcast %broadcast_in_dim3A_61 : vector<128x1xf32> to vector<128x6xf32>
      %sub3A_64 = arith.subf %add3A_59, %sub3A_63 : vector<128x6xf32>
      %reduce_sum3A_65 = arith.constant dense<0.000000e+00> : vector<128xf32>
      %reduce_sum3A_66 = vector.multi_reduction <add>, %exp3A, %reduce_sum3A_65 [1] : vector<128x6xf32> to vector<128xf32>
      %broadcast_in_dim3A_67 = vector.shape_cast %reduce_sum3A_66 : vector<128xf32> to vector<128x1xf32>
      %log3A = math.log %broadcast_in_dim3A_67 : vector<128x1xf32>
      %sub3A_68 = vector.broadcast %log3A : vector<128x1xf32> to vector<128x6xf32>
      %sub3A_69 = arith.subf %sub3A_64, %sub3A_68 : vector<128x6xf32>
      %swap3A_70 = arith.constant 0 : index
      %swap3A_71 = arith.constant 0 : index
      %swap3A_72 = vector.load %arg6[%swap3A_70, %swap3A_71] : memref<128x6xf32, #tpu.memory_space<vmem>>, vector<128x6xf32>
      tpu.vector_store %arg6[%swap3A_70, %swap3A_71], %sub3A_69 {strides = array<i32>} : memref<128x6xf32, #tpu.memory_space<vmem>>, vector<128x6xf32>,
    } else {
    }
    return
  }
  func.func @transform_0(%arg0: i32) -> (i32, i32, i32) {
    %c0_i32 = arith.constant 0 : i32
    %c0_i32_0 = arith.constant 0 : i32
    %c0_i32_1 = arith.constant 0 : i32
    return %c0_i32, %c0_i32_0, %arg0 : i32, i32, i32
  }
  func.func @transform_1(%arg0: i32) -> (i32, i32) {
    %c0_i32 = arith.constant 0 : i32
    %c0_i32_0 = arith.constant 0 : i32
    return %c0_i32, %arg0 : i32, i32
  }
  func.func @transform_2(%arg0: i32) -> (i32, i32) {
    %c0_i32 = arith.constant 0 : i32
    %c0_i32_0 = arith.constant 0 : i32
    return %c0_i32, %arg0 : i32, i32
  }
  func.func @transform_3(%arg0: i32) -> (i32, i32) {
    %c0_i32 = arith.constant 0 : i32
    %c0_i32_0 = arith.constant 0 : i32
    return %c0_i32, %arg0 : i32, i32
  }
  func.func @transform_4(%arg0: i32) -> (i32, i32) {
    %c0_i32 = arith.constant 0 : i32
    %c0_i32_0 = arith.constant 0 : i32
    %c0_i32_1 = arith.constant 0 : i32
    return %c0_i32, %c0_i32_0 : i32, i32
  }
  func.func @transform_5(%arg0: i32) -> (i32, i32) {
    %c0_i32 = arith.constant 0 : i32
    %c0_i32_0 = arith.constant 0 : i32
    %c0_i32_1 = arith.constant 0 : i32
    return %c0_i32, %c0_i32_0 : i32, i32
  }
}

</mosaic_0001>

<sc_bundles>
// kernel: kernel.11.cloned.1.call-start
scs
__scs_entry_jumppad:
0x0: {  	(pc) =	sbr.rel $0x88, $3  }
0x1: {  	(tag) =	ssettag $0x0;
	lr =	simm.s32 $0x1  }
0x2: {  	[smem:$0x3F9A] =	sst lr;
	_ =	strace $0xD0000000  }
0x3: {  	_ = 	snop  }
0x4: {  	_ = 	snop  }
0x5: {  	_ = 	snop  }
0x6: {  	_ = 	snop  }
0x7: {  	_ = 	snop  }
__scs_overlays_trampoline_lowered:
0x8: {  	[smem:$0x3FA9] =	sst s0  }
0x9: {  	[smem:$0x3FAA] =	sst s1  }
0xa: {  	[smem:$0x3FAB] =	sst s2  }
0xb: {  	[smem:$0x3FAC] =	sst s3  }
0xc: {  	[smem:$0x3FAD] =	sst s4  }
0xd: {  	[smem:$0x3FAE] =	sst s5  }
0xe: {  	[smem:$0x3FAF] =	sst s6  }
0xf: {  	[smem:$0x3FB0] =	sst s7  }
0x10: {  	[smem:$0x3FB1] =	sst s8  }
0x11: {  	[smem:$0x3FB2] =	sst s9;
	s0 =	simm.s32 @!p0 $0x0  }
0x12: {  	s1 =	sld [smem:$0x3F98];
	s0 =	simm.s32 @p0 $0x1  }
0x13: {  	[smem:$0x3FB3] =	sst s0;
	s0 =	simm.s32 @!p1 $0x0  }
0x14: {  	s2 =	sld [smem:$0x3F97];
	s0 =	simm.s32 @p1 $0x1  }
0x15: {  	[smem:$0x3FB4] =	sst s0;
	s0 =	simm.s32 @!p2 $0x0  }
0x16: {  	s3 =	sld [smem:$0x3FDB];
	s0 =	simm.s32 @p2 $0x1  }
0x17: {  	s4 =	simm.s32 $0x1BF5;
	[smem:$0x3FB6] =	sst s0  }
0x18: {  	s0 =	sld [smem:$0x3F99];
	_ =	swait.ge [sflag:s4], $0x0  }
0x19: {  	s7 =	sld [smem:$0x3F9A]  }
0x1a: {  	s8 =	sadd.s32 $0xFFFFE003, lr  }
0x1b: {  	s9 =	sadd.s32 $0xFFFFFEF7, lr;
	s5 =	simm.s32 $0xFFFFFFFF;
	p2 =	slt.u32 s8, $0xFFFFF086  }
0x1c: {  	p1 =	slt.u32 s9, $0xF7A;
	s5 =	simm.s32 @!p2 $0x0  }
0x1d: {  	s5 =	simm.s32 @p1 $0x1;
	p0 =	seq.s32 s7, s2  }
0x1e: {  	s7 =	smul.u32 @!p0 $0xF7A, s2;
	p2 =	seq.s32 @!p0 s5, $0x0  }
0x1f: {  	s9 =	smul.u32 $0xF7A, s1;
	s8 =	simm.s32 @!p0 $0x1BF5;
	p2 =	por !p2, p0  }
0x20: {  	[sflag:s8] =	ssyncset.s32 @!p0 $0xFFFFF086;
	s6 =	sadd.s32 @!p0 s3, s7;
	s7 =	simm.s32 @!p0 $0x108  }
0x21: {  	s3 =	sadd.s32 s3, s9;
	s6 =	sadd.s32 @!p0 $0x88, s6;
	s7 =	simm.s32 @p2 $0x1082  }
0x22: {  	[simem:s7], [sflag:s8] =	dma.local @!p0 [hbm:s6], $0xF7A  }
0x23: {  	s9 =	sor.u32 $0xD0000000, s2;
	s6 =	simm.s32 $0x108;
	_ =	swait.ge @!p0 [sflag:s8], $0x0  }
0x24: {  	s3 =	sadd.s32 $0x88, s3;
	s6 =	simm.s32 @!p1 $0x1082;
	[sflag:s4] =	ssyncset.s32 $0xFFFFF086  }
0x25: {  	[simem:s6], [sflag:s4] =	dma.local [hbm:s3], $0xF7A  }
0x26: {  	[smem:$0x3F9A] =	sst s1;
	(tag) =	ssettag s2;
	_ =	strace s9  }
0x27: {  	s1 =	sld [smem:$0x3FAA]  }
0x28: {  	s2 =	sld [smem:$0x3FAB]  }
0x29: {  	s4 =	sld [smem:$0x3FAD]  }
0x2a: {  	p0 =	seq.s32 s5, $0x0;
	s5 =	sld [smem:$0x3FAE]  }
0x2b: {  	s6 =	sld [smem:$0x3FAF]  }
0x2c: {  	s7 =	sld [smem:$0x3FB0]  }
0x2d: {  	s3 =	simm.s32 $0x108;
	s8 =	sld [smem:$0x3FB1]  }
0x2e: {  	s3 =	simm.s32 @!p0 $0x1082;
	s9 =	sld [smem:$0x3FB2]  }
0x2f: {  	lr =	sadd.s32 s0, s3;
	s0 =	sld [smem:$0x3FA9]  }
0x30: {  	s3 =	sld [smem:$0x3FAC]  }
0x31: {  	[smem:$0x3FB5] =	sst s10  }
0x32: {  	s10 =	sld [smem:$0x3FB3];
	_ =	sdelay $0x3  }
0x33: {  	p0 =	seq.s32 s10, $0x1;
	s10 =	sld [smem:$0x3FB5];
	_ =	sdelay $0x3  }
0x34: {  	[smem:$0x3FB5] =	sst s10  }
0x35: {  	s10 =	sld [smem:$0x3FB4];
	_ =	sdelay $0x3  }
0x36: {  	p1 =	seq.s32 s10, $0x1;
	s10 =	sld [smem:$0x3FB5];
	_ =	sdelay $0x3  }
0x37: {  	[smem:$0x3FB5] =	sst s10  }
0x38: {  	s10 =	sld [smem:$0x3FB6]  }
0x39: {  	_ = 	snop;
	(pc) =	sbr.ind lr, $3  }
0x3a: {  	_ = 	snop  }
0x3b: {  	_ = 	snop  }
0x3c: {  	p2 =	seq.s32 s10, $0x1;
	s10 =	sld [smem:$0x3FB5]  }
0x3d: {  	_ =	shalt  }
0x3e: {  	_ =	shalt  }
0x3f: {  	_ =	shalt  }
0x40: {  	_ =	shalt  }
0x41: {  	_ =	shalt  }
0x42: {  	_ =	shalt  }
0x43: {  	_ =	shalt  }
0x44: {  	_ =	shalt  }
0x45: {  	_ =	shalt  }
0x46: {  	_ =	shalt  }
0x47: {  	_ =	shalt  }
0x48: {  	_ =	shalt  }
0x49: {  	_ =	shalt  }
0x4a: {  	_ =	shalt  }
0x4b: {  	_ =	shalt  }
0x4c: {  	_ =	shalt  }
0x4d: {  	_ =	shalt  }
0x4e: {  	_ =	shalt  }
0x4f: {  	_ =	shalt  }
0x50: {  	_ =	shalt  }
0x51: {  	_ =	shalt  }
0x52: {  	_ =	shalt  }
0x53: {  	_ =	shalt  }
0x54: {  	_ =	shalt  }
0x55: {  	_ =	shalt  }
0x56: {  	_ =	shalt  }
0x57: {  	_ =	shalt  }
0x58: {  	_ =	shalt  }
0x59: {  	_ =	shalt  }
0x5a: {  	_ =	shalt  }
0x5b: {  	_ =	shalt  }
0x5c: {  	_ =	shalt  }
0x5d: {  	_ =	shalt  }
0x5e: {  	_ =	shalt  }
0x5f: {  	_ =	shalt  }
0x60: {  	_ =	shalt  }
0x61: {  	_ =	shalt  }
0x62: {  	_ =	shalt  }
0x63: {  	_ =	shalt  }
0x64: {  	_ =	shalt  }
0x65: {  	_ =	shalt  }
0x66: {  	_ =	shalt  }
0x67: {  	_ =	shalt  }
0x68: {  	_ =	shalt  }
0x69: {  	_ =	shalt  }
0x6a: {  	_ =	shalt  }
0x6b: {  	_ =	shalt  }
0x6c: {  	_ =	shalt  }
0x6d: {  	_ =	shalt  }
0x6e: {  	_ =	shalt  }
0x6f: {  	_ =	shalt  }
0x70: {  	_ =	shalt  }
0x71: {  	_ =	shalt  }
0x72: {  	_ =	shalt  }
0x73: {  	_ =	shalt  }
0x74: {  	_ =	shalt  }
0x75: {  	_ =	shalt  }
0x76: {  	_ =	shalt  }
0x77: {  	_ =	shalt  }
0x78: {  	_ =	shalt  }
0x79: {  	_ =	shalt  }
0x7a: {  	_ =	shalt  }
0x7b: {  	_ =	shalt  }
0x7c: {  	_ =	shalt  }
0x7d: {  	_ =	shalt  }
0x7e: {  	_ =	shalt  }
0x7f: {  	_ =	shalt  }
0x80: {  	_ =	shalt  }
0x81: {  	_ =	shalt  }
0x82: {  	_ =	shalt  }
0x83: {  	_ =	shalt  }
0x84: {  	_ =	shalt  }
0x85: {  	_ =	shalt  }
0x86: {  	_ =	shalt  }
0x87: {  	_ =	shalt  }
.Lfunc_end0:
.L_simem_size_0:
called_computation.1_lowered:
.L_overlay_start_0:
0x88: {  	s2 =	sld [smem:$0x3FD9]  }
0x89: {  	s3 =	sld [smem:$0x3FFE];
	_ =	sdelay $0x1  }
0x8a: {  	s1 =	srdreg.scid  }
0x8b: {  	s0 =	sand.u32 $0x1, s1  }
0x8c: {  	s16 =	sshll.u32 s0, $0xA;
	s2 =	sadd.s32 s3, s2  }
0x8d: {  	s2 =	sadd.s32 s2, s16  }
0x8e: {  	[smem:$0x3FC1] =	sst s2  }
0x8f: {  	_ = 	snop  }
0x90: {  	(tm) =	ssettm $0x1  }
0x91: {  	s17 =	sld [smem:$0x3FFB];
	_ =	sdelay $0x3  }
0x92: {  	_ =	strace s17  }
0x93: {  	s2 =	sld [smem:$0x3FFC];
	_ =	sdelay $0x3  }
0x94: {  	_ =	strace s2  }
0x95: {  	s2 =	sld [smem:$0x3FFD];
	_ =	sdelay $0x3  }
0x96: {  	_ =	strace s2  }
0x97: {  	_ =	strace $0x8FFFFFFF  }
0x98: {  	s18 =	sld [smem:$0x3FDB];
	_ =	sdelay $0x1  }
0x99: {  	s19 =	simm.s32 $_scs_section_size  }
0x9a: {  	s4 =	simm.s32 $_size__tile_overlayer_lowered;
	s5 =	simm.s32 $_tile_overlayer_lowered  }
0x9b: {  	s22 =	simm.s32 $0x1BFF;
	s21 =	sshll.u32 s5, $0x1;
	s2 =	sadd.s32 s19, s18  }
0x9c: {  	s6 =	simm.s32 $0x0;
	s20 =	sshll.u32 s4, $0x1;
	s4 =	sadd.s32 s21, s2  }
0x9d: {  	[timem:s6], [sflag:s22] =	dma.local [hbm:s4], s20  }
0x9e: {  	_ =	swait.ge [sflag:s22], s20  }
0x9f: {  	s3 =	ssub.s32 $0x0, s20;
	[sflag:s22] =	ssyncset.done $0x0  }
0xa0: {  	[sflag:s22] =	ssyncadd.s32 s3;
	_ =	sdelay $0x1  }
0xa1: {  	s23 =	simm.s32 $0x1B8B  }
0xa2: {  	_ =	swait.ge [sflag:s23], $0x1  }
0xa3: {  	[sflag:s23] =	ssyncset.done $0x0  }
0xa4: {  	s25 =	simm.s32 $0x1B8E;
	s24 =	sld [smem:$0x3FFE];
	[sflag:s23] =	ssyncadd.s32 $0xFFFFFFFF  }
0xa5: {  	s26 =	simm.s32 $execute0_lowered;
	[smem:$0x3FD2] =	sst s25  }
0xa6: {  	s4 =	sshll.u32 s26, $0x1;
	_ =	strace $0x80000049;
	[dreg:$0x1] =	wrdreg $0xFFFFFFFF  }
0xa7: {  	s28 =	simm.s32 $_size_execute0_lowered;
	s2 =	sadd.s32 s2, s4;
	[dreg:$0x0] =	wrdreg $0x0  }
0xa8: {  	s4 =	sshll.u32 s28, $0x1;
	[dreg:$0x2] =	wrdreg s2  }
0xa9: {  	[dreg:$0x3] =	wrdreg s4  }
0xaa: {  	[dreg:$0x4] =	wrdreg $0xC0  }
0xab: {  	_ =	task [dreg:s6], $0x5FFFF  }
0xac: {  	[dreg:$0x1] =	wrdreg $0xFFFFFFFF  }
0xad: {  	[dreg:$0x0] =	wrdreg $0x60  }
0xae: {  	[dreg:$0x2] =	wrdreg s24  }
0xaf: {  	[dreg:$0x3] =	wrdreg $0x31000  }
0xb0: {  	[dreg:$0x4] =	wrdreg $0x3D400  }
0xb1: {  	[dreg:$0x5] =	wrdreg $0x49800  }
0xb2: {  	[dreg:$0x6] =	wrdreg $0x55C00  }
0xb3: {  	[dreg:$0x7] =	wrdreg $0x0  }
0xb4: {  	[dreg:$0x8] =	wrdreg $0xC400  }
0xb5: {  	[dreg:$0x9] =	wrdreg $0x18800  }
0xb6: {  	[dreg:$0xa] =	wrdreg $0x24C00  }
0xb7: {  	[dreg:$0xb] =	wrdreg $0x9  }
0xb8: {  	_ =	task.clear_ibuf [dreg:s6], $0xCFFFF;
	_ =	strace $0x90000049  }
0xb9: {  	s29 =	simm.s32 $0x9;
	_ =	strace $0x8000004B  }
0xba: {  	_ =	swait.ge [sflag:s29], $0x1  }
0xbb: {  	[sflag:s29] =	ssyncadd.s32 $0xFFFFFFFF  }
0xbc: {  	_ =	strace $0x9000004B  }
0xbd: {  	_ =	sfence  }
0xbe: {  	s30 =	sld [smem:$0x0];
	_ =	sdelay $0x2  }
0xbf: {  	s31 =	sshll.u32 s1, $0xD;
	s1 =	sshrl.u32 s1, $0x2  }
0xc0: {  	s3 =	sand.u32 $0x4000, s31;
	s1 =	sadd.s32 s1, s30  }
0xc1: {  	s0 =	sor.u32 s3, s0;
	s1 =	sshll.u32 s1, $0x11  }
0xc2: {  	s0 =	sor.u32 s1, s0  }
0xc3: {  	s0 =	sadd.s32 $0x8F2B, s0  }
0xc4: {  	[sflag:s0] =	ssyncadd.remote.s32 $0x1  }
0xc5: {  	_ =	sfence.sel $0xFFFF  }
0xc6: {  	[dreg:$0x0] =	wrdreg $0xFFFFFFFF;
	(pc) =	sbr.abs _section_cstart, $3  }
0xc7: {  	[dreg:$0x1] =	wrdreg $0xFFFFFFFF  }
0xc8: {  	_ =	task.clear_ibuf [dreg:s6], $0x2FFFF;
	_ =	strace $0x9FFFFFFF  }
0xc9: {  	(tm) =	ssettm $0x7FFFFFFF  }
tec
execute0_lowered:
.L_overlay_start_1:
0x0: {  	(tag) =	ssettag $0x1  }
0x1: {  	s2 =	rddreg [dreg:$0x0]  }
0x2: {  	s0 =	rddreg [dreg:$0x1]  }
0x3: {  	s1 =	rddreg [dreg:$0x2]  }
0x4: {  	s3 =	rddreg [dreg:$0x3]  }
0x5: {  	s4 =	rddreg [dreg:$0x4]  }
0x6: {  	s5 =	rddreg [dreg:$0x5]  }
0x7: {  	s7 =	rddreg [dreg:$0x6]  }
0x8: {  	s8 =	rddreg [dreg:$0x7]  }
0x9: {  	s9 =	rddreg [dreg:$0x8]  }
0xa: {  	s18 =	stileid.u32;
	s6 =	srdreg.scid;
	s22 =	simm.s32 $0x0  }
0xb: {  	s17 =	simm.s32 $0x130;
	s29 =	simm.s32 $0x7400;
	s30 =	simm.s32 $0x7480  }
0xc: {  	s31 =	simm.s32 $0x7500;
	s10 =	smul.u32 $0xC40, s18;
	s6 =	sand.u32 $0x1, s6  }
0xd: {  	[smem:$0x7FF] =	sst s22;
	s11 =	sadd.s32 $0x1BA00, s2;
	s12 =	sadd.s32 $0x1A00, s2  }
0xe: {  	s13 =	smul.u32 $0xC400, s6;
	_ =	strace $0x8000004A;
	p0 =	seq.s32 s6, $0x0  }
0xf: {  	s15 =	ssub.s32 $0x2, s6;
	s14 =	sshrl.u32 s10, $0x3;
	s17 =	simm.s32 @!p0 $0x70  }
0x10: {  	s14 =	sadd.s32 s14, s2;
	s26 =	smul.u32 s17, s18;
	s18 =	sadd.s32 s10, s1  }
0x11: {  	s6 =	smul.u32 $0x98000, s6;
	s25 =	sadd.s32 $0x35A00, s14;
	[dreg:$0xc] =	wrdreg s18  }
0x12: {  	s16 =	sshrl.u32 s15, $0x1;
	s19 =	sadd.s32 $0x3C200, s14;
	[dreg:$0xa] =	wrdreg s25  }
0x13: {  	s20 =	sadd.s32 s10, s3;
	s21 =	sadd.s32 $0x3A800, s14;
	[dreg:$0xe] =	wrdreg s19  }
0x14: {  	s13 =	sadd.s32 s10, s13;
	s23 =	sadd.s32 $0x38E00, s14;
	[dreg:$0xf] =	wrdreg s21  }
0x15: {  	s13 =	sshrl.u32 s13, $0x3;
	s24 =	sadd.s32 $0x37400, s14;
	[dreg:$0x10] =	wrdreg s23  }
0x16: {  	s14 =	sadd.s32 s10, s8;
	s2 =	sadd.s32 s13, s2;
	[dreg:$0x11] =	wrdreg s24  }
0x17: {  	s13 =	ssub.s32 s15, s16;
	s25 =	sadd.s32 s10, s5;
	[dreg:$0x15] =	wrdreg s14  }
0x18: {  	s15 =	sshll.u32 s26, $0x7;
	s26 =	sadd.s32 s10, s7;
	[dreg:$0x13] =	wrdreg s25  }
0x19: {  	s28 =	sshrl.u32 s17, $0x4;
	s21 =	sadd.s32 s10, s9;
	[dreg:$0x14] =	wrdreg s26  }
0x1a: {  	s17 =	simm.s32 $0x3;
	s16 =	sadd.s32 s10, s0;
	[dreg:$0x16] =	wrdreg s21  }
0x1b: {  	s14 =	simm.s32 $0x2;
	s23 =	sadd.s32 $0x3DC00, s2;
	[dreg:$0xb] =	wrdreg s16  }
0x1c: {  	s19 =	sadd.s32 s6, s15;
	s24 =	sadd.s32 $0x40E00, s2;
	[dreg:$0x17] =	wrdreg s23  }
0x1d: {  	s15 =	sadd.s32 s10, s4;
	s25 =	sadd.s32 $0x44000, s2;
	[dreg:$0x18] =	wrdreg s24  }
0x1e: {  	s2 =	sadd.s32 $0x47200, s2;
	s26 =	smax.u32 s13, $0x1;
	[dreg:$0x19] =	wrdreg s25  }
0x1f: {  	s13 =	smov.u32 s20;
	s20 =	simm.s32 $0x7600;
	[dreg:$0x1a] =	wrdreg s2  }
0x20: {  	s21 =	simm.s32 $0x80;
	s10 =	simm.s32 $0x0;
	[dreg:$0x1b] =	wrdreg s26  }
0x21: {  	s6 =	simm.s32 $0x1;
	s23 =	simm.s32 $0x7200;
	[dreg:$0x1c] =	wrdreg s10  }
0x22: {  	s24 =	simm.s32 $0x7280;
	s25 =	simm.s32 $0x7300;
	[dreg:$0xd] =	wrdreg s13  }
0x23: {  	s26 =	simm.s32 $0x7380;
	s2 =	simm.s32 $0x7580;
	[dreg:$0x12] =	wrdreg s15  }
.LBB2_1:
0x24: {  	s10 =	rddreg [dreg:$0xa]  }
0x25: {  	[tilespmem:s20], [sflag:$0x3] =	stream.linear.gather [hbm4b:s10+s22], $0xC40, $0x38;
	[tilespmem:$0x8280] =	vst v63  }
0x26: {  	_ =	swait.ge [sflag:s17], $0xC40  }
0x27: {  	[sflag:s17] =	ssyncset.done $0x0  }
0x28: {  	[sflag:s17] =	ssyncadd.s32 $0xFFFFF3C0  }
0x29: {  	[spmem:s16] =	stream.linear.scatter [tilespmem:s20], [sflag:$0x3], $0xC40, $0x38;
	[tilespmem:$0x8280] =	vst v63  }
0x2a: {  	_ =	swait.ge [sflag:s17], $0xC40  }
0x2b: {  	[sflag:s17] =	ssyncset.done $0x0  }
0x2c: {  	[sflag:s17] =	ssyncadd.s32 $0xFFFFF3C0  }
0x2d: {  	[spmem:s18] =	stream.linear.scatter [tilespmem:s20], [sflag:$0x3], $0xC40, $0x38;
	[tilespmem:$0x8280] =	vst v63  }
0x2e: {  	_ =	swait.ge [sflag:s17], $0xC40  }
0x2f: {  	[sflag:s17] =	ssyncset.done $0x0  }
0x30: {  	[sflag:s17] =	ssyncadd.s32 $0xFFFFF3C0  }
0x31: {  	[spmem:s13] =	stream.linear.scatter [tilespmem:s20], [sflag:$0x3], $0xC40, $0x38;
	[tilespmem:$0x8280] =	vst v63  }
0x32: {  	_ =	swait.ge [sflag:s17], $0xC40  }
0x33: {  	[sflag:s17] =	ssyncset.done $0x0  }
0x34: {  	[sflag:s17] =	ssyncadd.s32 $0xFFFFF3C0  }
0x35: {  	[spmem:s15] =	stream.linear.scatter [tilespmem:s20], [sflag:$0x3], $0xC40, $0x38;
	[tilespmem:$0x8280] =	vst v63  }
0x36: {  	_ =	swait.ge [sflag:s17], $0xC40  }
0x37: {  	[sflag:s17] =	ssyncset.done $0x0  }
0x38: {  	s15 =	rddreg [dreg:$0xe];
	[sflag:s17] =	ssyncadd.s32 $0xFFFFF3C0  }
0x39: {  	[tilespmem:s20], [sflag:$0x3] =	stream.linear.gather [hbm4b:s15+s22], $0xC40, $0x38;
	[tilespmem:$0x8280] =	vst v63  }
0x3a: {  	_ =	swait.ge [sflag:s17], $0xC40  }
0x3b: {  	[sflag:s17] =	ssyncset.done $0x0  }
0x3c: {  	s16 =	rddreg [dreg:$0x13];
	[sflag:s17] =	ssyncadd.s32 $0xFFFFF3C0  }
0x3d: {  	[spmem:s16] =	stream.linear.scatter [tilespmem:s20], [sflag:$0x3], $0xC40, $0x38;
	[tilespmem:$0x8280] =	vst v63  }
0x3e: {  	_ =	swait.ge [sflag:s17], $0xC40  }
0x3f: {  	[sflag:s17] =	ssyncset.done $0x0  }
0x40: {  	s18 =	rddreg [dreg:$0xf];
	[sflag:s17] =	ssyncadd.s32 $0xFFFFF3C0  }
0x41: {  	[tilespmem:s20], [sflag:$0x3] =	stream.linear.gather [hbm4b:s18+s22], $0xC40, $0x38;
	[tilespmem:$0x8280] =	vst v63  }
0x42: {  	_ =	swait.ge [sflag:s17], $0xC40  }
0x43: {  	[sflag:s17] =	ssyncset.done $0x0  }
0x44: {  	s13 =	rddreg [dreg:$0x14];
	[sflag:s17] =	ssyncadd.s32 $0xFFFFF3C0  }
0x45: {  	[spmem:s13] =	stream.linear.scatter [tilespmem:s20], [sflag:$0x3], $0xC40, $0x38;
	[tilespmem:$0x8280] =	vst v63  }
0x46: {  	_ =	swait.ge [sflag:s17], $0xC40  }
0x47: {  	[sflag:s17] =	ssyncset.done $0x0  }
0x48: {  	s15 =	rddreg [dreg:$0x10];
	[sflag:s17] =	ssyncadd.s32 $0xFFFFF3C0  }
0x49: {  	[tilespmem:s20], [sflag:$0x3] =	stream.linear.gather [hbm4b:s15+s22], $0xC40, $0x38;
	[tilespmem:$0x8280] =	vst v63  }
0x4a: {  	_ =	swait.ge [sflag:s17], $0xC40  }
0x4b: {  	[sflag:s17] =	ssyncset.done $0x0  }
0x4c: {  	s16 =	rddreg [dreg:$0x15];
	[sflag:s17] =	ssyncadd.s32 $0xFFFFF3C0  }
0x4d: {  	[spmem:s16] =	stream.linear.scatter [tilespmem:s20], [sflag:$0x3], $0xC40, $0x38;
	[tilespmem:$0x8280] =	vst v63  }
0x4e: {  	_ =	swait.ge [sflag:s17], $0xC40  }
0x4f: {  	[sflag:s17] =	ssyncset.done $0x0  }
0x50: {  	s18 =	rddreg [dreg:$0x11];
	[sflag:s17] =	ssyncadd.s32 $0xFFFFF3C0  }
0x51: {  	[tilespmem:s20], [sflag:$0x3] =	stream.linear.gather [hbm4b:s18+s22], $0xC40, $0x38;
	[tilespmem:$0x8280] =	vst v63  }
0x52: {  	_ =	swait.ge [sflag:s17], $0xC40  }
0x53: {  	[sflag:s17] =	ssyncset.done $0x0  }
0x54: {  	s22 =	rddreg [dreg:$0x16];
	[sflag:s17] =	ssyncadd.s32 $0xFFFFF3C0  }
0x55: {  	[spmem:s22] =	stream.linear.scatter [tilespmem:s20], [sflag:$0x3], $0xC40, $0x38;
	[tilespmem:$0x8280] =	vst v63  }
0x56: {  	_ =	swait.ge [sflag:s17], $0xC40  }
0x57: {  	[sflag:s17] =	ssyncset.done $0x0  }
0x58: {  	[sflag:s17] =	ssyncadd.s32 $0xFFFFF3C0  }
0x59: {  	s16 =	simm.s32 $0x0;
	s20 =	simm.s32 $0x6200;
	[bflag:$0x0] =	sbarrier.arrive $0xFFFF  }
.LBB2_2:
0x5a: {  	s10 =	sshll.u32 s16, $0xB  }
0x5b: {  	s10 =	sadd.s32 s19, s10  }
0x5c: {  	s10 =	sshrl.u32 s10, $0x3  }
0x5d: {  	s15 =	simm.s32 $0x0;
	s13 =	sadd.s32 s11, s10  }
0x5e: {  	[tilespmem:s20], [sflag:$0x3] =	stream.linear.gather [hbm4b:s13+s15], $0x800, $0x38;
	[tilespmem:$0x8280] =	vst v63  }
0x5f: {  	_ =	swait.ge [sflag:s17], $0x800  }
0x60: {  	[sflag:s17] =	ssyncset.done $0x0  }
0x61: {  	s22 =	simm.s32 $0x6A00;
	s10 =	sadd.s32 s12, s10;
	[sflag:s17] =	ssyncadd.s32 $0xFFFFF800  }
0x62: {  	[tilespmem:s22], [sflag:$0x3] =	stream.linear.gather [hbm4b:s10+s15], $0x800, $0x38;
	[tilespmem:$0x8280] =	vst v63  }
0x63: {  	_ =	swait.ge [sflag:s17], $0x800  }
0x64: {  	[sflag:s17] =	ssyncset.done $0x0  }
0x65: {  	s13 =	simm.s32 $0x6200;
	[sflag:s17] =	ssyncadd.s32 $0xFFFFF800  }
0x66: {  	[tilespmem:s23], [sflag:$0x1] =	stream.indirect.gather [spmem:s5], $0x1, s13, s21, $0xb8;
	[tilespmem:$0x8280] =	vst v63  }
0x67: {  	_ = 	snop  }
0x68: {  	[tilespmem:s24], [sflag:$0x1] =	stream.indirect.gather [spmem:s7], $0x1, s13, s21, $0xb8;
	[tilespmem:$0x8280] =	vst v63  }
0x69: {  	_ = 	snop  }
0x6a: {  	[tilespmem:s25], [sflag:$0x1] =	stream.indirect.gather [spmem:s8], $0x1, s13, s21, $0xb8;
	[tilespmem:$0x8280] =	vst v63  }
0x6b: {  	_ = 	snop  }
0x6c: {  	[tilespmem:s26], [sflag:$0x1] =	stream.indirect.gather [spmem:s9], $0x1, s13, s21, $0xb8;
	[tilespmem:$0x8280] =	vst v63  }
0x6d: {  	s15 =	simm.s32 $0x6280  }
0x6e: {  	[tilespmem:s29], [sflag:$0x1] =	stream.indirect.gather [spmem:s5], $0x1, s15, s21, $0xb8;
	[tilespmem:$0x8280] =	vst v63  }
0x6f: {  	_ = 	snop  }
0x70: {  	[tilespmem:s30], [sflag:$0x1] =	stream.indirect.gather [spmem:s7], $0x1, s15, s21, $0xb8;
	[tilespmem:$0x8280] =	vst v63  }
0x71: {  	_ = 	snop  }
0x72: {  	[tilespmem:s31], [sflag:$0x1] =	stream.indirect.gather [spmem:s8], $0x1, s15, s21, $0xb8;
	[tilespmem:$0x8280] =	vst v63  }
0x73: {  	_ = 	snop  }
0x74: {  	[tilespmem:s2], [sflag:$0x1] =	stream.indirect.gather [spmem:s9], $0x1, s15, s21, $0xb8;
	[tilespmem:$0x8280] =	vst v63  }
0x75: {  	_ =	swait.ge [sflag:s6], $0x80  }
0x76: {  	[sflag:s6] =	ssyncset.done $0x0  }
0x77: {  	[sflag:s6] =	ssyncadd.s32 $0xFFFFFF80  }
0x78: {  	_ =	swait.ge [sflag:s6], $0x80  }
0x79: {  	[sflag:s6] =	ssyncset.done $0x0  }
0x7a: {  	[sflag:s6] =	ssyncadd.s32 $0xFFFFFF80  }
0x7b: {  	_ =	swait.ge [sflag:s6], $0x80  }
0x7c: {  	[sflag:s6] =	ssyncset.done $0x0  }
0x7d: {  	[sflag:s6] =	ssyncadd.s32 $0xFFFFFF80  }
0x7e: {  	_ =	swait.ge [sflag:s6], $0x80  }
0x7f: {  	[sflag:s6] =	ssyncset.done $0x0  }
0x80: {  	s18 =	simm.s32 $0x6A00;
	[sflag:s6] =	ssyncadd.s32 $0xFFFFFF80  }
0x81: {  	[spmem:s0] =	stream.indirect.scatter.add.f32 [tilespmem:s23], [sflag:$0x2], $0x1, s18, s21, $0xb8;
	[tilespmem:$0x8280] =	vst v63  }
0x82: {  	_ = 	snop  }
0x83: {  	[spmem:s1] =	stream.indirect.scatter.add.f32 [tilespmem:s24], [sflag:$0x2], $0x1, s18, s21, $0xb8;
	[tilespmem:$0x8280] =	vst v63  }
0x84: {  	_ = 	snop  }
0x85: {  	[spmem:s3] =	stream.indirect.scatter.add.f32 [tilespmem:s25], [sflag:$0x2], $0x1, s18, s21, $0xb8;
	[tilespmem:$0x8280] =	vst v63  }
0x86: {  	_ = 	snop  }
0x87: {  	[spmem:s4] =	stream.indirect.scatter.add.f32 [tilespmem:s26], [sflag:$0x2], $0x1, s18, s21, $0xb8;
	[tilespmem:$0x8280] =	vst v63  }
0x88: {  	_ =	swait.ge [sflag:s6], $0x80  }
0x89: {  	[sflag:s6] =	ssyncset.done $0x0  }
0x8a: {  	[sflag:s6] =	ssyncadd.s32 $0xFFFFFF80  }
0x8b: {  	_ =	swait.ge [sflag:s6], $0x80  }
0x8c: {  	[sflag:s6] =	ssyncset.done $0x0  }
0x8d: {  	[sflag:s6] =	ssyncadd.s32 $0xFFFFFF80  }
0x8e: {  	_ =	swait.ge [sflag:s6], $0x80  }
0x8f: {  	[sflag:s6] =	ssyncset.done $0x0  }
0x90: {  	[sflag:s6] =	ssyncadd.s32 $0xFFFFFF80  }
0x91: {  	_ =	swait.ge [sflag:s6], $0x80  }
0x92: {  	[sflag:s6] =	ssyncset.done $0x0  }
0x93: {  	s22 =	simm.s32 $0x6A80;
	[sflag:s6] =	ssyncadd.s32 $0xFFFFFF80  }
0x94: {  	[spmem:s0] =	stream.indirect.scatter.add.f32 [tilespmem:s29], [sflag:$0x2], $0x1, s22, s21, $0xb8;
	[tilespmem:$0x8280] =	vst v63  }
0x95: {  	_ = 	snop  }
0x96: {  	[spmem:s1] =	stream.indirect.scatter.add.f32 [tilespmem:s30], [sflag:$0x2], $0x1, s22, s21, $0xb8;
	[tilespmem:$0x8280] =	vst v63  }
0x97: {  	_ = 	snop  }
0x98: {  	[spmem:s3] =	stream.indirect.scatter.add.f32 [tilespmem:s31], [sflag:$0x2], $0x1, s22, s21, $0xb8;
	[tilespmem:$0x8280] =	vst v63  }
0x99: {  	_ = 	snop  }
0x9a: {  	[spmem:s4] =	stream.indirect.scatter.add.f32 [tilespmem:s2], [sflag:$0x2], $0x1, s22, s21, $0xb8;
	[tilespmem:$0x8280] =	vst v63  }
0x9b: {  	_ =	swait.ge [sflag:s14], $0x80  }
0x9c: {  	[sflag:s14] =	ssyncset.done $0x0  }
0x9d: {  	[sflag:s14] =	ssyncadd.s32 $0xFFFFFF80  }
0x9e: {  	_ =	swait.ge [sflag:s14], $0x80  }
0x9f: {  	[sflag:s14] =	ssyncset.done $0x0  }
0xa0: {  	[sflag:s14] =	ssyncadd.s32 $0xFFFFFF80  }
0xa1: {  	_ =	swait.ge [sflag:s14], $0x80  }
0xa2: {  	[sflag:s14] =	ssyncset.done $0x0  }
0xa3: {  	[sflag:s14] =	ssyncadd.s32 $0xFFFFFF80  }
0xa4: {  	_ =	swait.ge [sflag:s14], $0x80  }
0xa5: {  	[sflag:s14] =	ssyncset.done $0x0  }
0xa6: {  	[sflag:s14] =	ssyncadd.s32 $0xFFFFFF80  }
0xa7: {  	_ =	swait.ge [sflag:s14], $0x80  }
0xa8: {  	[sflag:s14] =	ssyncset.done $0x0  }
0xa9: {  	[sflag:s14] =	ssyncadd.s32 $0xFFFFFF80  }
0xaa: {  	_ =	swait.ge [sflag:s14], $0x80  }
0xab: {  	[sflag:s14] =	ssyncset.done $0x0  }
0xac: {  	[sflag:s14] =	ssyncadd.s32 $0xFFFFFF80  }
0xad: {  	_ =	swait.ge [sflag:s14], $0x80  }
0xae: {  	[sflag:s14] =	ssyncset.done $0x0  }
0xaf: {  	[sflag:s14] =	ssyncadd.s32 $0xFFFFFF80  }
0xb0: {  	_ =	swait.ge [sflag:s14], $0x80  }
0xb1: {  	s15 =	simm.s32 $0x100;
	s22 =	simm.s32 $0x800;
	[sflag:s14] =	ssyncset.done $0x0  }
.LBB2_3:
0xb2: {  	s18 =	sadd.s32 $0x6200, s15  }
0xb3: {  	[sflag:s14] =	ssyncadd.s32 $0xFFFFFF80;
	s10 =	smov.u32 s22;
	s13 =	sadd.s32 $0x400, s22  }
0xb4: {  	[tilespmem:s23], [sflag:$0x1] =	stream.indirect.gather [spmem:s5], $0x1, s18, s21, $0xb8;
	[tilespmem:$0x8280] =	vst v63  }
0xb5: {  	p0 =	sne.s32 s22, $0x1C00  }
0xb6: {  	[tilespmem:s24], [sflag:$0x1] =	stream.indirect.gather [spmem:s7], $0x1, s18, s21, $0xb8;
	[tilespmem:$0x8280] =	vst v63  }
0xb7: {  	_ = 	snop  }
0xb8: {  	[tilespmem:s25], [sflag:$0x1] =	stream.indirect.gather [spmem:s8], $0x1, s18, s21, $0xb8;
	[tilespmem:$0x8280] =	vst v63  }
0xb9: {  	_ = 	snop  }
0xba: {  	[tilespmem:s26], [sflag:$0x1] =	stream.indirect.gather [spmem:s9], $0x1, s18, s21, $0xb8;
	[tilespmem:$0x8280] =	vst v63  }
0xbb: {  	s18 =	sadd.s32 $0x6280, s15  }
0xbc: {  	[tilespmem:s29], [sflag:$0x1] =	stream.indirect.gather [spmem:s5], $0x1, s18, s21, $0xb8;
	[tilespmem:$0x8280] =	vst v63  }
0xbd: {  	_ = 	snop  }
0xbe: {  	[tilespmem:s30], [sflag:$0x1] =	stream.indirect.gather [spmem:s7], $0x1, s18, s21, $0xb8;
	[tilespmem:$0x8280] =	vst v63  }
0xbf: {  	_ = 	snop  }
0xc0: {  	[tilespmem:s31], [sflag:$0x1] =	stream.indirect.gather [spmem:s8], $0x1, s18, s21, $0xb8;
	[tilespmem:$0x8280] =	vst v63  }
0xc1: {  	_ = 	snop  }
0xc2: {  	[tilespmem:s2], [sflag:$0x1] =	stream.indirect.gather [spmem:s9], $0x1, s18, s21, $0xb8;
	[tilespmem:$0x8280] =	vst v63  }
0xc3: {  	_ =	swait.ge [sflag:s6], $0x80  }
0xc4: {  	[sflag:s6] =	ssyncset.done $0x0  }
0xc5: {  	[sflag:s6] =	ssyncadd.s32 $0xFFFFFF80  }
0xc6: {  	_ =	swait.ge [sflag:s6], $0x80  }
0xc7: {  	[sflag:s6] =	ssyncset.done $0x0  }
0xc8: {  	[sflag:s6] =	ssyncadd.s32 $0xFFFFFF80  }
0xc9: {  	_ =	swait.ge [sflag:s6], $0x80  }
0xca: {  	[sflag:s6] =	ssyncset.done $0x0  }
0xcb: {  	[sflag:s6] =	ssyncadd.s32 $0xFFFFFF80  }
0xcc: {  	_ =	swait.ge [sflag:s6], $0x80  }
0xcd: {  	[sflag:s6] =	ssyncset.done $0x0  }
0xce: {  	s18 =	sadd.s32 $0x6A00, s15;
	[sflag:s6] =	ssyncadd.s32 $0xFFFFFF80  }
0xcf: {  	[spmem:s0] =	stream.indirect.scatter.add.f32 [tilespmem:s23], [sflag:$0x2], $0x1, s18, s21, $0xb8;
	[tilespmem:$0x8280] =	vst v63  }
0xd0: {  	_ = 	snop  }
0xd1: {  	[spmem:s1] =	stream.indirect.scatter.add.f32 [tilespmem:s24], [sflag:$0x2], $0x1, s18, s21, $0xb8;
	[tilespmem:$0x8280] =	vst v63  }
0xd2: {  	_ = 	snop  }
0xd3: {  	[spmem:s3] =	stream.indirect.scatter.add.f32 [tilespmem:s25], [sflag:$0x2], $0x1, s18, s21, $0xb8;
	[tilespmem:$0x8280] =	vst v63  }
0xd4: {  	_ = 	snop  }
0xd5: {  	[spmem:s4] =	stream.indirect.scatter.add.f32 [tilespmem:s26], [sflag:$0x2], $0x1, s18, s21, $0xb8;
	[tilespmem:$0x8280] =	vst v63  }
0xd6: {  	_ =	swait.ge [sflag:s6], $0x80  }
0xd7: {  	[sflag:s6] =	ssyncset.done $0x0  }
0xd8: {  	[sflag:s6] =	ssyncadd.s32 $0xFFFFFF80  }
0xd9: {  	_ =	swait.ge [sflag:s6], $0x80  }
0xda: {  	[sflag:s6] =	ssyncset.done $0x0  }
0xdb: {  	[sflag:s6] =	ssyncadd.s32 $0xFFFFFF80  }
0xdc: {  	_ =	swait.ge [sflag:s6], $0x80  }
0xdd: {  	[sflag:s6] =	ssyncset.done $0x0  }
0xde: {  	[sflag:s6] =	ssyncadd.s32 $0xFFFFFF80  }
0xdf: {  	_ =	swait.ge [sflag:s6], $0x80  }
0xe0: {  	[sflag:s6] =	ssyncset.done $0x0  }
0xe1: {  	s15 =	sadd.s32 $0x6A80, s15;
	[sflag:s6] =	ssyncadd.s32 $0xFFFFFF80  }
0xe2: {  	[spmem:s0] =	stream.indirect.scatter.add.f32 [tilespmem:s29], [sflag:$0x2], $0x1, s15, s21, $0xb8;
	[tilespmem:$0x8280] =	vst v63  }
0xe3: {  	_ = 	snop  }
0xe4: {  	[spmem:s1] =	stream.indirect.scatter.add.f32 [tilespmem:s30], [sflag:$0x2], $0x1, s15, s21, $0xb8;
	[tilespmem:$0x8280] =	vst v63  }
0xe5: {  	_ = 	snop  }
0xe6: {  	[spmem:s3] =	stream.indirect.scatter.add.f32 [tilespmem:s31], [sflag:$0x2], $0x1, s15, s21, $0xb8;
	[tilespmem:$0x8280] =	vst v63  }
0xe7: {  	_ = 	snop  }
0xe8: {  	[spmem:s4] =	stream.indirect.scatter.add.f32 [tilespmem:s2], [sflag:$0x2], $0x1, s15, s21, $0xb8;
	[tilespmem:$0x8280] =	vst v63  }
0xe9: {  	_ =	swait.ge [sflag:s14], $0x80  }
0xea: {  	[sflag:s14] =	ssyncset.done $0x0  }
0xeb: {  	[sflag:s14] =	ssyncadd.s32 $0xFFFFFF80  }
0xec: {  	_ =	swait.ge [sflag:s14], $0x80  }
0xed: {  	[sflag:s14] =	ssyncset.done $0x0  }
0xee: {  	[sflag:s14] =	ssyncadd.s32 $0xFFFFFF80  }
0xef: {  	_ =	swait.ge [sflag:s14], $0x80  }
0xf0: {  	[sflag:s14] =	ssyncset.done $0x0  }
0xf1: {  	[sflag:s14] =	ssyncadd.s32 $0xFFFFFF80  }
0xf2: {  	_ =	swait.ge [sflag:s14], $0x80  }
0xf3: {  	[sflag:s14] =	ssyncset.done $0x0  }
0xf4: {  	[sflag:s14] =	ssyncadd.s32 $0xFFFFFF80  }
0xf5: {  	_ =	swait.ge [sflag:s14], $0x80  }
0xf6: {  	[sflag:s14] =	ssyncset.done $0x0  }
0xf7: {  	[sflag:s14] =	ssyncadd.s32 $0xFFFFFF80  }
0xf8: {  	_ =	swait.ge [sflag:s14], $0x80  }
0xf9: {  	[sflag:s14] =	ssyncset.done $0x0  }
0xfa: {  	[sflag:s14] =	ssyncadd.s32 $0xFFFFFF80  }
.Ltmp0:
0xfb: {  	_ =	swait.ge [sflag:s14], $0x80;
	(pc) =	sbr.rel @p0 .LBB2_3-.Ltmp0, $4  }
0xfc: {  	[sflag:s14] =	ssyncset.done $0x0  }
0xfd: {  	[sflag:s14] =	ssyncadd.s32 $0xFFFFFF80  }
0xfe: {  	_ =	swait.ge [sflag:s14], $0x80  }
0xff: {  	s22 =	smov.u32 s13;
	s15 =	sshra.s32 s10, $0x2;
	[sflag:s14] =	ssyncset.done $0x0  }
0x100: {  	s10 =	sadd.s32 $0x6200, s15;
	[sflag:s14] =	ssyncadd.s32 $0xFFFFFF80  }
0x101: {  	[tilespmem:s23], [sflag:$0x1] =	stream.indirect.gather [spmem:s5], $0x1, s10, s21, $0xb8;
	[tilespmem:$0x8280] =	vst v63  }
0x102: {  	_ = 	snop  }
0x103: {  	[tilespmem:s24], [sflag:$0x1] =	stream.indirect.gather [spmem:s7], $0x1, s10, s21, $0xb8;
	[tilespmem:$0x8280] =	vst v63  }
0x104: {  	_ = 	snop  }
0x105: {  	[tilespmem:s25], [sflag:$0x1] =	stream.indirect.gather [spmem:s8], $0x1, s10, s21, $0xb8;
	[tilespmem:$0x8280] =	vst v63  }
0x106: {  	_ = 	snop  }
0x107: {  	[tilespmem:s26], [sflag:$0x1] =	stream.indirect.gather [spmem:s9], $0x1, s10, s21, $0xb8;
	[tilespmem:$0x8280] =	vst v63  }
0x108: {  	s13 =	sadd.s32 $0x6280, s15  }
0x109: {  	[tilespmem:s29], [sflag:$0x1] =	stream.indirect.gather [spmem:s5], $0x1, s13, s21, $0xb8;
	[tilespmem:$0x8280] =	vst v63  }
0x10a: {  	_ = 	snop  }
0x10b: {  	[tilespmem:s30], [sflag:$0x1] =	stream.indirect.gather [spmem:s7], $0x1, s13, s21, $0xb8;
	[tilespmem:$0x8280] =	vst v63  }
0x10c: {  	_ = 	snop  }
0x10d: {  	[tilespmem:s31], [sflag:$0x1] =	stream.indirect.gather [spmem:s8], $0x1, s13, s21, $0xb8;
	[tilespmem:$0x8280] =	vst v63  }
0x10e: {  	_ = 	snop  }
0x10f: {  	[tilespmem:s2], [sflag:$0x1] =	stream.indirect.gather [spmem:s9], $0x1, s13, s21, $0xb8;
	[tilespmem:$0x8280] =	vst v63  }
0x110: {  	_ =	swait.ge [sflag:s6], $0x80  }
0x111: {  	[sflag:s6] =	ssyncset.done $0x0  }
0x112: {  	[sflag:s6] =	ssyncadd.s32 $0xFFFFFF80  }
0x113: {  	_ =	swait.ge [sflag:s6], $0x80  }
0x114: {  	[sflag:s6] =	ssyncset.done $0x0  }
0x115: {  	[sflag:s6] =	ssyncadd.s32 $0xFFFFFF80  }
0x116: {  	_ =	swait.ge [sflag:s6], $0x80  }
0x117: {  	[sflag:s6] =	ssyncset.done $0x0  }
0x118: {  	[sflag:s6] =	ssyncadd.s32 $0xFFFFFF80  }
0x119: {  	_ =	swait.ge [sflag:s6], $0x80  }
0x11a: {  	[sflag:s6] =	ssyncset.done $0x0  }
0x11b: {  	s18 =	sadd.s32 $0x6A00, s15;
	[sflag:s6] =	ssyncadd.s32 $0xFFFFFF80  }
0x11c: {  	[spmem:s0] =	stream.indirect.scatter.add.f32 [tilespmem:s23], [sflag:$0x2], $0x1, s18, s21, $0xb8;
	[tilespmem:$0x8280] =	vst v63  }
0x11d: {  	_ = 	snop  }
0x11e: {  	[spmem:s1] =	stream.indirect.scatter.add.f32 [tilespmem:s24], [sflag:$0x2], $0x1, s18, s21, $0xb8;
	[tilespmem:$0x8280] =	vst v63  }
0x11f: {  	_ = 	snop  }
0x120: {  	[spmem:s3] =	stream.indirect.scatter.add.f32 [tilespmem:s25], [sflag:$0x2], $0x1, s18, s21, $0xb8;
	[tilespmem:$0x8280] =	vst v63  }
0x121: {  	_ = 	snop  }
0x122: {  	[spmem:s4] =	stream.indirect.scatter.add.f32 [tilespmem:s26], [sflag:$0x2], $0x1, s18, s21, $0xb8;
	[tilespmem:$0x8280] =	vst v63  }
0x123: {  	_ =	swait.ge [sflag:s6], $0x80  }
0x124: {  	[sflag:s6] =	ssyncset.done $0x0  }
0x125: {  	[sflag:s6] =	ssyncadd.s32 $0xFFFFFF80  }
0x126: {  	_ =	swait.ge [sflag:s6], $0x80  }
0x127: {  	[sflag:s6] =	ssyncset.done $0x0  }
0x128: {  	[sflag:s6] =	ssyncadd.s32 $0xFFFFFF80  }
0x129: {  	_ =	swait.ge [sflag:s6], $0x80  }
0x12a: {  	[sflag:s6] =	ssyncset.done $0x0  }
0x12b: {  	[sflag:s6] =	ssyncadd.s32 $0xFFFFFF80  }
0x12c: {  	_ =	swait.ge [sflag:s6], $0x80  }
0x12d: {  	[sflag:s6] =	ssyncset.done $0x0  }
0x12e: {  	s22 =	sadd.s32 $0x6A80, s15;
	[sflag:s6] =	ssyncadd.s32 $0xFFFFFF80  }
0x12f: {  	[spmem:s0] =	stream.indirect.scatter.add.f32 [tilespmem:s29], [sflag:$0x2], $0x1, s22, s21, $0xb8;
	[tilespmem:$0x8280] =	vst v63  }
0x130: {  	_ = 	snop  }
0x131: {  	[spmem:s1] =	stream.indirect.scatter.add.f32 [tilespmem:s30], [sflag:$0x2], $0x1, s22, s21, $0xb8;
	[tilespmem:$0x8280] =	vst v63  }
0x132: {  	_ = 	snop  }
0x133: {  	[spmem:s3] =	stream.indirect.scatter.add.f32 [tilespmem:s31], [sflag:$0x2], $0x1, s22, s21, $0xb8;
	[tilespmem:$0x8280] =	vst v63  }
0x134: {  	_ = 	snop  }
0x135: {  	[spmem:s4] =	stream.indirect.scatter.add.f32 [tilespmem:s2], [sflag:$0x2], $0x1, s22, s21, $0xb8;
	[tilespmem:$0x8280] =	vst v63  }
0x136: {  	_ =	swait.ge [sflag:s14], $0x80  }
0x137: {  	[sflag:s14] =	ssyncset.done $0x0  }
0x138: {  	[sflag:s14] =	ssyncadd.s32 $0xFFFFFF80  }
0x139: {  	_ =	swait.ge [sflag:s14], $0x80  }
0x13a: {  	[sflag:s14] =	ssyncset.done $0x0  }
0x13b: {  	[sflag:s14] =	ssyncadd.s32 $0xFFFFFF80  }
0x13c: {  	_ =	swait.ge [sflag:s14], $0x80  }
0x13d: {  	[sflag:s14] =	ssyncset.done $0x0  }
0x13e: {  	[sflag:s14] =	ssyncadd.s32 $0xFFFFFF80  }
0x13f: {  	_ =	swait.ge [sflag:s14], $0x80  }
0x140: {  	[sflag:s14] =	ssyncset.done $0x0  }
0x141: {  	[sflag:s14] =	ssyncadd.s32 $0xFFFFFF80  }
0x142: {  	_ =	swait.ge [sflag:s14], $0x80  }
0x143: {  	[sflag:s14] =	ssyncset.done $0x0  }
0x144: {  	[sflag:s14] =	ssyncadd.s32 $0xFFFFFF80  }
0x145: {  	_ =	swait.ge [sflag:s14], $0x80  }
0x146: {  	[sflag:s14] =	ssyncset.done $0x0  }
0x147: {  	s16 =	sadd.s32 $0x1, s16;
	[sflag:s14] =	ssyncadd.s32 $0xFFFFFF80  }
0x148: {  	p0 =	sne.s32 s16, s28;
	_ =	swait.ge [sflag:s14], $0x80  }
.Ltmp1:
0x149: {  	[sflag:s14] =	ssyncset.done $0x0;
	(pc) =	sbr.rel @p0 .LBB2_2-.Ltmp1, $4  }
0x14a: {  	[sflag:s14] =	ssyncadd.s32 $0xFFFFFF80  }
0x14b: {  	_ =	swait.ge [sflag:s14], $0x80  }
0x14c: {  	[sflag:s14] =	ssyncset.done $0x0  }
0x14d: {  	[sflag:s14] =	ssyncadd.s32 $0xFFFFFF80  }
0x14e: {  	[bflag:$0x0] =	sbarrier.arrive $0xFFFF  }
0x14f: {  	s20 =	simm.s32 $0x7600;
	s10 =	rddreg [dreg:$0xb]  }
0x150: {  	[tilespmem:s20], [sflag:$0x3] =	stream.linear.gather [spmem:s10], $0xC40, $0x38;
	[tilespmem:$0x8280] =	vst v63  }
0x151: {  	_ =	swait.ge [sflag:s17], $0xC40  }
0x152: {  	[sflag:s17] =	ssyncset.done $0x0  }
0x153: {  	s22 =	simm.s32 $0x0;
	s18 =	rddreg [dreg:$0x17];
	[sflag:s17] =	ssyncadd.s32 $0xFFFFF3C0  }
0x154: {  	[hbm4b:s18+s22] =	stream.linear.scatter [tilespmem:s20], [sflag:$0x3], $0xC40, $0x38;
	[tilespmem:$0x8280] =	vst v63  }
0x155: {  	_ =	swait.ge [sflag:s17], $0xC40  }
0x156: {  	[sflag:s17] =	ssyncset.done $0x0  }
0x157: {  	s18 =	rddreg [dreg:$0xc];
	[sflag:s17] =	ssyncadd.s32 $0xFFFFF3C0  }
0x158: {  	[tilespmem:s20], [sflag:$0x3] =	stream.linear.gather [spmem:s18], $0xC40, $0x38;
	[tilespmem:$0x8280] =	vst v63  }
0x159: {  	_ =	swait.ge [sflag:s17], $0xC40  }
0x15a: {  	[sflag:s17] =	ssyncset.done $0x0  }
0x15b: {  	s13 =	rddreg [dreg:$0x18];
	[sflag:s17] =	ssyncadd.s32 $0xFFFFF3C0  }
0x15c: {  	[hbm4b:s13+s22] =	stream.linear.scatter [tilespmem:s20], [sflag:$0x3], $0xC40, $0x38;
	[tilespmem:$0x8280] =	vst v63  }
0x15d: {  	_ =	swait.ge [sflag:s17], $0xC40  }
0x15e: {  	[sflag:s17] =	ssyncset.done $0x0  }
0x15f: {  	s13 =	rddreg [dreg:$0xd];
	[sflag:s17] =	ssyncadd.s32 $0xFFFFF3C0  }
0x160: {  	[tilespmem:s20], [sflag:$0x3] =	stream.linear.gather [spmem:s13], $0xC40, $0x38;
	[tilespmem:$0x8280] =	vst v63  }
0x161: {  	_ =	swait.ge [sflag:s17], $0xC40  }
0x162: {  	[sflag:s17] =	ssyncset.done $0x0  }
0x163: {  	s15 =	rddreg [dreg:$0x19];
	[sflag:s17] =	ssyncadd.s32 $0xFFFFF3C0  }
0x164: {  	[hbm4b:s15+s22] =	stream.linear.scatter [tilespmem:s20], [sflag:$0x3], $0xC40, $0x38;
	[tilespmem:$0x8280] =	vst v63  }
0x165: {  	_ =	swait.ge [sflag:s17], $0xC40  }
0x166: {  	[sflag:s17] =	ssyncset.done $0x0  }
0x167: {  	s15 =	rddreg [dreg:$0x12];
	[sflag:s17] =	ssyncadd.s32 $0xFFFFF3C0  }
0x168: {  	[tilespmem:s20], [sflag:$0x3] =	stream.linear.gather [spmem:s15], $0xC40, $0x38;
	[tilespmem:$0x8280] =	vst v63  }
0x169: {  	_ =	swait.ge [sflag:s17], $0xC40  }
0x16a: {  	[sflag:s17] =	ssyncset.done $0x0  }
0x16b: {  	s16 =	rddreg [dreg:$0x1a];
	[sflag:s17] =	ssyncadd.s32 $0xFFFFF3C0  }
0x16c: {  	[hbm4b:s16+s22] =	stream.linear.scatter [tilespmem:s20], [sflag:$0x3], $0xC40, $0x38;
	[tilespmem:$0x8280] =	vst v63  }
0x16d: {  	_ =	swait.ge [sflag:s17], $0xC40  }
0x16e: {  	s16 =	rddreg [dreg:$0x1c]  }
0x16f: {  	s10 =	rddreg [dreg:$0x1b];
	s16 =	sadd.s32 $0x1, s16  }
0x170: {  	p0 =	sne.s32 s16, s10  }
.Ltmp2:
0x171: {  	_ = 	snop;
	(pc) =	sbr.rel @p0 .LBB2_1-.Ltmp2, $3  }
0x172: {  	_ =	sdelay $0x1  }
0x173: {  	[sflag:s17] =	ssyncset.done $0x0;
	[dreg:$0x1c] =	wrdreg s16  }
0x174: {  	[sflag:s17] =	ssyncadd.s32 $0xFFFFF3C0;
	s16 =	rddreg [dreg:$0xb]  }
0x175: {  	_ =	sfence.sel $0x180000  }
0x176: {  	[bflag:$0x0] =	sbarrier.arrive $0xFFFF  }
0x177: {  	_ =	strace $0x9000004A  }
0x178: {  	s0 =	stileid.u32;
	[bflag:$0x2] =	sbarrier.arrive $0xFFFF  }
0x179: {  	p0 =	sne.s32 s0, $0x0;
	s0 =	rddreg [dreg:$0x9]  }
0x17a: {  	s0 =	sadd.s32 @!p0 $0x100000, s0  }
0x17b: {  	[sflag:s0] =	ssyncadd.tile.s32 @!p0 $0x1;
	_ =	shalt  }
.Lfunc_end2:
_tile_overlayer_lowered:
.L_overlay_start_2:
0x17c: {  	(tag) =	ssettag $0x2  }
0x17d: {  	s0 =	rddreg [dreg:$0x0];
	s2 =	stileid.u32  }
0x17e: {  	s1 =	rddreg [dreg:$0x1];
	p0 =	sne.s32 s2, $0x0  }
0x17f: {  	s3 =	rddreg [dreg:$0x2];
	[bflag:$0x3] =	sbarrier.arrive $0xFFFF;
	s2 =	simm.s32 @!p0 $0x1C03  }
0x180: {  	[timem:s3], [sflag:s2] =	dma.local @!p0 [hbm:s0], s1  }
0x181: {  	s0 =	simm.s32 @!p0 $0x3  }
0x182: {  	_ =	swait.ge @!p0 [sflag:s0], s1  }
0x183: {  	s1 =	ssub.s32 @!p0 $0x0, s1;
	[sflag:s0] =	ssyncset.done @!p0 $0x0  }
0x184: {  	[sflag:s0] =	ssyncadd.s32 @!p0 s1  }
0x185: {  	[bflag:$0x3] =	sbarrier.arrive $0xFFFF  }
0x186: {  	_ =	shalt  }

// kernel: kernel.14.cloned.1.call-start
scs
__scs_entry_jumppad:
0x0: {  	(pc) =	sbr.rel $0x88, $3  }
0x1: {  	(tag) =	ssettag $0x0;
	lr =	simm.s32 $0x1  }
0x2: {  	[smem:$0x3F9A] =	sst lr;
	_ =	strace $0xD0000000  }
0x3: {  	_ = 	snop  }
0x4: {  	_ = 	snop  }
0x5: {  	_ = 	snop  }
0x6: {  	_ = 	snop  }
0x7: {  	_ = 	snop  }
__scs_overlays_trampoline_lowered:
0x8: {  	[smem:$0x3FA9] =	sst s0  }
0x9: {  	[smem:$0x3FAA] =	sst s1  }
0xa: {  	[smem:$0x3FAB] =	sst s2  }
0xb: {  	[smem:$0x3FAC] =	sst s3  }
0xc: {  	[smem:$0x3FAD] =	sst s4  }
0xd: {  	[smem:$0x3FAE] =	sst s5  }
0xe: {  	[smem:$0x3FAF] =	sst s6  }
0xf: {  	[smem:$0x3FB0] =	sst s7  }
0x10: {  	[smem:$0x3FB1] =	sst s8  }
0x11: {  	[smem:$0x3FB2] =	sst s9;
	s0 =	simm.s32 @!p0 $0x0  }
0x12: {  	s1 =	sld [smem:$0x3F98];
	s0 =	simm.s32 @p0 $0x1  }
0x13: {  	[smem:$0x3FB3] =	sst s0;
	s0 =	simm.s32 @!p1 $0x0  }
0x14: {  	s2 =	sld [smem:$0x3F97];
	s0 =	simm.s32 @p1 $0x1  }
0x15: {  	[smem:$0x3FB4] =	sst s0;
	s0 =	simm.s32 @!p2 $0x0  }
0x16: {  	s3 =	sld [smem:$0x3FDB];
	s0 =	simm.s32 @p2 $0x1  }
0x17: {  	s4 =	simm.s32 $0x1BF5;
	[smem:$0x3FB6] =	sst s0  }
0x18: {  	s0 =	sld [smem:$0x3F99];
	_ =	swait.ge [sflag:s4], $0x0  }
0x19: {  	s7 =	sld [smem:$0x3F9A]  }
0x1a: {  	s8 =	sadd.s32 $0xFFFFE003, lr  }
0x1b: {  	s9 =	sadd.s32 $0xFFFFFEF7, lr;
	s5 =	simm.s32 $0xFFFFFFFF;
	p2 =	slt.u32 s8, $0xFFFFF086  }
0x1c: {  	p1 =	slt.u32 s9, $0xF7A;
	s5 =	simm.s32 @!p2 $0x0  }
0x1d: {  	s5 =	simm.s32 @p1 $0x1;
	p0 =	seq.s32 s7, s2  }
0x1e: {  	s7 =	smul.u32 @!p0 $0xF7A, s2;
	p2 =	seq.s32 @!p0 s5, $0x0  }
0x1f: {  	s9 =	smul.u32 $0xF7A, s1;
	s8 =	simm.s32 @!p0 $0x1BF5;
	p2 =	por !p2, p0  }
0x20: {  	[sflag:s8] =	ssyncset.s32 @!p0 $0xFFFFF086;
	s6 =	sadd.s32 @!p0 s3, s7;
	s7 =	simm.s32 @!p0 $0x108  }
0x21: {  	s3 =	sadd.s32 s3, s9;
	s6 =	sadd.s32 @!p0 $0x88, s6;
	s7 =	simm.s32 @p2 $0x1082  }
0x22: {  	[simem:s7], [sflag:s8] =	dma.local @!p0 [hbm:s6], $0xF7A  }
0x23: {  	s9 =	sor.u32 $0xD0000000, s2;
	s6 =	simm.s32 $0x108;
	_ =	swait.ge @!p0 [sflag:s8], $0x0  }
0x24: {  	s3 =	sadd.s32 $0x88, s3;
	s6 =	simm.s32 @!p1 $0x1082;
	[sflag:s4] =	ssyncset.s32 $0xFFFFF086  }
0x25: {  	[simem:s6], [sflag:s4] =	dma.local [hbm:s3], $0xF7A  }
0x26: {  	[smem:$0x3F9A] =	sst s1;
	(tag) =	ssettag s2;
	_ =	strace s9  }
0x27: {  	s1 =	sld [smem:$0x3FAA]  }
0x28: {  	s2 =	sld [smem:$0x3FAB]  }
0x29: {  	s4 =	sld [smem:$0x3FAD]  }
0x2a: {  	p0 =	seq.s32 s5, $0x0;
	s5 =	sld [smem:$0x3FAE]  }
0x2b: {  	s6 =	sld [smem:$0x3FAF]  }
0x2c: {  	s7 =	sld [smem:$0x3FB0]  }
0x2d: {  	s3 =	simm.s32 $0x108;
	s8 =	sld [smem:$0x3FB1]  }
0x2e: {  	s3 =	simm.s32 @!p0 $0x1082;
	s9 =	sld [smem:$0x3FB2]  }
0x2f: {  	lr =	sadd.s32 s0, s3;
	s0 =	sld [smem:$0x3FA9]  }
0x30: {  	s3 =	sld [smem:$0x3FAC]  }
0x31: {  	[smem:$0x3FB5] =	sst s10  }
0x32: {  	s10 =	sld [smem:$0x3FB3];
	_ =	sdelay $0x3  }
0x33: {  	p0 =	seq.s32 s10, $0x1;
	s10 =	sld [smem:$0x3FB5];
	_ =	sdelay $0x3  }
0x34: {  	[smem:$0x3FB5] =	sst s10  }
0x35: {  	s10 =	sld [smem:$0x3FB4];
	_ =	sdelay $0x3  }
0x36: {  	p1 =	seq.s32 s10, $0x1;
	s10 =	sld [smem:$0x3FB5];
	_ =	sdelay $0x3  }
0x37: {  	[smem:$0x3FB5] =	sst s10  }
0x38: {  	s10 =	sld [smem:$0x3FB6]  }
0x39: {  	_ = 	snop;
	(pc) =	sbr.ind lr, $3  }
0x3a: {  	_ = 	snop  }
0x3b: {  	_ = 	snop  }
0x3c: {  	p2 =	seq.s32 s10, $0x1;
	s10 =	sld [smem:$0x3FB5]  }
0x3d: {  	_ =	shalt  }
0x3e: {  	_ =	shalt  }
0x3f: {  	_ =	shalt  }
0x40: {  	_ =	shalt  }
0x41: {  	_ =	shalt  }
0x42: {  	_ =	shalt  }
0x43: {  	_ =	shalt  }
0x44: {  	_ =	shalt  }
0x45: {  	_ =	shalt  }
0x46: {  	_ =	shalt  }
0x47: {  	_ =	shalt  }
0x48: {  	_ =	shalt  }
0x49: {  	_ =	shalt  }
0x4a: {  	_ =	shalt  }
0x4b: {  	_ =	shalt  }
0x4c: {  	_ =	shalt  }
0x4d: {  	_ =	shalt  }
0x4e: {  	_ =	shalt  }
0x4f: {  	_ =	shalt  }
0x50: {  	_ =	shalt  }
0x51: {  	_ =	shalt  }
0x52: {  	_ =	shalt  }
0x53: {  	_ =	shalt  }
0x54: {  	_ =	shalt  }
0x55: {  	_ =	shalt  }
0x56: {  	_ =	shalt  }
0x57: {  	_ =	shalt  }
0x58: {  	_ =	shalt  }
0x59: {  	_ =	shalt  }
0x5a: {  	_ =	shalt  }
0x5b: {  	_ =	shalt  }
0x5c: {  	_ =	shalt  }
0x5d: {  	_ =	shalt  }
0x5e: {  	_ =	shalt  }
0x5f: {  	_ =	shalt  }
0x60: {  	_ =	shalt  }
0x61: {  	_ =	shalt  }
0x62: {  	_ =	shalt  }
0x63: {  	_ =	shalt  }
0x64: {  	_ =	shalt  }
0x65: {  	_ =	shalt  }
0x66: {  	_ =	shalt  }
0x67: {  	_ =	shalt  }
0x68: {  	_ =	shalt  }
0x69: {  	_ =	shalt  }
0x6a: {  	_ =	shalt  }
0x6b: {  	_ =	shalt  }
0x6c: {  	_ =	shalt  }
0x6d: {  	_ =	shalt  }
0x6e: {  	_ =	shalt  }
0x6f: {  	_ =	shalt  }
0x70: {  	_ =	shalt  }
0x71: {  	_ =	shalt  }
0x72: {  	_ =	shalt  }
0x73: {  	_ =	shalt  }
0x74: {  	_ =	shalt  }
0x75: {  	_ =	shalt  }
0x76: {  	_ =	shalt  }
0x77: {  	_ =	shalt  }
0x78: {  	_ =	shalt  }
0x79: {  	_ =	shalt  }
0x7a: {  	_ =	shalt  }
0x7b: {  	_ =	shalt  }
0x7c: {  	_ =	shalt  }
0x7d: {  	_ =	shalt  }
0x7e: {  	_ =	shalt  }
0x7f: {  	_ =	shalt  }
0x80: {  	_ =	shalt  }
0x81: {  	_ =	shalt  }
0x82: {  	_ =	shalt  }
0x83: {  	_ =	shalt  }
0x84: {  	_ =	shalt  }
0x85: {  	_ =	shalt  }
0x86: {  	_ =	shalt  }
0x87: {  	_ =	shalt  }
.Lfunc_end0:
.L_simem_size_0:
called_computation.2_lowered:
.L_overlay_start_0:
0x88: {  	s2 =	sld [smem:$0x3FD9]  }
0x89: {  	s3 =	sld [smem:$0x3FFE];
	_ =	sdelay $0x1  }
0x8a: {  	s1 =	srdreg.scid  }
0x8b: {  	s0 =	sand.u32 $0x1, s1  }
0x8c: {  	s16 =	sshll.u32 s0, $0xA;
	s2 =	sadd.s32 s3, s2  }
0x8d: {  	s2 =	sadd.s32 s2, s16  }
0x8e: {  	[smem:$0x3FC1] =	sst s2  }
0x8f: {  	_ = 	snop  }
0x90: {  	(tm) =	ssettm $0x1  }
0x91: {  	s17 =	sld [smem:$0x3FFB];
	_ =	sdelay $0x3  }
0x92: {  	_ =	strace s17  }
0x93: {  	s2 =	sld [smem:$0x3FFC];
	_ =	sdelay $0x3  }
0x94: {  	_ =	strace s2  }
0x95: {  	s2 =	sld [smem:$0x3FFD];
	_ =	sdelay $0x3  }
0x96: {  	_ =	strace s2  }
0x97: {  	_ =	strace $0x8FFFFFFF  }
0x98: {  	s18 =	sld [smem:$0x3FDB];
	_ =	sdelay $0x1  }
0x99: {  	s19 =	simm.s32 $_scs_section_size  }
0x9a: {  	s4 =	simm.s32 $_size__tile_overlayer_lowered;
	s5 =	simm.s32 $_tile_overlayer_lowered  }
0x9b: {  	s22 =	simm.s32 $0x1BFF;
	s21 =	sshll.u32 s5, $0x1;
	s2 =	sadd.s32 s19, s18  }
0x9c: {  	s6 =	simm.s32 $0x0;
	s20 =	sshll.u32 s4, $0x1;
	s4 =	sadd.s32 s21, s2  }
0x9d: {  	[timem:s6], [sflag:s22] =	dma.local [hbm:s4], s20  }
0x9e: {  	_ =	swait.ge [sflag:s22], s20  }
0x9f: {  	s3 =	ssub.s32 $0x0, s20;
	[sflag:s22] =	ssyncset.done $0x0  }
0xa0: {  	[sflag:s22] =	ssyncadd.s32 s3;
	_ =	sdelay $0x1  }
0xa1: {  	s23 =	simm.s32 $0x1B8B  }
0xa2: {  	_ =	swait.ge [sflag:s23], $0x1  }
0xa3: {  	[sflag:s23] =	ssyncset.done $0x0  }
0xa4: {  	s25 =	simm.s32 $0x1B8E;
	s24 =	sld [smem:$0x3FFE];
	[sflag:s23] =	ssyncadd.s32 $0xFFFFFFFF  }
0xa5: {  	s26 =	simm.s32 $execute0_lowered;
	[smem:$0x3FD2] =	sst s25  }
0xa6: {  	s4 =	sshll.u32 s26, $0x1;
	_ =	strace $0x8000004C;
	[dreg:$0x1] =	wrdreg $0xFFFFFFFF  }
0xa7: {  	s28 =	simm.s32 $_size_execute0_lowered;
	s2 =	sadd.s32 s2, s4;
	[dreg:$0x0] =	wrdreg $0x0  }
0xa8: {  	s4 =	sshll.u32 s28, $0x1;
	[dreg:$0x2] =	wrdreg s2  }
0xa9: {  	[dreg:$0x3] =	wrdreg s4  }
0xaa: {  	[dreg:$0x4] =	wrdreg $0xC0  }
0xab: {  	_ =	task [dreg:s6], $0x5FFFF  }
0xac: {  	[dreg:$0x1] =	wrdreg $0xFFFFFFFF  }
0xad: {  	[dreg:$0x0] =	wrdreg $0x60  }
0xae: {  	[dreg:$0x2] =	wrdreg s24  }
0xaf: {  	[dreg:$0x3] =	wrdreg $0x49800  }
0xb0: {  	[dreg:$0x4] =	wrdreg $0x55C00  }
0xb1: {  	[dreg:$0x5] =	wrdreg $0x62000  }
0xb2: {  	[dreg:$0x6] =	wrdreg $0x6E400  }
0xb3: {  	[dreg:$0x7] =	wrdreg $0x7A800  }
0xb4: {  	[dreg:$0x8] =	wrdreg $0x86C00  }
0xb5: {  	[dreg:$0x9] =	wrdreg $0x0  }
0xb6: {  	[dreg:$0xa] =	wrdreg $0xC400  }
0xb7: {  	[dreg:$0xb] =	wrdreg $0x18800  }
0xb8: {  	[dreg:$0xc] =	wrdreg $0x24C00  }
0xb9: {  	[dreg:$0xd] =	wrdreg $0x31000  }
0xba: {  	[dreg:$0xe] =	wrdreg $0x3D400  }
0xbb: {  	[dreg:$0xf] =	wrdreg $0x9  }
0xbc: {  	_ =	task.clear_ibuf [dreg:s6], $0x10FFFF;
	_ =	strace $0x9000004C  }
0xbd: {  	s29 =	simm.s32 $0x9;
	_ =	strace $0x8000004E  }
0xbe: {  	_ =	swait.ge [sflag:s29], $0x1  }
0xbf: {  	[sflag:s29] =	ssyncadd.s32 $0xFFFFFFFF  }
0xc0: {  	_ =	strace $0x9000004E  }
0xc1: {  	_ =	sfence  }
0xc2: {  	s30 =	sld [smem:$0x0];
	_ =	sdelay $0x2  }
0xc3: {  	s31 =	sshll.u32 s1, $0xD;
	s1 =	sshrl.u32 s1, $0x2  }
0xc4: {  	s3 =	sand.u32 $0x4000, s31;
	s1 =	sadd.s32 s1, s30  }
0xc5: {  	s0 =	sor.u32 s3, s0;
	s1 =	sshll.u32 s1, $0x11  }
0xc6: {  	s0 =	sor.u32 s1, s0  }
0xc7: {  	s0 =	sadd.s32 $0x8F2B, s0  }
0xc8: {  	[sflag:s0] =	ssyncadd.remote.s32 $0x1  }
0xc9: {  	_ =	sfence.sel $0xFFFF  }
0xca: {  	[dreg:$0x0] =	wrdreg $0xFFFFFFFF;
	(pc) =	sbr.abs _section_cstart, $3  }
0xcb: {  	[dreg:$0x1] =	wrdreg $0xFFFFFFFF  }
0xcc: {  	_ =	task.clear_ibuf [dreg:s6], $0x2FFFF;
	_ =	strace $0x9FFFFFFF  }
0xcd: {  	(tm) =	ssettm $0x7FFFFFFF  }
tec
execute0_lowered:
.L_overlay_start_1:
0x0: {  	(tag) =	ssettag $0x1  }
0x1: {  	s6 =	rddreg [dreg:$0x0]  }
0x2: {  	s0 =	rddreg [dreg:$0x1]  }
0x3: {  	s23 =	rddreg [dreg:$0x2]  }
0x4: {  	s3 =	rddreg [dreg:$0x3]  }
0x5: {  	s4 =	rddreg [dreg:$0x4]  }
0x6: {  	s5 =	rddreg [dreg:$0x5]  }
0x7: {  	s7 =	rddreg [dreg:$0x6]  }
0x8: {  	s8 =	rddreg [dreg:$0x7]  }
0x9: {  	s9 =	rddreg [dreg:$0x8]  }
0xa: {  	s10 =	rddreg [dreg:$0x9]  }
0xb: {  	s12 =	rddreg [dreg:$0xa]  }
0xc: {  	s13 =	rddreg [dreg:$0xb]  }
0xd: {  	s2 =	rddreg [dreg:$0xc];
	s22 =	simm.s32 $0x0  }
0xe: {  	s1 =	stileid.u32;
	s14 =	srdreg.scid;
	s17 =	simm.s32 $0x130  }
0xf: {  	[smem:$0x7FF] =	sst s22;
	s11 =	smul.u32 $0xC40, s1;
	s15 =	sadd.s32 $0x1BA00, s6  }
0x10: {  	s14 =	sand.u32 $0x1, s14;
	s18 =	sadd.s32 $0x1A00, s6;
	_ =	strace $0x8000004D  }
0x11: {  	[dreg:$0xe] =	wrdreg s15;
	s16 =	smul.u32 $0xC400, s14;
	p0 =	seq.s32 s14, $0x0  }
0x12: {  	[dreg:$0xf] =	wrdreg s18;
	s21 =	ssub.s32 $0x2, s14;
	s20 =	sshrl.u32 s11, $0x3  }
0x13: {  	s17 =	simm.s32 @!p0 $0x70;
	s18 =	sadd.s32 s11, s0;
	s15 =	sadd.s32 s20, s6  }
0x14: {  	s19 =	smul.u32 s17, s1;
	s1 =	sadd.s32 s11, s8;
	[dreg:$0x18] =	wrdreg s18  }
0x15: {  	s16 =	sadd.s32 s11, s16;
	s17 =	sshrl.u32 s17, $0x4;
	[dreg:$0x1e] =	wrdreg s1  }
0x16: {  	s20 =	sshrl.u32 s21, $0x1;
	s25 =	sadd.s32 $0x35A00, s15;
	[smem:$0x7F6] =	sst s17  }
0x17: {  	s16 =	sshrl.u32 s16, $0x3;
	s26 =	sadd.s32 $0x3F600, s15;
	[dreg:$0x10] =	wrdreg s25  }
0x18: {  	s1 =	sadd.s32 s11, s12;
	s6 =	sadd.s32 s16, s6;
	[dreg:$0x11] =	wrdreg s26  }
0x19: {  	s16 =	ssub.s32 s21, s20;
	s20 =	sadd.s32 $0x3DC00, s15;
	[smem:$0x7F3] =	sst s1  }
0x1a: {  	s21 =	sadd.s32 $0x3C200, s15;
	[dreg:$0x13] =	wrdreg s20  }
0x1b: {  	s14 =	smul.u32 $0x98000, s14;
	s25 =	sadd.s32 $0x38E00, s15;
	[dreg:$0x14] =	wrdreg s21  }
0x1c: {  	s24 =	sshll.u32 s19, $0x7;
	s26 =	sadd.s32 $0x37400, s15;
	[dreg:$0x16] =	wrdreg s25  }
0x1d: {  	s19 =	sadd.s32 s14, s24;
	[dreg:$0x17] =	wrdreg s26  }
0x1e: {  	s24 =	sadd.s32 $0x3A800, s15;
	[dreg:$0x12] =	wrdreg s19  }
0x1f: {  	s14 =	sadd.s32 s11, s9;
	[dreg:$0x15] =	wrdreg s24  }
0x20: {  	s26 =	sadd.s32 s11, s10;
	[dreg:$0x1f] =	wrdreg s14  }
0x21: {  	s1 =	sadd.s32 $0x44200, s6;
	[smem:$0x7F2] =	sst s26  }
0x22: {  	s15 =	sadd.s32 $0x4A600, s6;
	[smem:$0x7F8] =	sst s1  }
0x23: {  	s17 =	sadd.s32 $0x4D800, s6;
	[smem:$0x7FA] =	sst s15  }
0x24: {  	s25 =	sadd.s32 s11, s23;
	[smem:$0x7FB] =	sst s17  }
0x25: {  	s20 =	sadd.s32 s11, s4;
	[dreg:$0x19] =	wrdreg s25  }
0x26: {  	s21 =	sadd.s32 s11, s5;
	[dreg:$0x1b] =	wrdreg s20  }
0x27: {  	s24 =	sadd.s32 s11, s3;
	s14 =	sadd.s32 s11, s13;
	[dreg:$0x1c] =	wrdreg s21  }
0x28: {  	s19 =	sadd.s32 s11, s7;
	s11 =	sadd.s32 s11, s2;
	[smem:$0x7F4] =	sst s14  }
0x29: {  	s26 =	sadd.s32 $0x41000, s6;
	[smem:$0x7F5] =	sst s11  }
0x2a: {  	[smem:$0x7F7] =	sst s26  }
0x2b: {  	s28 =	simm.s32 $0xA500;
	s29 =	simm.s32 $0xA580;
	[dreg:$0x1a] =	wrdreg s24  }
0x2c: {  	s30 =	simm.s32 $0xA700;
	s14 =	sadd.s32 $0x47400, s6;
	[dreg:$0x1d] =	wrdreg s19  }
0x2d: {  	s31 =	simm.s32 $0xA780;
	s6 =	sadd.s32 $0x50A00, s6;
	[smem:$0x7F9] =	sst s14  }
0x2e: {  	s17 =	simm.s32 $0xAB00;
	s26 =	smax.u32 s16, $0x1;
	[smem:$0x7FC] =	sst s6  }
0x2f: {  	s15 =	simm.s32 $0x2;
	s11 =	simm.s32 $0x80;
	[smem:$0x7FD] =	sst s26  }
0x30: {  	s6 =	simm.s32 $0x1;
	s14 =	simm.s32 $0x0;
	s26 =	simm.s32 $0xA480  }
.LBB2_1:
0x31: {  	[smem:$0x7F1] =	sst s14  }
0x32: {  	s16 =	simm.s32 $0x3;
	s1 =	rddreg [dreg:$0x10]  }
0x33: {  	[tilespmem:s17], [sflag:$0x3] =	stream.linear.gather [hbm4b:s1+s22], $0xC40, $0x38;
	[tilespmem:$0xB780] =	vst v63  }
0x34: {  	_ =	swait.ge [sflag:s16], $0xC40  }
0x35: {  	[sflag:s16] =	ssyncset.done $0x0  }
0x36: {  	[sflag:s16] =	ssyncadd.s32 $0xFFFFF3C0  }
0x37: {  	[spmem:s18] =	stream.linear.scatter [tilespmem:s17], [sflag:$0x3], $0xC40, $0x38;
	[tilespmem:$0xB780] =	vst v63  }
0x38: {  	_ =	swait.ge [sflag:s16], $0xC40  }
0x39: {  	[sflag:s16] =	ssyncset.done $0x0  }
0x3a: {  	[sflag:s16] =	ssyncadd.s32 $0xFFFFF3C0  }
0x3b: {  	[spmem:s25] =	stream.linear.scatter [tilespmem:s17], [sflag:$0x3], $0xC40, $0x38;
	[tilespmem:$0xB780] =	vst v63  }
0x3c: {  	_ =	swait.ge [sflag:s16], $0xC40  }
0x3d: {  	[sflag:s16] =	ssyncset.done $0x0  }
0x3e: {  	[sflag:s16] =	ssyncadd.s32 $0xFFFFF3C0  }
0x3f: {  	[spmem:s24] =	stream.linear.scatter [tilespmem:s17], [sflag:$0x3], $0xC40, $0x38;
	[tilespmem:$0xB780] =	vst v63  }
0x40: {  	_ =	swait.ge [sflag:s16], $0xC40  }
0x41: {  	[sflag:s16] =	ssyncset.done $0x0  }
0x42: {  	[sflag:s16] =	ssyncadd.s32 $0xFFFFF3C0  }
0x43: {  	[spmem:s20] =	stream.linear.scatter [tilespmem:s17], [sflag:$0x3], $0xC40, $0x38;
	[tilespmem:$0xB780] =	vst v63  }
0x44: {  	_ =	swait.ge [sflag:s16], $0xC40  }
0x45: {  	[sflag:s16] =	ssyncset.done $0x0  }
0x46: {  	[sflag:s16] =	ssyncadd.s32 $0xFFFFF3C0  }
0x47: {  	[spmem:s21] =	stream.linear.scatter [tilespmem:s17], [sflag:$0x3], $0xC40, $0x38;
	[tilespmem:$0xB780] =	vst v63  }
0x48: {  	_ =	swait.ge [sflag:s16], $0xC40  }
0x49: {  	[sflag:s16] =	ssyncset.done $0x0  }
0x4a: {  	[sflag:s16] =	ssyncadd.s32 $0xFFFFF3C0  }
0x4b: {  	[spmem:s19] =	stream.linear.scatter [tilespmem:s17], [sflag:$0x3], $0xC40, $0x38;
	[tilespmem:$0xB780] =	vst v63  }
0x4c: {  	_ =	swait.ge [sflag:s16], $0xC40  }
0x4d: {  	[sflag:s16] =	ssyncset.done $0x0  }
0x4e: {  	s19 =	rddreg [dreg:$0x11];
	[sflag:s16] =	ssyncadd.s32 $0xFFFFF3C0  }
0x4f: {  	[tilespmem:s17], [sflag:$0x3] =	stream.linear.gather [hbm4b:s19+s22], $0xC40, $0x38;
	[tilespmem:$0xB780] =	vst v63  }
0x50: {  	_ =	swait.ge [sflag:s16], $0xC40  }
0x51: {  	[sflag:s16] =	ssyncset.done $0x0  }
0x52: {  	s20 =	rddreg [dreg:$0x1e];
	[sflag:s16] =	ssyncadd.s32 $0xFFFFF3C0  }
0x53: {  	[spmem:s20] =	stream.linear.scatter [tilespmem:s17], [sflag:$0x3], $0xC40, $0x38;
	[tilespmem:$0xB780] =	vst v63  }
0x54: {  	_ =	swait.ge [sflag:s16], $0xC40  }
0x55: {  	[sflag:s16] =	ssyncset.done $0x0  }
0x56: {  	s21 =	rddreg [dreg:$0x13];
	[sflag:s16] =	ssyncadd.s32 $0xFFFFF3C0  }
0x57: {  	[tilespmem:s17], [sflag:$0x3] =	stream.linear.gather [hbm4b:s21+s22], $0xC40, $0x38;
	[tilespmem:$0xB780] =	vst v63  }
0x58: {  	_ =	swait.ge [sflag:s16], $0xC40  }
0x59: {  	[sflag:s16] =	ssyncset.done $0x0  }
0x5a: {  	s24 =	rddreg [dreg:$0x1f];
	[sflag:s16] =	ssyncadd.s32 $0xFFFFF3C0  }
0x5b: {  	[spmem:s24] =	stream.linear.scatter [tilespmem:s17], [sflag:$0x3], $0xC40, $0x38;
	[tilespmem:$0xB780] =	vst v63  }
0x5c: {  	_ =	swait.ge [sflag:s16], $0xC40  }
0x5d: {  	[sflag:s16] =	ssyncset.done $0x0  }
0x5e: {  	s25 =	rddreg [dreg:$0x14];
	[sflag:s16] =	ssyncadd.s32 $0xFFFFF3C0  }
0x5f: {  	[tilespmem:s17], [sflag:$0x3] =	stream.linear.gather [hbm4b:s25+s22], $0xC40, $0x38;
	[tilespmem:$0xB780] =	vst v63  }
0x60: {  	_ =	swait.ge [sflag:s16], $0xC40  }
0x61: {  	s14 =	sld [smem:$0x7F2]  }
0x62: {  	[sflag:s16] =	ssyncset.done $0x0  }
0x63: {  	[sflag:s16] =	ssyncadd.s32 $0xFFFFF3C0  }
0x64: {  	[spmem:s14] =	stream.linear.scatter [tilespmem:s17], [sflag:$0x3], $0xC40, $0x38;
	[tilespmem:$0xB780] =	vst v63  }
0x65: {  	_ =	swait.ge [sflag:s16], $0xC40  }
0x66: {  	[sflag:s16] =	ssyncset.done $0x0  }
0x67: {  	s18 =	rddreg [dreg:$0x15];
	[sflag:s16] =	ssyncadd.s32 $0xFFFFF3C0  }
0x68: {  	[tilespmem:s17], [sflag:$0x3] =	stream.linear.gather [hbm4b:s18+s22], $0xC40, $0x38;
	[tilespmem:$0xB780] =	vst v63  }
0x69: {  	_ =	swait.ge [sflag:s16], $0xC40  }
0x6a: {  	s19 =	sld [smem:$0x7F3]  }
0x6b: {  	[sflag:s16] =	ssyncset.done $0x0  }
0x6c: {  	[sflag:s16] =	ssyncadd.s32 $0xFFFFF3C0  }
0x6d: {  	[spmem:s19] =	stream.linear.scatter [tilespmem:s17], [sflag:$0x3], $0xC40, $0x38;
	[tilespmem:$0xB780] =	vst v63  }
0x6e: {  	_ =	swait.ge [sflag:s16], $0xC40  }
0x6f: {  	[sflag:s16] =	ssyncset.done $0x0  }
0x70: {  	s20 =	rddreg [dreg:$0x16];
	[sflag:s16] =	ssyncadd.s32 $0xFFFFF3C0  }
0x71: {  	[tilespmem:s17], [sflag:$0x3] =	stream.linear.gather [hbm4b:s20+s22], $0xC40, $0x38;
	[tilespmem:$0xB780] =	vst v63  }
0x72: {  	_ =	swait.ge [sflag:s16], $0xC40  }
0x73: {  	s21 =	sld [smem:$0x7F4]  }
0x74: {  	[sflag:s16] =	ssyncset.done $0x0  }
0x75: {  	[sflag:s16] =	ssyncadd.s32 $0xFFFFF3C0  }
0x76: {  	[spmem:s21] =	stream.linear.scatter [tilespmem:s17], [sflag:$0x3], $0xC40, $0x38;
	[tilespmem:$0xB780] =	vst v63  }
0x77: {  	_ =	swait.ge [sflag:s16], $0xC40  }
0x78: {  	[sflag:s16] =	ssyncset.done $0x0  }
0x79: {  	s24 =	rddreg [dreg:$0x17];
	[sflag:s16] =	ssyncadd.s32 $0xFFFFF3C0  }
0x7a: {  	[tilespmem:s17], [sflag:$0x3] =	stream.linear.gather [hbm4b:s24+s22], $0xC40, $0x38;
	[tilespmem:$0xB780] =	vst v63  }
0x7b: {  	_ =	swait.ge [sflag:s16], $0xC40  }
0x7c: {  	s25 =	sld [smem:$0x7F5]  }
0x7d: {  	[sflag:s16] =	ssyncset.done $0x0  }
0x7e: {  	[sflag:s16] =	ssyncadd.s32 $0xFFFFF3C0  }
0x7f: {  	[spmem:s25] =	stream.linear.scatter [tilespmem:s17], [sflag:$0x3], $0xC40, $0x38;
	[tilespmem:$0xB780] =	vst v63  }
0x80: {  	_ =	swait.ge [sflag:s16], $0xC40  }
0x81: {  	s14 =	simm.s32 $0xA800;
	s18 =	simm.s32 $0xA980;
	[sflag:s16] =	ssyncset.done $0x0  }
0x82: {  	s21 =	simm.s32 $0xA880;
	s24 =	simm.s32 $0xA900;
	[sflag:s16] =	ssyncadd.s32 $0xFFFFF3C0  }
0x83: {  	s25 =	simm.s32 $0xA400;
	s16 =	simm.s32 $0x0;
	[bflag:$0x0] =	sbarrier.arrive $0xFFFF  }
.LBB2_2:
0x84: {  	s20 =	sshll.u32 s16, $0xB;
	s1 =	rddreg [dreg:$0x12]  }
0x85: {  	[smem:$0x7F0] =	sst s16;
	s16 =	sadd.s32 s1, s20  }
0x86: {  	s22 =	rddreg [dreg:$0xe];
	s16 =	sshrl.u32 s16, $0x3  }
0x87: {  	s17 =	simm.s32 $0x9300;
	s19 =	sadd.s32 s22, s16;
	s22 =	simm.s32 $0x0  }
0x88: {  	[tilespmem:s17], [sflag:$0x3] =	stream.linear.gather [hbm4b:s19+s22], $0x800, $0x38;
	[tilespmem:$0xB780] =	vst v63  }
0x89: {  	s17 =	simm.s32 $0x3  }
0x8a: {  	_ =	swait.ge [sflag:s17], $0x800  }
0x8b: {  	[sflag:s17] =	ssyncset.done $0x0;
	s19 =	rddreg [dreg:$0xf]  }
0x8c: {  	s20 =	simm.s32 $0x9B00;
	[sflag:s17] =	ssyncadd.s32 $0xFFFFF800;
	s16 =	sadd.s32 s19, s16  }
0x8d: {  	[tilespmem:s20], [sflag:$0x3] =	stream.linear.gather [hbm4b:s16+s22], $0x800, $0x38;
	[tilespmem:$0xB780] =	vst v63  }
0x8e: {  	_ =	swait.ge [sflag:s17], $0x800  }
0x8f: {  	[sflag:s17] =	ssyncset.done $0x0  }
0x90: {  	s1 =	simm.s32 $0x9300;
	[sflag:s17] =	ssyncadd.s32 $0xFFFFF800;
	s17 =	simm.s32 $0xA300  }
0x91: {  	[tilespmem:s17], [sflag:$0x1] =	stream.indirect.gather [spmem:s8], $0x1, s1, s11, $0xb8;
	[tilespmem:$0xB780] =	vst v63  }
0x92: {  	s22 =	simm.s32 $0xA380  }
0x93: {  	[tilespmem:s22], [sflag:$0x1] =	stream.indirect.gather [spmem:s9], $0x1, s1, s11, $0xb8;
	[tilespmem:$0xB780] =	vst v63  }
0x94: {  	_ = 	snop  }
0x95: {  	[tilespmem:s25], [sflag:$0x1] =	stream.indirect.gather [spmem:s10], $0x1, s1, s11, $0xb8;
	[tilespmem:$0xB780] =	vst v63  }
0x96: {  	_ = 	snop  }
0x97: {  	[tilespmem:s26], [sflag:$0x1] =	stream.indirect.gather [spmem:s12], $0x1, s1, s11, $0xb8;
	[tilespmem:$0xB780] =	vst v63  }
0x98: {  	_ = 	snop  }
0x99: {  	[tilespmem:s28], [sflag:$0x1] =	stream.indirect.gather [spmem:s13], $0x1, s1, s11, $0xb8;
	[tilespmem:$0xB780] =	vst v63  }
0x9a: {  	_ = 	snop  }
0x9b: {  	[tilespmem:s29], [sflag:$0x1] =	stream.indirect.gather [spmem:s2], $0x1, s1, s11, $0xb8;
	[tilespmem:$0xB780] =	vst v63  }
0x9c: {  	s19 =	simm.s32 $0x9380  }
0x9d: {  	[tilespmem:s30], [sflag:$0x1] =	stream.indirect.gather [spmem:s8], $0x1, s19, s11, $0xb8;
	[tilespmem:$0xB780] =	vst v63  }
0x9e: {  	_ = 	snop  }
0x9f: {  	[tilespmem:s31], [sflag:$0x1] =	stream.indirect.gather [spmem:s9], $0x1, s19, s11, $0xb8;
	[tilespmem:$0xB780] =	vst v63  }
0xa0: {  	_ = 	snop  }
0xa1: {  	[tilespmem:s14], [sflag:$0x1] =	stream.indirect.gather [spmem:s10], $0x1, s19, s11, $0xb8;
	[tilespmem:$0xB780] =	vst v63  }
0xa2: {  	_ = 	snop  }
0xa3: {  	[tilespmem:s21], [sflag:$0x1] =	stream.indirect.gather [spmem:s12], $0x1, s19, s11, $0xb8;
	[tilespmem:$0xB780] =	vst v63  }
0xa4: {  	_ = 	snop  }
0xa5: {  	[tilespmem:s24], [sflag:$0x1] =	stream.indirect.gather [spmem:s13], $0x1, s19, s11, $0xb8;
	[tilespmem:$0xB780] =	vst v63  }
0xa6: {  	_ = 	snop  }
0xa7: {  	[tilespmem:s18], [sflag:$0x1] =	stream.indirect.gather [spmem:s2], $0x1, s19, s11, $0xb8;
	[tilespmem:$0xB780] =	vst v63  }
0xa8: {  	_ =	swait.ge [sflag:s6], $0x80  }
0xa9: {  	[sflag:s6] =	ssyncset.done $0x0  }
0xaa: {  	[sflag:s6] =	ssyncadd.s32 $0xFFFFFF80  }
0xab: {  	_ =	swait.ge [sflag:s6], $0x80  }
0xac: {  	[sflag:s6] =	ssyncset.done $0x0  }
0xad: {  	[sflag:s6] =	ssyncadd.s32 $0xFFFFFF80  }
0xae: {  	_ =	swait.ge [sflag:s6], $0x80  }
0xaf: {  	[sflag:s6] =	ssyncset.done $0x0  }
0xb0: {  	[sflag:s6] =	ssyncadd.s32 $0xFFFFFF80  }
0xb1: {  	_ =	swait.ge [sflag:s6], $0x80  }
0xb2: {  	[sflag:s6] =	ssyncset.done $0x0  }
0xb3: {  	[sflag:s6] =	ssyncadd.s32 $0xFFFFFF80  }
0xb4: {  	_ =	swait.ge [sflag:s6], $0x80  }
0xb5: {  	[sflag:s6] =	ssyncset.done $0x0  }
0xb6: {  	[sflag:s6] =	ssyncadd.s32 $0xFFFFFF80  }
0xb7: {  	_ =	swait.ge [sflag:s6], $0x80  }
0xb8: {  	[sflag:s6] =	ssyncset.done $0x0  }
0xb9: {  	s20 =	simm.s32 $0x9B00;
	[sflag:s6] =	ssyncadd.s32 $0xFFFFFF80  }
0xba: {  	[spmem:s0] =	stream.indirect.scatter.add.f32 [tilespmem:s17], [sflag:$0x2], $0x1, s20, s11, $0xb8;
	[tilespmem:$0xB780] =	vst v63  }
0xbb: {  	_ = 	snop  }
0xbc: {  	[spmem:s23] =	stream.indirect.scatter.add.f32 [tilespmem:s22], [sflag:$0x2], $0x1, s20, s11, $0xb8;
	[tilespmem:$0xB780] =	vst v63  }
0xbd: {  	_ = 	snop  }
0xbe: {  	[spmem:s3] =	stream.indirect.scatter.add.f32 [tilespmem:s25], [sflag:$0x2], $0x1, s20, s11, $0xb8;
	[tilespmem:$0xB780] =	vst v63  }
0xbf: {  	_ = 	snop  }
0xc0: {  	[spmem:s4] =	stream.indirect.scatter.add.f32 [tilespmem:s26], [sflag:$0x2], $0x1, s20, s11, $0xb8;
	[tilespmem:$0xB780] =	vst v63  }
0xc1: {  	_ = 	snop  }
0xc2: {  	[spmem:s5] =	stream.indirect.scatter.add.f32 [tilespmem:s28], [sflag:$0x2], $0x1, s20, s11, $0xb8;
	[tilespmem:$0xB780] =	vst v63  }
0xc3: {  	_ = 	snop  }
0xc4: {  	[spmem:s7] =	stream.indirect.scatter.add.f32 [tilespmem:s29], [sflag:$0x2], $0x1, s20, s11, $0xb8;
	[tilespmem:$0xB780] =	vst v63  }
0xc5: {  	_ =	swait.ge [sflag:s6], $0x80  }
0xc6: {  	[sflag:s6] =	ssyncset.done $0x0  }
0xc7: {  	[sflag:s6] =	ssyncadd.s32 $0xFFFFFF80  }
0xc8: {  	_ =	swait.ge [sflag:s6], $0x80  }
0xc9: {  	[sflag:s6] =	ssyncset.done $0x0  }
0xca: {  	[sflag:s6] =	ssyncadd.s32 $0xFFFFFF80  }
0xcb: {  	_ =	swait.ge [sflag:s6], $0x80  }
0xcc: {  	[sflag:s6] =	ssyncset.done $0x0  }
0xcd: {  	[sflag:s6] =	ssyncadd.s32 $0xFFFFFF80  }
0xce: {  	_ =	swait.ge [sflag:s6], $0x80  }
0xcf: {  	[sflag:s6] =	ssyncset.done $0x0  }
0xd0: {  	[sflag:s6] =	ssyncadd.s32 $0xFFFFFF80  }
0xd1: {  	_ =	swait.ge [sflag:s6], $0x80  }
0xd2: {  	[sflag:s6] =	ssyncset.done $0x0  }
0xd3: {  	[sflag:s6] =	ssyncadd.s32 $0xFFFFFF80  }
0xd4: {  	_ =	swait.ge [sflag:s6], $0x80  }
0xd5: {  	[sflag:s6] =	ssyncset.done $0x0  }
0xd6: {  	s22 =	simm.s32 $0x9B80;
	[sflag:s6] =	ssyncadd.s32 $0xFFFFFF80  }
0xd7: {  	[spmem:s0] =	stream.indirect.scatter.add.f32 [tilespmem:s30], [sflag:$0x2], $0x1, s22, s11, $0xb8;
	[tilespmem:$0xB780] =	vst v63  }
0xd8: {  	_ = 	snop  }
0xd9: {  	[spmem:s23] =	stream.indirect.scatter.add.f32 [tilespmem:s31], [sflag:$0x2], $0x1, s22, s11, $0xb8;
	[tilespmem:$0xB780] =	vst v63  }
0xda: {  	_ = 	snop  }
0xdb: {  	[spmem:s3] =	stream.indirect.scatter.add.f32 [tilespmem:s14], [sflag:$0x2], $0x1, s22, s11, $0xb8;
	[tilespmem:$0xB780] =	vst v63  }
0xdc: {  	_ = 	snop  }
0xdd: {  	[spmem:s4] =	stream.indirect.scatter.add.f32 [tilespmem:s21], [sflag:$0x2], $0x1, s22, s11, $0xb8;
	[tilespmem:$0xB780] =	vst v63  }
0xde: {  	_ = 	snop  }
0xdf: {  	[spmem:s5] =	stream.indirect.scatter.add.f32 [tilespmem:s24], [sflag:$0x2], $0x1, s22, s11, $0xb8;
	[tilespmem:$0xB780] =	vst v63  }
0xe0: {  	_ = 	snop  }
0xe1: {  	[spmem:s7] =	stream.indirect.scatter.add.f32 [tilespmem:s18], [sflag:$0x2], $0x1, s22, s11, $0xb8;
	[tilespmem:$0xB780] =	vst v63  }
0xe2: {  	_ =	swait.ge [sflag:s15], $0x80  }
0xe3: {  	[sflag:s15] =	ssyncset.done $0x0  }
0xe4: {  	[sflag:s15] =	ssyncadd.s32 $0xFFFFFF80  }
0xe5: {  	_ =	swait.ge [sflag:s15], $0x80  }
0xe6: {  	[sflag:s15] =	ssyncset.done $0x0  }
0xe7: {  	[sflag:s15] =	ssyncadd.s32 $0xFFFFFF80  }
0xe8: {  	_ =	swait.ge [sflag:s15], $0x80  }
0xe9: {  	[sflag:s15] =	ssyncset.done $0x0  }
0xea: {  	[sflag:s15] =	ssyncadd.s32 $0xFFFFFF80  }
0xeb: {  	_ =	swait.ge [sflag:s15], $0x80  }
0xec: {  	[sflag:s15] =	ssyncset.done $0x0  }
0xed: {  	[sflag:s15] =	ssyncadd.s32 $0xFFFFFF80  }
0xee: {  	_ =	swait.ge [sflag:s15], $0x80  }
0xef: {  	[sflag:s15] =	ssyncset.done $0x0  }
0xf0: {  	[sflag:s15] =	ssyncadd.s32 $0xFFFFFF80  }
0xf1: {  	_ =	swait.ge [sflag:s15], $0x80  }
0xf2: {  	[sflag:s15] =	ssyncset.done $0x0  }
0xf3: {  	[sflag:s15] =	ssyncadd.s32 $0xFFFFFF80  }
0xf4: {  	_ =	swait.ge [sflag:s15], $0x80  }
0xf5: {  	[sflag:s15] =	ssyncset.done $0x0  }
0xf6: {  	[sflag:s15] =	ssyncadd.s32 $0xFFFFFF80  }
0xf7: {  	_ =	swait.ge [sflag:s15], $0x80  }
0xf8: {  	[sflag:s15] =	ssyncset.done $0x0  }
0xf9: {  	[sflag:s15] =	ssyncadd.s32 $0xFFFFFF80  }
0xfa: {  	_ =	swait.ge [sflag:s15], $0x80  }
0xfb: {  	[sflag:s15] =	ssyncset.done $0x0  }
0xfc: {  	[sflag:s15] =	ssyncadd.s32 $0xFFFFFF80  }
0xfd: {  	_ =	swait.ge [sflag:s15], $0x80  }
0xfe: {  	[sflag:s15] =	ssyncset.done $0x0  }
0xff: {  	[sflag:s15] =	ssyncadd.s32 $0xFFFFFF80  }
0x100: {  	_ =	swait.ge [sflag:s15], $0x80  }
0x101: {  	[sflag:s15] =	ssyncset.done $0x0  }
0x102: {  	s1 =	smov.u32 s0;
	[sflag:s15] =	ssyncadd.s32 $0xFFFFFF80  }
0x103: {  	s19 =	simm.s32 $0x800;
	s17 =	smov.u32 s2;
	_ =	swait.ge [sflag:s15], $0x80  }
0x104: {  	s2 =	smov.u32 s23;
	s23 =	simm.s32 $0x100;
	[sflag:s15] =	ssyncset.done $0x0  }
.LBB2_3:
0x105: {  	s0 =	sadd.s32 $0x9300, s23;
	[sflag:s15] =	ssyncadd.s32 $0xFFFFFF80  }
0x106: {  	s22 =	smov.u32 s19;
	s16 =	sadd.s32 $0x400, s19;
	s20 =	simm.s32 $0xA300  }
0x107: {  	[tilespmem:s20], [sflag:$0x1] =	stream.indirect.gather [spmem:s8], $0x1, s0, s11, $0xb8;
	[tilespmem:$0xB780] =	vst v63  }
0x108: {  	p0 =	sne.s32 s19, $0x1C00;
	s19 =	simm.s32 $0xA380  }
0x109: {  	[tilespmem:s19], [sflag:$0x1] =	stream.indirect.gather [spmem:s9], $0x1, s0, s11, $0xb8;
	[tilespmem:$0xB780] =	vst v63  }
0x10a: {  	_ = 	snop  }
0x10b: {  	[tilespmem:s25], [sflag:$0x1] =	stream.indirect.gather [spmem:s10], $0x1, s0, s11, $0xb8;
	[tilespmem:$0xB780] =	vst v63  }
0x10c: {  	_ = 	snop  }
0x10d: {  	[tilespmem:s26], [sflag:$0x1] =	stream.indirect.gather [spmem:s12], $0x1, s0, s11, $0xb8;
	[tilespmem:$0xB780] =	vst v63  }
0x10e: {  	_ = 	snop  }
0x10f: {  	[tilespmem:s28], [sflag:$0x1] =	stream.indirect.gather [spmem:s13], $0x1, s0, s11, $0xb8;
	[tilespmem:$0xB780] =	vst v63  }
0x110: {  	_ = 	snop  }
0x111: {  	[tilespmem:s29], [sflag:$0x1] =	stream.indirect.gather [spmem:s17], $0x1, s0, s11, $0xb8;
	[tilespmem:$0xB780] =	vst v63  }
0x112: {  	s0 =	sadd.s32 $0x9380, s23  }
0x113: {  	[tilespmem:s30], [sflag:$0x1] =	stream.indirect.gather [spmem:s8], $0x1, s0, s11, $0xb8;
	[tilespmem:$0xB780] =	vst v63  }
0x114: {  	_ = 	snop  }
0x115: {  	[tilespmem:s31], [sflag:$0x1] =	stream.indirect.gather [spmem:s9], $0x1, s0, s11, $0xb8;
	[tilespmem:$0xB780] =	vst v63  }
0x116: {  	_ = 	snop  }
0x117: {  	[tilespmem:s14], [sflag:$0x1] =	stream.indirect.gather [spmem:s10], $0x1, s0, s11, $0xb8;
	[tilespmem:$0xB780] =	vst v63  }
0x118: {  	_ = 	snop  }
0x119: {  	[tilespmem:s21], [sflag:$0x1] =	stream.indirect.gather [spmem:s12], $0x1, s0, s11, $0xb8;
	[tilespmem:$0xB780] =	vst v63  }
0x11a: {  	_ = 	snop  }
0x11b: {  	[tilespmem:s24], [sflag:$0x1] =	stream.indirect.gather [spmem:s13], $0x1, s0, s11, $0xb8;
	[tilespmem:$0xB780] =	vst v63  }
0x11c: {  	_ = 	snop  }
0x11d: {  	[tilespmem:s18], [sflag:$0x1] =	stream.indirect.gather [spmem:s17], $0x1, s0, s11, $0xb8;
	[tilespmem:$0xB780] =	vst v63  }
0x11e: {  	_ =	swait.ge [sflag:s6], $0x80  }
0x11f: {  	[sflag:s6] =	ssyncset.done $0x0  }
0x120: {  	[sflag:s6] =	ssyncadd.s32 $0xFFFFFF80  }
0x121: {  	_ =	swait.ge [sflag:s6], $0x80  }
0x122: {  	[sflag:s6] =	ssyncset.done $0x0  }
0x123: {  	[sflag:s6] =	ssyncadd.s32 $0xFFFFFF80  }
0x124: {  	_ =	swait.ge [sflag:s6], $0x80  }
0x125: {  	[sflag:s6] =	ssyncset.done $0x0  }
0x126: {  	[sflag:s6] =	ssyncadd.s32 $0xFFFFFF80  }
0x127: {  	_ =	swait.ge [sflag:s6], $0x80  }
0x128: {  	[sflag:s6] =	ssyncset.done $0x0  }
0x129: {  	[sflag:s6] =	ssyncadd.s32 $0xFFFFFF80  }
0x12a: {  	_ =	swait.ge [sflag:s6], $0x80  }
0x12b: {  	[sflag:s6] =	ssyncset.done $0x0  }
0x12c: {  	[sflag:s6] =	ssyncadd.s32 $0xFFFFFF80  }
0x12d: {  	_ =	swait.ge [sflag:s6], $0x80  }
0x12e: {  	[sflag:s6] =	ssyncset.done $0x0  }
0x12f: {  	s0 =	sadd.s32 $0x9B00, s23;
	[sflag:s6] =	ssyncadd.s32 $0xFFFFFF80  }
0x130: {  	[spmem:s1] =	stream.indirect.scatter.add.f32 [tilespmem:s20], [sflag:$0x2], $0x1, s0, s11, $0xb8;
	[tilespmem:$0xB780] =	vst v63  }
0x131: {  	_ = 	snop  }
0x132: {  	[spmem:s2] =	stream.indirect.scatter.add.f32 [tilespmem:s19], [sflag:$0x2], $0x1, s0, s11, $0xb8;
	[tilespmem:$0xB780] =	vst v63  }
0x133: {  	_ = 	snop  }
0x134: {  	[spmem:s3] =	stream.indirect.scatter.add.f32 [tilespmem:s25], [sflag:$0x2], $0x1, s0, s11, $0xb8;
	[tilespmem:$0xB780] =	vst v63  }
0x135: {  	_ = 	snop  }
0x136: {  	[spmem:s4] =	stream.indirect.scatter.add.f32 [tilespmem:s26], [sflag:$0x2], $0x1, s0, s11, $0xb8;
	[tilespmem:$0xB780] =	vst v63  }
0x137: {  	_ = 	snop  }
0x138: {  	[spmem:s5] =	stream.indirect.scatter.add.f32 [tilespmem:s28], [sflag:$0x2], $0x1, s0, s11, $0xb8;
	[tilespmem:$0xB780] =	vst v63  }
0x139: {  	_ = 	snop  }
0x13a: {  	[spmem:s7] =	stream.indirect.scatter.add.f32 [tilespmem:s29], [sflag:$0x2], $0x1, s0, s11, $0xb8;
	[tilespmem:$0xB780] =	vst v63  }
0x13b: {  	_ =	swait.ge [sflag:s6], $0x80  }
0x13c: {  	[sflag:s6] =	ssyncset.done $0x0  }
0x13d: {  	[sflag:s6] =	ssyncadd.s32 $0xFFFFFF80  }
0x13e: {  	_ =	swait.ge [sflag:s6], $0x80  }
0x13f: {  	[sflag:s6] =	ssyncset.done $0x0  }
0x140: {  	[sflag:s6] =	ssyncadd.s32 $0xFFFFFF80  }
0x141: {  	_ =	swait.ge [sflag:s6], $0x80  }
0x142: {  	[sflag:s6] =	ssyncset.done $0x0  }
0x143: {  	[sflag:s6] =	ssyncadd.s32 $0xFFFFFF80  }
0x144: {  	_ =	swait.ge [sflag:s6], $0x80  }
0x145: {  	[sflag:s6] =	ssyncset.done $0x0  }
0x146: {  	[sflag:s6] =	ssyncadd.s32 $0xFFFFFF80  }
0x147: {  	_ =	swait.ge [sflag:s6], $0x80  }
0x148: {  	[sflag:s6] =	ssyncset.done $0x0  }
0x149: {  	[sflag:s6] =	ssyncadd.s32 $0xFFFFFF80  }
0x14a: {  	_ =	swait.ge [sflag:s6], $0x80  }
0x14b: {  	[sflag:s6] =	ssyncset.done $0x0  }
0x14c: {  	s0 =	sadd.s32 $0x9B80, s23;
	[sflag:s6] =	ssyncadd.s32 $0xFFFFFF80  }
0x14d: {  	[spmem:s1] =	stream.indirect.scatter.add.f32 [tilespmem:s30], [sflag:$0x2], $0x1, s0, s11, $0xb8;
	[tilespmem:$0xB780] =	vst v63  }
0x14e: {  	_ = 	snop  }
0x14f: {  	[spmem:s2] =	stream.indirect.scatter.add.f32 [tilespmem:s31], [sflag:$0x2], $0x1, s0, s11, $0xb8;
	[tilespmem:$0xB780] =	vst v63  }
0x150: {  	_ = 	snop  }
0x151: {  	[spmem:s3] =	stream.indirect.scatter.add.f32 [tilespmem:s14], [sflag:$0x2], $0x1, s0, s11, $0xb8;
	[tilespmem:$0xB780] =	vst v63  }
0x152: {  	_ = 	snop  }
0x153: {  	[spmem:s4] =	stream.indirect.scatter.add.f32 [tilespmem:s21], [sflag:$0x2], $0x1, s0, s11, $0xb8;
	[tilespmem:$0xB780] =	vst v63  }
0x154: {  	_ = 	snop  }
0x155: {  	[spmem:s5] =	stream.indirect.scatter.add.f32 [tilespmem:s24], [sflag:$0x2], $0x1, s0, s11, $0xb8;
	[tilespmem:$0xB780] =	vst v63  }
0x156: {  	_ = 	snop  }
0x157: {  	[spmem:s7] =	stream.indirect.scatter.add.f32 [tilespmem:s18], [sflag:$0x2], $0x1, s0, s11, $0xb8;
	[tilespmem:$0xB780] =	vst v63  }
0x158: {  	_ =	swait.ge [sflag:s15], $0x80  }
0x159: {  	[sflag:s15] =	ssyncset.done $0x0  }
0x15a: {  	[sflag:s15] =	ssyncadd.s32 $0xFFFFFF80  }
0x15b: {  	_ =	swait.ge [sflag:s15], $0x80  }
0x15c: {  	[sflag:s15] =	ssyncset.done $0x0  }
0x15d: {  	[sflag:s15] =	ssyncadd.s32 $0xFFFFFF80  }
0x15e: {  	_ =	swait.ge [sflag:s15], $0x80  }
0x15f: {  	[sflag:s15] =	ssyncset.done $0x0  }
0x160: {  	[sflag:s15] =	ssyncadd.s32 $0xFFFFFF80  }
0x161: {  	_ =	swait.ge [sflag:s15], $0x80  }
0x162: {  	[sflag:s15] =	ssyncset.done $0x0  }
0x163: {  	[sflag:s15] =	ssyncadd.s32 $0xFFFFFF80  }
0x164: {  	_ =	swait.ge [sflag:s15], $0x80  }
0x165: {  	[sflag:s15] =	ssyncset.done $0x0  }
0x166: {  	[sflag:s15] =	ssyncadd.s32 $0xFFFFFF80  }
0x167: {  	_ =	swait.ge [sflag:s15], $0x80  }
0x168: {  	[sflag:s15] =	ssyncset.done $0x0  }
0x169: {  	[sflag:s15] =	ssyncadd.s32 $0xFFFFFF80  }
0x16a: {  	_ =	swait.ge [sflag:s15], $0x80  }
0x16b: {  	[sflag:s15] =	ssyncset.done $0x0  }
0x16c: {  	[sflag:s15] =	ssyncadd.s32 $0xFFFFFF80  }
0x16d: {  	_ =	swait.ge [sflag:s15], $0x80  }
0x16e: {  	[sflag:s15] =	ssyncset.done $0x0  }
0x16f: {  	[sflag:s15] =	ssyncadd.s32 $0xFFFFFF80  }
0x170: {  	_ =	swait.ge [sflag:s15], $0x80  }
0x171: {  	[sflag:s15] =	ssyncset.done $0x0  }
0x172: {  	[sflag:s15] =	ssyncadd.s32 $0xFFFFFF80  }
0x173: {  	_ =	swait.ge [sflag:s15], $0x80  }
0x174: {  	[sflag:s15] =	ssyncset.done $0x0  }
0x175: {  	[sflag:s15] =	ssyncadd.s32 $0xFFFFFF80  }
.Ltmp0:
0x176: {  	_ =	swait.ge [sflag:s15], $0x80;
	(pc) =	sbr.rel @p0 .LBB2_3-.Ltmp0, $4  }
0x177: {  	[sflag:s15] =	ssyncset.done $0x0  }
0x178: {  	[sflag:s15] =	ssyncadd.s32 $0xFFFFFF80  }
0x179: {  	_ =	swait.ge [sflag:s15], $0x80  }
0x17a: {  	s19 =	smov.u32 s16;
	s23 =	sshra.s32 s22, $0x2;
	[sflag:s15] =	ssyncset.done $0x0  }
0x17b: {  	s0 =	sadd.s32 $0x9300, s23;
	[sflag:s15] =	ssyncadd.s32 $0xFFFFFF80;
	s16 =	simm.s32 $0xA300  }
0x17c: {  	[tilespmem:s16], [sflag:$0x1] =	stream.indirect.gather [spmem:s8], $0x1, s0, s11, $0xb8;
	[tilespmem:$0xB780] =	vst v63  }
0x17d: {  	s19 =	simm.s32 $0xA380  }
0x17e: {  	[tilespmem:s19], [sflag:$0x1] =	stream.indirect.gather [spmem:s9], $0x1, s0, s11, $0xb8;
	[tilespmem:$0xB780] =	vst v63  }
0x17f: {  	_ = 	snop  }
0x180: {  	[tilespmem:s25], [sflag:$0x1] =	stream.indirect.gather [spmem:s10], $0x1, s0, s11, $0xb8;
	[tilespmem:$0xB780] =	vst v63  }
0x181: {  	_ = 	snop  }
0x182: {  	[tilespmem:s26], [sflag:$0x1] =	stream.indirect.gather [spmem:s12], $0x1, s0, s11, $0xb8;
	[tilespmem:$0xB780] =	vst v63  }
0x183: {  	_ = 	snop  }
0x184: {  	[tilespmem:s28], [sflag:$0x1] =	stream.indirect.gather [spmem:s13], $0x1, s0, s11, $0xb8;
	[tilespmem:$0xB780] =	vst v63  }
0x185: {  	_ = 	snop  }
0x186: {  	[tilespmem:s29], [sflag:$0x1] =	stream.indirect.gather [spmem:s17], $0x1, s0, s11, $0xb8;
	[tilespmem:$0xB780] =	vst v63  }
0x187: {  	s20 =	sadd.s32 $0x9380, s23  }
0x188: {  	[tilespmem:s30], [sflag:$0x1] =	stream.indirect.gather [spmem:s8], $0x1, s20, s11, $0xb8;
	[tilespmem:$0xB780] =	vst v63  }
0x189: {  	_ = 	snop  }
0x18a: {  	[tilespmem:s31], [sflag:$0x1] =	stream.indirect.gather [spmem:s9], $0x1, s20, s11, $0xb8;
	[tilespmem:$0xB780] =	vst v63  }
0x18b: {  	_ = 	snop  }
0x18c: {  	[tilespmem:s14], [sflag:$0x1] =	stream.indirect.gather [spmem:s10], $0x1, s20, s11, $0xb8;
	[tilespmem:$0xB780] =	vst v63  }
0x18d: {  	_ = 	snop  }
0x18e: {  	[tilespmem:s21], [sflag:$0x1] =	stream.indirect.gather [spmem:s12], $0x1, s20, s11, $0xb8;
	[tilespmem:$0xB780] =	vst v63  }
0x18f: {  	_ = 	snop  }
0x190: {  	[tilespmem:s24], [sflag:$0x1] =	stream.indirect.gather [spmem:s13], $0x1, s20, s11, $0xb8;
	[tilespmem:$0xB780] =	vst v63  }
0x191: {  	_ = 	snop  }
0x192: {  	[tilespmem:s18], [sflag:$0x1] =	stream.indirect.gather [spmem:s17], $0x1, s20, s11, $0xb8;
	[tilespmem:$0xB780] =	vst v63  }
0x193: {  	_ =	swait.ge [sflag:s6], $0x80  }
0x194: {  	[sflag:s6] =	ssyncset.done $0x0  }
0x195: {  	[sflag:s6] =	ssyncadd.s32 $0xFFFFFF80  }
0x196: {  	_ =	swait.ge [sflag:s6], $0x80  }
0x197: {  	[sflag:s6] =	ssyncset.done $0x0  }
0x198: {  	[sflag:s6] =	ssyncadd.s32 $0xFFFFFF80  }
0x199: {  	_ =	swait.ge [sflag:s6], $0x80  }
0x19a: {  	[sflag:s6] =	ssyncset.done $0x0  }
0x19b: {  	[sflag:s6] =	ssyncadd.s32 $0xFFFFFF80  }
0x19c: {  	_ =	swait.ge [sflag:s6], $0x80  }
0x19d: {  	[sflag:s6] =	ssyncset.done $0x0  }
0x19e: {  	[sflag:s6] =	ssyncadd.s32 $0xFFFFFF80  }
0x19f: {  	_ =	swait.ge [sflag:s6], $0x80  }
0x1a0: {  	[sflag:s6] =	ssyncset.done $0x0  }
0x1a1: {  	[sflag:s6] =	ssyncadd.s32 $0xFFFFFF80  }
0x1a2: {  	_ =	swait.ge [sflag:s6], $0x80  }
0x1a3: {  	[sflag:s6] =	ssyncset.done $0x0  }
0x1a4: {  	s22 =	sadd.s32 $0x9B00, s23;
	[sflag:s6] =	ssyncadd.s32 $0xFFFFFF80  }
0x1a5: {  	[spmem:s1] =	stream.indirect.scatter.add.f32 [tilespmem:s16], [sflag:$0x2], $0x1, s22, s11, $0xb8;
	[tilespmem:$0xB780] =	vst v63  }
0x1a6: {  	_ = 	snop  }
0x1a7: {  	[spmem:s2] =	stream.indirect.scatter.add.f32 [tilespmem:s19], [sflag:$0x2], $0x1, s22, s11, $0xb8;
	[tilespmem:$0xB780] =	vst v63  }
0x1a8: {  	_ = 	snop  }
0x1a9: {  	[spmem:s3] =	stream.indirect.scatter.add.f32 [tilespmem:s25], [sflag:$0x2], $0x1, s22, s11, $0xb8;
	[tilespmem:$0xB780] =	vst v63  }
0x1aa: {  	_ = 	snop  }
0x1ab: {  	[spmem:s4] =	stream.indirect.scatter.add.f32 [tilespmem:s26], [sflag:$0x2], $0x1, s22, s11, $0xb8;
	[tilespmem:$0xB780] =	vst v63  }
0x1ac: {  	_ = 	snop  }
0x1ad: {  	[spmem:s5] =	stream.indirect.scatter.add.f32 [tilespmem:s28], [sflag:$0x2], $0x1, s22, s11, $0xb8;
	[tilespmem:$0xB780] =	vst v63  }
0x1ae: {  	_ = 	snop  }
0x1af: {  	[spmem:s7] =	stream.indirect.scatter.add.f32 [tilespmem:s29], [sflag:$0x2], $0x1, s22, s11, $0xb8;
	[tilespmem:$0xB780] =	vst v63  }
0x1b0: {  	_ =	swait.ge [sflag:s6], $0x80  }
0x1b1: {  	[sflag:s6] =	ssyncset.done $0x0  }
0x1b2: {  	[sflag:s6] =	ssyncadd.s32 $0xFFFFFF80  }
0x1b3: {  	_ =	swait.ge [sflag:s6], $0x80  }
0x1b4: {  	[sflag:s6] =	ssyncset.done $0x0  }
0x1b5: {  	[sflag:s6] =	ssyncadd.s32 $0xFFFFFF80  }
0x1b6: {  	_ =	swait.ge [sflag:s6], $0x80  }
0x1b7: {  	[sflag:s6] =	ssyncset.done $0x0  }
0x1b8: {  	[sflag:s6] =	ssyncadd.s32 $0xFFFFFF80  }
0x1b9: {  	_ =	swait.ge [sflag:s6], $0x80  }
0x1ba: {  	[sflag:s6] =	ssyncset.done $0x0  }
0x1bb: {  	[sflag:s6] =	ssyncadd.s32 $0xFFFFFF80  }
0x1bc: {  	_ =	swait.ge [sflag:s6], $0x80  }
0x1bd: {  	[sflag:s6] =	ssyncset.done $0x0  }
0x1be: {  	[sflag:s6] =	ssyncadd.s32 $0xFFFFFF80  }
0x1bf: {  	_ =	swait.ge [sflag:s6], $0x80  }
0x1c0: {  	[sflag:s6] =	ssyncset.done $0x0  }
0x1c1: {  	s20 =	sadd.s32 $0x9B80, s23;
	[sflag:s6] =	ssyncadd.s32 $0xFFFFFF80  }
0x1c2: {  	[spmem:s1] =	stream.indirect.scatter.add.f32 [tilespmem:s30], [sflag:$0x2], $0x1, s20, s11, $0xb8;
	[tilespmem:$0xB780] =	vst v63  }
0x1c3: {  	_ = 	snop  }
0x1c4: {  	[spmem:s2] =	stream.indirect.scatter.add.f32 [tilespmem:s31], [sflag:$0x2], $0x1, s20, s11, $0xb8;
	[tilespmem:$0xB780] =	vst v63  }
0x1c5: {  	_ = 	snop  }
0x1c6: {  	[spmem:s3] =	stream.indirect.scatter.add.f32 [tilespmem:s14], [sflag:$0x2], $0x1, s20, s11, $0xb8;
	[tilespmem:$0xB780] =	vst v63  }
0x1c7: {  	_ = 	snop  }
0x1c8: {  	[spmem:s4] =	stream.indirect.scatter.add.f32 [tilespmem:s21], [sflag:$0x2], $0x1, s20, s11, $0xb8;
	[tilespmem:$0xB780] =	vst v63  }
0x1c9: {  	_ = 	snop  }
0x1ca: {  	[spmem:s5] =	stream.indirect.scatter.add.f32 [tilespmem:s24], [sflag:$0x2], $0x1, s20, s11, $0xb8;
	[tilespmem:$0xB780] =	vst v63  }
0x1cb: {  	_ = 	snop  }
0x1cc: {  	[spmem:s7] =	stream.indirect.scatter.add.f32 [tilespmem:s18], [sflag:$0x2], $0x1, s20, s11, $0xb8;
	[tilespmem:$0xB780] =	vst v63  }
0x1cd: {  	_ =	swait.ge [sflag:s15], $0x80  }
0x1ce: {  	[sflag:s15] =	ssyncset.done $0x0  }
0x1cf: {  	[sflag:s15] =	ssyncadd.s32 $0xFFFFFF80  }
0x1d0: {  	_ =	swait.ge [sflag:s15], $0x80  }
0x1d1: {  	[sflag:s15] =	ssyncset.done $0x0  }
0x1d2: {  	[sflag:s15] =	ssyncadd.s32 $0xFFFFFF80  }
0x1d3: {  	_ =	swait.ge [sflag:s15], $0x80  }
0x1d4: {  	[sflag:s15] =	ssyncset.done $0x0  }
0x1d5: {  	[sflag:s15] =	ssyncadd.s32 $0xFFFFFF80  }
0x1d6: {  	_ =	swait.ge [sflag:s15], $0x80  }
0x1d7: {  	[sflag:s15] =	ssyncset.done $0x0  }
0x1d8: {  	[sflag:s15] =	ssyncadd.s32 $0xFFFFFF80  }
0x1d9: {  	_ =	swait.ge [sflag:s15], $0x80  }
0x1da: {  	[sflag:s15] =	ssyncset.done $0x0  }
0x1db: {  	[sflag:s15] =	ssyncadd.s32 $0xFFFFFF80  }
0x1dc: {  	_ =	swait.ge [sflag:s15], $0x80  }
0x1dd: {  	[sflag:s15] =	ssyncset.done $0x0  }
0x1de: {  	[sflag:s15] =	ssyncadd.s32 $0xFFFFFF80  }
0x1df: {  	_ =	swait.ge [sflag:s15], $0x80  }
0x1e0: {  	[sflag:s15] =	ssyncset.done $0x0  }
0x1e1: {  	[sflag:s15] =	ssyncadd.s32 $0xFFFFFF80  }
0x1e2: {  	_ =	swait.ge [sflag:s15], $0x80  }
0x1e3: {  	[sflag:s15] =	ssyncset.done $0x0  }
0x1e4: {  	[sflag:s15] =	ssyncadd.s32 $0xFFFFFF80  }
0x1e5: {  	_ =	swait.ge [sflag:s15], $0x80  }
0x1e6: {  	[sflag:s15] =	ssyncset.done $0x0  }
0x1e7: {  	[sflag:s15] =	ssyncadd.s32 $0xFFFFFF80  }
0x1e8: {  	_ =	swait.ge [sflag:s15], $0x80  }
0x1e9: {  	[sflag:s15] =	ssyncset.done $0x0  }
0x1ea: {  	[sflag:s15] =	ssyncadd.s32 $0xFFFFFF80  }
0x1eb: {  	_ =	swait.ge [sflag:s15], $0x80  }
0x1ec: {  	[sflag:s15] =	ssyncset.done $0x0  }
0x1ed: {  	[sflag:s15] =	ssyncadd.s32 $0xFFFFFF80  }
0x1ee: {  	_ =	swait.ge [sflag:s15], $0x80  }
0x1ef: {  	s22 =	sld [smem:$0x7F0]  }
0x1f0: {  	s23 =	sld [smem:$0x7F6];
	_ =	sdelay $0x1  }
0x1f1: {  	s16 =	sadd.s32 $0x1, s22  }
0x1f2: {  	p0 =	sne.s32 s16, s23  }
.Ltmp1:
0x1f3: {  	_ = 	snop;
	(pc) =	sbr.rel @p0 .LBB2_2-.Ltmp1, $3  }
0x1f4: {  	_ =	sdelay $0x1  }
0x1f5: {  	s0 =	smov.u32 s1;
	[sflag:s15] =	ssyncset.done $0x0  }
0x1f6: {  	[sflag:s15] =	ssyncadd.s32 $0xFFFFFF80;
	s23 =	smov.u32 s2;
	s2 =	smov.u32 s17  }
0x1f7: {  	[bflag:$0x0] =	sbarrier.arrive $0xFFFF  }
0x1f8: {  	s17 =	simm.s32 $0xAB00;
	s16 =	simm.s32 $0x3;
	s18 =	rddreg [dreg:$0x18]  }
0x1f9: {  	[tilespmem:s17], [sflag:$0x3] =	stream.linear.gather [spmem:s18], $0xC40, $0x38;
	[tilespmem:$0xB780] =	vst v63  }
0x1fa: {  	_ =	swait.ge [sflag:s16], $0xC40  }
0x1fb: {  	s1 =	sld [smem:$0x7F7]  }
0x1fc: {  	[sflag:s16] =	ssyncset.done $0x0  }
0x1fd: {  	s22 =	simm.s32 $0x0;
	[sflag:s16] =	ssyncadd.s32 $0xFFFFF3C0  }
0x1fe: {  	[hbm4b:s1+s22] =	stream.linear.scatter [tilespmem:s17], [sflag:$0x3], $0xC40, $0x38;
	[tilespmem:$0xB780] =	vst v63  }
0x1ff: {  	_ =	swait.ge [sflag:s16], $0xC40  }
0x200: {  	[sflag:s16] =	ssyncset.done $0x0  }
0x201: {  	s25 =	rddreg [dreg:$0x19];
	[sflag:s16] =	ssyncadd.s32 $0xFFFFF3C0  }
0x202: {  	[tilespmem:s17], [sflag:$0x3] =	stream.linear.gather [spmem:s25], $0xC40, $0x38;
	[tilespmem:$0xB780] =	vst v63  }
0x203: {  	_ =	swait.ge [sflag:s16], $0xC40  }
0x204: {  	s20 =	sld [smem:$0x7F8]  }
0x205: {  	[sflag:s16] =	ssyncset.done $0x0  }
0x206: {  	[sflag:s16] =	ssyncadd.s32 $0xFFFFF3C0  }
0x207: {  	[hbm4b:s20+s22] =	stream.linear.scatter [tilespmem:s17], [sflag:$0x3], $0xC40, $0x38;
	[tilespmem:$0xB780] =	vst v63  }
0x208: {  	_ =	swait.ge [sflag:s16], $0xC40  }
0x209: {  	[sflag:s16] =	ssyncset.done $0x0  }
0x20a: {  	s24 =	rddreg [dreg:$0x1a];
	[sflag:s16] =	ssyncadd.s32 $0xFFFFF3C0  }
0x20b: {  	[tilespmem:s17], [sflag:$0x3] =	stream.linear.gather [spmem:s24], $0xC40, $0x38;
	[tilespmem:$0xB780] =	vst v63  }
0x20c: {  	_ =	swait.ge [sflag:s16], $0xC40  }
0x20d: {  	s21 =	sld [smem:$0x7F9]  }
0x20e: {  	[sflag:s16] =	ssyncset.done $0x0  }
0x20f: {  	[sflag:s16] =	ssyncadd.s32 $0xFFFFF3C0  }
0x210: {  	[hbm4b:s21+s22] =	stream.linear.scatter [tilespmem:s17], [sflag:$0x3], $0xC40, $0x38;
	[tilespmem:$0xB780] =	vst v63  }
0x211: {  	_ =	swait.ge [sflag:s16], $0xC40  }
0x212: {  	[sflag:s16] =	ssyncset.done $0x0  }
0x213: {  	s20 =	rddreg [dreg:$0x1b];
	[sflag:s16] =	ssyncadd.s32 $0xFFFFF3C0  }
0x214: {  	[tilespmem:s17], [sflag:$0x3] =	stream.linear.gather [spmem:s20], $0xC40, $0x38;
	[tilespmem:$0xB780] =	vst v63  }
0x215: {  	_ =	swait.ge [sflag:s16], $0xC40  }
0x216: {  	s14 =	sld [smem:$0x7FA]  }
0x217: {  	[sflag:s16] =	ssyncset.done $0x0  }
0x218: {  	[sflag:s16] =	ssyncadd.s32 $0xFFFFF3C0  }
0x219: {  	[hbm4b:s14+s22] =	stream.linear.scatter [tilespmem:s17], [sflag:$0x3], $0xC40, $0x38;
	[tilespmem:$0xB780] =	vst v63  }
0x21a: {  	_ =	swait.ge [sflag:s16], $0xC40  }
0x21b: {  	[sflag:s16] =	ssyncset.done $0x0  }
0x21c: {  	s21 =	rddreg [dreg:$0x1c];
	[sflag:s16] =	ssyncadd.s32 $0xFFFFF3C0  }
0x21d: {  	[tilespmem:s17], [sflag:$0x3] =	stream.linear.gather [spmem:s21], $0xC40, $0x38;
	[tilespmem:$0xB780] =	vst v63  }
0x21e: {  	_ =	swait.ge [sflag:s16], $0xC40  }
0x21f: {  	s19 =	sld [smem:$0x7FB]  }
0x220: {  	[sflag:s16] =	ssyncset.done $0x0  }
0x221: {  	[sflag:s16] =	ssyncadd.s32 $0xFFFFF3C0  }
0x222: {  	[hbm4b:s19+s22] =	stream.linear.scatter [tilespmem:s17], [sflag:$0x3], $0xC40, $0x38;
	[tilespmem:$0xB780] =	vst v63  }
0x223: {  	_ =	swait.ge [sflag:s16], $0xC40  }
0x224: {  	[sflag:s16] =	ssyncset.done $0x0  }
0x225: {  	s19 =	rddreg [dreg:$0x1d];
	[sflag:s16] =	ssyncadd.s32 $0xFFFFF3C0  }
0x226: {  	[tilespmem:s17], [sflag:$0x3] =	stream.linear.gather [spmem:s19], $0xC40, $0x38;
	[tilespmem:$0xB780] =	vst v63  }
0x227: {  	_ =	swait.ge [sflag:s16], $0xC40  }
0x228: {  	s14 =	sld [smem:$0x7FC]  }
0x229: {  	[sflag:s16] =	ssyncset.done $0x0  }
0x22a: {  	[sflag:s16] =	ssyncadd.s32 $0xFFFFF3C0  }
0x22b: {  	[hbm4b:s14+s22] =	stream.linear.scatter [tilespmem:s17], [sflag:$0x3], $0xC40, $0x38;
	[tilespmem:$0xB780] =	vst v63  }
0x22c: {  	_ =	swait.ge [sflag:s16], $0xC40  }
0x22d: {  	s14 =	sld [smem:$0x7F1]  }
0x22e: {  	[sflag:s16] =	ssyncset.done $0x0;
	s16 =	sld [smem:$0x7FD];
	_ =	sdelay $0x1  }
0x22f: {  	s14 =	sadd.s32 $0x1, s14  }
0x230: {  	p0 =	sne.s32 s14, s16  }
.Ltmp2:
0x231: {  	_ = 	snop;
	(pc) =	sbr.rel @p0 .LBB2_1-.Ltmp2, $3  }
0x232: {  	_ =	sdelay $0x1  }
0x233: {  	s16 =	simm.s32 $0x3  }
0x234: {  	[sflag:s16] =	ssyncadd.s32 $0xFFFFF3C0  }
0x235: {  	_ =	sfence.sel $0x180000  }
0x236: {  	[bflag:$0x0] =	sbarrier.arrive $0xFFFF  }
0x237: {  	_ =	strace $0x9000004D  }
0x238: {  	s0 =	stileid.u32;
	[bflag:$0x2] =	sbarrier.arrive $0xFFFF  }
0x239: {  	p0 =	sne.s32 s0, $0x0;
	s0 =	rddreg [dreg:$0xd]  }
0x23a: {  	s0 =	sadd.s32 @!p0 $0x100000, s0  }
0x23b: {  	[sflag:s0] =	ssyncadd.tile.s32 @!p0 $0x1;
	_ =	shalt  }
.Lfunc_end2:
_tile_overlayer_lowered:
.L_overlay_start_2:
0x23c: {  	(tag) =	ssettag $0x2  }
0x23d: {  	s0 =	rddreg [dreg:$0x0];
	s2 =	stileid.u32  }
0x23e: {  	s1 =	rddreg [dreg:$0x1];
	p0 =	sne.s32 s2, $0x0  }
0x23f: {  	s3 =	rddreg [dreg:$0x2];
	[bflag:$0x3] =	sbarrier.arrive $0xFFFF;
	s2 =	simm.s32 @!p0 $0x1C03  }
0x240: {  	[timem:s3], [sflag:s2] =	dma.local @!p0 [hbm:s0], s1  }
0x241: {  	s0 =	simm.s32 @!p0 $0x3  }
0x242: {  	_ =	swait.ge @!p0 [sflag:s0], s1  }
0x243: {  	s1 =	ssub.s32 @!p0 $0x0, s1;
	[sflag:s0] =	ssyncset.done @!p0 $0x0  }
0x244: {  	[sflag:s0] =	ssyncadd.s32 @!p0 s1  }
0x245: {  	[bflag:$0x3] =	sbarrier.arrive $0xFFFF  }
0x246: {  	_ =	shalt  }

// kernel: kernel.8.cloned.1.call-start
scs
__scs_entry_jumppad:
0x0: {  	(pc) =	sbr.rel $0x88, $3  }
0x1: {  	(tag) =	ssettag $0x0;
	lr =	simm.s32 $0x1  }
0x2: {  	[smem:$0x3F9A] =	sst lr;
	_ =	strace $0xD0000000  }
0x3: {  	_ = 	snop  }
0x4: {  	_ = 	snop  }
0x5: {  	_ = 	snop  }
0x6: {  	_ = 	snop  }
0x7: {  	_ = 	snop  }
__scs_overlays_trampoline_lowered:
0x8: {  	[smem:$0x3FA9] =	sst s0  }
0x9: {  	[smem:$0x3FAA] =	sst s1  }
0xa: {  	[smem:$0x3FAB] =	sst s2  }
0xb: {  	[smem:$0x3FAC] =	sst s3  }
0xc: {  	[smem:$0x3FAD] =	sst s4  }
0xd: {  	[smem:$0x3FAE] =	sst s5  }
0xe: {  	[smem:$0x3FAF] =	sst s6  }
0xf: {  	[smem:$0x3FB0] =	sst s7  }
0x10: {  	[smem:$0x3FB1] =	sst s8  }
0x11: {  	[smem:$0x3FB2] =	sst s9;
	s0 =	simm.s32 @!p0 $0x0  }
0x12: {  	s1 =	sld [smem:$0x3F98];
	s0 =	simm.s32 @p0 $0x1  }
0x13: {  	[smem:$0x3FB3] =	sst s0;
	s0 =	simm.s32 @!p1 $0x0  }
0x14: {  	s2 =	sld [smem:$0x3F97];
	s0 =	simm.s32 @p1 $0x1  }
0x15: {  	[smem:$0x3FB4] =	sst s0;
	s0 =	simm.s32 @!p2 $0x0  }
0x16: {  	s3 =	sld [smem:$0x3FDB];
	s0 =	simm.s32 @p2 $0x1  }
0x17: {  	s4 =	simm.s32 $0x1BF5;
	[smem:$0x3FB6] =	sst s0  }
0x18: {  	s0 =	sld [smem:$0x3F99];
	_ =	swait.ge [sflag:s4], $0x0  }
0x19: {  	s7 =	sld [smem:$0x3F9A]  }
0x1a: {  	s8 =	sadd.s32 $0xFFFFE003, lr  }
0x1b: {  	s9 =	sadd.s32 $0xFFFFFEF7, lr;
	s5 =	simm.s32 $0xFFFFFFFF;
	p2 =	slt.u32 s8, $0xFFFFF086  }
0x1c: {  	p1 =	slt.u32 s9, $0xF7A;
	s5 =	simm.s32 @!p2 $0x0  }
0x1d: {  	s5 =	simm.s32 @p1 $0x1;
	p0 =	seq.s32 s7, s2  }
0x1e: {  	s7 =	smul.u32 @!p0 $0xF7A, s2;
	p2 =	seq.s32 @!p0 s5, $0x0  }
0x1f: {  	s9 =	smul.u32 $0xF7A, s1;
	s8 =	simm.s32 @!p0 $0x1BF5;
	p2 =	por !p2, p0  }
0x20: {  	[sflag:s8] =	ssyncset.s32 @!p0 $0xFFFFF086;
	s6 =	sadd.s32 @!p0 s3, s7;
	s7 =	simm.s32 @!p0 $0x108  }
0x21: {  	s3 =	sadd.s32 s3, s9;
	s6 =	sadd.s32 @!p0 $0x88, s6;
	s7 =	simm.s32 @p2 $0x1082  }
0x22: {  	[simem:s7], [sflag:s8] =	dma.local @!p0 [hbm:s6], $0xF7A  }
0x23: {  	s9 =	sor.u32 $0xD0000000, s2;
	s6 =	simm.s32 $0x108;
	_ =	swait.ge @!p0 [sflag:s8], $0x0  }
0x24: {  	s3 =	sadd.s32 $0x88, s3;
	s6 =	simm.s32 @!p1 $0x1082;
	[sflag:s4] =	ssyncset.s32 $0xFFFFF086  }
0x25: {  	[simem:s6], [sflag:s4] =	dma.local [hbm:s3], $0xF7A  }
0x26: {  	[smem:$0x3F9A] =	sst s1;
	(tag) =	ssettag s2;
	_ =	strace s9  }
0x27: {  	s1 =	sld [smem:$0x3FAA]  }
0x28: {  	s2 =	sld [smem:$0x3FAB]  }
0x29: {  	s4 =	sld [smem:$0x3FAD]  }
0x2a: {  	p0 =	seq.s32 s5, $0x0;
	s5 =	sld [smem:$0x3FAE]  }
0x2b: {  	s6 =	sld [smem:$0x3FAF]  }
0x2c: {  	s7 =	sld [smem:$0x3FB0]  }
0x2d: {  	s3 =	simm.s32 $0x108;
	s8 =	sld [smem:$0x3FB1]  }
0x2e: {  	s3 =	simm.s32 @!p0 $0x1082;
	s9 =	sld [smem:$0x3FB2]  }
0x2f: {  	lr =	sadd.s32 s0, s3;
	s0 =	sld [smem:$0x3FA9]  }
0x30: {  	s3 =	sld [smem:$0x3FAC]  }
0x31: {  	[smem:$0x3FB5] =	sst s10  }
0x32: {  	s10 =	sld [smem:$0x3FB3];
	_ =	sdelay $0x3  }
0x33: {  	p0 =	seq.s32 s10, $0x1;
	s10 =	sld [smem:$0x3FB5];
	_ =	sdelay $0x3  }
0x34: {  	[smem:$0x3FB5] =	sst s10  }
0x35: {  	s10 =	sld [smem:$0x3FB4];
	_ =	sdelay $0x3  }
0x36: {  	p1 =	seq.s32 s10, $0x1;
	s10 =	sld [smem:$0x3FB5];
	_ =	sdelay $0x3  }
0x37: {  	[smem:$0x3FB5] =	sst s10  }
0x38: {  	s10 =	sld [smem:$0x3FB6]  }
0x39: {  	_ = 	snop;
	(pc) =	sbr.ind lr, $3  }
0x3a: {  	_ = 	snop  }
0x3b: {  	_ = 	snop  }
0x3c: {  	p2 =	seq.s32 s10, $0x1;
	s10 =	sld [smem:$0x3FB5]  }
0x3d: {  	_ =	shalt  }
0x3e: {  	_ =	shalt  }
0x3f: {  	_ =	shalt  }
0x40: {  	_ =	shalt  }
0x41: {  	_ =	shalt  }
0x42: {  	_ =	shalt  }
0x43: {  	_ =	shalt  }
0x44: {  	_ =	shalt  }
0x45: {  	_ =	shalt  }
0x46: {  	_ =	shalt  }
0x47: {  	_ =	shalt  }
0x48: {  	_ =	shalt  }
0x49: {  	_ =	shalt  }
0x4a: {  	_ =	shalt  }
0x4b: {  	_ =	shalt  }
0x4c: {  	_ =	shalt  }
0x4d: {  	_ =	shalt  }
0x4e: {  	_ =	shalt  }
0x4f: {  	_ =	shalt  }
0x50: {  	_ =	shalt  }
0x51: {  	_ =	shalt  }
0x52: {  	_ =	shalt  }
0x53: {  	_ =	shalt  }
0x54: {  	_ =	shalt  }
0x55: {  	_ =	shalt  }
0x56: {  	_ =	shalt  }
0x57: {  	_ =	shalt  }
0x58: {  	_ =	shalt  }
0x59: {  	_ =	shalt  }
0x5a: {  	_ =	shalt  }
0x5b: {  	_ =	shalt  }
0x5c: {  	_ =	shalt  }
0x5d: {  	_ =	shalt  }
0x5e: {  	_ =	shalt  }
0x5f: {  	_ =	shalt  }
0x60: {  	_ =	shalt  }
0x61: {  	_ =	shalt  }
0x62: {  	_ =	shalt  }
0x63: {  	_ =	shalt  }
0x64: {  	_ =	shalt  }
0x65: {  	_ =	shalt  }
0x66: {  	_ =	shalt  }
0x67: {  	_ =	shalt  }
0x68: {  	_ =	shalt  }
0x69: {  	_ =	shalt  }
0x6a: {  	_ =	shalt  }
0x6b: {  	_ =	shalt  }
0x6c: {  	_ =	shalt  }
0x6d: {  	_ =	shalt  }
0x6e: {  	_ =	shalt  }
0x6f: {  	_ =	shalt  }
0x70: {  	_ =	shalt  }
0x71: {  	_ =	shalt  }
0x72: {  	_ =	shalt  }
0x73: {  	_ =	shalt  }
0x74: {  	_ =	shalt  }
0x75: {  	_ =	shalt  }
0x76: {  	_ =	shalt  }
0x77: {  	_ =	shalt  }
0x78: {  	_ =	shalt  }
0x79: {  	_ =	shalt  }
0x7a: {  	_ =	shalt  }
0x7b: {  	_ =	shalt  }
0x7c: {  	_ =	shalt  }
0x7d: {  	_ =	shalt  }
0x7e: {  	_ =	shalt  }
0x7f: {  	_ =	shalt  }
0x80: {  	_ =	shalt  }
0x81: {  	_ =	shalt  }
0x82: {  	_ =	shalt  }
0x83: {  	_ =	shalt  }
0x84: {  	_ =	shalt  }
0x85: {  	_ =	shalt  }
0x86: {  	_ =	shalt  }
0x87: {  	_ =	shalt  }
.Lfunc_end0:
.L_simem_size_0:
called_computation_lowered:
.L_overlay_start_0:
0x88: {  	s2 =	sld [smem:$0x3FD9]  }
0x89: {  	s3 =	sld [smem:$0x3FFE];
	_ =	sdelay $0x1  }
0x8a: {  	s1 =	srdreg.scid  }
0x8b: {  	s0 =	sand.u32 $0x1, s1  }
0x8c: {  	s16 =	sshll.u32 s0, $0xA;
	s2 =	sadd.s32 s3, s2  }
0x8d: {  	s2 =	sadd.s32 s2, s16  }
0x8e: {  	[smem:$0x3FC1] =	sst s2  }
0x8f: {  	_ = 	snop  }
0x90: {  	(tm) =	ssettm $0x1  }
0x91: {  	s17 =	sld [smem:$0x3FFB];
	_ =	sdelay $0x3  }
0x92: {  	_ =	strace s17  }
0x93: {  	s2 =	sld [smem:$0x3FFC];
	_ =	sdelay $0x3  }
0x94: {  	_ =	strace s2  }
0x95: {  	s2 =	sld [smem:$0x3FFD];
	_ =	sdelay $0x3  }
0x96: {  	_ =	strace s2  }
0x97: {  	_ =	strace $0x8FFFFFFF  }
0x98: {  	s18 =	sld [smem:$0x3FDB];
	_ =	sdelay $0x1  }
0x99: {  	s19 =	simm.s32 $_scs_section_size  }
0x9a: {  	s4 =	simm.s32 $_size__tile_overlayer_lowered;
	s5 =	simm.s32 $_tile_overlayer_lowered  }
0x9b: {  	s22 =	simm.s32 $0x1BFF;
	s21 =	sshll.u32 s5, $0x1;
	s2 =	sadd.s32 s19, s18  }
0x9c: {  	s6 =	simm.s32 $0x0;
	s20 =	sshll.u32 s4, $0x1;
	s4 =	sadd.s32 s21, s2  }
0x9d: {  	[timem:s6], [sflag:s22] =	dma.local [hbm:s4], s20  }
0x9e: {  	_ =	swait.ge [sflag:s22], s20  }
0x9f: {  	s3 =	ssub.s32 $0x0, s20;
	[sflag:s22] =	ssyncset.done $0x0  }
0xa0: {  	[sflag:s22] =	ssyncadd.s32 s3;
	_ =	sdelay $0x1  }
0xa1: {  	s23 =	simm.s32 $0x1B8B  }
0xa2: {  	_ =	swait.ge [sflag:s23], $0x1  }
0xa3: {  	[sflag:s23] =	ssyncset.done $0x0  }
0xa4: {  	s25 =	simm.s32 $0x1B8E;
	s24 =	sld [smem:$0x3FFE];
	[sflag:s23] =	ssyncadd.s32 $0xFFFFFFFF  }
0xa5: {  	s26 =	simm.s32 $execute0_lowered;
	[smem:$0x3FD2] =	sst s25  }
0xa6: {  	s4 =	sshll.u32 s26, $0x1;
	_ =	strace $0x80000046;
	[dreg:$0x1] =	wrdreg $0xFFFFFFFF  }
0xa7: {  	s28 =	simm.s32 $_size_execute0_lowered;
	s2 =	sadd.s32 s2, s4;
	[dreg:$0x0] =	wrdreg $0x0  }
0xa8: {  	s4 =	sshll.u32 s28, $0x1;
	[dreg:$0x2] =	wrdreg s2  }
0xa9: {  	[dreg:$0x3] =	wrdreg s4  }
0xaa: {  	[dreg:$0x4] =	wrdreg $0xC0  }
0xab: {  	_ =	task [dreg:s6], $0x5FFFF  }
0xac: {  	[dreg:$0x1] =	wrdreg $0xFFFFFFFF  }
0xad: {  	[dreg:$0x0] =	wrdreg $0x60  }
0xae: {  	[dreg:$0x2] =	wrdreg s24  }
0xaf: {  	[dreg:$0x3] =	wrdreg $0x0  }
0xb0: {  	[dreg:$0x4] =	wrdreg $0x9  }
0xb1: {  	_ =	task.clear_ibuf [dreg:s6], $0x5FFFF;
	_ =	strace $0x90000046  }
0xb2: {  	s29 =	simm.s32 $0x9;
	_ =	strace $0x80000048  }
0xb3: {  	_ =	swait.ge [sflag:s29], $0x1  }
0xb4: {  	[sflag:s29] =	ssyncadd.s32 $0xFFFFFFFF  }
0xb5: {  	_ =	strace $0x90000048  }
0xb6: {  	_ =	sfence  }
0xb7: {  	s30 =	sld [smem:$0x0];
	_ =	sdelay $0x2  }
0xb8: {  	s31 =	sshll.u32 s1, $0xD;
	s1 =	sshrl.u32 s1, $0x2  }
0xb9: {  	s3 =	sand.u32 $0x4000, s31;
	s1 =	sadd.s32 s1, s30  }
0xba: {  	s0 =	sor.u32 s3, s0;
	s1 =	sshll.u32 s1, $0x11  }
0xbb: {  	s0 =	sor.u32 s1, s0  }
0xbc: {  	s0 =	sadd.s32 $0x8F2B, s0  }
0xbd: {  	[sflag:s0] =	ssyncadd.remote.s32 $0x1  }
0xbe: {  	_ =	sfence.sel $0xFFFF  }
0xbf: {  	[dreg:$0x0] =	wrdreg $0xFFFFFFFF;
	(pc) =	sbr.abs _section_cstart, $3  }
0xc0: {  	[dreg:$0x1] =	wrdreg $0xFFFFFFFF  }
0xc1: {  	_ =	task.clear_ibuf [dreg:s6], $0x2FFFF;
	_ =	strace $0x9FFFFFFF  }
0xc2: {  	(tm) =	ssettm $0x7FFFFFFF  }
0xc3: {  	_ =	shalt  }
tec
execute0_lowered:
.L_overlay_start_1:
0x0: {  	(tag) =	ssettag $0x1  }
0x1: {  	s0 =	srdreg.scid;
	s4 =	rddreg [dreg:$0x0]  }
0x2: {  	s1 =	simm.s32 $0x130;
	s7 =	stileid.u32;
	s2 =	rddreg [dreg:$0x1]  }
0x3: {  	s10 =	simm.s32 $0x14C0;
	s11 =	simm.s32 $0x2;
	s12 =	simm.s32 $0xC40  }
0x4: {  	s13 =	simm.s32 $0x80;
	s14 =	simm.s32 $0x1440;
	s15 =	simm.s32 $0xCC0  }
0x5: {  	s16 =	simm.s32 $0xD40;
	s17 =	simm.s32 $0xDC0;
	s18 =	simm.s32 $0xE40  }
0x6: {  	s19 =	simm.s32 $0xEC0;
	s20 =	simm.s32 $0xF40;
	s21 =	simm.s32 $0xFC0  }
0x7: {  	s22 =	simm.s32 $0x1040;
	s23 =	simm.s32 $0x10C0;
	s28 =	simm.s32 $0x12C0  }
0x8: {  	s29 =	simm.s32 $0x1340;
	s0 =	sand.u32 $0x1, s0;
	s24 =	smul.u32 $0xC40, s7  }
0x9: {  	s30 =	simm.s32 $0x13C0;
	p0 =	seq.s32 s0, $0x0;
	s5 =	smul.u32 $0x98000, s0  }
0xa: {  	s25 =	smul.u32 $0xC400, s0;
	s0 =	ssub.s32 $0x2, s0;
	s1 =	simm.s32 @!p0 $0x70  }
0xb: {  	s31 =	simm.s32 $0x1;
	s8 =	sshrl.u32 s0, $0x1;
	s3 =	smul.u32 s1, s7  }
0xc: {  	s26 =	sshrl.u32 s24, $0x3;
	s7 =	sadd.s32 s24, s25;
	s0 =	ssub.s32 s0, s8  }
0xd: {  	s25 =	simm.s32 $0x11C0;
	s7 =	sshrl.u32 s7, $0x3;
	s6 =	sshll.u32 s3, $0x7  }
0xe: {  	s8 =	smax.u32 s0, $0x1;
	s3 =	simm.s32 $0x0;
	s5 =	sadd.s32 s5, s6  }
0xf: {  	[smem:$0x7FF] =	sst s3;
	s6 =	sshrl.u32 s1, $0x4;
	s5 =	sshrl.u32 s5, $0x3  }
0x10: {  	s1 =	simm.s32 $0x0;
	_ =	strace $0x80000047;
	s9 =	sadd.s32 s5, s4  }
0x11: {  	s5 =	sadd.s32 s26, s4;
	s4 =	sadd.s32 s7, s4;
	s26 =	simm.s32 $0x1240  }
0x12: {  	s5 =	sadd.s32 $0x35A00, s5;
	s7 =	sadd.s32 $0x37400, s4;
	s4 =	sadd.s32 $0x1A00, s9  }
0x13: {  	v0 =	vimm.f32 $1.000000000e+00;
	[dreg:$0x3] =	wrdreg s5;
	s5 =	sadd.s32 s24, s2;
	s24 =	simm.s32 $0x1140  }
.LBB2_1:
0x14: {  	s0 =	rddreg [dreg:$0x3]  }
0x15: {  	[tilespmem:s10], [sflag:$0x2] =	stream.linear.gather [hbm4b:s0+s3], $0xC40, $0x38;
	[tilespmem:$0x2140] =	vst v63  }
0x16: {  	_ =	swait.ge [sflag:s11], $0xC40  }
0x17: {  	[sflag:s11] =	ssyncset.done $0x0  }
0x18: {  	[sflag:s11] =	ssyncadd.s32 $0xFFFFF3C0  }
0x19: {  	[spmem:s5] =	stream.linear.scatter [tilespmem:s10], [sflag:$0x2], $0xC40, $0x38;
	[tilespmem:$0x2140] =	vst v63  }
0x1a: {  	_ =	swait.ge [sflag:s11], $0xC40  }
0x1b: {  	[sflag:s11] =	ssyncset.done $0x0  }
0x1c: {  	[sflag:s11] =	ssyncadd.s32 $0xFFFFF3C0  }
0x1d: {  	[tilespmem:$0x1440] =	vst v0  }
0x1e: {  	[tilespmem:$0x1450] =	vst v0  }
0x1f: {  	[tilespmem:$0x1460] =	vst v0  }
0x20: {  	[tilespmem:$0x1470] =	vst v0  }
0x21: {  	[tilespmem:$0x1480] =	vst v0  }
0x22: {  	[tilespmem:$0x1490] =	vst v0  }
0x23: {  	[tilespmem:$0x14A0] =	vst v0  }
0x24: {  	[tilespmem:$0x14B0] =	vst v0  }
0x25: {  	[bflag:$0x0] =	sbarrier.arrive $0xFFFF  }
0x26: {  	[tilespmem:s12], [sflag:$0x2] =	stream.linear.gather [hbm4b:s4+s3], $0x800, $0x38;
	[tilespmem:$0x2140] =	vst v63  }
0x27: {  	_ =	swait.ge [sflag:s11], $0x800  }
0x28: {  	[sflag:s11] =	ssyncset.done $0x0  }
0x29: {  	[sflag:s11] =	ssyncadd.s32 $0xFFFFF800  }
0x2a: {  	[spmem:s2] =	stream.indirect.scatter.add.f32 [tilespmem:s14], [sflag:$0x1], $0x1, s12, s13, $0xb8;
	[tilespmem:$0x2140] =	vst v63  }
0x2b: {  	_ = 	snop  }
0x2c: {  	[spmem:s2] =	stream.indirect.scatter.add.f32 [tilespmem:s14], [sflag:$0x1], $0x1, s15, s13, $0xb8;
	[tilespmem:$0x2140] =	vst v63  }
0x2d: {  	_ = 	snop  }
0x2e: {  	[spmem:s2] =	stream.indirect.scatter.add.f32 [tilespmem:s14], [sflag:$0x1], $0x1, s16, s13, $0xb8;
	[tilespmem:$0x2140] =	vst v63  }
0x2f: {  	_ = 	snop  }
0x30: {  	[spmem:s2] =	stream.indirect.scatter.add.f32 [tilespmem:s14], [sflag:$0x1], $0x1, s17, s13, $0xb8;
	[tilespmem:$0x2140] =	vst v63  }
0x31: {  	_ = 	snop  }
0x32: {  	[spmem:s2] =	stream.indirect.scatter.add.f32 [tilespmem:s14], [sflag:$0x1], $0x1, s18, s13, $0xb8;
	[tilespmem:$0x2140] =	vst v63  }
0x33: {  	_ = 	snop  }
0x34: {  	[spmem:s2] =	stream.indirect.scatter.add.f32 [tilespmem:s14], [sflag:$0x1], $0x1, s19, s13, $0xb8;
	[tilespmem:$0x2140] =	vst v63  }
0x35: {  	_ = 	snop  }
0x36: {  	[spmem:s2] =	stream.indirect.scatter.add.f32 [tilespmem:s14], [sflag:$0x1], $0x1, s20, s13, $0xb8;
	[tilespmem:$0x2140] =	vst v63  }
0x37: {  	_ = 	snop  }
0x38: {  	[spmem:s2] =	stream.indirect.scatter.add.f32 [tilespmem:s14], [sflag:$0x1], $0x1, s21, s13, $0xb8;
	[tilespmem:$0x2140] =	vst v63  }
0x39: {  	_ = 	snop  }
0x3a: {  	[spmem:s2] =	stream.indirect.scatter.add.f32 [tilespmem:s14], [sflag:$0x1], $0x1, s22, s13, $0xb8;
	[tilespmem:$0x2140] =	vst v63  }
0x3b: {  	_ = 	snop  }
0x3c: {  	[spmem:s2] =	stream.indirect.scatter.add.f32 [tilespmem:s14], [sflag:$0x1], $0x1, s23, s13, $0xb8;
	[tilespmem:$0x2140] =	vst v63  }
0x3d: {  	_ = 	snop  }
0x3e: {  	[spmem:s2] =	stream.indirect.scatter.add.f32 [tilespmem:s14], [sflag:$0x1], $0x1, s24, s13, $0xb8;
	[tilespmem:$0x2140] =	vst v63  }
0x3f: {  	_ = 	snop  }
0x40: {  	[spmem:s2] =	stream.indirect.scatter.add.f32 [tilespmem:s14], [sflag:$0x1], $0x1, s25, s13, $0xb8;
	[tilespmem:$0x2140] =	vst v63  }
0x41: {  	_ = 	snop  }
0x42: {  	[spmem:s2] =	stream.indirect.scatter.add.f32 [tilespmem:s14], [sflag:$0x1], $0x1, s26, s13, $0xb8;
	[tilespmem:$0x2140] =	vst v63  }
0x43: {  	_ = 	snop  }
0x44: {  	[spmem:s2] =	stream.indirect.scatter.add.f32 [tilespmem:s14], [sflag:$0x1], $0x1, s28, s13, $0xb8;
	[tilespmem:$0x2140] =	vst v63  }
0x45: {  	_ = 	snop  }
0x46: {  	[spmem:s2] =	stream.indirect.scatter.add.f32 [tilespmem:s14], [sflag:$0x1], $0x1, s29, s13, $0xb8;
	[tilespmem:$0x2140] =	vst v63  }
0x47: {  	_ = 	snop  }
0x48: {  	[spmem:s2] =	stream.indirect.scatter.add.f32 [tilespmem:s14], [sflag:$0x1], $0x1, s30, s13, $0xb8;
	[tilespmem:$0x2140] =	vst v63  }
0x49: {  	_ =	swait.ge [sflag:s31], $0x80  }
0x4a: {  	[sflag:s31] =	ssyncset.done $0x0  }
0x4b: {  	[sflag:s31] =	ssyncadd.s32 $0xFFFFFF80  }
0x4c: {  	_ =	swait.ge [sflag:s31], $0x80  }
0x4d: {  	[sflag:s31] =	ssyncset.done $0x0  }
0x4e: {  	[sflag:s31] =	ssyncadd.s32 $0xFFFFFF80  }
0x4f: {  	_ =	swait.ge [sflag:s31], $0x80  }
0x50: {  	[sflag:s31] =	ssyncset.done $0x0  }
0x51: {  	[sflag:s31] =	ssyncadd.s32 $0xFFFFFF80  }
0x52: {  	_ =	swait.ge [sflag:s31], $0x80  }
0x53: {  	[sflag:s31] =	ssyncset.done $0x0  }
0x54: {  	[sflag:s31] =	ssyncadd.s32 $0xFFFFFF80  }
0x55: {  	_ =	swait.ge [sflag:s31], $0x80  }
0x56: {  	[sflag:s31] =	ssyncset.done $0x0  }
0x57: {  	[sflag:s31] =	ssyncadd.s32 $0xFFFFFF80  }
0x58: {  	_ =	swait.ge [sflag:s31], $0x80  }
0x59: {  	[sflag:s31] =	ssyncset.done $0x0  }
0x5a: {  	[sflag:s31] =	ssyncadd.s32 $0xFFFFFF80  }
0x5b: {  	_ =	swait.ge [sflag:s31], $0x80  }
0x5c: {  	[sflag:s31] =	ssyncset.done $0x0  }
0x5d: {  	[sflag:s31] =	ssyncadd.s32 $0xFFFFFF80  }
0x5e: {  	_ =	swait.ge [sflag:s31], $0x80  }
0x5f: {  	[sflag:s31] =	ssyncset.done $0x0  }
0x60: {  	[sflag:s31] =	ssyncadd.s32 $0xFFFFFF80  }
0x61: {  	_ =	swait.ge [sflag:s31], $0x80  }
0x62: {  	[sflag:s31] =	ssyncset.done $0x0  }
0x63: {  	[sflag:s31] =	ssyncadd.s32 $0xFFFFFF80  }
0x64: {  	_ =	swait.ge [sflag:s31], $0x80  }
0x65: {  	[sflag:s31] =	ssyncset.done $0x0  }
0x66: {  	[sflag:s31] =	ssyncadd.s32 $0xFFFFFF80  }
0x67: {  	_ =	swait.ge [sflag:s31], $0x80  }
0x68: {  	[sflag:s31] =	ssyncset.done $0x0  }
0x69: {  	[sflag:s31] =	ssyncadd.s32 $0xFFFFFF80  }
0x6a: {  	_ =	swait.ge [sflag:s31], $0x80  }
0x6b: {  	[sflag:s31] =	ssyncset.done $0x0  }
0x6c: {  	[sflag:s31] =	ssyncadd.s32 $0xFFFFFF80  }
0x6d: {  	_ =	swait.ge [sflag:s31], $0x80  }
0x6e: {  	[sflag:s31] =	ssyncset.done $0x0  }
0x6f: {  	[sflag:s31] =	ssyncadd.s32 $0xFFFFFF80  }
0x70: {  	_ =	swait.ge [sflag:s31], $0x80  }
0x71: {  	[sflag:s31] =	ssyncset.done $0x0  }
0x72: {  	p0 =	sne.s32 s6, $0x1;
	[sflag:s31] =	ssyncadd.s32 $0xFFFFFF80  }
.Ltmp0:
0x73: {  	_ =	swait.ge [sflag:s31], $0x80;
	(pc) =	sbr.rel @!p0 .LBB2_3-.Ltmp0, $4  }
0x74: {  	[sflag:s31] =	ssyncset.done $0x0  }
0x75: {  	[sflag:s31] =	ssyncadd.s32 $0xFFFFFF80  }
0x76: {  	_ =	swait.ge [sflag:s31], $0x80  }
0x77: {  	s9 =	smov.u32 s4;
	s0 =	sadd.s32 $0xFFFFFFFF, s6;
	[sflag:s31] =	ssyncset.done $0x0  }
.LBB2_2:
0x78: {  	p0 =	sne.s32 s0, $0x1;
	[sflag:s31] =	ssyncadd.s32 $0xFFFFFF80;
	s9 =	sadd.s32 $0x100, s9  }
0x79: {  	[tilespmem:s12], [sflag:$0x2] =	stream.linear.gather [hbm4b:s9+s3], $0x800, $0x38;
	[tilespmem:$0x2140] =	vst v63  }
0x7a: {  	s0 =	sadd.s32 $0xFFFFFFFF, s0;
	_ =	swait.ge [sflag:s11], $0x800  }
0x7b: {  	[sflag:s11] =	ssyncset.done $0x0  }
0x7c: {  	[sflag:s11] =	ssyncadd.s32 $0xFFFFF800  }
0x7d: {  	[spmem:s2] =	stream.indirect.scatter.add.f32 [tilespmem:s14], [sflag:$0x1], $0x1, s12, s13, $0xb8;
	[tilespmem:$0x2140] =	vst v63  }
0x7e: {  	_ = 	snop  }
0x7f: {  	[spmem:s2] =	stream.indirect.scatter.add.f32 [tilespmem:s14], [sflag:$0x1], $0x1, s15, s13, $0xb8;
	[tilespmem:$0x2140] =	vst v63  }
0x80: {  	_ = 	snop  }
0x81: {  	[spmem:s2] =	stream.indirect.scatter.add.f32 [tilespmem:s14], [sflag:$0x1], $0x1, s16, s13, $0xb8;
	[tilespmem:$0x2140] =	vst v63  }
0x82: {  	_ = 	snop  }
0x83: {  	[spmem:s2] =	stream.indirect.scatter.add.f32 [tilespmem:s14], [sflag:$0x1], $0x1, s17, s13, $0xb8;
	[tilespmem:$0x2140] =	vst v63  }
0x84: {  	_ = 	snop  }
0x85: {  	[spmem:s2] =	stream.indirect.scatter.add.f32 [tilespmem:s14], [sflag:$0x1], $0x1, s18, s13, $0xb8;
	[tilespmem:$0x2140] =	vst v63  }
0x86: {  	_ = 	snop  }
0x87: {  	[spmem:s2] =	stream.indirect.scatter.add.f32 [tilespmem:s14], [sflag:$0x1], $0x1, s19, s13, $0xb8;
	[tilespmem:$0x2140] =	vst v63  }
0x88: {  	_ = 	snop  }
0x89: {  	[spmem:s2] =	stream.indirect.scatter.add.f32 [tilespmem:s14], [sflag:$0x1], $0x1, s20, s13, $0xb8;
	[tilespmem:$0x2140] =	vst v63  }
0x8a: {  	_ = 	snop  }
0x8b: {  	[spmem:s2] =	stream.indirect.scatter.add.f32 [tilespmem:s14], [sflag:$0x1], $0x1, s21, s13, $0xb8;
	[tilespmem:$0x2140] =	vst v63  }
0x8c: {  	_ = 	snop  }
0x8d: {  	[spmem:s2] =	stream.indirect.scatter.add.f32 [tilespmem:s14], [sflag:$0x1], $0x1, s22, s13, $0xb8;
	[tilespmem:$0x2140] =	vst v63  }
0x8e: {  	_ = 	snop  }
0x8f: {  	[spmem:s2] =	stream.indirect.scatter.add.f32 [tilespmem:s14], [sflag:$0x1], $0x1, s23, s13, $0xb8;
	[tilespmem:$0x2140] =	vst v63  }
0x90: {  	_ = 	snop  }
0x91: {  	[spmem:s2] =	stream.indirect.scatter.add.f32 [tilespmem:s14], [sflag:$0x1], $0x1, s24, s13, $0xb8;
	[tilespmem:$0x2140] =	vst v63  }
0x92: {  	_ = 	snop  }
0x93: {  	[spmem:s2] =	stream.indirect.scatter.add.f32 [tilespmem:s14], [sflag:$0x1], $0x1, s25, s13, $0xb8;
	[tilespmem:$0x2140] =	vst v63  }
0x94: {  	_ = 	snop  }
0x95: {  	[spmem:s2] =	stream.indirect.scatter.add.f32 [tilespmem:s14], [sflag:$0x1], $0x1, s26, s13, $0xb8;
	[tilespmem:$0x2140] =	vst v63  }
0x96: {  	_ = 	snop  }
0x97: {  	[spmem:s2] =	stream.indirect.scatter.add.f32 [tilespmem:s14], [sflag:$0x1], $0x1, s28, s13, $0xb8;
	[tilespmem:$0x2140] =	vst v63  }
0x98: {  	_ = 	snop  }
0x99: {  	[spmem:s2] =	stream.indirect.scatter.add.f32 [tilespmem:s14], [sflag:$0x1], $0x1, s29, s13, $0xb8;
	[tilespmem:$0x2140] =	vst v63  }
0x9a: {  	_ = 	snop  }
0x9b: {  	[spmem:s2] =	stream.indirect.scatter.add.f32 [tilespmem:s14], [sflag:$0x1], $0x1, s30, s13, $0xb8;
	[tilespmem:$0x2140] =	vst v63  }
0x9c: {  	_ =	swait.ge [sflag:s31], $0x80  }
0x9d: {  	[sflag:s31] =	ssyncset.done $0x0  }
0x9e: {  	[sflag:s31] =	ssyncadd.s32 $0xFFFFFF80  }
0x9f: {  	_ =	swait.ge [sflag:s31], $0x80  }
0xa0: {  	[sflag:s31] =	ssyncset.done $0x0  }
0xa1: {  	[sflag:s31] =	ssyncadd.s32 $0xFFFFFF80  }
0xa2: {  	_ =	swait.ge [sflag:s31], $0x80  }
0xa3: {  	[sflag:s31] =	ssyncset.done $0x0  }
0xa4: {  	[sflag:s31] =	ssyncadd.s32 $0xFFFFFF80  }
0xa5: {  	_ =	swait.ge [sflag:s31], $0x80  }
0xa6: {  	[sflag:s31] =	ssyncset.done $0x0  }
0xa7: {  	[sflag:s31] =	ssyncadd.s32 $0xFFFFFF80  }
0xa8: {  	_ =	swait.ge [sflag:s31], $0x80  }
0xa9: {  	[sflag:s31] =	ssyncset.done $0x0  }
0xaa: {  	[sflag:s31] =	ssyncadd.s32 $0xFFFFFF80  }
0xab: {  	_ =	swait.ge [sflag:s31], $0x80  }
0xac: {  	[sflag:s31] =	ssyncset.done $0x0  }
0xad: {  	[sflag:s31] =	ssyncadd.s32 $0xFFFFFF80  }
0xae: {  	_ =	swait.ge [sflag:s31], $0x80  }
0xaf: {  	[sflag:s31] =	ssyncset.done $0x0  }
0xb0: {  	[sflag:s31] =	ssyncadd.s32 $0xFFFFFF80  }
0xb1: {  	_ =	swait.ge [sflag:s31], $0x80  }
0xb2: {  	[sflag:s31] =	ssyncset.done $0x0  }
0xb3: {  	[sflag:s31] =	ssyncadd.s32 $0xFFFFFF80  }
0xb4: {  	_ =	swait.ge [sflag:s31], $0x80  }
0xb5: {  	[sflag:s31] =	ssyncset.done $0x0  }
0xb6: {  	[sflag:s31] =	ssyncadd.s32 $0xFFFFFF80  }
0xb7: {  	_ =	swait.ge [sflag:s31], $0x80  }
0xb8: {  	[sflag:s31] =	ssyncset.done $0x0  }
0xb9: {  	[sflag:s31] =	ssyncadd.s32 $0xFFFFFF80  }
0xba: {  	_ =	swait.ge [sflag:s31], $0x80  }
0xbb: {  	[sflag:s31] =	ssyncset.done $0x0  }
0xbc: {  	[sflag:s31] =	ssyncadd.s32 $0xFFFFFF80  }
0xbd: {  	_ =	swait.ge [sflag:s31], $0x80  }
0xbe: {  	[sflag:s31] =	ssyncset.done $0x0  }
0xbf: {  	[sflag:s31] =	ssyncadd.s32 $0xFFFFFF80  }
0xc0: {  	_ =	swait.ge [sflag:s31], $0x80  }
0xc1: {  	[sflag:s31] =	ssyncset.done $0x0  }
0xc2: {  	[sflag:s31] =	ssyncadd.s32 $0xFFFFFF80  }
0xc3: {  	_ =	swait.ge [sflag:s31], $0x80  }
0xc4: {  	[sflag:s31] =	ssyncset.done $0x0  }
0xc5: {  	[sflag:s31] =	ssyncadd.s32 $0xFFFFFF80  }
.Ltmp1:
0xc6: {  	_ =	swait.ge [sflag:s31], $0x80;
	(pc) =	sbr.rel @p0 .LBB2_2-.Ltmp1, $4  }
0xc7: {  	[sflag:s31] =	ssyncset.done $0x0  }
0xc8: {  	[sflag:s31] =	ssyncadd.s32 $0xFFFFFF80  }
0xc9: {  	_ =	swait.ge [sflag:s31], $0x80  }
0xca: {  	[sflag:s31] =	ssyncset.done $0x0  }
.LBB2_3:
0xcb: {  	[sflag:s31] =	ssyncadd.s32 $0xFFFFFF80  }
0xcc: {  	[bflag:$0x0] =	sbarrier.arrive $0xFFFF  }
0xcd: {  	[tilespmem:s10], [sflag:$0x2] =	stream.linear.gather [spmem:s5], $0xC40, $0x38;
	[tilespmem:$0x2140] =	vst v63  }
0xce: {  	s1 =	sadd.s32 $0x1, s1;
	_ =	swait.ge [sflag:s11], $0xC40  }
0xcf: {  	p0 =	sne.s32 s1, s8;
	[sflag:s11] =	ssyncset.done $0x0  }
.Ltmp2:
0xd0: {  	[sflag:s11] =	ssyncadd.s32 $0xFFFFF3C0;
	(pc) =	sbr.rel @p0 .LBB2_1-.Ltmp2, $4  }
0xd1: {  	[hbm4b:s7+s3] =	stream.linear.scatter [tilespmem:s10], [sflag:$0x2], $0xC40, $0x38;
	[tilespmem:$0x2140] =	vst v63  }
0xd2: {  	_ =	swait.ge [sflag:s11], $0xC40  }
0xd3: {  	[sflag:s11] =	ssyncset.done $0x0  }
0xd4: {  	[sflag:s11] =	ssyncadd.s32 $0xFFFFF3C0  }
0xd5: {  	_ =	sfence.sel $0x180000  }
0xd6: {  	[bflag:$0x0] =	sbarrier.arrive $0xFFFF  }
0xd7: {  	_ =	strace $0x90000047  }
0xd8: {  	s0 =	stileid.u32;
	[bflag:$0x2] =	sbarrier.arrive $0xFFFF  }
0xd9: {  	p0 =	sne.s32 s0, $0x0;
	s0 =	rddreg [dreg:$0x2]  }
0xda: {  	s0 =	sadd.s32 @!p0 $0x100000, s0  }
0xdb: {  	[sflag:s0] =	ssyncadd.tile.s32 @!p0 $0x1;
	_ =	shalt  }
.Lfunc_end2:
_tile_overlayer_lowered:
.L_overlay_start_2:
0xdc: {  	(tag) =	ssettag $0x2  }
0xdd: {  	s0 =	rddreg [dreg:$0x0];
	s2 =	stileid.u32  }
0xde: {  	s1 =	rddreg [dreg:$0x1];
	p0 =	sne.s32 s2, $0x0  }
0xdf: {  	s3 =	rddreg [dreg:$0x2];
	[bflag:$0x3] =	sbarrier.arrive $0xFFFF;
	s2 =	simm.s32 @!p0 $0x1C02  }
0xe0: {  	[timem:s3], [sflag:s2] =	dma.local @!p0 [hbm:s0], s1  }
0xe1: {  	s0 =	simm.s32 @!p0 $0x2  }
0xe2: {  	_ =	swait.ge @!p0 [sflag:s0], s1  }
0xe3: {  	s1 =	ssub.s32 @!p0 $0x0, s1;
	[sflag:s0] =	ssyncset.done @!p0 $0x0  }
0xe4: {  	[sflag:s0] =	ssyncadd.s32 @!p0 s1  }
0xe5: {  	[bflag:$0x3] =	sbarrier.arrive $0xFFFF  }
0xe6: {  	_ =	shalt  }

</sc_bundles>
